<compile_context>
chip_gen: v7x
topology: tpu7x:2x2x1
jax: 0.10.2.dev20260603
libtpu: 0.0.44.dev20260713+nightly
codegen_flags: <defaults>
</compile_context>

<pallas_src>
import functools

import jax
import jax.numpy as jnp
from jax import lax
from jax.experimental import pallas as pl
from jax.experimental.pallas import tpu as pltpu
from jax.experimental.pallas import tpu_sc as plsc

_BS, _C1, _NY, _NX = 4, 96, 224, 224
_C2 = 96
_CP = 128
_K = 3
_PY, _PX = _NY + 2, _NX + 2
_NW = 32
_CHUNK = 128
_BN = 512


_D = 4


def _sc_gather_build(n_pad):
    npw = n_pad // _NW
    nch = npw // _CHUNK
    ngrp = nch // _D
    ntail = nch % _D
    mesh = plsc.VectorSubcoreMesh(core_axis_name="c", subcore_axis_name="s")

    @functools.partial(
        pl.kernel,
        mesh=mesh,
        out_type=jax.ShapeDtypeStruct((_K * _K, n_pad, _CP), jnp.float32),
        scratch_types=[
            pltpu.VMEM((npw,), jnp.int32),
            pltpu.VMEM((npw,), jnp.int32),
            pltpu.VMEM((npw,), jnp.int32),
            pltpu.VMEM((npw,), jnp.int32),
            [pltpu.VMEM((_CHUNK,), jnp.int32) for _ in range(_D)],
            [pltpu.VMEM((_CHUNK, _CP), jnp.float32) for _ in range(_D)],
            [pltpu.SemaphoreType.DMA for _ in range(_D)],
            pltpu.SemaphoreType.DMA,
        ],
    )
    def sc_gather(table_hbm, bi_hbm, yi_hbm, xi_hbm, out_hbm,
                  bi_v, yi_v, xi_v, base_v, idx_bufs, rows_bufs,
                  sem_g, sem_w):
        ci = lax.axis_index("c")
        si = lax.axis_index("s")
        wid = si * 2 + ci
        pbase = wid * npw
        pltpu.sync_copy(bi_hbm.at[pl.ds(pbase, npw)], bi_v)
        pltpu.sync_copy(yi_hbm.at[pl.ds(pbase, npw)], yi_v)
        pltpu.sync_copy(xi_hbm.at[pl.ds(pbase, npw)], xi_v)

        def calc_base(j, carry):
            s = j * 16
            b16 = bi_v[pl.ds(s, 16)]
            y16 = yi_v[pl.ds(s, 16)]
            x16 = xi_v[pl.ds(s, 16)]
            base_v[pl.ds(s, 16)] = (b16 * _PY + y16) * _PX + x16
            return carry

        lax.fori_loop(0, npw // 16, calc_base, 0)

        def fill_idx(idx_v, c, off):
            def calc_idx(j, carry2):
                s = j * 16
                idx_v[pl.ds(s, 16)] = base_v[pl.ds(c * _CHUNK + s, 16)] + off
                return carry2

            lax.fori_loop(0, _CHUNK // 16, calc_idx, 0)

        def run_group(c0, off, t, width):
            gs = []
            for k in range(width):
                fill_idx(idx_bufs[k], c0 + k, off)
                gs.append(pltpu.async_copy(
                    table_hbm.at[idx_bufs[k]], rows_bufs[k], sem_g[k]))
            ws = []
            for k in range(width):
                gs[k].wait()
                ws.append(pltpu.async_copy(
                    rows_bufs[k],
                    out_hbm.at[t, pl.ds(pbase + (c0 + k) * _CHUNK, _CHUNK)],
                    sem_w))
            for w in ws:
                w.wait()

        for t in range(_K * _K):
            off = (t // _K) * _PX + (t % _K)

            def per_group(i, carry):
                run_group(i * _D, off, t, _D)
                return carry

            lax.fori_loop(0, ngrp, per_group, 0)
            if ntail:
                run_group(ngrp * _D, off, t, ntail)

    return sc_gather


def _gemm_body(g_ref, w_ref, b_ref, o_ref):
    acc = jnp.broadcast_to(b_ref[...], (o_ref.shape[0], _C2))
    for t in range(_K * _K):
        acc = acc + jnp.dot(g_ref[t], w_ref[t],
                            preferred_element_type=jnp.float32)
    o_ref[...] = acc


def _tc_gemm(g3, w3, bias_row):
    n_pad = g3.shape[1]
    nt = _K * _K
    return pl.pallas_call(
        _gemm_body,
        grid=(n_pad // _BN,),
        in_specs=[
            pl.BlockSpec((nt, _BN, _CP), lambda i: (0, i, 0)),
            pl.BlockSpec((nt, _CP, _C2), lambda i: (0, 0, 0)),
            pl.BlockSpec((1, _C2), lambda i: (0, 0)),
        ],
        out_specs=pl.BlockSpec((_BN, _C2), lambda i: (i, 0)),
        out_shape=jax.ShapeDtypeStruct((n_pad, _C2), jnp.float32),
    )(g3, w3, bias_row)


def kernel(x, indices, weight_flatten, bias):
    n = indices.shape[0]
    n_pad = ((n + _NW * _CHUNK - 1) // (_NW * _CHUNK)) * (_NW * _CHUNK)

    xt = jnp.pad(jnp.transpose(x, (0, 2, 3, 1)),
                 ((0, 0), (1, 1), (1, 1), (0, _CP - _C1)))
    table = xt.reshape(_BS * _PY * _PX, _CP)

    idx = indices.astype(jnp.int32)
    bi = jnp.pad(idx[:, 0], (0, n_pad - n))
    yi = jnp.pad(idx[:, 1], (0, n_pad - n))
    xi = jnp.pad(idx[:, 2], (0, n_pad - n))

    g3 = _sc_gather_build(n_pad)(table, bi, yi, xi)

    w3 = weight_flatten.reshape(_C2, _C1, _K * _K).transpose(2, 1, 0)
    w3 = jnp.pad(w3, ((0, 0), (0, _CP - _C1), (0, 0)))

    z = _tc_gemm(g3, w3, bias.reshape(1, _C2))
    return z[:n]

# --- scband reference (transcript-rebuilt; emitter-appended) ---
"""Pipeline reference for scband-spconv2-dkxk-71536975282579 (READ-ONLY COPY).

The authoritative reference and input builder live on the scoring server;
editing this copy changes nothing except your own understanding.
"""

import jax, jax.numpy as jnp
import numpy as np

BS, C1, NY, NX = 4, 96, 224, 224
C2 = 96
K = 3
P = 1
N_PTS = 50000


def _unfold(x):
    # Faithful F.unfold(x, (3,3), padding=1, stride=1) with torch channel-major layout:
    # output channel dim ordering is c * kH * kW (channel slowest, then kh, then kw),
    # matching weight.flatten(1) of a [c2, c1, kh, kw] conv weight.
    xp = jnp.pad(x, ((0, 0), (0, 0), (P, P), (P, P)))
    patches = []
    for i in range(K):
        for j in range(K):
            patches.append(xp[:, :, i:i + NY, j:j + NX])
    u = jnp.stack(patches, axis=2)            # [bs, c1, k*k, ny, nx]
    u = u.reshape(BS, C1 * K * K, NY, NX)      # [bs, c1*k*k, ny, nx]
    u = jnp.transpose(u, (0, 2, 3, 1))         # [bs, ny, nx, c1*k*k]
    return u


def setup_inputs(seed: int = 0) -> dict:
    key = jax.random.key(seed)
    k1, k2, k3, k4, k5, k6 = jax.random.split(key, 6)
    x = jax.random.normal(k1, (BS, C1, NY, NX), dtype=jnp.float32)
    bi = jax.random.randint(k2, (N_PTS,), 0, BS)
    yi = jax.random.randint(k3, (N_PTS,), 0, NY)
    xi = jax.random.randint(k4, (N_PTS,), 0, NX)
    indices = jnp.stack([bi, yi, xi], axis=1)  # [N, 3] int (b, y, x)
    weight_flatten = jax.random.normal(k5, (C2, C1 * K * K), dtype=jnp.float32) * 0.02
    bias = jax.random.normal(k6, (C2,), dtype=jnp.float32) * 0.02
    return {"x": x, "indices": indices, "weight_flatten": weight_flatten, "bias": bias}


def reference(x, indices, weight_flatten, bias):
    u = _unfold(x)                             # [bs, ny, nx, c1*9]
    bi, yi, xi = indices[:, 0], indices[:, 1], indices[:, 2]
    gathered = u[bi, yi, xi]                   # sparse gather -> [N, c1*9]
    z = gathered @ weight_flatten.T + bias     # F.linear -> [N, c2]
    return z

if __name__ == "__main__":
    import jax
    _d = setup_inputs()
    print(jax.jit(kernel)(*tuple(_d.values())))

</pallas_src>

<mosaic_0001>
#map = affine_map<(d0, d1) -> (0, 0)>
#map1 = affine_map<(d0, d1) -> (0)>
#map2 = affine_map<(d0, d1) -> (0, 0, 0)>
module attributes {stable_mosaic.version = 14 : i64} {
  func.func @sc_gather(%arg0: i32, %arg1: i32, %arg2: memref<204304x128xf32, #tpu.memory_space<hbm>>, %arg3: memref<53248xi32, #tpu.memory_space<hbm>>, %arg4: memref<53248xi32, #tpu.memory_space<hbm>>, %arg5: memref<53248xi32, #tpu.memory_space<hbm>>, %arg6: memref<9x53248x128xf32, #tpu.memory_space<hbm>>, %arg7: memref<1664xi32, #tpu.memory_space<vmem>>, %arg8: memref<1664xi32, #tpu.memory_space<vmem>>, %arg9: memref<1664xi32, #tpu.memory_space<vmem>>, %arg10: memref<1664xi32, #tpu.memory_space<vmem>>, %arg11: memref<128xi32, #tpu.memory_space<vmem>>, %arg12: memref<128xi32, #tpu.memory_space<vmem>>, %arg13: memref<128xi32, #tpu.memory_space<vmem>>, %arg14: memref<128xi32, #tpu.memory_space<vmem>>, %arg15: memref<128x128xf32, #tpu.memory_space<vmem>>, %arg16: memref<128x128xf32, #tpu.memory_space<vmem>>, %arg17: memref<128x128xf32, #tpu.memory_space<vmem>>, %arg18: memref<128x128xf32, #tpu.memory_space<vmem>>, %arg19: memref<!tpu.dma_semaphore, #tpu.memory_space<semaphore_mem>>, %arg20: memref<!tpu.dma_semaphore, #tpu.memory_space<semaphore_mem>>, %arg21: memref<!tpu.dma_semaphore, #tpu.memory_space<semaphore_mem>>, %arg22: memref<!tpu.dma_semaphore, #tpu.memory_space<semaphore_mem>>, %arg23: memref<!tpu.dma_semaphore, #tpu.memory_space<semaphore_mem>>) attributes {dimension_semantics = [#tpu.dimension_semantics<core_parallel>, #tpu.dimension_semantics<subcore_parallel>], iteration_bounds = array<i64: 2, 16>, scalar_prefetch = 0 : i64, scratch_operands = 17 : i64, tpu.core_type = #tpu.core_type<sc_vector_subcore>, window_params = [{transform_indices = #map}, {transform_indices = #map1}, {transform_indices = #map1}, {transform_indices = #map1}, {transform_indices = #map2}]} {
    %mul3A = arith.constant 2 : i32
    %mul3A_0 = arith.muli %arg1, %mul3A : i32
    %add3A = arith.addi %mul3A_0, %arg0 : i32
    %mul3A_1 = arith.constant 1664 : i32
    %mul3A_2 = arith.muli %add3A, %mul3A_1 : i32
    "tpu.region"() ({
      %run_scoped3A = tpu.sem_alloc : memref<!tpu.dma_semaphore, #tpu.memory_space<semaphore_mem>>
      %dma_start3A_312 = tpu.memref_slice %arg3[%mul3A_2] : memref<53248xi32, #tpu.memory_space<hbm>> -> memref<1664xi32, #tpu.memory_space<hbm>>
      %dma_start3A_313 = tpu.memref_slice %arg3[%mul3A_2] : memref<53248xi32, #tpu.memory_space<hbm>> -> memref<1664xi32, #tpu.memory_space<hbm>>
      tpu.enqueue_dma source(%dma_start3A_313 : memref<1664xi32, #tpu.memory_space<hbm>>) target(%arg7 : memref<1664xi32, #tpu.memory_space<vmem>>) target_semaphore(%run_scoped3A : memref<!tpu.dma_semaphore, #tpu.memory_space<semaphore_mem>>)
      %dma_wait3A_314 = tpu.memref_slice %arg3[%mul3A_2] : memref<53248xi32, #tpu.memory_space<hbm>> -> memref<1664xi32, #tpu.memory_space<hbm>>
      %dma_wait3A_315 = tpu.memref_slice %arg3[%mul3A_2] : memref<53248xi32, #tpu.memory_space<hbm>> -> memref<1664xi32, #tpu.memory_space<hbm>>
      tpu.wait_dma2 semaphore(%run_scoped3A : memref<!tpu.dma_semaphore, #tpu.memory_space<semaphore_mem>>) src(%dma_wait3A_315 : memref<1664xi32, #tpu.memory_space<hbm>>) dst(%arg7 : memref<1664xi32, #tpu.memory_space<vmem>>)
      tpu.yield
    }) : () -> ()
    "tpu.region"() ({
      %run_scoped3A = tpu.sem_alloc : memref<!tpu.dma_semaphore, #tpu.memory_space<semaphore_mem>>
      %dma_start3A_312 = tpu.memref_slice %arg4[%mul3A_2] : memref<53248xi32, #tpu.memory_space<hbm>> -> memref<1664xi32, #tpu.memory_space<hbm>>
      %dma_start3A_313 = tpu.memref_slice %arg4[%mul3A_2] : memref<53248xi32, #tpu.memory_space<hbm>> -> memref<1664xi32, #tpu.memory_space<hbm>>
      tpu.enqueue_dma source(%dma_start3A_313 : memref<1664xi32, #tpu.memory_space<hbm>>) target(%arg8 : memref<1664xi32, #tpu.memory_space<vmem>>) target_semaphore(%run_scoped3A : memref<!tpu.dma_semaphore, #tpu.memory_space<semaphore_mem>>)
      %dma_wait3A_314 = tpu.memref_slice %arg4[%mul3A_2] : memref<53248xi32, #tpu.memory_space<hbm>> -> memref<1664xi32, #tpu.memory_space<hbm>>
      %dma_wait3A_315 = tpu.memref_slice %arg4[%mul3A_2] : memref<53248xi32, #tpu.memory_space<hbm>> -> memref<1664xi32, #tpu.memory_space<hbm>>
      tpu.wait_dma2 semaphore(%run_scoped3A : memref<!tpu.dma_semaphore, #tpu.memory_space<semaphore_mem>>) src(%dma_wait3A_315 : memref<1664xi32, #tpu.memory_space<hbm>>) dst(%arg8 : memref<1664xi32, #tpu.memory_space<vmem>>)
      tpu.yield
    }) : () -> ()
    "tpu.region"() ({
      %run_scoped3A = tpu.sem_alloc : memref<!tpu.dma_semaphore, #tpu.memory_space<semaphore_mem>>
      %dma_start3A_312 = tpu.memref_slice %arg5[%mul3A_2] : memref<53248xi32, #tpu.memory_space<hbm>> -> memref<1664xi32, #tpu.memory_space<hbm>>
      %dma_start3A_313 = tpu.memref_slice %arg5[%mul3A_2] : memref<53248xi32, #tpu.memory_space<hbm>> -> memref<1664xi32, #tpu.memory_space<hbm>>
      tpu.enqueue_dma source(%dma_start3A_313 : memref<1664xi32, #tpu.memory_space<hbm>>) target(%arg9 : memref<1664xi32, #tpu.memory_space<vmem>>) target_semaphore(%run_scoped3A : memref<!tpu.dma_semaphore, #tpu.memory_space<semaphore_mem>>)
      %dma_wait3A_314 = tpu.memref_slice %arg5[%mul3A_2] : memref<53248xi32, #tpu.memory_space<hbm>> -> memref<1664xi32, #tpu.memory_space<hbm>>
      %dma_wait3A_315 = tpu.memref_slice %arg5[%mul3A_2] : memref<53248xi32, #tpu.memory_space<hbm>> -> memref<1664xi32, #tpu.memory_space<hbm>>
      tpu.wait_dma2 semaphore(%run_scoped3A : memref<!tpu.dma_semaphore, #tpu.memory_space<semaphore_mem>>) src(%dma_wait3A_315 : memref<1664xi32, #tpu.memory_space<hbm>>) dst(%arg9 : memref<1664xi32, #tpu.memory_space<vmem>>)
      tpu.yield
    }) : () -> ()
    %scan3A = arith.constant 0 : i32
    %scan3A_3 = arith.constant 0 : i32
    %scan3A_4 = arith.constant 104 : i32
    %scan3A_5 = arith.addi %scan3A_3, %scan3A_4 : i32
    %scan3A_6 = arith.constant 1 : i32
    scf.for %scan3A_312 = %scan3A_3 to %scan3A_5 step %scan3A_6  : i32 {
      %mul3A_313 = arith.constant 16 : i32
      %mul3A_314 = arith.muli %scan3A_312, %mul3A_313 : i32
      %get3A = arith.index_cast %mul3A_314 : i32 to index
      %get3A_315 = tpu.vector_load %arg7[%get3A] {strides = array<i32>} : memref<1664xi32, #tpu.memory_space<vmem>>, vector<16xi32>,
      %get3A_316 = vector.shape_cast %get3A_315 : vector<16xi32> to vector<16xi32>
      %get3A_317 = arith.index_cast %mul3A_314 : i32 to index
      %get3A_318 = tpu.vector_load %arg8[%get3A_317] {strides = array<i32>} : memref<1664xi32, #tpu.memory_space<vmem>>, vector<16xi32>,
      %get3A_319 = vector.shape_cast %get3A_318 : vector<16xi32> to vector<16xi32>
      %get3A_320 = arith.index_cast %mul3A_314 : i32 to index
      %get3A_321 = tpu.vector_load %arg9[%get3A_320] {strides = array<i32>} : memref<1664xi32, #tpu.memory_space<vmem>>, vector<16xi32>,
      %get3A_322 = vector.shape_cast %get3A_321 : vector<16xi32> to vector<16xi32>
      %mul3A_323 = arith.constant 226 : i32
      %mul3A_324 = vector.broadcast %mul3A_323 : i32 to vector<16xi32>
      %mul3A_325 = arith.muli %get3A_316, %mul3A_324 : vector<16xi32>
      %add3A_326 = arith.addi %mul3A_325, %get3A_319 : vector<16xi32>
      %mul3A_327 = arith.constant 226 : i32
      %mul3A_328 = vector.broadcast %mul3A_327 : i32 to vector<16xi32>
      %mul3A_329 = arith.muli %add3A_326, %mul3A_328 : vector<16xi32>
      %add3A_330 = arith.addi %mul3A_329, %get3A_322 : vector<16xi32>
      %swap3A = arith.index_cast %mul3A_314 : i32 to index
      %swap3A_331 = tpu.vector_load %arg10[%swap3A] {strides = array<i32>} : memref<1664xi32, #tpu.memory_space<vmem>>, vector<16xi32>,
      %swap3A_332 = vector.shape_cast %swap3A_331 : vector<16xi32> to vector<16xi32>
      %swap3A_333 = vector.shape_cast %add3A_330 : vector<16xi32> to vector<16xi32>
      tpu.vector_store %arg10[%swap3A], %swap3A_333 {strides = array<i32>} : memref<1664xi32, #tpu.memory_space<vmem>>, vector<16xi32>,
    }
    %scan3A_7 = arith.constant 104 : i32
    %scan3A_8 = arith.constant 0 : i32
    %scan3A_9 = arith.constant 0 : i32
    %scan3A_10 = arith.constant 3 : i32
    %scan3A_11 = arith.addi %scan3A_9, %scan3A_10 : i32
    %scan3A_12 = arith.constant 1 : i32
    scf.for %scan3A_312 = %scan3A_9 to %scan3A_11 step %scan3A_12  : i32 {
      %mul3A_313 = arith.constant 4 : i32
      %mul3A_314 = arith.muli %scan3A_312, %mul3A_313 : i32
      %add3A_315 = arith.constant 0 : i32
      %add3A_316 = arith.addi %mul3A_314, %add3A_315 : i32
      %scan3A_317 = arith.constant 0 : i32
      %scan3A_318 = arith.constant 0 : i32
      %scan3A_319 = arith.constant 8 : i32
      %scan3A_320 = arith.addi %scan3A_318, %scan3A_319 : i32
      %scan3A_321 = arith.constant 1 : i32
      scf.for %scan3A_447 = %scan3A_318 to %scan3A_320 step %scan3A_321  : i32 {
        %mul3A_448 = arith.constant 16 : i32
        %mul3A_449 = arith.muli %scan3A_447, %mul3A_448 : i32
        %mul3A_450 = arith.constant 128 : i32
        %mul3A_451 = arith.muli %add3A_316, %mul3A_450 : i32
        %add3A_452 = arith.addi %mul3A_451, %mul3A_449 : i32
        %get3A = arith.index_cast %add3A_452 : i32 to index
        %get3A_453 = tpu.vector_load %arg10[%get3A] {strides = array<i32>} : memref<1664xi32, #tpu.memory_space<vmem>>, vector<16xi32>,
        %get3A_454 = vector.shape_cast %get3A_453 : vector<16xi32> to vector<16xi32>
        %add3A_455 = arith.constant 0 : i32
        %add3A_456 = vector.broadcast %add3A_455 : i32 to vector<16xi32>
        %add3A_457 = arith.addi %get3A_454, %add3A_456 : vector<16xi32>
        %swap3A = arith.index_cast %mul3A_449 : i32 to index
        %swap3A_458 = tpu.vector_load %arg11[%swap3A] {strides = array<i32>} : memref<128xi32, #tpu.memory_space<vmem>>, vector<16xi32>,
        %swap3A_459 = vector.shape_cast %swap3A_458 : vector<16xi32> to vector<16xi32>
        %swap3A_460 = vector.shape_cast %add3A_457 : vector<16xi32> to vector<16xi32>
        tpu.vector_store %arg11[%swap3A], %swap3A_460 {strides = array<i32>} : memref<128xi32, #tpu.memory_space<vmem>>, vector<16xi32>,
      }
      %scan3A_322 = arith.constant 8 : i32
      %dma_start3A_323 = arith.constant 0 : i32
      %dma_start3A_324 = arith.constant 0 : i32
      %dma_start3A_325 = tpu.memref_slice %arg2[%dma_start3A_323, %dma_start3A_324] : memref<204304x128xf32, #tpu.memory_space<hbm>> -> memref<204304x128xf32, #tpu.memory_space<hbm>>
      tpu.enqueue_indirect_dma source(%dma_start3A_325 : memref<204304x128xf32, #tpu.memory_space<hbm>>) target(%arg15 : memref<128x128xf32, #tpu.memory_space<vmem>>) offsets(%arg11 : memref<128xi32, #tpu.memory_space<vmem>>) semaphore(%arg19 : memref<!tpu.dma_semaphore, #tpu.memory_space<semaphore_mem>>)
      %add3A_326 = arith.constant 1 : i32
      %add3A_327 = arith.addi %mul3A_314, %add3A_326 : i32
      %scan3A_328 = arith.constant 0 : i32
      %scan3A_329 = arith.constant 0 : i32
      %scan3A_330 = arith.constant 8 : i32
      %scan3A_331 = arith.addi %scan3A_329, %scan3A_330 : i32
      %scan3A_332 = arith.constant 1 : i32
      scf.for %scan3A_447 = %scan3A_329 to %scan3A_331 step %scan3A_332  : i32 {
        %mul3A_448 = arith.constant 16 : i32
        %mul3A_449 = arith.muli %scan3A_447, %mul3A_448 : i32
        %mul3A_450 = arith.constant 128 : i32
        %mul3A_451 = arith.muli %add3A_327, %mul3A_450 : i32
        %add3A_452 = arith.addi %mul3A_451, %mul3A_449 : i32
        %get3A = arith.index_cast %add3A_452 : i32 to index
        %get3A_453 = tpu.vector_load %arg10[%get3A] {strides = array<i32>} : memref<1664xi32, #tpu.memory_space<vmem>>, vector<16xi32>,
        %get3A_454 = vector.shape_cast %get3A_453 : vector<16xi32> to vector<16xi32>
        %add3A_455 = arith.constant 0 : i32
        %add3A_456 = vector.broadcast %add3A_455 : i32 to vector<16xi32>
        %add3A_457 = arith.addi %get3A_454, %add3A_456 : vector<16xi32>
        %swap3A = arith.index_cast %mul3A_449 : i32 to index
        %swap3A_458 = tpu.vector_load %arg12[%swap3A] {strides = array<i32>} : memref<128xi32, #tpu.memory_space<vmem>>, vector<16xi32>,
        %swap3A_459 = vector.shape_cast %swap3A_458 : vector<16xi32> to vector<16xi32>
        %swap3A_460 = vector.shape_cast %add3A_457 : vector<16xi32> to vector<16xi32>
        tpu.vector_store %arg12[%swap3A], %swap3A_460 {strides = array<i32>} : memref<128xi32, #tpu.memory_space<vmem>>, vector<16xi32>,
      }
      %scan3A_333 = arith.constant 8 : i32
      %dma_start3A_334 = arith.constant 0 : i32
      %dma_start3A_335 = arith.constant 0 : i32
      %dma_start3A_336 = tpu.memref_slice %arg2[%dma_start3A_334, %dma_start3A_335] : memref<204304x128xf32, #tpu.memory_space<hbm>> -> memref<204304x128xf32, #tpu.memory_space<hbm>>
      tpu.enqueue_indirect_dma source(%dma_start3A_336 : memref<204304x128xf32, #tpu.memory_space<hbm>>) target(%arg16 : memref<128x128xf32, #tpu.memory_space<vmem>>) offsets(%arg12 : memref<128xi32, #tpu.memory_space<vmem>>) semaphore(%arg20 : memref<!tpu.dma_semaphore, #tpu.memory_space<semaphore_mem>>)
      %add3A_337 = arith.constant 2 : i32
      %add3A_338 = arith.addi %mul3A_314, %add3A_337 : i32
      %scan3A_339 = arith.constant 0 : i32
      %scan3A_340 = arith.constant 0 : i32
      %scan3A_341 = arith.constant 8 : i32
      %scan3A_342 = arith.addi %scan3A_340, %scan3A_341 : i32
      %scan3A_343 = arith.constant 1 : i32
      scf.for %scan3A_447 = %scan3A_340 to %scan3A_342 step %scan3A_343  : i32 {
        %mul3A_448 = arith.constant 16 : i32
        %mul3A_449 = arith.muli %scan3A_447, %mul3A_448 : i32
        %mul3A_450 = arith.constant 128 : i32
        %mul3A_451 = arith.muli %add3A_338, %mul3A_450 : i32
        %add3A_452 = arith.addi %mul3A_451, %mul3A_449 : i32
        %get3A = arith.index_cast %add3A_452 : i32 to index
        %get3A_453 = tpu.vector_load %arg10[%get3A] {strides = array<i32>} : memref<1664xi32, #tpu.memory_space<vmem>>, vector<16xi32>,
        %get3A_454 = vector.shape_cast %get3A_453 : vector<16xi32> to vector<16xi32>
        %add3A_455 = arith.constant 0 : i32
        %add3A_456 = vector.broadcast %add3A_455 : i32 to vector<16xi32>
        %add3A_457 = arith.addi %get3A_454, %add3A_456 : vector<16xi32>
        %swap3A = arith.index_cast %mul3A_449 : i32 to index
        %swap3A_458 = tpu.vector_load %arg13[%swap3A] {strides = array<i32>} : memref<128xi32, #tpu.memory_space<vmem>>, vector<16xi32>,
        %swap3A_459 = vector.shape_cast %swap3A_458 : vector<16xi32> to vector<16xi32>
        %swap3A_460 = vector.shape_cast %add3A_457 : vector<16xi32> to vector<16xi32>
        tpu.vector_store %arg13[%swap3A], %swap3A_460 {strides = array<i32>} : memref<128xi32, #tpu.memory_space<vmem>>, vector<16xi32>,
      }
      %scan3A_344 = arith.constant 8 : i32
      %dma_start3A_345 = arith.constant 0 : i32
      %dma_start3A_346 = arith.constant 0 : i32
      %dma_start3A_347 = tpu.memref_slice %arg2[%dma_start3A_345, %dma_start3A_346] : memref<204304x128xf32, #tpu.memory_space<hbm>> -> memref<204304x128xf32, #tpu.memory_space<hbm>>
      tpu.enqueue_indirect_dma source(%dma_start3A_347 : memref<204304x128xf32, #tpu.memory_space<hbm>>) target(%arg17 : memref<128x128xf32, #tpu.memory_space<vmem>>) offsets(%arg13 : memref<128xi32, #tpu.memory_space<vmem>>) semaphore(%arg21 : memref<!tpu.dma_semaphore, #tpu.memory_space<semaphore_mem>>)
      %add3A_348 = arith.constant 3 : i32
      %add3A_349 = arith.addi %mul3A_314, %add3A_348 : i32
      %scan3A_350 = arith.constant 0 : i32
      %scan3A_351 = arith.constant 0 : i32
      %scan3A_352 = arith.constant 8 : i32
      %scan3A_353 = arith.addi %scan3A_351, %scan3A_352 : i32
      %scan3A_354 = arith.constant 1 : i32
      scf.for %scan3A_447 = %scan3A_351 to %scan3A_353 step %scan3A_354  : i32 {
        %mul3A_448 = arith.constant 16 : i32
        %mul3A_449 = arith.muli %scan3A_447, %mul3A_448 : i32
        %mul3A_450 = arith.constant 128 : i32
        %mul3A_451 = arith.muli %add3A_349, %mul3A_450 : i32
        %add3A_452 = arith.addi %mul3A_451, %mul3A_449 : i32
        %get3A = arith.index_cast %add3A_452 : i32 to index
        %get3A_453 = tpu.vector_load %arg10[%get3A] {strides = array<i32>} : memref<1664xi32, #tpu.memory_space<vmem>>, vector<16xi32>,
        %get3A_454 = vector.shape_cast %get3A_453 : vector<16xi32> to vector<16xi32>
        %add3A_455 = arith.constant 0 : i32
        %add3A_456 = vector.broadcast %add3A_455 : i32 to vector<16xi32>
        %add3A_457 = arith.addi %get3A_454, %add3A_456 : vector<16xi32>
        %swap3A = arith.index_cast %mul3A_449 : i32 to index
        %swap3A_458 = tpu.vector_load %arg14[%swap3A] {strides = array<i32>} : memref<128xi32, #tpu.memory_space<vmem>>, vector<16xi32>,
        %swap3A_459 = vector.shape_cast %swap3A_458 : vector<16xi32> to vector<16xi32>
        %swap3A_460 = vector.shape_cast %add3A_457 : vector<16xi32> to vector<16xi32>
        tpu.vector_store %arg14[%swap3A], %swap3A_460 {strides = array<i32>} : memref<128xi32, #tpu.memory_space<vmem>>, vector<16xi32>,
      }
      %scan3A_355 = arith.constant 8 : i32
      %dma_start3A_356 = arith.constant 0 : i32
      %dma_start3A_357 = arith.constant 0 : i32
      %dma_start3A_358 = tpu.memref_slice %arg2[%dma_start3A_356, %dma_start3A_357] : memref<204304x128xf32, #tpu.memory_space<hbm>> -> memref<204304x128xf32, #tpu.memory_space<hbm>>
      tpu.enqueue_indirect_dma source(%dma_start3A_358 : memref<204304x128xf32, #tpu.memory_space<hbm>>) target(%arg18 : memref<128x128xf32, #tpu.memory_space<vmem>>) offsets(%arg14 : memref<128xi32, #tpu.memory_space<vmem>>) semaphore(%arg22 : memref<!tpu.dma_semaphore, #tpu.memory_space<semaphore_mem>>)
      %dma_wait3A_359 = arith.constant 0 : i32
      %dma_wait3A_360 = arith.constant 0 : i32
      %dma_wait3A_361 = tpu.memref_slice %arg2[%dma_wait3A_359, %dma_wait3A_360] : memref<204304x128xf32, #tpu.memory_space<hbm>> -> memref<204304x128xf32, #tpu.memory_space<hbm>>
      tpu.wait_indirect_dma semaphore(%arg19 : memref<!tpu.dma_semaphore, #tpu.memory_space<semaphore_mem>>) src(%dma_wait3A_361 : memref<204304x128xf32, #tpu.memory_space<hbm>>) dst(%arg15 : memref<128x128xf32, #tpu.memory_space<vmem>>)
      %add3A_362 = arith.constant 0 : i32
      %add3A_363 = arith.addi %mul3A_314, %add3A_362 : i32
      %mul3A_364 = arith.constant 128 : i32
      %mul3A_365 = arith.muli %add3A_363, %mul3A_364 : i32
      %add3A_366 = arith.addi %mul3A_2, %mul3A_365 : i32
      %dma_start3A_367 = arith.constant 0 : i32
      %dma_start3A_368 = arith.constant 0 : i32
      %dma_start3A_369 = tpu.memref_slice %arg6[%dma_start3A_367, %add3A_366, %dma_start3A_368] : memref<9x53248x128xf32, #tpu.memory_space<hbm>> -> memref<1x128x128xf32, #tpu.memory_space<hbm>>
      %dma_start3A_370 = tpu.memref_squeeze %dma_start3A_369 : memref<1x128x128xf32, #tpu.memory_space<hbm>> -> memref<128x128xf32, #tpu.memory_space<hbm>>
      %dma_start3A_371 = arith.constant 0 : i32
      %dma_start3A_372 = tpu.memref_slice %arg6[%dma_start3A_367, %add3A_366, %dma_start3A_371] : memref<9x53248x128xf32, #tpu.memory_space<hbm>> -> memref<1x128x128xf32, #tpu.memory_space<hbm>>
      %dma_start3A_373 = tpu.memref_squeeze %dma_start3A_372 : memref<1x128x128xf32, #tpu.memory_space<hbm>> -> memref<128x128xf32, #tpu.memory_space<hbm>>
      tpu.enqueue_dma source(%arg15 : memref<128x128xf32, #tpu.memory_space<vmem>>) target(%dma_start3A_373 : memref<128x128xf32, #tpu.memory_space<hbm>>) target_semaphore(%arg23 : memref<!tpu.dma_semaphore, #tpu.memory_space<semaphore_mem>>)
      %dma_wait3A_374 = arith.constant 0 : i32
      %dma_wait3A_375 = arith.constant 0 : i32
      %dma_wait3A_376 = tpu.memref_slice %arg2[%dma_wait3A_374, %dma_wait3A_375] : memref<204304x128xf32, #tpu.memory_space<hbm>> -> memref<204304x128xf32, #tpu.memory_space<hbm>>
      tpu.wait_indirect_dma semaphore(%arg20 : memref<!tpu.dma_semaphore, #tpu.memory_space<semaphore_mem>>) src(%dma_wait3A_376 : memref<204304x128xf32, #tpu.memory_space<hbm>>) dst(%arg16 : memref<128x128xf32, #tpu.memory_space<vmem>>)
      %add3A_377 = arith.constant 1 : i32
      %add3A_378 = arith.addi %mul3A_314, %add3A_377 : i32
      %mul3A_379 = arith.constant 128 : i32
      %mul3A_380 = arith.muli %add3A_378, %mul3A_379 : i32
      %add3A_381 = arith.addi %mul3A_2, %mul3A_380 : i32
      %dma_start3A_382 = arith.constant 0 : i32
      %dma_start3A_383 = arith.constant 0 : i32
      %dma_start3A_384 = tpu.memref_slice %arg6[%dma_start3A_382, %add3A_381, %dma_start3A_383] : memref<9x53248x128xf32, #tpu.memory_space<hbm>> -> memref<1x128x128xf32, #tpu.memory_space<hbm>>
      %dma_start3A_385 = tpu.memref_squeeze %dma_start3A_384 : memref<1x128x128xf32, #tpu.memory_space<hbm>> -> memref<128x128xf32, #tpu.memory_space<hbm>>
      %dma_start3A_386 = arith.constant 0 : i32
      %dma_start3A_387 = tpu.memref_slice %arg6[%dma_start3A_382, %add3A_381, %dma_start3A_386] : memref<9x53248x128xf32, #tpu.memory_space<hbm>> -> memref<1x128x128xf32, #tpu.memory_space<hbm>>
      %dma_start3A_388 = tpu.memref_squeeze %dma_start3A_387 : memref<1x128x128xf32, #tpu.memory_space<hbm>> -> memref<128x128xf32, #tpu.memory_space<hbm>>
      tpu.enqueue_dma source(%arg16 : memref<128x128xf32, #tpu.memory_space<vmem>>) target(%dma_start3A_388 : memref<128x128xf32, #tpu.memory_space<hbm>>) target_semaphore(%arg23 : memref<!tpu.dma_semaphore, #tpu.memory_space<semaphore_mem>>)
      %dma_wait3A_389 = arith.constant 0 : i32
      %dma_wait3A_390 = arith.constant 0 : i32
      %dma_wait3A_391 = tpu.memref_slice %arg2[%dma_wait3A_389, %dma_wait3A_390] : memref<204304x128xf32, #tpu.memory_space<hbm>> -> memref<204304x128xf32, #tpu.memory_space<hbm>>
      tpu.wait_indirect_dma semaphore(%arg21 : memref<!tpu.dma_semaphore, #tpu.memory_space<semaphore_mem>>) src(%dma_wait3A_391 : memref<204304x128xf32, #tpu.memory_space<hbm>>) dst(%arg17 : memref<128x128xf32, #tpu.memory_space<vmem>>)
      %add3A_392 = arith.constant 2 : i32
      %add3A_393 = arith.addi %mul3A_314, %add3A_392 : i32
      %mul3A_394 = arith.constant 128 : i32
      %mul3A_395 = arith.muli %add3A_393, %mul3A_394 : i32
      %add3A_396 = arith.addi %mul3A_2, %mul3A_395 : i32
      %dma_start3A_397 = arith.constant 0 : i32
      %dma_start3A_398 = arith.constant 0 : i32
      %dma_start3A_399 = tpu.memref_slice %arg6[%dma_start3A_397, %add3A_396, %dma_start3A_398] : memref<9x53248x128xf32, #tpu.memory_space<hbm>> -> memref<1x128x128xf32, #tpu.memory_space<hbm>>
      %dma_start3A_400 = tpu.memref_squeeze %dma_start3A_399 : memref<1x128x128xf32, #tpu.memory_space<hbm>> -> memref<128x128xf32, #tpu.memory_space<hbm>>
      %dma_start3A_401 = arith.constant 0 : i32
      %dma_start3A_402 = tpu.memref_slice %arg6[%dma_start3A_397, %add3A_396, %dma_start3A_401] : memref<9x53248x128xf32, #tpu.memory_space<hbm>> -> memref<1x128x128xf32, #tpu.memory_space<hbm>>
      %dma_start3A_403 = tpu.memref_squeeze %dma_start3A_402 : memref<1x128x128xf32, #tpu.memory_space<hbm>> -> memref<128x128xf32, #tpu.memory_space<hbm>>
      tpu.enqueue_dma source(%arg17 : memref<128x128xf32, #tpu.memory_space<vmem>>) target(%dma_start3A_403 : memref<128x128xf32, #tpu.memory_space<hbm>>) target_semaphore(%arg23 : memref<!tpu.dma_semaphore, #tpu.memory_space<semaphore_mem>>)
      %dma_wait3A_404 = arith.constant 0 : i32
      %dma_wait3A_405 = arith.constant 0 : i32
      %dma_wait3A_406 = tpu.memref_slice %arg2[%dma_wait3A_404, %dma_wait3A_405] : memref<204304x128xf32, #tpu.memory_space<hbm>> -> memref<204304x128xf32, #tpu.memory_space<hbm>>
      tpu.wait_indirect_dma semaphore(%arg22 : memref<!tpu.dma_semaphore, #tpu.memory_space<semaphore_mem>>) src(%dma_wait3A_406 : memref<204304x128xf32, #tpu.memory_space<hbm>>) dst(%arg18 : memref<128x128xf32, #tpu.memory_space<vmem>>)
      %add3A_407 = arith.constant 3 : i32
      %add3A_408 = arith.addi %mul3A_314, %add3A_407 : i32
      %mul3A_409 = arith.constant 128 : i32
      %mul3A_410 = arith.muli %add3A_408, %mul3A_409 : i32
      %add3A_411 = arith.addi %mul3A_2, %mul3A_410 : i32
      %dma_start3A_412 = arith.constant 0 : i32
      %dma_start3A_413 = arith.constant 0 : i32
      %dma_start3A_414 = tpu.memref_slice %arg6[%dma_start3A_412, %add3A_411, %dma_start3A_413] : memref<9x53248x128xf32, #tpu.memory_space<hbm>> -> memref<1x128x128xf32, #tpu.memory_space<hbm>>
      %dma_start3A_415 = tpu.memref_squeeze %dma_start3A_414 : memref<1x128x128xf32, #tpu.memory_space<hbm>> -> memref<128x128xf32, #tpu.memory_space<hbm>>
      %dma_start3A_416 = arith.constant 0 : i32
      %dma_start3A_417 = tpu.memref_slice %arg6[%dma_start3A_412, %add3A_411, %dma_start3A_416] : memref<9x53248x128xf32, #tpu.memory_space<hbm>> -> memref<1x128x128xf32, #tpu.memory_space<hbm>>
      %dma_start3A_418 = tpu.memref_squeeze %dma_start3A_417 : memref<1x128x128xf32, #tpu.memory_space<hbm>> -> memref<128x128xf32, #tpu.memory_space<hbm>>
      tpu.enqueue_dma source(%arg18 : memref<128x128xf32, #tpu.memory_space<vmem>>) target(%dma_start3A_418 : memref<128x128xf32, #tpu.memory_space<hbm>>) target_semaphore(%arg23 : memref<!tpu.dma_semaphore, #tpu.memory_space<semaphore_mem>>)
      %dma_wait3A_419 = arith.constant 0 : i32
      %dma_wait3A_420 = arith.constant 0 : i32
      %dma_wait3A_421 = tpu.memref_slice %arg6[%dma_wait3A_419, %add3A_366, %dma_wait3A_420] : memref<9x53248x128xf32, #tpu.memory_space<hbm>> -> memref<1x128x128xf32, #tpu.memory_space<hbm>>
      %dma_wait3A_422 = tpu.memref_squeeze %dma_wait3A_421 : memref<1x128x128xf32, #tpu.memory_space<hbm>> -> memref<128x128xf32, #tpu.memory_space<hbm>>
      %dma_wait3A_423 = arith.constant 0 : i32
      %dma_wait3A_424 = tpu.memref_slice %arg6[%dma_wait3A_419, %add3A_366, %dma_wait3A_423] : memref<9x53248x128xf32, #tpu.memory_space<hbm>> -> memref<1x128x128xf32, #tpu.memory_space<hbm>>
      %dma_wait3A_425 = tpu.memref_squeeze %dma_wait3A_424 : memref<1x128x128xf32, #tpu.memory_space<hbm>> -> memref<128x128xf32, #tpu.memory_space<hbm>>
      tpu.wait_dma2 semaphore(%arg23 : memref<!tpu.dma_semaphore, #tpu.memory_space<semaphore_mem>>) src(%arg15 : memref<128x128xf32, #tpu.memory_space<vmem>>) dst(%dma_wait3A_425 : memref<128x128xf32, #tpu.memory_space<hbm>>)
      %dma_wait3A_426 = arith.constant 0 : i32
      %dma_wait3A_427 = arith.constant 0 : i32
      %dma_wait3A_428 = tpu.memref_slice %arg6[%dma_wait3A_426, %add3A_381, %dma_wait3A_427] : memref<9x53248x128xf32, #tpu.memory_space<hbm>> -> memref<1x128x128xf32, #tpu.memory_space<hbm>>
      %dma_wait3A_429 = tpu.memref_squeeze %dma_wait3A_428 : memref<1x128x128xf32, #tpu.memory_space<hbm>> -> memref<128x128xf32, #tpu.memory_space<hbm>>
      %dma_wait3A_430 = arith.constant 0 : i32
      %dma_wait3A_431 = tpu.memref_slice %arg6[%dma_wait3A_426, %add3A_381, %dma_wait3A_430] : memref<9x53248x128xf32, #tpu.memory_space<hbm>> -> memref<1x128x128xf32, #tpu.memory_space<hbm>>
      %dma_wait3A_432 = tpu.memref_squeeze %dma_wait3A_431 : memref<1x128x128xf32, #tpu.memory_space<hbm>> -> memref<128x128xf32, #tpu.memory_space<hbm>>
      tpu.wait_dma2 semaphore(%arg23 : memref<!tpu.dma_semaphore, #tpu.memory_space<semaphore_mem>>) src(%arg16 : memref<128x128xf32, #tpu.memory_space<vmem>>) dst(%dma_wait3A_432 : memref<128x128xf32, #tpu.memory_space<hbm>>)
      %dma_wait3A_433 = arith.constant 0 : i32
      %dma_wait3A_434 = arith.constant 0 : i32
      %dma_wait3A_435 = tpu.memref_slice %arg6[%dma_wait3A_433, %add3A_396, %dma_wait3A_434] : memref<9x53248x128xf32, #tpu.memory_space<hbm>> -> memref<1x128x128xf32, #tpu.memory_space<hbm>>
      %dma_wait3A_436 = tpu.memref_squeeze %dma_wait3A_435 : memref<1x128x128xf32, #tpu.memory_space<hbm>> -> memref<128x128xf32, #tpu.memory_space<hbm>>
      %dma_wait3A_437 = arith.constant 0 : i32
      %dma_wait3A_438 = tpu.memref_slice %arg6[%dma_wait3A_433, %add3A_396, %dma_wait3A_437] : memref<9x53248x128xf32, #tpu.memory_space<hbm>> -> memref<1x128x128xf32, #tpu.memory_space<hbm>>
      %dma_wait3A_439 = tpu.memref_squeeze %dma_wait3A_438 : memref<1x128x128xf32, #tpu.memory_space<hbm>> -> memref<128x128xf32, #tpu.memory_space<hbm>>
      tpu.wait_dma2 semaphore(%arg23 : memref<!tpu.dma_semaphore, #tpu.memory_space<semaphore_mem>>) src(%arg17 : memref<128x128xf32, #tpu.memory_space<vmem>>) dst(%dma_wait3A_439 : memref<128x128xf32, #tpu.memory_space<hbm>>)
      %dma_wait3A_440 = arith.constant 0 : i32
      %dma_wait3A_441 = arith.constant 0 : i32
      %dma_wait3A_442 = tpu.memref_slice %arg6[%dma_wait3A_440, %add3A_411, %dma_wait3A_441] : memref<9x53248x128xf32, #tpu.memory_space<hbm>> -> memref<1x128x128xf32, #tpu.memory_space<hbm>>
      %dma_wait3A_443 = tpu.memref_squeeze %dma_wait3A_442 : memref<1x128x128xf32, #tpu.memory_space<hbm>> -> memref<128x128xf32, #tpu.memory_space<hbm>>
      %dma_wait3A_444 = arith.constant 0 : i32
      %dma_wait3A_445 = tpu.memref_slice %arg6[%dma_wait3A_440, %add3A_411, %dma_wait3A_444] : memref<9x53248x128xf32, #tpu.memory_space<hbm>> -> memref<1x128x128xf32, #tpu.memory_space<hbm>>
      %dma_wait3A_446 = tpu.memref_squeeze %dma_wait3A_445 : memref<1x128x128xf32, #tpu.memory_space<hbm>> -> memref<128x128xf32, #tpu.memory_space<hbm>>
      tpu.wait_dma2 semaphore(%arg23 : memref<!tpu.dma_semaphore, #tpu.memory_space<semaphore_mem>>) src(%arg18 : memref<128x128xf32, #tpu.memory_space<vmem>>) dst(%dma_wait3A_446 : memref<128x128xf32, #tpu.memory_space<hbm>>)
    }
    %scan3A_13 = arith.constant 3 : i32
    %scan3A_14 = arith.constant 0 : i32
    %scan3A_15 = arith.constant 0 : i32
    %scan3A_16 = arith.constant 8 : i32
    %scan3A_17 = arith.addi %scan3A_15, %scan3A_16 : i32
    %scan3A_18 = arith.constant 1 : i32
    scf.for %scan3A_312 = %scan3A_15 to %scan3A_17 step %scan3A_18  : i32 {
      %mul3A_313 = arith.constant 16 : i32
      %mul3A_314 = arith.muli %scan3A_312, %mul3A_313 : i32
      %add3A_315 = arith.constant 1536 : i32
      %add3A_316 = arith.addi %add3A_315, %mul3A_314 : i32
      %get3A = arith.index_cast %add3A_316 : i32 to index
      %get3A_317 = tpu.vector_load %arg10[%get3A] {strides = array<i32>} : memref<1664xi32, #tpu.memory_space<vmem>>, vector<16xi32>,
      %get3A_318 = vector.shape_cast %get3A_317 : vector<16xi32> to vector<16xi32>
      %add3A_319 = arith.constant 0 : i32
      %add3A_320 = vector.broadcast %add3A_319 : i32 to vector<16xi32>
      %add3A_321 = arith.addi %get3A_318, %add3A_320 : vector<16xi32>
      %swap3A = arith.index_cast %mul3A_314 : i32 to index
      %swap3A_322 = tpu.vector_load %arg11[%swap3A] {strides = array<i32>} : memref<128xi32, #tpu.memory_space<vmem>>, vector<16xi32>,
      %swap3A_323 = vector.shape_cast %swap3A_322 : vector<16xi32> to vector<16xi32>
      %swap3A_324 = vector.shape_cast %add3A_321 : vector<16xi32> to vector<16xi32>
      tpu.vector_store %arg11[%swap3A], %swap3A_324 {strides = array<i32>} : memref<128xi32, #tpu.memory_space<vmem>>, vector<16xi32>,
    }
    %scan3A_19 = arith.constant 8 : i32
    %dma_start3A = arith.constant 0 : i32
    %dma_start3A_20 = arith.constant 0 : i32
    %dma_start3A_21 = tpu.memref_slice %arg2[%dma_start3A, %dma_start3A_20] : memref<204304x128xf32, #tpu.memory_space<hbm>> -> memref<204304x128xf32, #tpu.memory_space<hbm>>
    tpu.enqueue_indirect_dma source(%dma_start3A_21 : memref<204304x128xf32, #tpu.memory_space<hbm>>) target(%arg15 : memref<128x128xf32, #tpu.memory_space<vmem>>) offsets(%arg11 : memref<128xi32, #tpu.memory_space<vmem>>) semaphore(%arg19 : memref<!tpu.dma_semaphore, #tpu.memory_space<semaphore_mem>>)
    %dma_wait3A = arith.constant 0 : i32
    %dma_wait3A_22 = arith.constant 0 : i32
    %dma_wait3A_23 = tpu.memref_slice %arg2[%dma_wait3A, %dma_wait3A_22] : memref<204304x128xf32, #tpu.memory_space<hbm>> -> memref<204304x128xf32, #tpu.memory_space<hbm>>
    tpu.wait_indirect_dma semaphore(%arg19 : memref<!tpu.dma_semaphore, #tpu.memory_space<semaphore_mem>>) src(%dma_wait3A_23 : memref<204304x128xf32, #tpu.memory_space<hbm>>) dst(%arg15 : memref<128x128xf32, #tpu.memory_space<vmem>>)
    %add3A_24 = arith.constant 1536 : i32
    %add3A_25 = arith.addi %mul3A_2, %add3A_24 : i32
    %dma_start3A_26 = arith.constant 0 : i32
    %dma_start3A_27 = arith.constant 0 : i32
    %dma_start3A_28 = tpu.memref_slice %arg6[%dma_start3A_26, %add3A_25, %dma_start3A_27] : memref<9x53248x128xf32, #tpu.memory_space<hbm>> -> memref<1x128x128xf32, #tpu.memory_space<hbm>>
    %dma_start3A_29 = tpu.memref_squeeze %dma_start3A_28 : memref<1x128x128xf32, #tpu.memory_space<hbm>> -> memref<128x128xf32, #tpu.memory_space<hbm>>
    %dma_start3A_30 = arith.constant 0 : i32
    %dma_start3A_31 = tpu.memref_slice %arg6[%dma_start3A_26, %add3A_25, %dma_start3A_30] : memref<9x53248x128xf32, #tpu.memory_space<hbm>> -> memref<1x128x128xf32, #tpu.memory_space<hbm>>
    %dma_start3A_32 = tpu.memref_squeeze %dma_start3A_31 : memref<1x128x128xf32, #tpu.memory_space<hbm>> -> memref<128x128xf32, #tpu.memory_space<hbm>>
    tpu.enqueue_dma source(%arg15 : memref<128x128xf32, #tpu.memory_space<vmem>>) target(%dma_start3A_32 : memref<128x128xf32, #tpu.memory_space<hbm>>) target_semaphore(%arg23 : memref<!tpu.dma_semaphore, #tpu.memory_space<semaphore_mem>>)
    %dma_wait3A_33 = arith.constant 0 : i32
    %dma_wait3A_34 = arith.constant 0 : i32
    %dma_wait3A_35 = tpu.memref_slice %arg6[%dma_wait3A_33, %add3A_25, %dma_wait3A_34] : memref<9x53248x128xf32, #tpu.memory_space<hbm>> -> memref<1x128x128xf32, #tpu.memory_space<hbm>>
    %dma_wait3A_36 = tpu.memref_squeeze %dma_wait3A_35 : memref<1x128x128xf32, #tpu.memory_space<hbm>> -> memref<128x128xf32, #tpu.memory_space<hbm>>
    %dma_wait3A_37 = arith.constant 0 : i32
    %dma_wait3A_38 = tpu.memref_slice %arg6[%dma_wait3A_33, %add3A_25, %dma_wait3A_37] : memref<9x53248x128xf32, #tpu.memory_space<hbm>> -> memref<1x128x128xf32, #tpu.memory_space<hbm>>
    %dma_wait3A_39 = tpu.memref_squeeze %dma_wait3A_38 : memref<1x128x128xf32, #tpu.memory_space<hbm>> -> memref<128x128xf32, #tpu.memory_space<hbm>>
    tpu.wait_dma2 semaphore(%arg23 : memref<!tpu.dma_semaphore, #tpu.memory_space<semaphore_mem>>) src(%arg15 : memref<128x128xf32, #tpu.memory_space<vmem>>) dst(%dma_wait3A_39 : memref<128x128xf32, #tpu.memory_space<hbm>>)
    %scan3A_40 = arith.constant 0 : i32
    %scan3A_41 = arith.constant 0 : i32
    %scan3A_42 = arith.constant 3 : i32
    %scan3A_43 = arith.addi %scan3A_41, %scan3A_42 : i32
    %scan3A_44 = arith.constant 1 : i32
    scf.for %scan3A_312 = %scan3A_41 to %scan3A_43 step %scan3A_44  : i32 {
      %mul3A_313 = arith.constant 4 : i32
      %mul3A_314 = arith.muli %scan3A_312, %mul3A_313 : i32
      %add3A_315 = arith.constant 0 : i32
      %add3A_316 = arith.addi %mul3A_314, %add3A_315 : i32
      %scan3A_317 = arith.constant 0 : i32
      %scan3A_318 = arith.constant 0 : i32
      %scan3A_319 = arith.constant 8 : i32
      %scan3A_320 = arith.addi %scan3A_318, %scan3A_319 : i32
      %scan3A_321 = arith.constant 1 : i32
      scf.for %scan3A_447 = %scan3A_318 to %scan3A_320 step %scan3A_321  : i32 {
        %mul3A_448 = arith.constant 16 : i32
        %mul3A_449 = arith.muli %scan3A_447, %mul3A_448 : i32
        %mul3A_450 = arith.constant 128 : i32
        %mul3A_451 = arith.muli %add3A_316, %mul3A_450 : i32
        %add3A_452 = arith.addi %mul3A_451, %mul3A_449 : i32
        %get3A = arith.index_cast %add3A_452 : i32 to index
        %get3A_453 = tpu.vector_load %arg10[%get3A] {strides = array<i32>} : memref<1664xi32, #tpu.memory_space<vmem>>, vector<16xi32>,
        %get3A_454 = vector.shape_cast %get3A_453 : vector<16xi32> to vector<16xi32>
        %add3A_455 = arith.constant 1 : i32
        %add3A_456 = vector.broadcast %add3A_455 : i32 to vector<16xi32>
        %add3A_457 = arith.addi %get3A_454, %add3A_456 : vector<16xi32>
        %swap3A = arith.index_cast %mul3A_449 : i32 to index
        %swap3A_458 = tpu.vector_load %arg11[%swap3A] {strides = array<i32>} : memref<128xi32, #tpu.memory_space<vmem>>, vector<16xi32>,
        %swap3A_459 = vector.shape_cast %swap3A_458 : vector<16xi32> to vector<16xi32>
        %swap3A_460 = vector.shape_cast %add3A_457 : vector<16xi32> to vector<16xi32>
        tpu.vector_store %arg11[%swap3A], %swap3A_460 {strides = array<i32>} : memref<128xi32, #tpu.memory_space<vmem>>, vector<16xi32>,
      }
      %scan3A_322 = arith.constant 8 : i32
      %dma_start3A_323 = arith.constant 0 : i32
      %dma_start3A_324 = arith.constant 0 : i32
      %dma_start3A_325 = tpu.memref_slice %arg2[%dma_start3A_323, %dma_start3A_324] : memref<204304x128xf32, #tpu.memory_space<hbm>> -> memref<204304x128xf32, #tpu.memory_space<hbm>>
      tpu.enqueue_indirect_dma source(%dma_start3A_325 : memref<204304x128xf32, #tpu.memory_space<hbm>>) target(%arg15 : memref<128x128xf32, #tpu.memory_space<vmem>>) offsets(%arg11 : memref<128xi32, #tpu.memory_space<vmem>>) semaphore(%arg19 : memref<!tpu.dma_semaphore, #tpu.memory_space<semaphore_mem>>)
      %add3A_326 = arith.constant 1 : i32
      %add3A_327 = arith.addi %mul3A_314, %add3A_326 : i32
      %scan3A_328 = arith.constant 0 : i32
      %scan3A_329 = arith.constant 0 : i32
      %scan3A_330 = arith.constant 8 : i32
      %scan3A_331 = arith.addi %scan3A_329, %scan3A_330 : i32
      %scan3A_332 = arith.constant 1 : i32
      scf.for %scan3A_447 = %scan3A_329 to %scan3A_331 step %scan3A_332  : i32 {
        %mul3A_448 = arith.constant 16 : i32
        %mul3A_449 = arith.muli %scan3A_447, %mul3A_448 : i32
        %mul3A_450 = arith.constant 128 : i32
        %mul3A_451 = arith.muli %add3A_327, %mul3A_450 : i32
        %add3A_452 = arith.addi %mul3A_451, %mul3A_449 : i32
        %get3A = arith.index_cast %add3A_452 : i32 to index
        %get3A_453 = tpu.vector_load %arg10[%get3A] {strides = array<i32>} : memref<1664xi32, #tpu.memory_space<vmem>>, vector<16xi32>,
        %get3A_454 = vector.shape_cast %get3A_453 : vector<16xi32> to vector<16xi32>
        %add3A_455 = arith.constant 1 : i32
        %add3A_456 = vector.broadcast %add3A_455 : i32 to vector<16xi32>
        %add3A_457 = arith.addi %get3A_454, %add3A_456 : vector<16xi32>
        %swap3A = arith.index_cast %mul3A_449 : i32 to index
        %swap3A_458 = tpu.vector_load %arg12[%swap3A] {strides = array<i32>} : memref<128xi32, #tpu.memory_space<vmem>>, vector<16xi32>,
        %swap3A_459 = vector.shape_cast %swap3A_458 : vector<16xi32> to vector<16xi32>
        %swap3A_460 = vector.shape_cast %add3A_457 : vector<16xi32> to vector<16xi32>
        tpu.vector_store %arg12[%swap3A], %swap3A_460 {strides = array<i32>} : memref<128xi32, #tpu.memory_space<vmem>>, vector<16xi32>,
      }
      %scan3A_333 = arith.constant 8 : i32
      %dma_start3A_334 = arith.constant 0 : i32
      %dma_start3A_335 = arith.constant 0 : i32
      %dma_start3A_336 = tpu.memref_slice %arg2[%dma_start3A_334, %dma_start3A_335] : memref<204304x128xf32, #tpu.memory_space<hbm>> -> memref<204304x128xf32, #tpu.memory_space<hbm>>
      tpu.enqueue_indirect_dma source(%dma_start3A_336 : memref<204304x128xf32, #tpu.memory_space<hbm>>) target(%arg16 : memref<128x128xf32, #tpu.memory_space<vmem>>) offsets(%arg12 : memref<128xi32, #tpu.memory_space<vmem>>) semaphore(%arg20 : memref<!tpu.dma_semaphore, #tpu.memory_space<semaphore_mem>>)
      %add3A_337 = arith.constant 2 : i32
      %add3A_338 = arith.addi %mul3A_314, %add3A_337 : i32
      %scan3A_339 = arith.constant 0 : i32
      %scan3A_340 = arith.constant 0 : i32
      %scan3A_341 = arith.constant 8 : i32
      %scan3A_342 = arith.addi %scan3A_340, %scan3A_341 : i32
      %scan3A_343 = arith.constant 1 : i32
      scf.for %scan3A_447 = %scan3A_340 to %scan3A_342 step %scan3A_343  : i32 {
        %mul3A_448 = arith.constant 16 : i32
        %mul3A_449 = arith.muli %scan3A_447, %mul3A_448 : i32
        %mul3A_450 = arith.constant 128 : i32
        %mul3A_451 = arith.muli %add3A_338, %mul3A_450 : i32
        %add3A_452 = arith.addi %mul3A_451, %mul3A_449 : i32
        %get3A = arith.index_cast %add3A_452 : i32 to index
        %get3A_453 = tpu.vector_load %arg10[%get3A] {strides = array<i32>} : memref<1664xi32, #tpu.memory_space<vmem>>, vector<16xi32>,
        %get3A_454 = vector.shape_cast %get3A_453 : vector<16xi32> to vector<16xi32>
        %add3A_455 = arith.constant 1 : i32
        %add3A_456 = vector.broadcast %add3A_455 : i32 to vector<16xi32>
        %add3A_457 = arith.addi %get3A_454, %add3A_456 : vector<16xi32>
        %swap3A = arith.index_cast %mul3A_449 : i32 to index
        %swap3A_458 = tpu.vector_load %arg13[%swap3A] {strides = array<i32>} : memref<128xi32, #tpu.memory_space<vmem>>, vector<16xi32>,
        %swap3A_459 = vector.shape_cast %swap3A_458 : vector<16xi32> to vector<16xi32>
        %swap3A_460 = vector.shape_cast %add3A_457 : vector<16xi32> to vector<16xi32>
        tpu.vector_store %arg13[%swap3A], %swap3A_460 {strides = array<i32>} : memref<128xi32, #tpu.memory_space<vmem>>, vector<16xi32>,
      }
      %scan3A_344 = arith.constant 8 : i32
      %dma_start3A_345 = arith.constant 0 : i32
      %dma_start3A_346 = arith.constant 0 : i32
      %dma_start3A_347 = tpu.memref_slice %arg2[%dma_start3A_345, %dma_start3A_346] : memref<204304x128xf32, #tpu.memory_space<hbm>> -> memref<204304x128xf32, #tpu.memory_space<hbm>>
      tpu.enqueue_indirect_dma source(%dma_start3A_347 : memref<204304x128xf32, #tpu.memory_space<hbm>>) target(%arg17 : memref<128x128xf32, #tpu.memory_space<vmem>>) offsets(%arg13 : memref<128xi32, #tpu.memory_space<vmem>>) semaphore(%arg21 : memref<!tpu.dma_semaphore, #tpu.memory_space<semaphore_mem>>)
      %add3A_348 = arith.constant 3 : i32
      %add3A_349 = arith.addi %mul3A_314, %add3A_348 : i32
      %scan3A_350 = arith.constant 0 : i32
      %scan3A_351 = arith.constant 0 : i32
      %scan3A_352 = arith.constant 8 : i32
      %scan3A_353 = arith.addi %scan3A_351, %scan3A_352 : i32
      %scan3A_354 = arith.constant 1 : i32
      scf.for %scan3A_447 = %scan3A_351 to %scan3A_353 step %scan3A_354  : i32 {
        %mul3A_448 = arith.constant 16 : i32
        %mul3A_449 = arith.muli %scan3A_447, %mul3A_448 : i32
        %mul3A_450 = arith.constant 128 : i32
        %mul3A_451 = arith.muli %add3A_349, %mul3A_450 : i32
        %add3A_452 = arith.addi %mul3A_451, %mul3A_449 : i32
        %get3A = arith.index_cast %add3A_452 : i32 to index
        %get3A_453 = tpu.vector_load %arg10[%get3A] {strides = array<i32>} : memref<1664xi32, #tpu.memory_space<vmem>>, vector<16xi32>,
        %get3A_454 = vector.shape_cast %get3A_453 : vector<16xi32> to vector<16xi32>
        %add3A_455 = arith.constant 1 : i32
        %add3A_456 = vector.broadcast %add3A_455 : i32 to vector<16xi32>
        %add3A_457 = arith.addi %get3A_454, %add3A_456 : vector<16xi32>
        %swap3A = arith.index_cast %mul3A_449 : i32 to index
        %swap3A_458 = tpu.vector_load %arg14[%swap3A] {strides = array<i32>} : memref<128xi32, #tpu.memory_space<vmem>>, vector<16xi32>,
        %swap3A_459 = vector.shape_cast %swap3A_458 : vector<16xi32> to vector<16xi32>
        %swap3A_460 = vector.shape_cast %add3A_457 : vector<16xi32> to vector<16xi32>
        tpu.vector_store %arg14[%swap3A], %swap3A_460 {strides = array<i32>} : memref<128xi32, #tpu.memory_space<vmem>>, vector<16xi32>,
      }
      %scan3A_355 = arith.constant 8 : i32
      %dma_start3A_356 = arith.constant 0 : i32
      %dma_start3A_357 = arith.constant 0 : i32
      %dma_start3A_358 = tpu.memref_slice %arg2[%dma_start3A_356, %dma_start3A_357] : memref<204304x128xf32, #tpu.memory_space<hbm>> -> memref<204304x128xf32, #tpu.memory_space<hbm>>
      tpu.enqueue_indirect_dma source(%dma_start3A_358 : memref<204304x128xf32, #tpu.memory_space<hbm>>) target(%arg18 : memref<128x128xf32, #tpu.memory_space<vmem>>) offsets(%arg14 : memref<128xi32, #tpu.memory_space<vmem>>) semaphore(%arg22 : memref<!tpu.dma_semaphore, #tpu.memory_space<semaphore_mem>>)
      %dma_wait3A_359 = arith.constant 0 : i32
      %dma_wait3A_360 = arith.constant 0 : i32
      %dma_wait3A_361 = tpu.memref_slice %arg2[%dma_wait3A_359, %dma_wait3A_360] : memref<204304x128xf32, #tpu.memory_space<hbm>> -> memref<204304x128xf32, #tpu.memory_space<hbm>>
      tpu.wait_indirect_dma semaphore(%arg19 : memref<!tpu.dma_semaphore, #tpu.memory_space<semaphore_mem>>) src(%dma_wait3A_361 : memref<204304x128xf32, #tpu.memory_space<hbm>>) dst(%arg15 : memref<128x128xf32, #tpu.memory_space<vmem>>)
      %add3A_362 = arith.constant 0 : i32
      %add3A_363 = arith.addi %mul3A_314, %add3A_362 : i32
      %mul3A_364 = arith.constant 128 : i32
      %mul3A_365 = arith.muli %add3A_363, %mul3A_364 : i32
      %add3A_366 = arith.addi %mul3A_2, %mul3A_365 : i32
      %dma_start3A_367 = arith.constant 1 : i32
      %dma_start3A_368 = arith.constant 0 : i32
      %dma_start3A_369 = tpu.memref_slice %arg6[%dma_start3A_367, %add3A_366, %dma_start3A_368] : memref<9x53248x128xf32, #tpu.memory_space<hbm>> -> memref<1x128x128xf32, #tpu.memory_space<hbm>>
      %dma_start3A_370 = tpu.memref_squeeze %dma_start3A_369 : memref<1x128x128xf32, #tpu.memory_space<hbm>> -> memref<128x128xf32, #tpu.memory_space<hbm>>
      %dma_start3A_371 = arith.constant 0 : i32
      %dma_start3A_372 = tpu.memref_slice %arg6[%dma_start3A_367, %add3A_366, %dma_start3A_371] : memref<9x53248x128xf32, #tpu.memory_space<hbm>> -> memref<1x128x128xf32, #tpu.memory_space<hbm>>
      %dma_start3A_373 = tpu.memref_squeeze %dma_start3A_372 : memref<1x128x128xf32, #tpu.memory_space<hbm>> -> memref<128x128xf32, #tpu.memory_space<hbm>>
      tpu.enqueue_dma source(%arg15 : memref<128x128xf32, #tpu.memory_space<vmem>>) target(%dma_start3A_373 : memref<128x128xf32, #tpu.memory_space<hbm>>) target_semaphore(%arg23 : memref<!tpu.dma_semaphore, #tpu.memory_space<semaphore_mem>>)
      %dma_wait3A_374 = arith.constant 0 : i32
      %dma_wait3A_375 = arith.constant 0 : i32
      %dma_wait3A_376 = tpu.memref_slice %arg2[%dma_wait3A_374, %dma_wait3A_375] : memref<204304x128xf32, #tpu.memory_space<hbm>> -> memref<204304x128xf32, #tpu.memory_space<hbm>>
      tpu.wait_indirect_dma semaphore(%arg20 : memref<!tpu.dma_semaphore, #tpu.memory_space<semaphore_mem>>) src(%dma_wait3A_376 : memref<204304x128xf32, #tpu.memory_space<hbm>>) dst(%arg16 : memref<128x128xf32, #tpu.memory_space<vmem>>)
      %add3A_377 = arith.constant 1 : i32
      %add3A_378 = arith.addi %mul3A_314, %add3A_377 : i32
      %mul3A_379 = arith.constant 128 : i32
      %mul3A_380 = arith.muli %add3A_378, %mul3A_379 : i32
      %add3A_381 = arith.addi %mul3A_2, %mul3A_380 : i32
      %dma_start3A_382 = arith.constant 1 : i32
      %dma_start3A_383 = arith.constant 0 : i32
      %dma_start3A_384 = tpu.memref_slice %arg6[%dma_start3A_382, %add3A_381, %dma_start3A_383] : memref<9x53248x128xf32, #tpu.memory_space<hbm>> -> memref<1x128x128xf32, #tpu.memory_space<hbm>>
      %dma_start3A_385 = tpu.memref_squeeze %dma_start3A_384 : memref<1x128x128xf32, #tpu.memory_space<hbm>> -> memref<128x128xf32, #tpu.memory_space<hbm>>
      %dma_start3A_386 = arith.constant 0 : i32
      %dma_start3A_387 = tpu.memref_slice %arg6[%dma_start3A_382, %add3A_381, %dma_start3A_386] : memref<9x53248x128xf32, #tpu.memory_space<hbm>> -> memref<1x128x128xf32, #tpu.memory_space<hbm>>
      %dma_start3A_388 = tpu.memref_squeeze %dma_start3A_387 : memref<1x128x128xf32, #tpu.memory_space<hbm>> -> memref<128x128xf32, #tpu.memory_space<hbm>>
      tpu.enqueue_dma source(%arg16 : memref<128x128xf32, #tpu.memory_space<vmem>>) target(%dma_start3A_388 : memref<128x128xf32, #tpu.memory_space<hbm>>) target_semaphore(%arg23 : memref<!tpu.dma_semaphore, #tpu.memory_space<semaphore_mem>>)
      %dma_wait3A_389 = arith.constant 0 : i32
      %dma_wait3A_390 = arith.constant 0 : i32
      %dma_wait3A_391 = tpu.memref_slice %arg2[%dma_wait3A_389, %dma_wait3A_390] : memref<204304x128xf32, #tpu.memory_space<hbm>> -> memref<204304x128xf32, #tpu.memory_space<hbm>>
      tpu.wait_indirect_dma semaphore(%arg21 : memref<!tpu.dma_semaphore, #tpu.memory_space<semaphore_mem>>) src(%dma_wait3A_391 : memref<204304x128xf32, #tpu.memory_space<hbm>>) dst(%arg17 : memref<128x128xf32, #tpu.memory_space<vmem>>)
      %add3A_392 = arith.constant 2 : i32
      %add3A_393 = arith.addi %mul3A_314, %add3A_392 : i32
      %mul3A_394 = arith.constant 128 : i32
      %mul3A_395 = arith.muli %add3A_393, %mul3A_394 : i32
      %add3A_396 = arith.addi %mul3A_2, %mul3A_395 : i32
      %dma_start3A_397 = arith.constant 1 : i32
      %dma_start3A_398 = arith.constant 0 : i32
      %dma_start3A_399 = tpu.memref_slice %arg6[%dma_start3A_397, %add3A_396, %dma_start3A_398] : memref<9x53248x128xf32, #tpu.memory_space<hbm>> -> memref<1x128x128xf32, #tpu.memory_space<hbm>>
      %dma_start3A_400 = tpu.memref_squeeze %dma_start3A_399 : memref<1x128x128xf32, #tpu.memory_space<hbm>> -> memref<128x128xf32, #tpu.memory_space<hbm>>
      %dma_start3A_401 = arith.constant 0 : i32
      %dma_start3A_402 = tpu.memref_slice %arg6[%dma_start3A_397, %add3A_396, %dma_start3A_401] : memref<9x53248x128xf32, #tpu.memory_space<hbm>> -> memref<1x128x128xf32, #tpu.memory_space<hbm>>
      %dma_start3A_403 = tpu.memref_squeeze %dma_start3A_402 : memref<1x128x128xf32, #tpu.memory_space<hbm>> -> memref<128x128xf32, #tpu.memory_space<hbm>>
      tpu.enqueue_dma source(%arg17 : memref<128x128xf32, #tpu.memory_space<vmem>>) target(%dma_start3A_403 : memref<128x128xf32, #tpu.memory_space<hbm>>) target_semaphore(%arg23 : memref<!tpu.dma_semaphore, #tpu.memory_space<semaphore_mem>>)
      %dma_wait3A_404 = arith.constant 0 : i32
      %dma_wait3A_405 = arith.constant 0 : i32
      %dma_wait3A_406 = tpu.memref_slice %arg2[%dma_wait3A_404, %dma_wait3A_405] : memref<204304x128xf32, #tpu.memory_space<hbm>> -> memref<204304x128xf32, #tpu.memory_space<hbm>>
      tpu.wait_indirect_dma semaphore(%arg22 : memref<!tpu.dma_semaphore, #tpu.memory_space<semaphore_mem>>) src(%dma_wait3A_406 : memref<204304x128xf32, #tpu.memory_space<hbm>>) dst(%arg18 : memref<128x128xf32, #tpu.memory_space<vmem>>)
      %add3A_407 = arith.constant 3 : i32
      %add3A_408 = arith.addi %mul3A_314, %add3A_407 : i32
      %mul3A_409 = arith.constant 128 : i32
      %mul3A_410 = arith.muli %add3A_408, %mul3A_409 : i32
      %add3A_411 = arith.addi %mul3A_2, %mul3A_410 : i32
      %dma_start3A_412 = arith.constant 1 : i32
      %dma_start3A_413 = arith.constant 0 : i32
      %dma_start3A_414 = tpu.memref_slice %arg6[%dma_start3A_412, %add3A_411, %dma_start3A_413] : memref<9x53248x128xf32, #tpu.memory_space<hbm>> -> memref<1x128x128xf32, #tpu.memory_space<hbm>>
      %dma_start3A_415 = tpu.memref_squeeze %dma_start3A_414 : memref<1x128x128xf32, #tpu.memory_space<hbm>> -> memref<128x128xf32, #tpu.memory_space<hbm>>
      %dma_start3A_416 = arith.constant 0 : i32
      %dma_start3A_417 = tpu.memref_slice %arg6[%dma_start3A_412, %add3A_411, %dma_start3A_416] : memref<9x53248x128xf32, #tpu.memory_space<hbm>> -> memref<1x128x128xf32, #tpu.memory_space<hbm>>
      %dma_start3A_418 = tpu.memref_squeeze %dma_start3A_417 : memref<1x128x128xf32, #tpu.memory_space<hbm>> -> memref<128x128xf32, #tpu.memory_space<hbm>>
      tpu.enqueue_dma source(%arg18 : memref<128x128xf32, #tpu.memory_space<vmem>>) target(%dma_start3A_418 : memref<128x128xf32, #tpu.memory_space<hbm>>) target_semaphore(%arg23 : memref<!tpu.dma_semaphore, #tpu.memory_space<semaphore_mem>>)
      %dma_wait3A_419 = arith.constant 1 : i32
      %dma_wait3A_420 = arith.constant 0 : i32
      %dma_wait3A_421 = tpu.memref_slice %arg6[%dma_wait3A_419, %add3A_366, %dma_wait3A_420] : memref<9x53248x128xf32, #tpu.memory_space<hbm>> -> memref<1x128x128xf32, #tpu.memory_space<hbm>>
      %dma_wait3A_422 = tpu.memref_squeeze %dma_wait3A_421 : memref<1x128x128xf32, #tpu.memory_space<hbm>> -> memref<128x128xf32, #tpu.memory_space<hbm>>
      %dma_wait3A_423 = arith.constant 0 : i32
      %dma_wait3A_424 = tpu.memref_slice %arg6[%dma_wait3A_419, %add3A_366, %dma_wait3A_423] : memref<9x53248x128xf32, #tpu.memory_space<hbm>> -> memref<1x128x128xf32, #tpu.memory_space<hbm>>
      %dma_wait3A_425 = tpu.memref_squeeze %dma_wait3A_424 : memref<1x128x128xf32, #tpu.memory_space<hbm>> -> memref<128x128xf32, #tpu.memory_space<hbm>>
      tpu.wait_dma2 semaphore(%arg23 : memref<!tpu.dma_semaphore, #tpu.memory_space<semaphore_mem>>) src(%arg15 : memref<128x128xf32, #tpu.memory_space<vmem>>) dst(%dma_wait3A_425 : memref<128x128xf32, #tpu.memory_space<hbm>>)
      %dma_wait3A_426 = arith.constant 1 : i32
      %dma_wait3A_427 = arith.constant 0 : i32
      %dma_wait3A_428 = tpu.memref_slice %arg6[%dma_wait3A_426, %add3A_381, %dma_wait3A_427] : memref<9x53248x128xf32, #tpu.memory_space<hbm>> -> memref<1x128x128xf32, #tpu.memory_space<hbm>>
      %dma_wait3A_429 = tpu.memref_squeeze %dma_wait3A_428 : memref<1x128x128xf32, #tpu.memory_space<hbm>> -> memref<128x128xf32, #tpu.memory_space<hbm>>
      %dma_wait3A_430 = arith.constant 0 : i32
      %dma_wait3A_431 = tpu.memref_slice %arg6[%dma_wait3A_426, %add3A_381, %dma_wait3A_430] : memref<9x53248x128xf32, #tpu.memory_space<hbm>> -> memref<1x128x128xf32, #tpu.memory_space<hbm>>
      %dma_wait3A_432 = tpu.memref_squeeze %dma_wait3A_431 : memref<1x128x128xf32, #tpu.memory_space<hbm>> -> memref<128x128xf32, #tpu.memory_space<hbm>>
      tpu.wait_dma2 semaphore(%arg23 : memref<!tpu.dma_semaphore, #tpu.memory_space<semaphore_mem>>) src(%arg16 : memref<128x128xf32, #tpu.memory_space<vmem>>) dst(%dma_wait3A_432 : memref<128x128xf32, #tpu.memory_space<hbm>>)
      %dma_wait3A_433 = arith.constant 1 : i32
      %dma_wait3A_434 = arith.constant 0 : i32
      %dma_wait3A_435 = tpu.memref_slice %arg6[%dma_wait3A_433, %add3A_396, %dma_wait3A_434] : memref<9x53248x128xf32, #tpu.memory_space<hbm>> -> memref<1x128x128xf32, #tpu.memory_space<hbm>>
      %dma_wait3A_436 = tpu.memref_squeeze %dma_wait3A_435 : memref<1x128x128xf32, #tpu.memory_space<hbm>> -> memref<128x128xf32, #tpu.memory_space<hbm>>
      %dma_wait3A_437 = arith.constant 0 : i32
      %dma_wait3A_438 = tpu.memref_slice %arg6[%dma_wait3A_433, %add3A_396, %dma_wait3A_437] : memref<9x53248x128xf32, #tpu.memory_space<hbm>> -> memref<1x128x128xf32, #tpu.memory_space<hbm>>
      %dma_wait3A_439 = tpu.memref_squeeze %dma_wait3A_438 : memref<1x128x128xf32, #tpu.memory_space<hbm>> -> memref<128x128xf32, #tpu.memory_space<hbm>>
      tpu.wait_dma2 semaphore(%arg23 : memref<!tpu.dma_semaphore, #tpu.memory_space<semaphore_mem>>) src(%arg17 : memref<128x128xf32, #tpu.memory_space<vmem>>) dst(%dma_wait3A_439 : memref<128x128xf32, #tpu.memory_space<hbm>>)
      %dma_wait3A_440 = arith.constant 1 : i32
      %dma_wait3A_441 = arith.constant 0 : i32
      %dma_wait3A_442 = tpu.memref_slice %arg6[%dma_wait3A_440, %add3A_411, %dma_wait3A_441] : memref<9x53248x128xf32, #tpu.memory_space<hbm>> -> memref<1x128x128xf32, #tpu.memory_space<hbm>>
      %dma_wait3A_443 = tpu.memref_squeeze %dma_wait3A_442 : memref<1x128x128xf32, #tpu.memory_space<hbm>> -> memref<128x128xf32, #tpu.memory_space<hbm>>
      %dma_wait3A_444 = arith.constant 0 : i32
      %dma_wait3A_445 = tpu.memref_slice %arg6[%dma_wait3A_440, %add3A_411, %dma_wait3A_444] : memref<9x53248x128xf32, #tpu.memory_space<hbm>> -> memref<1x128x128xf32, #tpu.memory_space<hbm>>
      %dma_wait3A_446 = tpu.memref_squeeze %dma_wait3A_445 : memref<1x128x128xf32, #tpu.memory_space<hbm>> -> memref<128x128xf32, #tpu.memory_space<hbm>>
      tpu.wait_dma2 semaphore(%arg23 : memref<!tpu.dma_semaphore, #tpu.memory_space<semaphore_mem>>) src(%arg18 : memref<128x128xf32, #tpu.memory_space<vmem>>) dst(%dma_wait3A_446 : memref<128x128xf32, #tpu.memory_space<hbm>>)
    }
    %scan3A_45 = arith.constant 3 : i32
    %scan3A_46 = arith.constant 0 : i32
    %scan3A_47 = arith.constant 0 : i32
    %scan3A_48 = arith.constant 8 : i32
    %scan3A_49 = arith.addi %scan3A_47, %scan3A_48 : i32
    %scan3A_50 = arith.constant 1 : i32
    scf.for %scan3A_312 = %scan3A_47 to %scan3A_49 step %scan3A_50  : i32 {
      %mul3A_313 = arith.constant 16 : i32
      %mul3A_314 = arith.muli %scan3A_312, %mul3A_313 : i32
      %add3A_315 = arith.constant 1536 : i32
      %add3A_316 = arith.addi %add3A_315, %mul3A_314 : i32
      %get3A = arith.index_cast %add3A_316 : i32 to index
      %get3A_317 = tpu.vector_load %arg10[%get3A] {strides = array<i32>} : memref<1664xi32, #tpu.memory_space<vmem>>, vector<16xi32>,
      %get3A_318 = vector.shape_cast %get3A_317 : vector<16xi32> to vector<16xi32>
      %add3A_319 = arith.constant 1 : i32
      %add3A_320 = vector.broadcast %add3A_319 : i32 to vector<16xi32>
      %add3A_321 = arith.addi %get3A_318, %add3A_320 : vector<16xi32>
      %swap3A = arith.index_cast %mul3A_314 : i32 to index
      %swap3A_322 = tpu.vector_load %arg11[%swap3A] {strides = array<i32>} : memref<128xi32, #tpu.memory_space<vmem>>, vector<16xi32>,
      %swap3A_323 = vector.shape_cast %swap3A_322 : vector<16xi32> to vector<16xi32>
      %swap3A_324 = vector.shape_cast %add3A_321 : vector<16xi32> to vector<16xi32>
      tpu.vector_store %arg11[%swap3A], %swap3A_324 {strides = array<i32>} : memref<128xi32, #tpu.memory_space<vmem>>, vector<16xi32>,
    }
    %scan3A_51 = arith.constant 8 : i32
    %dma_start3A_52 = arith.constant 0 : i32
    %dma_start3A_53 = arith.constant 0 : i32
    %dma_start3A_54 = tpu.memref_slice %arg2[%dma_start3A_52, %dma_start3A_53] : memref<204304x128xf32, #tpu.memory_space<hbm>> -> memref<204304x128xf32, #tpu.memory_space<hbm>>
    tpu.enqueue_indirect_dma source(%dma_start3A_54 : memref<204304x128xf32, #tpu.memory_space<hbm>>) target(%arg15 : memref<128x128xf32, #tpu.memory_space<vmem>>) offsets(%arg11 : memref<128xi32, #tpu.memory_space<vmem>>) semaphore(%arg19 : memref<!tpu.dma_semaphore, #tpu.memory_space<semaphore_mem>>)
    %dma_wait3A_55 = arith.constant 0 : i32
    %dma_wait3A_56 = arith.constant 0 : i32
    %dma_wait3A_57 = tpu.memref_slice %arg2[%dma_wait3A_55, %dma_wait3A_56] : memref<204304x128xf32, #tpu.memory_space<hbm>> -> memref<204304x128xf32, #tpu.memory_space<hbm>>
    tpu.wait_indirect_dma semaphore(%arg19 : memref<!tpu.dma_semaphore, #tpu.memory_space<semaphore_mem>>) src(%dma_wait3A_57 : memref<204304x128xf32, #tpu.memory_space<hbm>>) dst(%arg15 : memref<128x128xf32, #tpu.memory_space<vmem>>)
    %add3A_58 = arith.constant 1536 : i32
    %add3A_59 = arith.addi %mul3A_2, %add3A_58 : i32
    %dma_start3A_60 = arith.constant 1 : i32
    %dma_start3A_61 = arith.constant 0 : i32
    %dma_start3A_62 = tpu.memref_slice %arg6[%dma_start3A_60, %add3A_59, %dma_start3A_61] : memref<9x53248x128xf32, #tpu.memory_space<hbm>> -> memref<1x128x128xf32, #tpu.memory_space<hbm>>
    %dma_start3A_63 = tpu.memref_squeeze %dma_start3A_62 : memref<1x128x128xf32, #tpu.memory_space<hbm>> -> memref<128x128xf32, #tpu.memory_space<hbm>>
    %dma_start3A_64 = arith.constant 0 : i32
    %dma_start3A_65 = tpu.memref_slice %arg6[%dma_start3A_60, %add3A_59, %dma_start3A_64] : memref<9x53248x128xf32, #tpu.memory_space<hbm>> -> memref<1x128x128xf32, #tpu.memory_space<hbm>>
    %dma_start3A_66 = tpu.memref_squeeze %dma_start3A_65 : memref<1x128x128xf32, #tpu.memory_space<hbm>> -> memref<128x128xf32, #tpu.memory_space<hbm>>
    tpu.enqueue_dma source(%arg15 : memref<128x128xf32, #tpu.memory_space<vmem>>) target(%dma_start3A_66 : memref<128x128xf32, #tpu.memory_space<hbm>>) target_semaphore(%arg23 : memref<!tpu.dma_semaphore, #tpu.memory_space<semaphore_mem>>)
    %dma_wait3A_67 = arith.constant 1 : i32
    %dma_wait3A_68 = arith.constant 0 : i32
    %dma_wait3A_69 = tpu.memref_slice %arg6[%dma_wait3A_67, %add3A_59, %dma_wait3A_68] : memref<9x53248x128xf32, #tpu.memory_space<hbm>> -> memref<1x128x128xf32, #tpu.memory_space<hbm>>
    %dma_wait3A_70 = tpu.memref_squeeze %dma_wait3A_69 : memref<1x128x128xf32, #tpu.memory_space<hbm>> -> memref<128x128xf32, #tpu.memory_space<hbm>>
    %dma_wait3A_71 = arith.constant 0 : i32
    %dma_wait3A_72 = tpu.memref_slice %arg6[%dma_wait3A_67, %add3A_59, %dma_wait3A_71] : memref<9x53248x128xf32, #tpu.memory_space<hbm>> -> memref<1x128x128xf32, #tpu.memory_space<hbm>>
    %dma_wait3A_73 = tpu.memref_squeeze %dma_wait3A_72 : memref<1x128x128xf32, #tpu.memory_space<hbm>> -> memref<128x128xf32, #tpu.memory_space<hbm>>
    tpu.wait_dma2 semaphore(%arg23 : memref<!tpu.dma_semaphore, #tpu.memory_space<semaphore_mem>>) src(%arg15 : memref<128x128xf32, #tpu.memory_space<vmem>>) dst(%dma_wait3A_73 : memref<128x128xf32, #tpu.memory_space<hbm>>)
    %scan3A_74 = arith.constant 0 : i32
    %scan3A_75 = arith.constant 0 : i32
    %scan3A_76 = arith.constant 3 : i32
    %scan3A_77 = arith.addi %scan3A_75, %scan3A_76 : i32
    %scan3A_78 = arith.constant 1 : i32
    scf.for %scan3A_312 = %scan3A_75 to %scan3A_77 step %scan3A_78  : i32 {
      %mul3A_313 = arith.constant 4 : i32
      %mul3A_314 = arith.muli %scan3A_312, %mul3A_313 : i32
      %add3A_315 = arith.constant 0 : i32
      %add3A_316 = arith.addi %mul3A_314, %add3A_315 : i32
      %scan3A_317 = arith.constant 0 : i32
      %scan3A_318 = arith.constant 0 : i32
      %scan3A_319 = arith.constant 8 : i32
      %scan3A_320 = arith.addi %scan3A_318, %scan3A_319 : i32
      %scan3A_321 = arith.constant 1 : i32
      scf.for %scan3A_447 = %scan3A_318 to %scan3A_320 step %scan3A_321  : i32 {
        %mul3A_448 = arith.constant 16 : i32
        %mul3A_449 = arith.muli %scan3A_447, %mul3A_448 : i32
        %mul3A_450 = arith.constant 128 : i32
        %mul3A_451 = arith.muli %add3A_316, %mul3A_450 : i32
        %add3A_452 = arith.addi %mul3A_451, %mul3A_449 : i32
        %get3A = arith.index_cast %add3A_452 : i32 to index
        %get3A_453 = tpu.vector_load %arg10[%get3A] {strides = array<i32>} : memref<1664xi32, #tpu.memory_space<vmem>>, vector<16xi32>,
        %get3A_454 = vector.shape_cast %get3A_453 : vector<16xi32> to vector<16xi32>
        %add3A_455 = arith.constant 2 : i32
        %add3A_456 = vector.broadcast %add3A_455 : i32 to vector<16xi32>
        %add3A_457 = arith.addi %get3A_454, %add3A_456 : vector<16xi32>
        %swap3A = arith.index_cast %mul3A_449 : i32 to index
        %swap3A_458 = tpu.vector_load %arg11[%swap3A] {strides = array<i32>} : memref<128xi32, #tpu.memory_space<vmem>>, vector<16xi32>,
        %swap3A_459 = vector.shape_cast %swap3A_458 : vector<16xi32> to vector<16xi32>
        %swap3A_460 = vector.shape_cast %add3A_457 : vector<16xi32> to vector<16xi32>
        tpu.vector_store %arg11[%swap3A], %swap3A_460 {strides = array<i32>} : memref<128xi32, #tpu.memory_space<vmem>>, vector<16xi32>,
      }
      %scan3A_322 = arith.constant 8 : i32
      %dma_start3A_323 = arith.constant 0 : i32
      %dma_start3A_324 = arith.constant 0 : i32
      %dma_start3A_325 = tpu.memref_slice %arg2[%dma_start3A_323, %dma_start3A_324] : memref<204304x128xf32, #tpu.memory_space<hbm>> -> memref<204304x128xf32, #tpu.memory_space<hbm>>
      tpu.enqueue_indirect_dma source(%dma_start3A_325 : memref<204304x128xf32, #tpu.memory_space<hbm>>) target(%arg15 : memref<128x128xf32, #tpu.memory_space<vmem>>) offsets(%arg11 : memref<128xi32, #tpu.memory_space<vmem>>) semaphore(%arg19 : memref<!tpu.dma_semaphore, #tpu.memory_space<semaphore_mem>>)
      %add3A_326 = arith.constant 1 : i32
      %add3A_327 = arith.addi %mul3A_314, %add3A_326 : i32
      %scan3A_328 = arith.constant 0 : i32
      %scan3A_329 = arith.constant 0 : i32
      %scan3A_330 = arith.constant 8 : i32
      %scan3A_331 = arith.addi %scan3A_329, %scan3A_330 : i32
      %scan3A_332 = arith.constant 1 : i32
      scf.for %scan3A_447 = %scan3A_329 to %scan3A_331 step %scan3A_332  : i32 {
        %mul3A_448 = arith.constant 16 : i32
        %mul3A_449 = arith.muli %scan3A_447, %mul3A_448 : i32
        %mul3A_450 = arith.constant 128 : i32
        %mul3A_451 = arith.muli %add3A_327, %mul3A_450 : i32
        %add3A_452 = arith.addi %mul3A_451, %mul3A_449 : i32
        %get3A = arith.index_cast %add3A_452 : i32 to index
        %get3A_453 = tpu.vector_load %arg10[%get3A] {strides = array<i32>} : memref<1664xi32, #tpu.memory_space<vmem>>, vector<16xi32>,
        %get3A_454 = vector.shape_cast %get3A_453 : vector<16xi32> to vector<16xi32>
        %add3A_455 = arith.constant 2 : i32
        %add3A_456 = vector.broadcast %add3A_455 : i32 to vector<16xi32>
        %add3A_457 = arith.addi %get3A_454, %add3A_456 : vector<16xi32>
        %swap3A = arith.index_cast %mul3A_449 : i32 to index
        %swap3A_458 = tpu.vector_load %arg12[%swap3A] {strides = array<i32>} : memref<128xi32, #tpu.memory_space<vmem>>, vector<16xi32>,
        %swap3A_459 = vector.shape_cast %swap3A_458 : vector<16xi32> to vector<16xi32>
        %swap3A_460 = vector.shape_cast %add3A_457 : vector<16xi32> to vector<16xi32>
        tpu.vector_store %arg12[%swap3A], %swap3A_460 {strides = array<i32>} : memref<128xi32, #tpu.memory_space<vmem>>, vector<16xi32>,
      }
      %scan3A_333 = arith.constant 8 : i32
      %dma_start3A_334 = arith.constant 0 : i32
      %dma_start3A_335 = arith.constant 0 : i32
      %dma_start3A_336 = tpu.memref_slice %arg2[%dma_start3A_334, %dma_start3A_335] : memref<204304x128xf32, #tpu.memory_space<hbm>> -> memref<204304x128xf32, #tpu.memory_space<hbm>>
      tpu.enqueue_indirect_dma source(%dma_start3A_336 : memref<204304x128xf32, #tpu.memory_space<hbm>>) target(%arg16 : memref<128x128xf32, #tpu.memory_space<vmem>>) offsets(%arg12 : memref<128xi32, #tpu.memory_space<vmem>>) semaphore(%arg20 : memref<!tpu.dma_semaphore, #tpu.memory_space<semaphore_mem>>)
      %add3A_337 = arith.constant 2 : i32
      %add3A_338 = arith.addi %mul3A_314, %add3A_337 : i32
      %scan3A_339 = arith.constant 0 : i32
      %scan3A_340 = arith.constant 0 : i32
      %scan3A_341 = arith.constant 8 : i32
      %scan3A_342 = arith.addi %scan3A_340, %scan3A_341 : i32
      %scan3A_343 = arith.constant 1 : i32
      scf.for %scan3A_447 = %scan3A_340 to %scan3A_342 step %scan3A_343  : i32 {
        %mul3A_448 = arith.constant 16 : i32
        %mul3A_449 = arith.muli %scan3A_447, %mul3A_448 : i32
        %mul3A_450 = arith.constant 128 : i32
        %mul3A_451 = arith.muli %add3A_338, %mul3A_450 : i32
        %add3A_452 = arith.addi %mul3A_451, %mul3A_449 : i32
        %get3A = arith.index_cast %add3A_452 : i32 to index
        %get3A_453 = tpu.vector_load %arg10[%get3A] {strides = array<i32>} : memref<1664xi32, #tpu.memory_space<vmem>>, vector<16xi32>,
        %get3A_454 = vector.shape_cast %get3A_453 : vector<16xi32> to vector<16xi32>
        %add3A_455 = arith.constant 2 : i32
        %add3A_456 = vector.broadcast %add3A_455 : i32 to vector<16xi32>
        %add3A_457 = arith.addi %get3A_454, %add3A_456 : vector<16xi32>
        %swap3A = arith.index_cast %mul3A_449 : i32 to index
        %swap3A_458 = tpu.vector_load %arg13[%swap3A] {strides = array<i32>} : memref<128xi32, #tpu.memory_space<vmem>>, vector<16xi32>,
        %swap3A_459 = vector.shape_cast %swap3A_458 : vector<16xi32> to vector<16xi32>
        %swap3A_460 = vector.shape_cast %add3A_457 : vector<16xi32> to vector<16xi32>
        tpu.vector_store %arg13[%swap3A], %swap3A_460 {strides = array<i32>} : memref<128xi32, #tpu.memory_space<vmem>>, vector<16xi32>,
      }
      %scan3A_344 = arith.constant 8 : i32
      %dma_start3A_345 = arith.constant 0 : i32
      %dma_start3A_346 = arith.constant 0 : i32
      %dma_start3A_347 = tpu.memref_slice %arg2[%dma_start3A_345, %dma_start3A_346] : memref<204304x128xf32, #tpu.memory_space<hbm>> -> memref<204304x128xf32, #tpu.memory_space<hbm>>
      tpu.enqueue_indirect_dma source(%dma_start3A_347 : memref<204304x128xf32, #tpu.memory_space<hbm>>) target(%arg17 : memref<128x128xf32, #tpu.memory_space<vmem>>) offsets(%arg13 : memref<128xi32, #tpu.memory_space<vmem>>) semaphore(%arg21 : memref<!tpu.dma_semaphore, #tpu.memory_space<semaphore_mem>>)
      %add3A_348 = arith.constant 3 : i32
      %add3A_349 = arith.addi %mul3A_314, %add3A_348 : i32
      %scan3A_350 = arith.constant 0 : i32
      %scan3A_351 = arith.constant 0 : i32
      %scan3A_352 = arith.constant 8 : i32
      %scan3A_353 = arith.addi %scan3A_351, %scan3A_352 : i32
      %scan3A_354 = arith.constant 1 : i32
      scf.for %scan3A_447 = %scan3A_351 to %scan3A_353 step %scan3A_354  : i32 {
        %mul3A_448 = arith.constant 16 : i32
        %mul3A_449 = arith.muli %scan3A_447, %mul3A_448 : i32
        %mul3A_450 = arith.constant 128 : i32
        %mul3A_451 = arith.muli %add3A_349, %mul3A_450 : i32
        %add3A_452 = arith.addi %mul3A_451, %mul3A_449 : i32
        %get3A = arith.index_cast %add3A_452 : i32 to index
        %get3A_453 = tpu.vector_load %arg10[%get3A] {strides = array<i32>} : memref<1664xi32, #tpu.memory_space<vmem>>, vector<16xi32>,
        %get3A_454 = vector.shape_cast %get3A_453 : vector<16xi32> to vector<16xi32>
        %add3A_455 = arith.constant 2 : i32
        %add3A_456 = vector.broadcast %add3A_455 : i32 to vector<16xi32>
        %add3A_457 = arith.addi %get3A_454, %add3A_456 : vector<16xi32>
        %swap3A = arith.index_cast %mul3A_449 : i32 to index
        %swap3A_458 = tpu.vector_load %arg14[%swap3A] {strides = array<i32>} : memref<128xi32, #tpu.memory_space<vmem>>, vector<16xi32>,
        %swap3A_459 = vector.shape_cast %swap3A_458 : vector<16xi32> to vector<16xi32>
        %swap3A_460 = vector.shape_cast %add3A_457 : vector<16xi32> to vector<16xi32>
        tpu.vector_store %arg14[%swap3A], %swap3A_460 {strides = array<i32>} : memref<128xi32, #tpu.memory_space<vmem>>, vector<16xi32>,
      }
      %scan3A_355 = arith.constant 8 : i32
      %dma_start3A_356 = arith.constant 0 : i32
      %dma_start3A_357 = arith.constant 0 : i32
      %dma_start3A_358 = tpu.memref_slice %arg2[%dma_start3A_356, %dma_start3A_357] : memref<204304x128xf32, #tpu.memory_space<hbm>> -> memref<204304x128xf32, #tpu.memory_space<hbm>>
      tpu.enqueue_indirect_dma source(%dma_start3A_358 : memref<204304x128xf32, #tpu.memory_space<hbm>>) target(%arg18 : memref<128x128xf32, #tpu.memory_space<vmem>>) offsets(%arg14 : memref<128xi32, #tpu.memory_space<vmem>>) semaphore(%arg22 : memref<!tpu.dma_semaphore, #tpu.memory_space<semaphore_mem>>)
      %dma_wait3A_359 = arith.constant 0 : i32
      %dma_wait3A_360 = arith.constant 0 : i32
      %dma_wait3A_361 = tpu.memref_slice %arg2[%dma_wait3A_359, %dma_wait3A_360] : memref<204304x128xf32, #tpu.memory_space<hbm>> -> memref<204304x128xf32, #tpu.memory_space<hbm>>
      tpu.wait_indirect_dma semaphore(%arg19 : memref<!tpu.dma_semaphore, #tpu.memory_space<semaphore_mem>>) src(%dma_wait3A_361 : memref<204304x128xf32, #tpu.memory_space<hbm>>) dst(%arg15 : memref<128x128xf32, #tpu.memory_space<vmem>>)
      %add3A_362 = arith.constant 0 : i32
      %add3A_363 = arith.addi %mul3A_314, %add3A_362 : i32
      %mul3A_364 = arith.constant 128 : i32
      %mul3A_365 = arith.muli %add3A_363, %mul3A_364 : i32
      %add3A_366 = arith.addi %mul3A_2, %mul3A_365 : i32
      %dma_start3A_367 = arith.constant 2 : i32
      %dma_start3A_368 = arith.constant 0 : i32
      %dma_start3A_369 = tpu.memref_slice %arg6[%dma_start3A_367, %add3A_366, %dma_start3A_368] : memref<9x53248x128xf32, #tpu.memory_space<hbm>> -> memref<1x128x128xf32, #tpu.memory_space<hbm>>
      %dma_start3A_370 = tpu.memref_squeeze %dma_start3A_369 : memref<1x128x128xf32, #tpu.memory_space<hbm>> -> memref<128x128xf32, #tpu.memory_space<hbm>>
      %dma_start3A_371 = arith.constant 0 : i32
      %dma_start3A_372 = tpu.memref_slice %arg6[%dma_start3A_367, %add3A_366, %dma_start3A_371] : memref<9x53248x128xf32, #tpu.memory_space<hbm>> -> memref<1x128x128xf32, #tpu.memory_space<hbm>>
      %dma_start3A_373 = tpu.memref_squeeze %dma_start3A_372 : memref<1x128x128xf32, #tpu.memory_space<hbm>> -> memref<128x128xf32, #tpu.memory_space<hbm>>
      tpu.enqueue_dma source(%arg15 : memref<128x128xf32, #tpu.memory_space<vmem>>) target(%dma_start3A_373 : memref<128x128xf32, #tpu.memory_space<hbm>>) target_semaphore(%arg23 : memref<!tpu.dma_semaphore, #tpu.memory_space<semaphore_mem>>)
      %dma_wait3A_374 = arith.constant 0 : i32
      %dma_wait3A_375 = arith.constant 0 : i32
      %dma_wait3A_376 = tpu.memref_slice %arg2[%dma_wait3A_374, %dma_wait3A_375] : memref<204304x128xf32, #tpu.memory_space<hbm>> -> memref<204304x128xf32, #tpu.memory_space<hbm>>
      tpu.wait_indirect_dma semaphore(%arg20 : memref<!tpu.dma_semaphore, #tpu.memory_space<semaphore_mem>>) src(%dma_wait3A_376 : memref<204304x128xf32, #tpu.memory_space<hbm>>) dst(%arg16 : memref<128x128xf32, #tpu.memory_space<vmem>>)
      %add3A_377 = arith.constant 1 : i32
      %add3A_378 = arith.addi %mul3A_314, %add3A_377 : i32
      %mul3A_379 = arith.constant 128 : i32
      %mul3A_380 = arith.muli %add3A_378, %mul3A_379 : i32
      %add3A_381 = arith.addi %mul3A_2, %mul3A_380 : i32
      %dma_start3A_382 = arith.constant 2 : i32
      %dma_start3A_383 = arith.constant 0 : i32
      %dma_start3A_384 = tpu.memref_slice %arg6[%dma_start3A_382, %add3A_381, %dma_start3A_383] : memref<9x53248x128xf32, #tpu.memory_space<hbm>> -> memref<1x128x128xf32, #tpu.memory_space<hbm>>
      %dma_start3A_385 = tpu.memref_squeeze %dma_start3A_384 : memref<1x128x128xf32, #tpu.memory_space<hbm>> -> memref<128x128xf32, #tpu.memory_space<hbm>>
      %dma_start3A_386 = arith.constant 0 : i32
      %dma_start3A_387 = tpu.memref_slice %arg6[%dma_start3A_382, %add3A_381, %dma_start3A_386] : memref<9x53248x128xf32, #tpu.memory_space<hbm>> -> memref<1x128x128xf32, #tpu.memory_space<hbm>>
      %dma_start3A_388 = tpu.memref_squeeze %dma_start3A_387 : memref<1x128x128xf32, #tpu.memory_space<hbm>> -> memref<128x128xf32, #tpu.memory_space<hbm>>
      tpu.enqueue_dma source(%arg16 : memref<128x128xf32, #tpu.memory_space<vmem>>) target(%dma_start3A_388 : memref<128x128xf32, #tpu.memory_space<hbm>>) target_semaphore(%arg23 : memref<!tpu.dma_semaphore, #tpu.memory_space<semaphore_mem>>)
      %dma_wait3A_389 = arith.constant 0 : i32
      %dma_wait3A_390 = arith.constant 0 : i32
      %dma_wait3A_391 = tpu.memref_slice %arg2[%dma_wait3A_389, %dma_wait3A_390] : memref<204304x128xf32, #tpu.memory_space<hbm>> -> memref<204304x128xf32, #tpu.memory_space<hbm>>
      tpu.wait_indirect_dma semaphore(%arg21 : memref<!tpu.dma_semaphore, #tpu.memory_space<semaphore_mem>>) src(%dma_wait3A_391 : memref<204304x128xf32, #tpu.memory_space<hbm>>) dst(%arg17 : memref<128x128xf32, #tpu.memory_space<vmem>>)
      %add3A_392 = arith.constant 2 : i32
      %add3A_393 = arith.addi %mul3A_314, %add3A_392 : i32
      %mul3A_394 = arith.constant 128 : i32
      %mul3A_395 = arith.muli %add3A_393, %mul3A_394 : i32
      %add3A_396 = arith.addi %mul3A_2, %mul3A_395 : i32
      %dma_start3A_397 = arith.constant 2 : i32
      %dma_start3A_398 = arith.constant 0 : i32
      %dma_start3A_399 = tpu.memref_slice %arg6[%dma_start3A_397, %add3A_396, %dma_start3A_398] : memref<9x53248x128xf32, #tpu.memory_space<hbm>> -> memref<1x128x128xf32, #tpu.memory_space<hbm>>
      %dma_start3A_400 = tpu.memref_squeeze %dma_start3A_399 : memref<1x128x128xf32, #tpu.memory_space<hbm>> -> memref<128x128xf32, #tpu.memory_space<hbm>>
      %dma_start3A_401 = arith.constant 0 : i32
      %dma_start3A_402 = tpu.memref_slice %arg6[%dma_start3A_397, %add3A_396, %dma_start3A_401] : memref<9x53248x128xf32, #tpu.memory_space<hbm>> -> memref<1x128x128xf32, #tpu.memory_space<hbm>>
      %dma_start3A_403 = tpu.memref_squeeze %dma_start3A_402 : memref<1x128x128xf32, #tpu.memory_space<hbm>> -> memref<128x128xf32, #tpu.memory_space<hbm>>
      tpu.enqueue_dma source(%arg17 : memref<128x128xf32, #tpu.memory_space<vmem>>) target(%dma_start3A_403 : memref<128x128xf32, #tpu.memory_space<hbm>>) target_semaphore(%arg23 : memref<!tpu.dma_semaphore, #tpu.memory_space<semaphore_mem>>)
      %dma_wait3A_404 = arith.constant 0 : i32
      %dma_wait3A_405 = arith.constant 0 : i32
      %dma_wait3A_406 = tpu.memref_slice %arg2[%dma_wait3A_404, %dma_wait3A_405] : memref<204304x128xf32, #tpu.memory_space<hbm>> -> memref<204304x128xf32, #tpu.memory_space<hbm>>
      tpu.wait_indirect_dma semaphore(%arg22 : memref<!tpu.dma_semaphore, #tpu.memory_space<semaphore_mem>>) src(%dma_wait3A_406 : memref<204304x128xf32, #tpu.memory_space<hbm>>) dst(%arg18 : memref<128x128xf32, #tpu.memory_space<vmem>>)
      %add3A_407 = arith.constant 3 : i32
      %add3A_408 = arith.addi %mul3A_314, %add3A_407 : i32
      %mul3A_409 = arith.constant 128 : i32
      %mul3A_410 = arith.muli %add3A_408, %mul3A_409 : i32
      %add3A_411 = arith.addi %mul3A_2, %mul3A_410 : i32
      %dma_start3A_412 = arith.constant 2 : i32
      %dma_start3A_413 = arith.constant 0 : i32
      %dma_start3A_414 = tpu.memref_slice %arg6[%dma_start3A_412, %add3A_411, %dma_start3A_413] : memref<9x53248x128xf32, #tpu.memory_space<hbm>> -> memref<1x128x128xf32, #tpu.memory_space<hbm>>
      %dma_start3A_415 = tpu.memref_squeeze %dma_start3A_414 : memref<1x128x128xf32, #tpu.memory_space<hbm>> -> memref<128x128xf32, #tpu.memory_space<hbm>>
      %dma_start3A_416 = arith.constant 0 : i32
      %dma_start3A_417 = tpu.memref_slice %arg6[%dma_start3A_412, %add3A_411, %dma_start3A_416] : memref<9x53248x128xf32, #tpu.memory_space<hbm>> -> memref<1x128x128xf32, #tpu.memory_space<hbm>>
      %dma_start3A_418 = tpu.memref_squeeze %dma_start3A_417 : memref<1x128x128xf32, #tpu.memory_space<hbm>> -> memref<128x128xf32, #tpu.memory_space<hbm>>
      tpu.enqueue_dma source(%arg18 : memref<128x128xf32, #tpu.memory_space<vmem>>) target(%dma_start3A_418 : memref<128x128xf32, #tpu.memory_space<hbm>>) target_semaphore(%arg23 : memref<!tpu.dma_semaphore, #tpu.memory_space<semaphore_mem>>)
      %dma_wait3A_419 = arith.constant 2 : i32
      %dma_wait3A_420 = arith.constant 0 : i32
      %dma_wait3A_421 = tpu.memref_slice %arg6[%dma_wait3A_419, %add3A_366, %dma_wait3A_420] : memref<9x53248x128xf32, #tpu.memory_space<hbm>> -> memref<1x128x128xf32, #tpu.memory_space<hbm>>
      %dma_wait3A_422 = tpu.memref_squeeze %dma_wait3A_421 : memref<1x128x128xf32, #tpu.memory_space<hbm>> -> memref<128x128xf32, #tpu.memory_space<hbm>>
      %dma_wait3A_423 = arith.constant 0 : i32
      %dma_wait3A_424 = tpu.memref_slice %arg6[%dma_wait3A_419, %add3A_366, %dma_wait3A_423] : memref<9x53248x128xf32, #tpu.memory_space<hbm>> -> memref<1x128x128xf32, #tpu.memory_space<hbm>>
      %dma_wait3A_425 = tpu.memref_squeeze %dma_wait3A_424 : memref<1x128x128xf32, #tpu.memory_space<hbm>> -> memref<128x128xf32, #tpu.memory_space<hbm>>
      tpu.wait_dma2 semaphore(%arg23 : memref<!tpu.dma_semaphore, #tpu.memory_space<semaphore_mem>>) src(%arg15 : memref<128x128xf32, #tpu.memory_space<vmem>>) dst(%dma_wait3A_425 : memref<128x128xf32, #tpu.memory_space<hbm>>)
      %dma_wait3A_426 = arith.constant 2 : i32
      %dma_wait3A_427 = arith.constant 0 : i32
      %dma_wait3A_428 = tpu.memref_slice %arg6[%dma_wait3A_426, %add3A_381, %dma_wait3A_427] : memref<9x53248x128xf32, #tpu.memory_space<hbm>> -> memref<1x128x128xf32, #tpu.memory_space<hbm>>
      %dma_wait3A_429 = tpu.memref_squeeze %dma_wait3A_428 : memref<1x128x128xf32, #tpu.memory_space<hbm>> -> memref<128x128xf32, #tpu.memory_space<hbm>>
      %dma_wait3A_430 = arith.constant 0 : i32
      %dma_wait3A_431 = tpu.memref_slice %arg6[%dma_wait3A_426, %add3A_381, %dma_wait3A_430] : memref<9x53248x128xf32, #tpu.memory_space<hbm>> -> memref<1x128x128xf32, #tpu.memory_space<hbm>>
      %dma_wait3A_432 = tpu.memref_squeeze %dma_wait3A_431 : memref<1x128x128xf32, #tpu.memory_space<hbm>> -> memref<128x128xf32, #tpu.memory_space<hbm>>
      tpu.wait_dma2 semaphore(%arg23 : memref<!tpu.dma_semaphore, #tpu.memory_space<semaphore_mem>>) src(%arg16 : memref<128x128xf32, #tpu.memory_space<vmem>>) dst(%dma_wait3A_432 : memref<128x128xf32, #tpu.memory_space<hbm>>)
      %dma_wait3A_433 = arith.constant 2 : i32
      %dma_wait3A_434 = arith.constant 0 : i32
      %dma_wait3A_435 = tpu.memref_slice %arg6[%dma_wait3A_433, %add3A_396, %dma_wait3A_434] : memref<9x53248x128xf32, #tpu.memory_space<hbm>> -> memref<1x128x128xf32, #tpu.memory_space<hbm>>
      %dma_wait3A_436 = tpu.memref_squeeze %dma_wait3A_435 : memref<1x128x128xf32, #tpu.memory_space<hbm>> -> memref<128x128xf32, #tpu.memory_space<hbm>>
      %dma_wait3A_437 = arith.constant 0 : i32
      %dma_wait3A_438 = tpu.memref_slice %arg6[%dma_wait3A_433, %add3A_396, %dma_wait3A_437] : memref<9x53248x128xf32, #tpu.memory_space<hbm>> -> memref<1x128x128xf32, #tpu.memory_space<hbm>>
      %dma_wait3A_439 = tpu.memref_squeeze %dma_wait3A_438 : memref<1x128x128xf32, #tpu.memory_space<hbm>> -> memref<128x128xf32, #tpu.memory_space<hbm>>
      tpu.wait_dma2 semaphore(%arg23 : memref<!tpu.dma_semaphore, #tpu.memory_space<semaphore_mem>>) src(%arg17 : memref<128x128xf32, #tpu.memory_space<vmem>>) dst(%dma_wait3A_439 : memref<128x128xf32, #tpu.memory_space<hbm>>)
      %dma_wait3A_440 = arith.constant 2 : i32
      %dma_wait3A_441 = arith.constant 0 : i32
      %dma_wait3A_442 = tpu.memref_slice %arg6[%dma_wait3A_440, %add3A_411, %dma_wait3A_441] : memref<9x53248x128xf32, #tpu.memory_space<hbm>> -> memref<1x128x128xf32, #tpu.memory_space<hbm>>
      %dma_wait3A_443 = tpu.memref_squeeze %dma_wait3A_442 : memref<1x128x128xf32, #tpu.memory_space<hbm>> -> memref<128x128xf32, #tpu.memory_space<hbm>>
      %dma_wait3A_444 = arith.constant 0 : i32
      %dma_wait3A_445 = tpu.memref_slice %arg6[%dma_wait3A_440, %add3A_411, %dma_wait3A_444] : memref<9x53248x128xf32, #tpu.memory_space<hbm>> -> memref<1x128x128xf32, #tpu.memory_space<hbm>>
      %dma_wait3A_446 = tpu.memref_squeeze %dma_wait3A_445 : memref<1x128x128xf32, #tpu.memory_space<hbm>> -> memref<128x128xf32, #tpu.memory_space<hbm>>
      tpu.wait_dma2 semaphore(%arg23 : memref<!tpu.dma_semaphore, #tpu.memory_space<semaphore_mem>>) src(%arg18 : memref<128x128xf32, #tpu.memory_space<vmem>>) dst(%dma_wait3A_446 : memref<128x128xf32, #tpu.memory_space<hbm>>)
    }
    %scan3A_79 = arith.constant 3 : i32
    %scan3A_80 = arith.constant 0 : i32
    %scan3A_81 = arith.constant 0 : i32
    %scan3A_82 = arith.constant 8 : i32
    %scan3A_83 = arith.addi %scan3A_81, %scan3A_82 : i32
    %scan3A_84 = arith.constant 1 : i32
    scf.for %scan3A_312 = %scan3A_81 to %scan3A_83 step %scan3A_84  : i32 {
      %mul3A_313 = arith.constant 16 : i32
      %mul3A_314 = arith.muli %scan3A_312, %mul3A_313 : i32
      %add3A_315 = arith.constant 1536 : i32
      %add3A_316 = arith.addi %add3A_315, %mul3A_314 : i32
      %get3A = arith.index_cast %add3A_316 : i32 to index
      %get3A_317 = tpu.vector_load %arg10[%get3A] {strides = array<i32>} : memref<1664xi32, #tpu.memory_space<vmem>>, vector<16xi32>,
      %get3A_318 = vector.shape_cast %get3A_317 : vector<16xi32> to vector<16xi32>
      %add3A_319 = arith.constant 2 : i32
      %add3A_320 = vector.broadcast %add3A_319 : i32 to vector<16xi32>
      %add3A_321 = arith.addi %get3A_318, %add3A_320 : vector<16xi32>
      %swap3A = arith.index_cast %mul3A_314 : i32 to index
      %swap3A_322 = tpu.vector_load %arg11[%swap3A] {strides = array<i32>} : memref<128xi32, #tpu.memory_space<vmem>>, vector<16xi32>,
      %swap3A_323 = vector.shape_cast %swap3A_322 : vector<16xi32> to vector<16xi32>
      %swap3A_324 = vector.shape_cast %add3A_321 : vector<16xi32> to vector<16xi32>
      tpu.vector_store %arg11[%swap3A], %swap3A_324 {strides = array<i32>} : memref<128xi32, #tpu.memory_space<vmem>>, vector<16xi32>,
    }
    %scan3A_85 = arith.constant 8 : i32
    %dma_start3A_86 = arith.constant 0 : i32
    %dma_start3A_87 = arith.constant 0 : i32
    %dma_start3A_88 = tpu.memref_slice %arg2[%dma_start3A_86, %dma_start3A_87] : memref<204304x128xf32, #tpu.memory_space<hbm>> -> memref<204304x128xf32, #tpu.memory_space<hbm>>
    tpu.enqueue_indirect_dma source(%dma_start3A_88 : memref<204304x128xf32, #tpu.memory_space<hbm>>) target(%arg15 : memref<128x128xf32, #tpu.memory_space<vmem>>) offsets(%arg11 : memref<128xi32, #tpu.memory_space<vmem>>) semaphore(%arg19 : memref<!tpu.dma_semaphore, #tpu.memory_space<semaphore_mem>>)
    %dma_wait3A_89 = arith.constant 0 : i32
    %dma_wait3A_90 = arith.constant 0 : i32
    %dma_wait3A_91 = tpu.memref_slice %arg2[%dma_wait3A_89, %dma_wait3A_90] : memref<204304x128xf32, #tpu.memory_space<hbm>> -> memref<204304x128xf32, #tpu.memory_space<hbm>>
    tpu.wait_indirect_dma semaphore(%arg19 : memref<!tpu.dma_semaphore, #tpu.memory_space<semaphore_mem>>) src(%dma_wait3A_91 : memref<204304x128xf32, #tpu.memory_space<hbm>>) dst(%arg15 : memref<128x128xf32, #tpu.memory_space<vmem>>)
    %add3A_92 = arith.constant 1536 : i32
    %add3A_93 = arith.addi %mul3A_2, %add3A_92 : i32
    %dma_start3A_94 = arith.constant 2 : i32
    %dma_start3A_95 = arith.constant 0 : i32
    %dma_start3A_96 = tpu.memref_slice %arg6[%dma_start3A_94, %add3A_93, %dma_start3A_95] : memref<9x53248x128xf32, #tpu.memory_space<hbm>> -> memref<1x128x128xf32, #tpu.memory_space<hbm>>
    %dma_start3A_97 = tpu.memref_squeeze %dma_start3A_96 : memref<1x128x128xf32, #tpu.memory_space<hbm>> -> memref<128x128xf32, #tpu.memory_space<hbm>>
    %dma_start3A_98 = arith.constant 0 : i32
    %dma_start3A_99 = tpu.memref_slice %arg6[%dma_start3A_94, %add3A_93, %dma_start3A_98] : memref<9x53248x128xf32, #tpu.memory_space<hbm>> -> memref<1x128x128xf32, #tpu.memory_space<hbm>>
    %dma_start3A_100 = tpu.memref_squeeze %dma_start3A_99 : memref<1x128x128xf32, #tpu.memory_space<hbm>> -> memref<128x128xf32, #tpu.memory_space<hbm>>
    tpu.enqueue_dma source(%arg15 : memref<128x128xf32, #tpu.memory_space<vmem>>) target(%dma_start3A_100 : memref<128x128xf32, #tpu.memory_space<hbm>>) target_semaphore(%arg23 : memref<!tpu.dma_semaphore, #tpu.memory_space<semaphore_mem>>)
    %dma_wait3A_101 = arith.constant 2 : i32
    %dma_wait3A_102 = arith.constant 0 : i32
    %dma_wait3A_103 = tpu.memref_slice %arg6[%dma_wait3A_101, %add3A_93, %dma_wait3A_102] : memref<9x53248x128xf32, #tpu.memory_space<hbm>> -> memref<1x128x128xf32, #tpu.memory_space<hbm>>
    %dma_wait3A_104 = tpu.memref_squeeze %dma_wait3A_103 : memref<1x128x128xf32, #tpu.memory_space<hbm>> -> memref<128x128xf32, #tpu.memory_space<hbm>>
    %dma_wait3A_105 = arith.constant 0 : i32
    %dma_wait3A_106 = tpu.memref_slice %arg6[%dma_wait3A_101, %add3A_93, %dma_wait3A_105] : memref<9x53248x128xf32, #tpu.memory_space<hbm>> -> memref<1x128x128xf32, #tpu.memory_space<hbm>>
    %dma_wait3A_107 = tpu.memref_squeeze %dma_wait3A_106 : memref<1x128x128xf32, #tpu.memory_space<hbm>> -> memref<128x128xf32, #tpu.memory_space<hbm>>
    tpu.wait_dma2 semaphore(%arg23 : memref<!tpu.dma_semaphore, #tpu.memory_space<semaphore_mem>>) src(%arg15 : memref<128x128xf32, #tpu.memory_space<vmem>>) dst(%dma_wait3A_107 : memref<128x128xf32, #tpu.memory_space<hbm>>)
    %scan3A_108 = arith.constant 0 : i32
    %scan3A_109 = arith.constant 0 : i32
    %scan3A_110 = arith.constant 3 : i32
    %scan3A_111 = arith.addi %scan3A_109, %scan3A_110 : i32
    %scan3A_112 = arith.constant 1 : i32
    scf.for %scan3A_312 = %scan3A_109 to %scan3A_111 step %scan3A_112  : i32 {
      %mul3A_313 = arith.constant 4 : i32
      %mul3A_314 = arith.muli %scan3A_312, %mul3A_313 : i32
      %add3A_315 = arith.constant 0 : i32
      %add3A_316 = arith.addi %mul3A_314, %add3A_315 : i32
      %scan3A_317 = arith.constant 0 : i32
      %scan3A_318 = arith.constant 0 : i32
      %scan3A_319 = arith.constant 8 : i32
      %scan3A_320 = arith.addi %scan3A_318, %scan3A_319 : i32
      %scan3A_321 = arith.constant 1 : i32
      scf.for %scan3A_447 = %scan3A_318 to %scan3A_320 step %scan3A_321  : i32 {
        %mul3A_448 = arith.constant 16 : i32
        %mul3A_449 = arith.muli %scan3A_447, %mul3A_448 : i32
        %mul3A_450 = arith.constant 128 : i32
        %mul3A_451 = arith.muli %add3A_316, %mul3A_450 : i32
        %add3A_452 = arith.addi %mul3A_451, %mul3A_449 : i32
        %get3A = arith.index_cast %add3A_452 : i32 to index
        %get3A_453 = tpu.vector_load %arg10[%get3A] {strides = array<i32>} : memref<1664xi32, #tpu.memory_space<vmem>>, vector<16xi32>,
        %get3A_454 = vector.shape_cast %get3A_453 : vector<16xi32> to vector<16xi32>
        %add3A_455 = arith.constant 226 : i32
        %add3A_456 = vector.broadcast %add3A_455 : i32 to vector<16xi32>
        %add3A_457 = arith.addi %get3A_454, %add3A_456 : vector<16xi32>
        %swap3A = arith.index_cast %mul3A_449 : i32 to index
        %swap3A_458 = tpu.vector_load %arg11[%swap3A] {strides = array<i32>} : memref<128xi32, #tpu.memory_space<vmem>>, vector<16xi32>,
        %swap3A_459 = vector.shape_cast %swap3A_458 : vector<16xi32> to vector<16xi32>
        %swap3A_460 = vector.shape_cast %add3A_457 : vector<16xi32> to vector<16xi32>
        tpu.vector_store %arg11[%swap3A], %swap3A_460 {strides = array<i32>} : memref<128xi32, #tpu.memory_space<vmem>>, vector<16xi32>,
      }
      %scan3A_322 = arith.constant 8 : i32
      %dma_start3A_323 = arith.constant 0 : i32
      %dma_start3A_324 = arith.constant 0 : i32
      %dma_start3A_325 = tpu.memref_slice %arg2[%dma_start3A_323, %dma_start3A_324] : memref<204304x128xf32, #tpu.memory_space<hbm>> -> memref<204304x128xf32, #tpu.memory_space<hbm>>
      tpu.enqueue_indirect_dma source(%dma_start3A_325 : memref<204304x128xf32, #tpu.memory_space<hbm>>) target(%arg15 : memref<128x128xf32, #tpu.memory_space<vmem>>) offsets(%arg11 : memref<128xi32, #tpu.memory_space<vmem>>) semaphore(%arg19 : memref<!tpu.dma_semaphore, #tpu.memory_space<semaphore_mem>>)
      %add3A_326 = arith.constant 1 : i32
      %add3A_327 = arith.addi %mul3A_314, %add3A_326 : i32
      %scan3A_328 = arith.constant 0 : i32
      %scan3A_329 = arith.constant 0 : i32
      %scan3A_330 = arith.constant 8 : i32
      %scan3A_331 = arith.addi %scan3A_329, %scan3A_330 : i32
      %scan3A_332 = arith.constant 1 : i32
      scf.for %scan3A_447 = %scan3A_329 to %scan3A_331 step %scan3A_332  : i32 {
        %mul3A_448 = arith.constant 16 : i32
        %mul3A_449 = arith.muli %scan3A_447, %mul3A_448 : i32
        %mul3A_450 = arith.constant 128 : i32
        %mul3A_451 = arith.muli %add3A_327, %mul3A_450 : i32
        %add3A_452 = arith.addi %mul3A_451, %mul3A_449 : i32
        %get3A = arith.index_cast %add3A_452 : i32 to index
        %get3A_453 = tpu.vector_load %arg10[%get3A] {strides = array<i32>} : memref<1664xi32, #tpu.memory_space<vmem>>, vector<16xi32>,
        %get3A_454 = vector.shape_cast %get3A_453 : vector<16xi32> to vector<16xi32>
        %add3A_455 = arith.constant 226 : i32
        %add3A_456 = vector.broadcast %add3A_455 : i32 to vector<16xi32>
        %add3A_457 = arith.addi %get3A_454, %add3A_456 : vector<16xi32>
        %swap3A = arith.index_cast %mul3A_449 : i32 to index
        %swap3A_458 = tpu.vector_load %arg12[%swap3A] {strides = array<i32>} : memref<128xi32, #tpu.memory_space<vmem>>, vector<16xi32>,
        %swap3A_459 = vector.shape_cast %swap3A_458 : vector<16xi32> to vector<16xi32>
        %swap3A_460 = vector.shape_cast %add3A_457 : vector<16xi32> to vector<16xi32>
        tpu.vector_store %arg12[%swap3A], %swap3A_460 {strides = array<i32>} : memref<128xi32, #tpu.memory_space<vmem>>, vector<16xi32>,
      }
      %scan3A_333 = arith.constant 8 : i32
      %dma_start3A_334 = arith.constant 0 : i32
      %dma_start3A_335 = arith.constant 0 : i32
      %dma_start3A_336 = tpu.memref_slice %arg2[%dma_start3A_334, %dma_start3A_335] : memref<204304x128xf32, #tpu.memory_space<hbm>> -> memref<204304x128xf32, #tpu.memory_space<hbm>>
      tpu.enqueue_indirect_dma source(%dma_start3A_336 : memref<204304x128xf32, #tpu.memory_space<hbm>>) target(%arg16 : memref<128x128xf32, #tpu.memory_space<vmem>>) offsets(%arg12 : memref<128xi32, #tpu.memory_space<vmem>>) semaphore(%arg20 : memref<!tpu.dma_semaphore, #tpu.memory_space<semaphore_mem>>)
      %add3A_337 = arith.constant 2 : i32
      %add3A_338 = arith.addi %mul3A_314, %add3A_337 : i32
      %scan3A_339 = arith.constant 0 : i32
      %scan3A_340 = arith.constant 0 : i32
      %scan3A_341 = arith.constant 8 : i32
      %scan3A_342 = arith.addi %scan3A_340, %scan3A_341 : i32
      %scan3A_343 = arith.constant 1 : i32
      scf.for %scan3A_447 = %scan3A_340 to %scan3A_342 step %scan3A_343  : i32 {
        %mul3A_448 = arith.constant 16 : i32
        %mul3A_449 = arith.muli %scan3A_447, %mul3A_448 : i32
        %mul3A_450 = arith.constant 128 : i32
        %mul3A_451 = arith.muli %add3A_338, %mul3A_450 : i32
        %add3A_452 = arith.addi %mul3A_451, %mul3A_449 : i32
        %get3A = arith.index_cast %add3A_452 : i32 to index
        %get3A_453 = tpu.vector_load %arg10[%get3A] {strides = array<i32>} : memref<1664xi32, #tpu.memory_space<vmem>>, vector<16xi32>,
        %get3A_454 = vector.shape_cast %get3A_453 : vector<16xi32> to vector<16xi32>
        %add3A_455 = arith.constant 226 : i32
        %add3A_456 = vector.broadcast %add3A_455 : i32 to vector<16xi32>
        %add3A_457 = arith.addi %get3A_454, %add3A_456 : vector<16xi32>
        %swap3A = arith.index_cast %mul3A_449 : i32 to index
        %swap3A_458 = tpu.vector_load %arg13[%swap3A] {strides = array<i32>} : memref<128xi32, #tpu.memory_space<vmem>>, vector<16xi32>,
        %swap3A_459 = vector.shape_cast %swap3A_458 : vector<16xi32> to vector<16xi32>
        %swap3A_460 = vector.shape_cast %add3A_457 : vector<16xi32> to vector<16xi32>
        tpu.vector_store %arg13[%swap3A], %swap3A_460 {strides = array<i32>} : memref<128xi32, #tpu.memory_space<vmem>>, vector<16xi32>,
      }
      %scan3A_344 = arith.constant 8 : i32
      %dma_start3A_345 = arith.constant 0 : i32
      %dma_start3A_346 = arith.constant 0 : i32
      %dma_start3A_347 = tpu.memref_slice %arg2[%dma_start3A_345, %dma_start3A_346] : memref<204304x128xf32, #tpu.memory_space<hbm>> -> memref<204304x128xf32, #tpu.memory_space<hbm>>
      tpu.enqueue_indirect_dma source(%dma_start3A_347 : memref<204304x128xf32, #tpu.memory_space<hbm>>) target(%arg17 : memref<128x128xf32, #tpu.memory_space<vmem>>) offsets(%arg13 : memref<128xi32, #tpu.memory_space<vmem>>) semaphore(%arg21 : memref<!tpu.dma_semaphore, #tpu.memory_space<semaphore_mem>>)
      %add3A_348 = arith.constant 3 : i32
      %add3A_349 = arith.addi %mul3A_314, %add3A_348 : i32
      %scan3A_350 = arith.constant 0 : i32
      %scan3A_351 = arith.constant 0 : i32
      %scan3A_352 = arith.constant 8 : i32
      %scan3A_353 = arith.addi %scan3A_351, %scan3A_352 : i32
      %scan3A_354 = arith.constant 1 : i32
      scf.for %scan3A_447 = %scan3A_351 to %scan3A_353 step %scan3A_354  : i32 {
        %mul3A_448 = arith.constant 16 : i32
        %mul3A_449 = arith.muli %scan3A_447, %mul3A_448 : i32
        %mul3A_450 = arith.constant 128 : i32
        %mul3A_451 = arith.muli %add3A_349, %mul3A_450 : i32
        %add3A_452 = arith.addi %mul3A_451, %mul3A_449 : i32
        %get3A = arith.index_cast %add3A_452 : i32 to index
        %get3A_453 = tpu.vector_load %arg10[%get3A] {strides = array<i32>} : memref<1664xi32, #tpu.memory_space<vmem>>, vector<16xi32>,
        %get3A_454 = vector.shape_cast %get3A_453 : vector<16xi32> to vector<16xi32>
        %add3A_455 = arith.constant 226 : i32
        %add3A_456 = vector.broadcast %add3A_455 : i32 to vector<16xi32>
        %add3A_457 = arith.addi %get3A_454, %add3A_456 : vector<16xi32>
        %swap3A = arith.index_cast %mul3A_449 : i32 to index
        %swap3A_458 = tpu.vector_load %arg14[%swap3A] {strides = array<i32>} : memref<128xi32, #tpu.memory_space<vmem>>, vector<16xi32>,
        %swap3A_459 = vector.shape_cast %swap3A_458 : vector<16xi32> to vector<16xi32>
        %swap3A_460 = vector.shape_cast %add3A_457 : vector<16xi32> to vector<16xi32>
        tpu.vector_store %arg14[%swap3A], %swap3A_460 {strides = array<i32>} : memref<128xi32, #tpu.memory_space<vmem>>, vector<16xi32>,
      }
      %scan3A_355 = arith.constant 8 : i32
      %dma_start3A_356 = arith.constant 0 : i32
      %dma_start3A_357 = arith.constant 0 : i32
      %dma_start3A_358 = tpu.memref_slice %arg2[%dma_start3A_356, %dma_start3A_357] : memref<204304x128xf32, #tpu.memory_space<hbm>> -> memref<204304x128xf32, #tpu.memory_space<hbm>>
      tpu.enqueue_indirect_dma source(%dma_start3A_358 : memref<204304x128xf32, #tpu.memory_space<hbm>>) target(%arg18 : memref<128x128xf32, #tpu.memory_space<vmem>>) offsets(%arg14 : memref<128xi32, #tpu.memory_space<vmem>>) semaphore(%arg22 : memref<!tpu.dma_semaphore, #tpu.memory_space<semaphore_mem>>)
      %dma_wait3A_359 = arith.constant 0 : i32
      %dma_wait3A_360 = arith.constant 0 : i32
      %dma_wait3A_361 = tpu.memref_slice %arg2[%dma_wait3A_359, %dma_wait3A_360] : memref<204304x128xf32, #tpu.memory_space<hbm>> -> memref<204304x128xf32, #tpu.memory_space<hbm>>
      tpu.wait_indirect_dma semaphore(%arg19 : memref<!tpu.dma_semaphore, #tpu.memory_space<semaphore_mem>>) src(%dma_wait3A_361 : memref<204304x128xf32, #tpu.memory_space<hbm>>) dst(%arg15 : memref<128x128xf32, #tpu.memory_space<vmem>>)
      %add3A_362 = arith.constant 0 : i32
      %add3A_363 = arith.addi %mul3A_314, %add3A_362 : i32
      %mul3A_364 = arith.constant 128 : i32
      %mul3A_365 = arith.muli %add3A_363, %mul3A_364 : i32
      %add3A_366 = arith.addi %mul3A_2, %mul3A_365 : i32
      %dma_start3A_367 = arith.constant 3 : i32
      %dma_start3A_368 = arith.constant 0 : i32
      %dma_start3A_369 = tpu.memref_slice %arg6[%dma_start3A_367, %add3A_366, %dma_start3A_368] : memref<9x53248x128xf32, #tpu.memory_space<hbm>> -> memref<1x128x128xf32, #tpu.memory_space<hbm>>
      %dma_start3A_370 = tpu.memref_squeeze %dma_start3A_369 : memref<1x128x128xf32, #tpu.memory_space<hbm>> -> memref<128x128xf32, #tpu.memory_space<hbm>>
      %dma_start3A_371 = arith.constant 0 : i32
      %dma_start3A_372 = tpu.memref_slice %arg6[%dma_start3A_367, %add3A_366, %dma_start3A_371] : memref<9x53248x128xf32, #tpu.memory_space<hbm>> -> memref<1x128x128xf32, #tpu.memory_space<hbm>>
      %dma_start3A_373 = tpu.memref_squeeze %dma_start3A_372 : memref<1x128x128xf32, #tpu.memory_space<hbm>> -> memref<128x128xf32, #tpu.memory_space<hbm>>
      tpu.enqueue_dma source(%arg15 : memref<128x128xf32, #tpu.memory_space<vmem>>) target(%dma_start3A_373 : memref<128x128xf32, #tpu.memory_space<hbm>>) target_semaphore(%arg23 : memref<!tpu.dma_semaphore, #tpu.memory_space<semaphore_mem>>)
      %dma_wait3A_374 = arith.constant 0 : i32
      %dma_wait3A_375 = arith.constant 0 : i32
      %dma_wait3A_376 = tpu.memref_slice %arg2[%dma_wait3A_374, %dma_wait3A_375] : memref<204304x128xf32, #tpu.memory_space<hbm>> -> memref<204304x128xf32, #tpu.memory_space<hbm>>
      tpu.wait_indirect_dma semaphore(%arg20 : memref<!tpu.dma_semaphore, #tpu.memory_space<semaphore_mem>>) src(%dma_wait3A_376 : memref<204304x128xf32, #tpu.memory_space<hbm>>) dst(%arg16 : memref<128x128xf32, #tpu.memory_space<vmem>>)
      %add3A_377 = arith.constant 1 : i32
      %add3A_378 = arith.addi %mul3A_314, %add3A_377 : i32
      %mul3A_379 = arith.constant 128 : i32
      %mul3A_380 = arith.muli %add3A_378, %mul3A_379 : i32
      %add3A_381 = arith.addi %mul3A_2, %mul3A_380 : i32
      %dma_start3A_382 = arith.constant 3 : i32
      %dma_start3A_383 = arith.constant 0 : i32
      %dma_start3A_384 = tpu.memref_slice %arg6[%dma_start3A_382, %add3A_381, %dma_start3A_383] : memref<9x53248x128xf32, #tpu.memory_space<hbm>> -> memref<1x128x128xf32, #tpu.memory_space<hbm>>
      %dma_start3A_385 = tpu.memref_squeeze %dma_start3A_384 : memref<1x128x128xf32, #tpu.memory_space<hbm>> -> memref<128x128xf32, #tpu.memory_space<hbm>>
      %dma_start3A_386 = arith.constant 0 : i32
      %dma_start3A_387 = tpu.memref_slice %arg6[%dma_start3A_382, %add3A_381, %dma_start3A_386] : memref<9x53248x128xf32, #tpu.memory_space<hbm>> -> memref<1x128x128xf32, #tpu.memory_space<hbm>>
      %dma_start3A_388 = tpu.memref_squeeze %dma_start3A_387 : memref<1x128x128xf32, #tpu.memory_space<hbm>> -> memref<128x128xf32, #tpu.memory_space<hbm>>
      tpu.enqueue_dma source(%arg16 : memref<128x128xf32, #tpu.memory_space<vmem>>) target(%dma_start3A_388 : memref<128x128xf32, #tpu.memory_space<hbm>>) target_semaphore(%arg23 : memref<!tpu.dma_semaphore, #tpu.memory_space<semaphore_mem>>)
      %dma_wait3A_389 = arith.constant 0 : i32
      %dma_wait3A_390 = arith.constant 0 : i32
      %dma_wait3A_391 = tpu.memref_slice %arg2[%dma_wait3A_389, %dma_wait3A_390] : memref<204304x128xf32, #tpu.memory_space<hbm>> -> memref<204304x128xf32, #tpu.memory_space<hbm>>
      tpu.wait_indirect_dma semaphore(%arg21 : memref<!tpu.dma_semaphore, #tpu.memory_space<semaphore_mem>>) src(%dma_wait3A_391 : memref<204304x128xf32, #tpu.memory_space<hbm>>) dst(%arg17 : memref<128x128xf32, #tpu.memory_space<vmem>>)
      %add3A_392 = arith.constant 2 : i32
      %add3A_393 = arith.addi %mul3A_314, %add3A_392 : i32
      %mul3A_394 = arith.constant 128 : i32
      %mul3A_395 = arith.muli %add3A_393, %mul3A_394 : i32
      %add3A_396 = arith.addi %mul3A_2, %mul3A_395 : i32
      %dma_start3A_397 = arith.constant 3 : i32
      %dma_start3A_398 = arith.constant 0 : i32
      %dma_start3A_399 = tpu.memref_slice %arg6[%dma_start3A_397, %add3A_396, %dma_start3A_398] : memref<9x53248x128xf32, #tpu.memory_space<hbm>> -> memref<1x128x128xf32, #tpu.memory_space<hbm>>
      %dma_start3A_400 = tpu.memref_squeeze %dma_start3A_399 : memref<1x128x128xf32, #tpu.memory_space<hbm>> -> memref<128x128xf32, #tpu.memory_space<hbm>>
      %dma_start3A_401 = arith.constant 0 : i32
      %dma_start3A_402 = tpu.memref_slice %arg6[%dma_start3A_397, %add3A_396, %dma_start3A_401] : memref<9x53248x128xf32, #tpu.memory_space<hbm>> -> memref<1x128x128xf32, #tpu.memory_space<hbm>>
      %dma_start3A_403 = tpu.memref_squeeze %dma_start3A_402 : memref<1x128x128xf32, #tpu.memory_space<hbm>> -> memref<128x128xf32, #tpu.memory_space<hbm>>
      tpu.enqueue_dma source(%arg17 : memref<128x128xf32, #tpu.memory_space<vmem>>) target(%dma_start3A_403 : memref<128x128xf32, #tpu.memory_space<hbm>>) target_semaphore(%arg23 : memref<!tpu.dma_semaphore, #tpu.memory_space<semaphore_mem>>)
      %dma_wait3A_404 = arith.constant 0 : i32
      %dma_wait3A_405 = arith.constant 0 : i32
      %dma_wait3A_406 = tpu.memref_slice %arg2[%dma_wait3A_404, %dma_wait3A_405] : memref<204304x128xf32, #tpu.memory_space<hbm>> -> memref<204304x128xf32, #tpu.memory_space<hbm>>
      tpu.wait_indirect_dma semaphore(%arg22 : memref<!tpu.dma_semaphore, #tpu.memory_space<semaphore_mem>>) src(%dma_wait3A_406 : memref<204304x128xf32, #tpu.memory_space<hbm>>) dst(%arg18 : memref<128x128xf32, #tpu.memory_space<vmem>>)
      %add3A_407 = arith.constant 3 : i32
      %add3A_408 = arith.addi %mul3A_314, %add3A_407 : i32
      %mul3A_409 = arith.constant 128 : i32
      %mul3A_410 = arith.muli %add3A_408, %mul3A_409 : i32
      %add3A_411 = arith.addi %mul3A_2, %mul3A_410 : i32
      %dma_start3A_412 = arith.constant 3 : i32
      %dma_start3A_413 = arith.constant 0 : i32
      %dma_start3A_414 = tpu.memref_slice %arg6[%dma_start3A_412, %add3A_411, %dma_start3A_413] : memref<9x53248x128xf32, #tpu.memory_space<hbm>> -> memref<1x128x128xf32, #tpu.memory_space<hbm>>
      %dma_start3A_415 = tpu.memref_squeeze %dma_start3A_414 : memref<1x128x128xf32, #tpu.memory_space<hbm>> -> memref<128x128xf32, #tpu.memory_space<hbm>>
      %dma_start3A_416 = arith.constant 0 : i32
      %dma_start3A_417 = tpu.memref_slice %arg6[%dma_start3A_412, %add3A_411, %dma_start3A_416] : memref<9x53248x128xf32, #tpu.memory_space<hbm>> -> memref<1x128x128xf32, #tpu.memory_space<hbm>>
      %dma_start3A_418 = tpu.memref_squeeze %dma_start3A_417 : memref<1x128x128xf32, #tpu.memory_space<hbm>> -> memref<128x128xf32, #tpu.memory_space<hbm>>
      tpu.enqueue_dma source(%arg18 : memref<128x128xf32, #tpu.memory_space<vmem>>) target(%dma_start3A_418 : memref<128x128xf32, #tpu.memory_space<hbm>>) target_semaphore(%arg23 : memref<!tpu.dma_semaphore, #tpu.memory_space<semaphore_mem>>)
      %dma_wait3A_419 = arith.constant 3 : i32
      %dma_wait3A_420 = arith.constant 0 : i32
      %dma_wait3A_421 = tpu.memref_slice %arg6[%dma_wait3A_419, %add3A_366, %dma_wait3A_420] : memref<9x53248x128xf32, #tpu.memory_space<hbm>> -> memref<1x128x128xf32, #tpu.memory_space<hbm>>
      %dma_wait3A_422 = tpu.memref_squeeze %dma_wait3A_421 : memref<1x128x128xf32, #tpu.memory_space<hbm>> -> memref<128x128xf32, #tpu.memory_space<hbm>>
      %dma_wait3A_423 = arith.constant 0 : i32
      %dma_wait3A_424 = tpu.memref_slice %arg6[%dma_wait3A_419, %add3A_366, %dma_wait3A_423] : memref<9x53248x128xf32, #tpu.memory_space<hbm>> -> memref<1x128x128xf32, #tpu.memory_space<hbm>>
      %dma_wait3A_425 = tpu.memref_squeeze %dma_wait3A_424 : memref<1x128x128xf32, #tpu.memory_space<hbm>> -> memref<128x128xf32, #tpu.memory_space<hbm>>
      tpu.wait_dma2 semaphore(%arg23 : memref<!tpu.dma_semaphore, #tpu.memory_space<semaphore_mem>>) src(%arg15 : memref<128x128xf32, #tpu.memory_space<vmem>>) dst(%dma_wait3A_425 : memref<128x128xf32, #tpu.memory_space<hbm>>)
      %dma_wait3A_426 = arith.constant 3 : i32
      %dma_wait3A_427 = arith.constant 0 : i32
      %dma_wait3A_428 = tpu.memref_slice %arg6[%dma_wait3A_426, %add3A_381, %dma_wait3A_427] : memref<9x53248x128xf32, #tpu.memory_space<hbm>> -> memref<1x128x128xf32, #tpu.memory_space<hbm>>
      %dma_wait3A_429 = tpu.memref_squeeze %dma_wait3A_428 : memref<1x128x128xf32, #tpu.memory_space<hbm>> -> memref<128x128xf32, #tpu.memory_space<hbm>>
      %dma_wait3A_430 = arith.constant 0 : i32
      %dma_wait3A_431 = tpu.memref_slice %arg6[%dma_wait3A_426, %add3A_381, %dma_wait3A_430] : memref<9x53248x128xf32, #tpu.memory_space<hbm>> -> memref<1x128x128xf32, #tpu.memory_space<hbm>>
      %dma_wait3A_432 = tpu.memref_squeeze %dma_wait3A_431 : memref<1x128x128xf32, #tpu.memory_space<hbm>> -> memref<128x128xf32, #tpu.memory_space<hbm>>
      tpu.wait_dma2 semaphore(%arg23 : memref<!tpu.dma_semaphore, #tpu.memory_space<semaphore_mem>>) src(%arg16 : memref<128x128xf32, #tpu.memory_space<vmem>>) dst(%dma_wait3A_432 : memref<128x128xf32, #tpu.memory_space<hbm>>)
      %dma_wait3A_433 = arith.constant 3 : i32
      %dma_wait3A_434 = arith.constant 0 : i32
      %dma_wait3A_435 = tpu.memref_slice %arg6[%dma_wait3A_433, %add3A_396, %dma_wait3A_434] : memref<9x53248x128xf32, #tpu.memory_space<hbm>> -> memref<1x128x128xf32, #tpu.memory_space<hbm>>
      %dma_wait3A_436 = tpu.memref_squeeze %dma_wait3A_435 : memref<1x128x128xf32, #tpu.memory_space<hbm>> -> memref<128x128xf32, #tpu.memory_space<hbm>>
      %dma_wait3A_437 = arith.constant 0 : i32
      %dma_wait3A_438 = tpu.memref_slice %arg6[%dma_wait3A_433, %add3A_396, %dma_wait3A_437] : memref<9x53248x128xf32, #tpu.memory_space<hbm>> -> memref<1x128x128xf32, #tpu.memory_space<hbm>>
      %dma_wait3A_439 = tpu.memref_squeeze %dma_wait3A_438 : memref<1x128x128xf32, #tpu.memory_space<hbm>> -> memref<128x128xf32, #tpu.memory_space<hbm>>
      tpu.wait_dma2 semaphore(%arg23 : memref<!tpu.dma_semaphore, #tpu.memory_space<semaphore_mem>>) src(%arg17 : memref<128x128xf32, #tpu.memory_space<vmem>>) dst(%dma_wait3A_439 : memref<128x128xf32, #tpu.memory_space<hbm>>)
      %dma_wait3A_440 = arith.constant 3 : i32
      %dma_wait3A_441 = arith.constant 0 : i32
      %dma_wait3A_442 = tpu.memref_slice %arg6[%dma_wait3A_440, %add3A_411, %dma_wait3A_441] : memref<9x53248x128xf32, #tpu.memory_space<hbm>> -> memref<1x128x128xf32, #tpu.memory_space<hbm>>
      %dma_wait3A_443 = tpu.memref_squeeze %dma_wait3A_442 : memref<1x128x128xf32, #tpu.memory_space<hbm>> -> memref<128x128xf32, #tpu.memory_space<hbm>>
      %dma_wait3A_444 = arith.constant 0 : i32
      %dma_wait3A_445 = tpu.memref_slice %arg6[%dma_wait3A_440, %add3A_411, %dma_wait3A_444] : memref<9x53248x128xf32, #tpu.memory_space<hbm>> -> memref<1x128x128xf32, #tpu.memory_space<hbm>>
      %dma_wait3A_446 = tpu.memref_squeeze %dma_wait3A_445 : memref<1x128x128xf32, #tpu.memory_space<hbm>> -> memref<128x128xf32, #tpu.memory_space<hbm>>
      tpu.wait_dma2 semaphore(%arg23 : memref<!tpu.dma_semaphore, #tpu.memory_space<semaphore_mem>>) src(%arg18 : memref<128x128xf32, #tpu.memory_space<vmem>>) dst(%dma_wait3A_446 : memref<128x128xf32, #tpu.memory_space<hbm>>)
    }
    %scan3A_113 = arith.constant 3 : i32
    %scan3A_114 = arith.constant 0 : i32
    %scan3A_115 = arith.constant 0 : i32
    %scan3A_116 = arith.constant 8 : i32
    %scan3A_117 = arith.addi %scan3A_115, %scan3A_116 : i32
    %scan3A_118 = arith.constant 1 : i32
    scf.for %scan3A_312 = %scan3A_115 to %scan3A_117 step %scan3A_118  : i32 {
      %mul3A_313 = arith.constant 16 : i32
      %mul3A_314 = arith.muli %scan3A_312, %mul3A_313 : i32
      %add3A_315 = arith.constant 1536 : i32
      %add3A_316 = arith.addi %add3A_315, %mul3A_314 : i32
      %get3A = arith.index_cast %add3A_316 : i32 to index
      %get3A_317 = tpu.vector_load %arg10[%get3A] {strides = array<i32>} : memref<1664xi32, #tpu.memory_space<vmem>>, vector<16xi32>,
      %get3A_318 = vector.shape_cast %get3A_317 : vector<16xi32> to vector<16xi32>
      %add3A_319 = arith.constant 226 : i32
      %add3A_320 = vector.broadcast %add3A_319 : i32 to vector<16xi32>
      %add3A_321 = arith.addi %get3A_318, %add3A_320 : vector<16xi32>
      %swap3A = arith.index_cast %mul3A_314 : i32 to index
      %swap3A_322 = tpu.vector_load %arg11[%swap3A] {strides = array<i32>} : memref<128xi32, #tpu.memory_space<vmem>>, vector<16xi32>,
      %swap3A_323 = vector.shape_cast %swap3A_322 : vector<16xi32> to vector<16xi32>
      %swap3A_324 = vector.shape_cast %add3A_321 : vector<16xi32> to vector<16xi32>
      tpu.vector_store %arg11[%swap3A], %swap3A_324 {strides = array<i32>} : memref<128xi32, #tpu.memory_space<vmem>>, vector<16xi32>,
    }
    %scan3A_119 = arith.constant 8 : i32
    %dma_start3A_120 = arith.constant 0 : i32
    %dma_start3A_121 = arith.constant 0 : i32
    %dma_start3A_122 = tpu.memref_slice %arg2[%dma_start3A_120, %dma_start3A_121] : memref<204304x128xf32, #tpu.memory_space<hbm>> -> memref<204304x128xf32, #tpu.memory_space<hbm>>
    tpu.enqueue_indirect_dma source(%dma_start3A_122 : memref<204304x128xf32, #tpu.memory_space<hbm>>) target(%arg15 : memref<128x128xf32, #tpu.memory_space<vmem>>) offsets(%arg11 : memref<128xi32, #tpu.memory_space<vmem>>) semaphore(%arg19 : memref<!tpu.dma_semaphore, #tpu.memory_space<semaphore_mem>>)
    %dma_wait3A_123 = arith.constant 0 : i32
    %dma_wait3A_124 = arith.constant 0 : i32
    %dma_wait3A_125 = tpu.memref_slice %arg2[%dma_wait3A_123, %dma_wait3A_124] : memref<204304x128xf32, #tpu.memory_space<hbm>> -> memref<204304x128xf32, #tpu.memory_space<hbm>>
    tpu.wait_indirect_dma semaphore(%arg19 : memref<!tpu.dma_semaphore, #tpu.memory_space<semaphore_mem>>) src(%dma_wait3A_125 : memref<204304x128xf32, #tpu.memory_space<hbm>>) dst(%arg15 : memref<128x128xf32, #tpu.memory_space<vmem>>)
    %add3A_126 = arith.constant 1536 : i32
    %add3A_127 = arith.addi %mul3A_2, %add3A_126 : i32
    %dma_start3A_128 = arith.constant 3 : i32
    %dma_start3A_129 = arith.constant 0 : i32
    %dma_start3A_130 = tpu.memref_slice %arg6[%dma_start3A_128, %add3A_127, %dma_start3A_129] : memref<9x53248x128xf32, #tpu.memory_space<hbm>> -> memref<1x128x128xf32, #tpu.memory_space<hbm>>
    %dma_start3A_131 = tpu.memref_squeeze %dma_start3A_130 : memref<1x128x128xf32, #tpu.memory_space<hbm>> -> memref<128x128xf32, #tpu.memory_space<hbm>>
    %dma_start3A_132 = arith.constant 0 : i32
    %dma_start3A_133 = tpu.memref_slice %arg6[%dma_start3A_128, %add3A_127, %dma_start3A_132] : memref<9x53248x128xf32, #tpu.memory_space<hbm>> -> memref<1x128x128xf32, #tpu.memory_space<hbm>>
    %dma_start3A_134 = tpu.memref_squeeze %dma_start3A_133 : memref<1x128x128xf32, #tpu.memory_space<hbm>> -> memref<128x128xf32, #tpu.memory_space<hbm>>
    tpu.enqueue_dma source(%arg15 : memref<128x128xf32, #tpu.memory_space<vmem>>) target(%dma_start3A_134 : memref<128x128xf32, #tpu.memory_space<hbm>>) target_semaphore(%arg23 : memref<!tpu.dma_semaphore, #tpu.memory_space<semaphore_mem>>)
    %dma_wait3A_135 = arith.constant 3 : i32
    %dma_wait3A_136 = arith.constant 0 : i32
    %dma_wait3A_137 = tpu.memref_slice %arg6[%dma_wait3A_135, %add3A_127, %dma_wait3A_136] : memref<9x53248x128xf32, #tpu.memory_space<hbm>> -> memref<1x128x128xf32, #tpu.memory_space<hbm>>
    %dma_wait3A_138 = tpu.memref_squeeze %dma_wait3A_137 : memref<1x128x128xf32, #tpu.memory_space<hbm>> -> memref<128x128xf32, #tpu.memory_space<hbm>>
    %dma_wait3A_139 = arith.constant 0 : i32
    %dma_wait3A_140 = tpu.memref_slice %arg6[%dma_wait3A_135, %add3A_127, %dma_wait3A_139] : memref<9x53248x128xf32, #tpu.memory_space<hbm>> -> memref<1x128x128xf32, #tpu.memory_space<hbm>>
    %dma_wait3A_141 = tpu.memref_squeeze %dma_wait3A_140 : memref<1x128x128xf32, #tpu.memory_space<hbm>> -> memref<128x128xf32, #tpu.memory_space<hbm>>
    tpu.wait_dma2 semaphore(%arg23 : memref<!tpu.dma_semaphore, #tpu.memory_space<semaphore_mem>>) src(%arg15 : memref<128x128xf32, #tpu.memory_space<vmem>>) dst(%dma_wait3A_141 : memref<128x128xf32, #tpu.memory_space<hbm>>)
    %scan3A_142 = arith.constant 0 : i32
    %scan3A_143 = arith.constant 0 : i32
    %scan3A_144 = arith.constant 3 : i32
    %scan3A_145 = arith.addi %scan3A_143, %scan3A_144 : i32
    %scan3A_146 = arith.constant 1 : i32
    scf.for %scan3A_312 = %scan3A_143 to %scan3A_145 step %scan3A_146  : i32 {
      %mul3A_313 = arith.constant 4 : i32
      %mul3A_314 = arith.muli %scan3A_312, %mul3A_313 : i32
      %add3A_315 = arith.constant 0 : i32
      %add3A_316 = arith.addi %mul3A_314, %add3A_315 : i32
      %scan3A_317 = arith.constant 0 : i32
      %scan3A_318 = arith.constant 0 : i32
      %scan3A_319 = arith.constant 8 : i32
      %scan3A_320 = arith.addi %scan3A_318, %scan3A_319 : i32
      %scan3A_321 = arith.constant 1 : i32
      scf.for %scan3A_447 = %scan3A_318 to %scan3A_320 step %scan3A_321  : i32 {
        %mul3A_448 = arith.constant 16 : i32
        %mul3A_449 = arith.muli %scan3A_447, %mul3A_448 : i32
        %mul3A_450 = arith.constant 128 : i32
        %mul3A_451 = arith.muli %add3A_316, %mul3A_450 : i32
        %add3A_452 = arith.addi %mul3A_451, %mul3A_449 : i32
        %get3A = arith.index_cast %add3A_452 : i32 to index
        %get3A_453 = tpu.vector_load %arg10[%get3A] {strides = array<i32>} : memref<1664xi32, #tpu.memory_space<vmem>>, vector<16xi32>,
        %get3A_454 = vector.shape_cast %get3A_453 : vector<16xi32> to vector<16xi32>
        %add3A_455 = arith.constant 227 : i32
        %add3A_456 = vector.broadcast %add3A_455 : i32 to vector<16xi32>
        %add3A_457 = arith.addi %get3A_454, %add3A_456 : vector<16xi32>
        %swap3A = arith.index_cast %mul3A_449 : i32 to index
        %swap3A_458 = tpu.vector_load %arg11[%swap3A] {strides = array<i32>} : memref<128xi32, #tpu.memory_space<vmem>>, vector<16xi32>,
        %swap3A_459 = vector.shape_cast %swap3A_458 : vector<16xi32> to vector<16xi32>
        %swap3A_460 = vector.shape_cast %add3A_457 : vector<16xi32> to vector<16xi32>
        tpu.vector_store %arg11[%swap3A], %swap3A_460 {strides = array<i32>} : memref<128xi32, #tpu.memory_space<vmem>>, vector<16xi32>,
      }
      %scan3A_322 = arith.constant 8 : i32
      %dma_start3A_323 = arith.constant 0 : i32
      %dma_start3A_324 = arith.constant 0 : i32
      %dma_start3A_325 = tpu.memref_slice %arg2[%dma_start3A_323, %dma_start3A_324] : memref<204304x128xf32, #tpu.memory_space<hbm>> -> memref<204304x128xf32, #tpu.memory_space<hbm>>
      tpu.enqueue_indirect_dma source(%dma_start3A_325 : memref<204304x128xf32, #tpu.memory_space<hbm>>) target(%arg15 : memref<128x128xf32, #tpu.memory_space<vmem>>) offsets(%arg11 : memref<128xi32, #tpu.memory_space<vmem>>) semaphore(%arg19 : memref<!tpu.dma_semaphore, #tpu.memory_space<semaphore_mem>>)
      %add3A_326 = arith.constant 1 : i32
      %add3A_327 = arith.addi %mul3A_314, %add3A_326 : i32
      %scan3A_328 = arith.constant 0 : i32
      %scan3A_329 = arith.constant 0 : i32
      %scan3A_330 = arith.constant 8 : i32
      %scan3A_331 = arith.addi %scan3A_329, %scan3A_330 : i32
      %scan3A_332 = arith.constant 1 : i32
      scf.for %scan3A_447 = %scan3A_329 to %scan3A_331 step %scan3A_332  : i32 {
        %mul3A_448 = arith.constant 16 : i32
        %mul3A_449 = arith.muli %scan3A_447, %mul3A_448 : i32
        %mul3A_450 = arith.constant 128 : i32
        %mul3A_451 = arith.muli %add3A_327, %mul3A_450 : i32
        %add3A_452 = arith.addi %mul3A_451, %mul3A_449 : i32
        %get3A = arith.index_cast %add3A_452 : i32 to index
        %get3A_453 = tpu.vector_load %arg10[%get3A] {strides = array<i32>} : memref<1664xi32, #tpu.memory_space<vmem>>, vector<16xi32>,
        %get3A_454 = vector.shape_cast %get3A_453 : vector<16xi32> to vector<16xi32>
        %add3A_455 = arith.constant 227 : i32
        %add3A_456 = vector.broadcast %add3A_455 : i32 to vector<16xi32>
        %add3A_457 = arith.addi %get3A_454, %add3A_456 : vector<16xi32>
        %swap3A = arith.index_cast %mul3A_449 : i32 to index
        %swap3A_458 = tpu.vector_load %arg12[%swap3A] {strides = array<i32>} : memref<128xi32, #tpu.memory_space<vmem>>, vector<16xi32>,
        %swap3A_459 = vector.shape_cast %swap3A_458 : vector<16xi32> to vector<16xi32>
        %swap3A_460 = vector.shape_cast %add3A_457 : vector<16xi32> to vector<16xi32>
        tpu.vector_store %arg12[%swap3A], %swap3A_460 {strides = array<i32>} : memref<128xi32, #tpu.memory_space<vmem>>, vector<16xi32>,
      }
      %scan3A_333 = arith.constant 8 : i32
      %dma_start3A_334 = arith.constant 0 : i32
      %dma_start3A_335 = arith.constant 0 : i32
      %dma_start3A_336 = tpu.memref_slice %arg2[%dma_start3A_334, %dma_start3A_335] : memref<204304x128xf32, #tpu.memory_space<hbm>> -> memref<204304x128xf32, #tpu.memory_space<hbm>>
      tpu.enqueue_indirect_dma source(%dma_start3A_336 : memref<204304x128xf32, #tpu.memory_space<hbm>>) target(%arg16 : memref<128x128xf32, #tpu.memory_space<vmem>>) offsets(%arg12 : memref<128xi32, #tpu.memory_space<vmem>>) semaphore(%arg20 : memref<!tpu.dma_semaphore, #tpu.memory_space<semaphore_mem>>)
      %add3A_337 = arith.constant 2 : i32
      %add3A_338 = arith.addi %mul3A_314, %add3A_337 : i32
      %scan3A_339 = arith.constant 0 : i32
      %scan3A_340 = arith.constant 0 : i32
      %scan3A_341 = arith.constant 8 : i32
      %scan3A_342 = arith.addi %scan3A_340, %scan3A_341 : i32
      %scan3A_343 = arith.constant 1 : i32
      scf.for %scan3A_447 = %scan3A_340 to %scan3A_342 step %scan3A_343  : i32 {
        %mul3A_448 = arith.constant 16 : i32
        %mul3A_449 = arith.muli %scan3A_447, %mul3A_448 : i32
        %mul3A_450 = arith.constant 128 : i32
        %mul3A_451 = arith.muli %add3A_338, %mul3A_450 : i32
        %add3A_452 = arith.addi %mul3A_451, %mul3A_449 : i32
        %get3A = arith.index_cast %add3A_452 : i32 to index
        %get3A_453 = tpu.vector_load %arg10[%get3A] {strides = array<i32>} : memref<1664xi32, #tpu.memory_space<vmem>>, vector<16xi32>,
        %get3A_454 = vector.shape_cast %get3A_453 : vector<16xi32> to vector<16xi32>
        %add3A_455 = arith.constant 227 : i32
        %add3A_456 = vector.broadcast %add3A_455 : i32 to vector<16xi32>
        %add3A_457 = arith.addi %get3A_454, %add3A_456 : vector<16xi32>
        %swap3A = arith.index_cast %mul3A_449 : i32 to index
        %swap3A_458 = tpu.vector_load %arg13[%swap3A] {strides = array<i32>} : memref<128xi32, #tpu.memory_space<vmem>>, vector<16xi32>,
        %swap3A_459 = vector.shape_cast %swap3A_458 : vector<16xi32> to vector<16xi32>
        %swap3A_460 = vector.shape_cast %add3A_457 : vector<16xi32> to vector<16xi32>
        tpu.vector_store %arg13[%swap3A], %swap3A_460 {strides = array<i32>} : memref<128xi32, #tpu.memory_space<vmem>>, vector<16xi32>,
      }
      %scan3A_344 = arith.constant 8 : i32
      %dma_start3A_345 = arith.constant 0 : i32
      %dma_start3A_346 = arith.constant 0 : i32
      %dma_start3A_347 = tpu.memref_slice %arg2[%dma_start3A_345, %dma_start3A_346] : memref<204304x128xf32, #tpu.memory_space<hbm>> -> memref<204304x128xf32, #tpu.memory_space<hbm>>
      tpu.enqueue_indirect_dma source(%dma_start3A_347 : memref<204304x128xf32, #tpu.memory_space<hbm>>) target(%arg17 : memref<128x128xf32, #tpu.memory_space<vmem>>) offsets(%arg13 : memref<128xi32, #tpu.memory_space<vmem>>) semaphore(%arg21 : memref<!tpu.dma_semaphore, #tpu.memory_space<semaphore_mem>>)
      %add3A_348 = arith.constant 3 : i32
      %add3A_349 = arith.addi %mul3A_314, %add3A_348 : i32
      %scan3A_350 = arith.constant 0 : i32
      %scan3A_351 = arith.constant 0 : i32
      %scan3A_352 = arith.constant 8 : i32
      %scan3A_353 = arith.addi %scan3A_351, %scan3A_352 : i32
      %scan3A_354 = arith.constant 1 : i32
      scf.for %scan3A_447 = %scan3A_351 to %scan3A_353 step %scan3A_354  : i32 {
        %mul3A_448 = arith.constant 16 : i32
        %mul3A_449 = arith.muli %scan3A_447, %mul3A_448 : i32
        %mul3A_450 = arith.constant 128 : i32
        %mul3A_451 = arith.muli %add3A_349, %mul3A_450 : i32
        %add3A_452 = arith.addi %mul3A_451, %mul3A_449 : i32
        %get3A = arith.index_cast %add3A_452 : i32 to index
        %get3A_453 = tpu.vector_load %arg10[%get3A] {strides = array<i32>} : memref<1664xi32, #tpu.memory_space<vmem>>, vector<16xi32>,
        %get3A_454 = vector.shape_cast %get3A_453 : vector<16xi32> to vector<16xi32>
        %add3A_455 = arith.constant 227 : i32
        %add3A_456 = vector.broadcast %add3A_455 : i32 to vector<16xi32>
        %add3A_457 = arith.addi %get3A_454, %add3A_456 : vector<16xi32>
        %swap3A = arith.index_cast %mul3A_449 : i32 to index
        %swap3A_458 = tpu.vector_load %arg14[%swap3A] {strides = array<i32>} : memref<128xi32, #tpu.memory_space<vmem>>, vector<16xi32>,
        %swap3A_459 = vector.shape_cast %swap3A_458 : vector<16xi32> to vector<16xi32>
        %swap3A_460 = vector.shape_cast %add3A_457 : vector<16xi32> to vector<16xi32>
        tpu.vector_store %arg14[%swap3A], %swap3A_460 {strides = array<i32>} : memref<128xi32, #tpu.memory_space<vmem>>, vector<16xi32>,
      }
      %scan3A_355 = arith.constant 8 : i32
      %dma_start3A_356 = arith.constant 0 : i32
      %dma_start3A_357 = arith.constant 0 : i32
      %dma_start3A_358 = tpu.memref_slice %arg2[%dma_start3A_356, %dma_start3A_357] : memref<204304x128xf32, #tpu.memory_space<hbm>> -> memref<204304x128xf32, #tpu.memory_space<hbm>>
      tpu.enqueue_indirect_dma source(%dma_start3A_358 : memref<204304x128xf32, #tpu.memory_space<hbm>>) target(%arg18 : memref<128x128xf32, #tpu.memory_space<vmem>>) offsets(%arg14 : memref<128xi32, #tpu.memory_space<vmem>>) semaphore(%arg22 : memref<!tpu.dma_semaphore, #tpu.memory_space<semaphore_mem>>)
      %dma_wait3A_359 = arith.constant 0 : i32
      %dma_wait3A_360 = arith.constant 0 : i32
      %dma_wait3A_361 = tpu.memref_slice %arg2[%dma_wait3A_359, %dma_wait3A_360] : memref<204304x128xf32, #tpu.memory_space<hbm>> -> memref<204304x128xf32, #tpu.memory_space<hbm>>
      tpu.wait_indirect_dma semaphore(%arg19 : memref<!tpu.dma_semaphore, #tpu.memory_space<semaphore_mem>>) src(%dma_wait3A_361 : memref<204304x128xf32, #tpu.memory_space<hbm>>) dst(%arg15 : memref<128x128xf32, #tpu.memory_space<vmem>>)
      %add3A_362 = arith.constant 0 : i32
      %add3A_363 = arith.addi %mul3A_314, %add3A_362 : i32
      %mul3A_364 = arith.constant 128 : i32
      %mul3A_365 = arith.muli %add3A_363, %mul3A_364 : i32
      %add3A_366 = arith.addi %mul3A_2, %mul3A_365 : i32
      %dma_start3A_367 = arith.constant 4 : i32
      %dma_start3A_368 = arith.constant 0 : i32
      %dma_start3A_369 = tpu.memref_slice %arg6[%dma_start3A_367, %add3A_366, %dma_start3A_368] : memref<9x53248x128xf32, #tpu.memory_space<hbm>> -> memref<1x128x128xf32, #tpu.memory_space<hbm>>
      %dma_start3A_370 = tpu.memref_squeeze %dma_start3A_369 : memref<1x128x128xf32, #tpu.memory_space<hbm>> -> memref<128x128xf32, #tpu.memory_space<hbm>>
      %dma_start3A_371 = arith.constant 0 : i32
      %dma_start3A_372 = tpu.memref_slice %arg6[%dma_start3A_367, %add3A_366, %dma_start3A_371] : memref<9x53248x128xf32, #tpu.memory_space<hbm>> -> memref<1x128x128xf32, #tpu.memory_space<hbm>>
      %dma_start3A_373 = tpu.memref_squeeze %dma_start3A_372 : memref<1x128x128xf32, #tpu.memory_space<hbm>> -> memref<128x128xf32, #tpu.memory_space<hbm>>
      tpu.enqueue_dma source(%arg15 : memref<128x128xf32, #tpu.memory_space<vmem>>) target(%dma_start3A_373 : memref<128x128xf32, #tpu.memory_space<hbm>>) target_semaphore(%arg23 : memref<!tpu.dma_semaphore, #tpu.memory_space<semaphore_mem>>)
      %dma_wait3A_374 = arith.constant 0 : i32
      %dma_wait3A_375 = arith.constant 0 : i32
      %dma_wait3A_376 = tpu.memref_slice %arg2[%dma_wait3A_374, %dma_wait3A_375] : memref<204304x128xf32, #tpu.memory_space<hbm>> -> memref<204304x128xf32, #tpu.memory_space<hbm>>
      tpu.wait_indirect_dma semaphore(%arg20 : memref<!tpu.dma_semaphore, #tpu.memory_space<semaphore_mem>>) src(%dma_wait3A_376 : memref<204304x128xf32, #tpu.memory_space<hbm>>) dst(%arg16 : memref<128x128xf32, #tpu.memory_space<vmem>>)
      %add3A_377 = arith.constant 1 : i32
      %add3A_378 = arith.addi %mul3A_314, %add3A_377 : i32
      %mul3A_379 = arith.constant 128 : i32
      %mul3A_380 = arith.muli %add3A_378, %mul3A_379 : i32
      %add3A_381 = arith.addi %mul3A_2, %mul3A_380 : i32
      %dma_start3A_382 = arith.constant 4 : i32
      %dma_start3A_383 = arith.constant 0 : i32
      %dma_start3A_384 = tpu.memref_slice %arg6[%dma_start3A_382, %add3A_381, %dma_start3A_383] : memref<9x53248x128xf32, #tpu.memory_space<hbm>> -> memref<1x128x128xf32, #tpu.memory_space<hbm>>
      %dma_start3A_385 = tpu.memref_squeeze %dma_start3A_384 : memref<1x128x128xf32, #tpu.memory_space<hbm>> -> memref<128x128xf32, #tpu.memory_space<hbm>>
      %dma_start3A_386 = arith.constant 0 : i32
      %dma_start3A_387 = tpu.memref_slice %arg6[%dma_start3A_382, %add3A_381, %dma_start3A_386] : memref<9x53248x128xf32, #tpu.memory_space<hbm>> -> memref<1x128x128xf32, #tpu.memory_space<hbm>>
      %dma_start3A_388 = tpu.memref_squeeze %dma_start3A_387 : memref<1x128x128xf32, #tpu.memory_space<hbm>> -> memref<128x128xf32, #tpu.memory_space<hbm>>
      tpu.enqueue_dma source(%arg16 : memref<128x128xf32, #tpu.memory_space<vmem>>) target(%dma_start3A_388 : memref<128x128xf32, #tpu.memory_space<hbm>>) target_semaphore(%arg23 : memref<!tpu.dma_semaphore, #tpu.memory_space<semaphore_mem>>)
      %dma_wait3A_389 = arith.constant 0 : i32
      %dma_wait3A_390 = arith.constant 0 : i32
      %dma_wait3A_391 = tpu.memref_slice %arg2[%dma_wait3A_389, %dma_wait3A_390] : memref<204304x128xf32, #tpu.memory_space<hbm>> -> memref<204304x128xf32, #tpu.memory_space<hbm>>
      tpu.wait_indirect_dma semaphore(%arg21 : memref<!tpu.dma_semaphore, #tpu.memory_space<semaphore_mem>>) src(%dma_wait3A_391 : memref<204304x128xf32, #tpu.memory_space<hbm>>) dst(%arg17 : memref<128x128xf32, #tpu.memory_space<vmem>>)
      %add3A_392 = arith.constant 2 : i32
      %add3A_393 = arith.addi %mul3A_314, %add3A_392 : i32
      %mul3A_394 = arith.constant 128 : i32
      %mul3A_395 = arith.muli %add3A_393, %mul3A_394 : i32
      %add3A_396 = arith.addi %mul3A_2, %mul3A_395 : i32
      %dma_start3A_397 = arith.constant 4 : i32
      %dma_start3A_398 = arith.constant 0 : i32
      %dma_start3A_399 = tpu.memref_slice %arg6[%dma_start3A_397, %add3A_396, %dma_start3A_398] : memref<9x53248x128xf32, #tpu.memory_space<hbm>> -> memref<1x128x128xf32, #tpu.memory_space<hbm>>
      %dma_start3A_400 = tpu.memref_squeeze %dma_start3A_399 : memref<1x128x128xf32, #tpu.memory_space<hbm>> -> memref<128x128xf32, #tpu.memory_space<hbm>>
      %dma_start3A_401 = arith.constant 0 : i32
      %dma_start3A_402 = tpu.memref_slice %arg6[%dma_start3A_397, %add3A_396, %dma_start3A_401] : memref<9x53248x128xf32, #tpu.memory_space<hbm>> -> memref<1x128x128xf32, #tpu.memory_space<hbm>>
      %dma_start3A_403 = tpu.memref_squeeze %dma_start3A_402 : memref<1x128x128xf32, #tpu.memory_space<hbm>> -> memref<128x128xf32, #tpu.memory_space<hbm>>
      tpu.enqueue_dma source(%arg17 : memref<128x128xf32, #tpu.memory_space<vmem>>) target(%dma_start3A_403 : memref<128x128xf32, #tpu.memory_space<hbm>>) target_semaphore(%arg23 : memref<!tpu.dma_semaphore, #tpu.memory_space<semaphore_mem>>)
      %dma_wait3A_404 = arith.constant 0 : i32
      %dma_wait3A_405 = arith.constant 0 : i32
      %dma_wait3A_406 = tpu.memref_slice %arg2[%dma_wait3A_404, %dma_wait3A_405] : memref<204304x128xf32, #tpu.memory_space<hbm>> -> memref<204304x128xf32, #tpu.memory_space<hbm>>
      tpu.wait_indirect_dma semaphore(%arg22 : memref<!tpu.dma_semaphore, #tpu.memory_space<semaphore_mem>>) src(%dma_wait3A_406 : memref<204304x128xf32, #tpu.memory_space<hbm>>) dst(%arg18 : memref<128x128xf32, #tpu.memory_space<vmem>>)
      %add3A_407 = arith.constant 3 : i32
      %add3A_408 = arith.addi %mul3A_314, %add3A_407 : i32
      %mul3A_409 = arith.constant 128 : i32
      %mul3A_410 = arith.muli %add3A_408, %mul3A_409 : i32
      %add3A_411 = arith.addi %mul3A_2, %mul3A_410 : i32
      %dma_start3A_412 = arith.constant 4 : i32
      %dma_start3A_413 = arith.constant 0 : i32
      %dma_start3A_414 = tpu.memref_slice %arg6[%dma_start3A_412, %add3A_411, %dma_start3A_413] : memref<9x53248x128xf32, #tpu.memory_space<hbm>> -> memref<1x128x128xf32, #tpu.memory_space<hbm>>
      %dma_start3A_415 = tpu.memref_squeeze %dma_start3A_414 : memref<1x128x128xf32, #tpu.memory_space<hbm>> -> memref<128x128xf32, #tpu.memory_space<hbm>>
      %dma_start3A_416 = arith.constant 0 : i32
      %dma_start3A_417 = tpu.memref_slice %arg6[%dma_start3A_412, %add3A_411, %dma_start3A_416] : memref<9x53248x128xf32, #tpu.memory_space<hbm>> -> memref<1x128x128xf32, #tpu.memory_space<hbm>>
      %dma_start3A_418 = tpu.memref_squeeze %dma_start3A_417 : memref<1x128x128xf32, #tpu.memory_space<hbm>> -> memref<128x128xf32, #tpu.memory_space<hbm>>
      tpu.enqueue_dma source(%arg18 : memref<128x128xf32, #tpu.memory_space<vmem>>) target(%dma_start3A_418 : memref<128x128xf32, #tpu.memory_space<hbm>>) target_semaphore(%arg23 : memref<!tpu.dma_semaphore, #tpu.memory_space<semaphore_mem>>)
      %dma_wait3A_419 = arith.constant 4 : i32
      %dma_wait3A_420 = arith.constant 0 : i32
      %dma_wait3A_421 = tpu.memref_slice %arg6[%dma_wait3A_419, %add3A_366, %dma_wait3A_420] : memref<9x53248x128xf32, #tpu.memory_space<hbm>> -> memref<1x128x128xf32, #tpu.memory_space<hbm>>
      %dma_wait3A_422 = tpu.memref_squeeze %dma_wait3A_421 : memref<1x128x128xf32, #tpu.memory_space<hbm>> -> memref<128x128xf32, #tpu.memory_space<hbm>>
      %dma_wait3A_423 = arith.constant 0 : i32
      %dma_wait3A_424 = tpu.memref_slice %arg6[%dma_wait3A_419, %add3A_366, %dma_wait3A_423] : memref<9x53248x128xf32, #tpu.memory_space<hbm>> -> memref<1x128x128xf32, #tpu.memory_space<hbm>>
      %dma_wait3A_425 = tpu.memref_squeeze %dma_wait3A_424 : memref<1x128x128xf32, #tpu.memory_space<hbm>> -> memref<128x128xf32, #tpu.memory_space<hbm>>
      tpu.wait_dma2 semaphore(%arg23 : memref<!tpu.dma_semaphore, #tpu.memory_space<semaphore_mem>>) src(%arg15 : memref<128x128xf32, #tpu.memory_space<vmem>>) dst(%dma_wait3A_425 : memref<128x128xf32, #tpu.memory_space<hbm>>)
      %dma_wait3A_426 = arith.constant 4 : i32
      %dma_wait3A_427 = arith.constant 0 : i32
      %dma_wait3A_428 = tpu.memref_slice %arg6[%dma_wait3A_426, %add3A_381, %dma_wait3A_427] : memref<9x53248x128xf32, #tpu.memory_space<hbm>> -> memref<1x128x128xf32, #tpu.memory_space<hbm>>
      %dma_wait3A_429 = tpu.memref_squeeze %dma_wait3A_428 : memref<1x128x128xf32, #tpu.memory_space<hbm>> -> memref<128x128xf32, #tpu.memory_space<hbm>>
      %dma_wait3A_430 = arith.constant 0 : i32
      %dma_wait3A_431 = tpu.memref_slice %arg6[%dma_wait3A_426, %add3A_381, %dma_wait3A_430] : memref<9x53248x128xf32, #tpu.memory_space<hbm>> -> memref<1x128x128xf32, #tpu.memory_space<hbm>>
      %dma_wait3A_432 = tpu.memref_squeeze %dma_wait3A_431 : memref<1x128x128xf32, #tpu.memory_space<hbm>> -> memref<128x128xf32, #tpu.memory_space<hbm>>
      tpu.wait_dma2 semaphore(%arg23 : memref<!tpu.dma_semaphore, #tpu.memory_space<semaphore_mem>>) src(%arg16 : memref<128x128xf32, #tpu.memory_space<vmem>>) dst(%dma_wait3A_432 : memref<128x128xf32, #tpu.memory_space<hbm>>)
      %dma_wait3A_433 = arith.constant 4 : i32
      %dma_wait3A_434 = arith.constant 0 : i32
      %dma_wait3A_435 = tpu.memref_slice %arg6[%dma_wait3A_433, %add3A_396, %dma_wait3A_434] : memref<9x53248x128xf32, #tpu.memory_space<hbm>> -> memref<1x128x128xf32, #tpu.memory_space<hbm>>
      %dma_wait3A_436 = tpu.memref_squeeze %dma_wait3A_435 : memref<1x128x128xf32, #tpu.memory_space<hbm>> -> memref<128x128xf32, #tpu.memory_space<hbm>>
      %dma_wait3A_437 = arith.constant 0 : i32
      %dma_wait3A_438 = tpu.memref_slice %arg6[%dma_wait3A_433, %add3A_396, %dma_wait3A_437] : memref<9x53248x128xf32, #tpu.memory_space<hbm>> -> memref<1x128x128xf32, #tpu.memory_space<hbm>>
      %dma_wait3A_439 = tpu.memref_squeeze %dma_wait3A_438 : memref<1x128x128xf32, #tpu.memory_space<hbm>> -> memref<128x128xf32, #tpu.memory_space<hbm>>
      tpu.wait_dma2 semaphore(%arg23 : memref<!tpu.dma_semaphore, #tpu.memory_space<semaphore_mem>>) src(%arg17 : memref<128x128xf32, #tpu.memory_space<vmem>>) dst(%dma_wait3A_439 : memref<128x128xf32, #tpu.memory_space<hbm>>)
      %dma_wait3A_440 = arith.constant 4 : i32
      %dma_wait3A_441 = arith.constant 0 : i32
      %dma_wait3A_442 = tpu.memref_slice %arg6[%dma_wait3A_440, %add3A_411, %dma_wait3A_441] : memref<9x53248x128xf32, #tpu.memory_space<hbm>> -> memref<1x128x128xf32, #tpu.memory_space<hbm>>
      %dma_wait3A_443 = tpu.memref_squeeze %dma_wait3A_442 : memref<1x128x128xf32, #tpu.memory_space<hbm>> -> memref<128x128xf32, #tpu.memory_space<hbm>>
      %dma_wait3A_444 = arith.constant 0 : i32
      %dma_wait3A_445 = tpu.memref_slice %arg6[%dma_wait3A_440, %add3A_411, %dma_wait3A_444] : memref<9x53248x128xf32, #tpu.memory_space<hbm>> -> memref<1x128x128xf32, #tpu.memory_space<hbm>>
      %dma_wait3A_446 = tpu.memref_squeeze %dma_wait3A_445 : memref<1x128x128xf32, #tpu.memory_space<hbm>> -> memref<128x128xf32, #tpu.memory_space<hbm>>
      tpu.wait_dma2 semaphore(%arg23 : memref<!tpu.dma_semaphore, #tpu.memory_space<semaphore_mem>>) src(%arg18 : memref<128x128xf32, #tpu.memory_space<vmem>>) dst(%dma_wait3A_446 : memref<128x128xf32, #tpu.memory_space<hbm>>)
    }
    %scan3A_147 = arith.constant 3 : i32
    %scan3A_148 = arith.constant 0 : i32
    %scan3A_149 = arith.constant 0 : i32
    %scan3A_150 = arith.constant 8 : i32
    %scan3A_151 = arith.addi %scan3A_149, %scan3A_150 : i32
    %scan3A_152 = arith.constant 1 : i32
    scf.for %scan3A_312 = %scan3A_149 to %scan3A_151 step %scan3A_152  : i32 {
      %mul3A_313 = arith.constant 16 : i32
      %mul3A_314 = arith.muli %scan3A_312, %mul3A_313 : i32
      %add3A_315 = arith.constant 1536 : i32
      %add3A_316 = arith.addi %add3A_315, %mul3A_314 : i32
      %get3A = arith.index_cast %add3A_316 : i32 to index
      %get3A_317 = tpu.vector_load %arg10[%get3A] {strides = array<i32>} : memref<1664xi32, #tpu.memory_space<vmem>>, vector<16xi32>,
      %get3A_318 = vector.shape_cast %get3A_317 : vector<16xi32> to vector<16xi32>
      %add3A_319 = arith.constant 227 : i32
      %add3A_320 = vector.broadcast %add3A_319 : i32 to vector<16xi32>
      %add3A_321 = arith.addi %get3A_318, %add3A_320 : vector<16xi32>
      %swap3A = arith.index_cast %mul3A_314 : i32 to index
      %swap3A_322 = tpu.vector_load %arg11[%swap3A] {strides = array<i32>} : memref<128xi32, #tpu.memory_space<vmem>>, vector<16xi32>,
      %swap3A_323 = vector.shape_cast %swap3A_322 : vector<16xi32> to vector<16xi32>
      %swap3A_324 = vector.shape_cast %add3A_321 : vector<16xi32> to vector<16xi32>
      tpu.vector_store %arg11[%swap3A], %swap3A_324 {strides = array<i32>} : memref<128xi32, #tpu.memory_space<vmem>>, vector<16xi32>,
    }
    %scan3A_153 = arith.constant 8 : i32
    %dma_start3A_154 = arith.constant 0 : i32
    %dma_start3A_155 = arith.constant 0 : i32
    %dma_start3A_156 = tpu.memref_slice %arg2[%dma_start3A_154, %dma_start3A_155] : memref<204304x128xf32, #tpu.memory_space<hbm>> -> memref<204304x128xf32, #tpu.memory_space<hbm>>
    tpu.enqueue_indirect_dma source(%dma_start3A_156 : memref<204304x128xf32, #tpu.memory_space<hbm>>) target(%arg15 : memref<128x128xf32, #tpu.memory_space<vmem>>) offsets(%arg11 : memref<128xi32, #tpu.memory_space<vmem>>) semaphore(%arg19 : memref<!tpu.dma_semaphore, #tpu.memory_space<semaphore_mem>>)
    %dma_wait3A_157 = arith.constant 0 : i32
    %dma_wait3A_158 = arith.constant 0 : i32
    %dma_wait3A_159 = tpu.memref_slice %arg2[%dma_wait3A_157, %dma_wait3A_158] : memref<204304x128xf32, #tpu.memory_space<hbm>> -> memref<204304x128xf32, #tpu.memory_space<hbm>>
    tpu.wait_indirect_dma semaphore(%arg19 : memref<!tpu.dma_semaphore, #tpu.memory_space<semaphore_mem>>) src(%dma_wait3A_159 : memref<204304x128xf32, #tpu.memory_space<hbm>>) dst(%arg15 : memref<128x128xf32, #tpu.memory_space<vmem>>)
    %add3A_160 = arith.constant 1536 : i32
    %add3A_161 = arith.addi %mul3A_2, %add3A_160 : i32
    %dma_start3A_162 = arith.constant 4 : i32
    %dma_start3A_163 = arith.constant 0 : i32
    %dma_start3A_164 = tpu.memref_slice %arg6[%dma_start3A_162, %add3A_161, %dma_start3A_163] : memref<9x53248x128xf32, #tpu.memory_space<hbm>> -> memref<1x128x128xf32, #tpu.memory_space<hbm>>
    %dma_start3A_165 = tpu.memref_squeeze %dma_start3A_164 : memref<1x128x128xf32, #tpu.memory_space<hbm>> -> memref<128x128xf32, #tpu.memory_space<hbm>>
    %dma_start3A_166 = arith.constant 0 : i32
    %dma_start3A_167 = tpu.memref_slice %arg6[%dma_start3A_162, %add3A_161, %dma_start3A_166] : memref<9x53248x128xf32, #tpu.memory_space<hbm>> -> memref<1x128x128xf32, #tpu.memory_space<hbm>>
    %dma_start3A_168 = tpu.memref_squeeze %dma_start3A_167 : memref<1x128x128xf32, #tpu.memory_space<hbm>> -> memref<128x128xf32, #tpu.memory_space<hbm>>
    tpu.enqueue_dma source(%arg15 : memref<128x128xf32, #tpu.memory_space<vmem>>) target(%dma_start3A_168 : memref<128x128xf32, #tpu.memory_space<hbm>>) target_semaphore(%arg23 : memref<!tpu.dma_semaphore, #tpu.memory_space<semaphore_mem>>)
    %dma_wait3A_169 = arith.constant 4 : i32
    %dma_wait3A_170 = arith.constant 0 : i32
    %dma_wait3A_171 = tpu.memref_slice %arg6[%dma_wait3A_169, %add3A_161, %dma_wait3A_170] : memref<9x53248x128xf32, #tpu.memory_space<hbm>> -> memref<1x128x128xf32, #tpu.memory_space<hbm>>
    %dma_wait3A_172 = tpu.memref_squeeze %dma_wait3A_171 : memref<1x128x128xf32, #tpu.memory_space<hbm>> -> memref<128x128xf32, #tpu.memory_space<hbm>>
    %dma_wait3A_173 = arith.constant 0 : i32
    %dma_wait3A_174 = tpu.memref_slice %arg6[%dma_wait3A_169, %add3A_161, %dma_wait3A_173] : memref<9x53248x128xf32, #tpu.memory_space<hbm>> -> memref<1x128x128xf32, #tpu.memory_space<hbm>>
    %dma_wait3A_175 = tpu.memref_squeeze %dma_wait3A_174 : memref<1x128x128xf32, #tpu.memory_space<hbm>> -> memref<128x128xf32, #tpu.memory_space<hbm>>
    tpu.wait_dma2 semaphore(%arg23 : memref<!tpu.dma_semaphore, #tpu.memory_space<semaphore_mem>>) src(%arg15 : memref<128x128xf32, #tpu.memory_space<vmem>>) dst(%dma_wait3A_175 : memref<128x128xf32, #tpu.memory_space<hbm>>)
    %scan3A_176 = arith.constant 0 : i32
    %scan3A_177 = arith.constant 0 : i32
    %scan3A_178 = arith.constant 3 : i32
    %scan3A_179 = arith.addi %scan3A_177, %scan3A_178 : i32
    %scan3A_180 = arith.constant 1 : i32
    scf.for %scan3A_312 = %scan3A_177 to %scan3A_179 step %scan3A_180  : i32 {
      %mul3A_313 = arith.constant 4 : i32
      %mul3A_314 = arith.muli %scan3A_312, %mul3A_313 : i32
      %add3A_315 = arith.constant 0 : i32
      %add3A_316 = arith.addi %mul3A_314, %add3A_315 : i32
      %scan3A_317 = arith.constant 0 : i32
      %scan3A_318 = arith.constant 0 : i32
      %scan3A_319 = arith.constant 8 : i32
      %scan3A_320 = arith.addi %scan3A_318, %scan3A_319 : i32
      %scan3A_321 = arith.constant 1 : i32
      scf.for %scan3A_447 = %scan3A_318 to %scan3A_320 step %scan3A_321  : i32 {
        %mul3A_448 = arith.constant 16 : i32
        %mul3A_449 = arith.muli %scan3A_447, %mul3A_448 : i32
        %mul3A_450 = arith.constant 128 : i32
        %mul3A_451 = arith.muli %add3A_316, %mul3A_450 : i32
        %add3A_452 = arith.addi %mul3A_451, %mul3A_449 : i32
        %get3A = arith.index_cast %add3A_452 : i32 to index
        %get3A_453 = tpu.vector_load %arg10[%get3A] {strides = array<i32>} : memref<1664xi32, #tpu.memory_space<vmem>>, vector<16xi32>,
        %get3A_454 = vector.shape_cast %get3A_453 : vector<16xi32> to vector<16xi32>
        %add3A_455 = arith.constant 228 : i32
        %add3A_456 = vector.broadcast %add3A_455 : i32 to vector<16xi32>
        %add3A_457 = arith.addi %get3A_454, %add3A_456 : vector<16xi32>
        %swap3A = arith.index_cast %mul3A_449 : i32 to index
        %swap3A_458 = tpu.vector_load %arg11[%swap3A] {strides = array<i32>} : memref<128xi32, #tpu.memory_space<vmem>>, vector<16xi32>,
        %swap3A_459 = vector.shape_cast %swap3A_458 : vector<16xi32> to vector<16xi32>
        %swap3A_460 = vector.shape_cast %add3A_457 : vector<16xi32> to vector<16xi32>
        tpu.vector_store %arg11[%swap3A], %swap3A_460 {strides = array<i32>} : memref<128xi32, #tpu.memory_space<vmem>>, vector<16xi32>,
      }
      %scan3A_322 = arith.constant 8 : i32
      %dma_start3A_323 = arith.constant 0 : i32
      %dma_start3A_324 = arith.constant 0 : i32
      %dma_start3A_325 = tpu.memref_slice %arg2[%dma_start3A_323, %dma_start3A_324] : memref<204304x128xf32, #tpu.memory_space<hbm>> -> memref<204304x128xf32, #tpu.memory_space<hbm>>
      tpu.enqueue_indirect_dma source(%dma_start3A_325 : memref<204304x128xf32, #tpu.memory_space<hbm>>) target(%arg15 : memref<128x128xf32, #tpu.memory_space<vmem>>) offsets(%arg11 : memref<128xi32, #tpu.memory_space<vmem>>) semaphore(%arg19 : memref<!tpu.dma_semaphore, #tpu.memory_space<semaphore_mem>>)
      %add3A_326 = arith.constant 1 : i32
      %add3A_327 = arith.addi %mul3A_314, %add3A_326 : i32
      %scan3A_328 = arith.constant 0 : i32
      %scan3A_329 = arith.constant 0 : i32
      %scan3A_330 = arith.constant 8 : i32
      %scan3A_331 = arith.addi %scan3A_329, %scan3A_330 : i32
      %scan3A_332 = arith.constant 1 : i32
      scf.for %scan3A_447 = %scan3A_329 to %scan3A_331 step %scan3A_332  : i32 {
        %mul3A_448 = arith.constant 16 : i32
        %mul3A_449 = arith.muli %scan3A_447, %mul3A_448 : i32
        %mul3A_450 = arith.constant 128 : i32
        %mul3A_451 = arith.muli %add3A_327, %mul3A_450 : i32
        %add3A_452 = arith.addi %mul3A_451, %mul3A_449 : i32
        %get3A = arith.index_cast %add3A_452 : i32 to index
        %get3A_453 = tpu.vector_load %arg10[%get3A] {strides = array<i32>} : memref<1664xi32, #tpu.memory_space<vmem>>, vector<16xi32>,
        %get3A_454 = vector.shape_cast %get3A_453 : vector<16xi32> to vector<16xi32>
        %add3A_455 = arith.constant 228 : i32
        %add3A_456 = vector.broadcast %add3A_455 : i32 to vector<16xi32>
        %add3A_457 = arith.addi %get3A_454, %add3A_456 : vector<16xi32>
        %swap3A = arith.index_cast %mul3A_449 : i32 to index
        %swap3A_458 = tpu.vector_load %arg12[%swap3A] {strides = array<i32>} : memref<128xi32, #tpu.memory_space<vmem>>, vector<16xi32>,
        %swap3A_459 = vector.shape_cast %swap3A_458 : vector<16xi32> to vector<16xi32>
        %swap3A_460 = vector.shape_cast %add3A_457 : vector<16xi32> to vector<16xi32>
        tpu.vector_store %arg12[%swap3A], %swap3A_460 {strides = array<i32>} : memref<128xi32, #tpu.memory_space<vmem>>, vector<16xi32>,
      }
      %scan3A_333 = arith.constant 8 : i32
      %dma_start3A_334 = arith.constant 0 : i32
      %dma_start3A_335 = arith.constant 0 : i32
      %dma_start3A_336 = tpu.memref_slice %arg2[%dma_start3A_334, %dma_start3A_335] : memref<204304x128xf32, #tpu.memory_space<hbm>> -> memref<204304x128xf32, #tpu.memory_space<hbm>>
      tpu.enqueue_indirect_dma source(%dma_start3A_336 : memref<204304x128xf32, #tpu.memory_space<hbm>>) target(%arg16 : memref<128x128xf32, #tpu.memory_space<vmem>>) offsets(%arg12 : memref<128xi32, #tpu.memory_space<vmem>>) semaphore(%arg20 : memref<!tpu.dma_semaphore, #tpu.memory_space<semaphore_mem>>)
      %add3A_337 = arith.constant 2 : i32
      %add3A_338 = arith.addi %mul3A_314, %add3A_337 : i32
      %scan3A_339 = arith.constant 0 : i32
      %scan3A_340 = arith.constant 0 : i32
      %scan3A_341 = arith.constant 8 : i32
      %scan3A_342 = arith.addi %scan3A_340, %scan3A_341 : i32
      %scan3A_343 = arith.constant 1 : i32
      scf.for %scan3A_447 = %scan3A_340 to %scan3A_342 step %scan3A_343  : i32 {
        %mul3A_448 = arith.constant 16 : i32
        %mul3A_449 = arith.muli %scan3A_447, %mul3A_448 : i32
        %mul3A_450 = arith.constant 128 : i32
        %mul3A_451 = arith.muli %add3A_338, %mul3A_450 : i32
        %add3A_452 = arith.addi %mul3A_451, %mul3A_449 : i32
        %get3A = arith.index_cast %add3A_452 : i32 to index
        %get3A_453 = tpu.vector_load %arg10[%get3A] {strides = array<i32>} : memref<1664xi32, #tpu.memory_space<vmem>>, vector<16xi32>,
        %get3A_454 = vector.shape_cast %get3A_453 : vector<16xi32> to vector<16xi32>
        %add3A_455 = arith.constant 228 : i32
        %add3A_456 = vector.broadcast %add3A_455 : i32 to vector<16xi32>
        %add3A_457 = arith.addi %get3A_454, %add3A_456 : vector<16xi32>
        %swap3A = arith.index_cast %mul3A_449 : i32 to index
        %swap3A_458 = tpu.vector_load %arg13[%swap3A] {strides = array<i32>} : memref<128xi32, #tpu.memory_space<vmem>>, vector<16xi32>,
        %swap3A_459 = vector.shape_cast %swap3A_458 : vector<16xi32> to vector<16xi32>
        %swap3A_460 = vector.shape_cast %add3A_457 : vector<16xi32> to vector<16xi32>
        tpu.vector_store %arg13[%swap3A], %swap3A_460 {strides = array<i32>} : memref<128xi32, #tpu.memory_space<vmem>>, vector<16xi32>,
      }
      %scan3A_344 = arith.constant 8 : i32
      %dma_start3A_345 = arith.constant 0 : i32
      %dma_start3A_346 = arith.constant 0 : i32
      %dma_start3A_347 = tpu.memref_slice %arg2[%dma_start3A_345, %dma_start3A_346] : memref<204304x128xf32, #tpu.memory_space<hbm>> -> memref<204304x128xf32, #tpu.memory_space<hbm>>
      tpu.enqueue_indirect_dma source(%dma_start3A_347 : memref<204304x128xf32, #tpu.memory_space<hbm>>) target(%arg17 : memref<128x128xf32, #tpu.memory_space<vmem>>) offsets(%arg13 : memref<128xi32, #tpu.memory_space<vmem>>) semaphore(%arg21 : memref<!tpu.dma_semaphore, #tpu.memory_space<semaphore_mem>>)
      %add3A_348 = arith.constant 3 : i32
      %add3A_349 = arith.addi %mul3A_314, %add3A_348 : i32
      %scan3A_350 = arith.constant 0 : i32
      %scan3A_351 = arith.constant 0 : i32
      %scan3A_352 = arith.constant 8 : i32
      %scan3A_353 = arith.addi %scan3A_351, %scan3A_352 : i32
      %scan3A_354 = arith.constant 1 : i32
      scf.for %scan3A_447 = %scan3A_351 to %scan3A_353 step %scan3A_354  : i32 {
        %mul3A_448 = arith.constant 16 : i32
        %mul3A_449 = arith.muli %scan3A_447, %mul3A_448 : i32
        %mul3A_450 = arith.constant 128 : i32
        %mul3A_451 = arith.muli %add3A_349, %mul3A_450 : i32
        %add3A_452 = arith.addi %mul3A_451, %mul3A_449 : i32
        %get3A = arith.index_cast %add3A_452 : i32 to index
        %get3A_453 = tpu.vector_load %arg10[%get3A] {strides = array<i32>} : memref<1664xi32, #tpu.memory_space<vmem>>, vector<16xi32>,
        %get3A_454 = vector.shape_cast %get3A_453 : vector<16xi32> to vector<16xi32>
        %add3A_455 = arith.constant 228 : i32
        %add3A_456 = vector.broadcast %add3A_455 : i32 to vector<16xi32>
        %add3A_457 = arith.addi %get3A_454, %add3A_456 : vector<16xi32>
        %swap3A = arith.index_cast %mul3A_449 : i32 to index
        %swap3A_458 = tpu.vector_load %arg14[%swap3A] {strides = array<i32>} : memref<128xi32, #tpu.memory_space<vmem>>, vector<16xi32>,
        %swap3A_459 = vector.shape_cast %swap3A_458 : vector<16xi32> to vector<16xi32>
        %swap3A_460 = vector.shape_cast %add3A_457 : vector<16xi32> to vector<16xi32>
        tpu.vector_store %arg14[%swap3A], %swap3A_460 {strides = array<i32>} : memref<128xi32, #tpu.memory_space<vmem>>, vector<16xi32>,
      }
      %scan3A_355 = arith.constant 8 : i32
      %dma_start3A_356 = arith.constant 0 : i32
      %dma_start3A_357 = arith.constant 0 : i32
      %dma_start3A_358 = tpu.memref_slice %arg2[%dma_start3A_356, %dma_start3A_357] : memref<204304x128xf32, #tpu.memory_space<hbm>> -> memref<204304x128xf32, #tpu.memory_space<hbm>>
      tpu.enqueue_indirect_dma source(%dma_start3A_358 : memref<204304x128xf32, #tpu.memory_space<hbm>>) target(%arg18 : memref<128x128xf32, #tpu.memory_space<vmem>>) offsets(%arg14 : memref<128xi32, #tpu.memory_space<vmem>>) semaphore(%arg22 : memref<!tpu.dma_semaphore, #tpu.memory_space<semaphore_mem>>)
      %dma_wait3A_359 = arith.constant 0 : i32
      %dma_wait3A_360 = arith.constant 0 : i32
      %dma_wait3A_361 = tpu.memref_slice %arg2[%dma_wait3A_359, %dma_wait3A_360] : memref<204304x128xf32, #tpu.memory_space<hbm>> -> memref<204304x128xf32, #tpu.memory_space<hbm>>
      tpu.wait_indirect_dma semaphore(%arg19 : memref<!tpu.dma_semaphore, #tpu.memory_space<semaphore_mem>>) src(%dma_wait3A_361 : memref<204304x128xf32, #tpu.memory_space<hbm>>) dst(%arg15 : memref<128x128xf32, #tpu.memory_space<vmem>>)
      %add3A_362 = arith.constant 0 : i32
      %add3A_363 = arith.addi %mul3A_314, %add3A_362 : i32
      %mul3A_364 = arith.constant 128 : i32
      %mul3A_365 = arith.muli %add3A_363, %mul3A_364 : i32
      %add3A_366 = arith.addi %mul3A_2, %mul3A_365 : i32
      %dma_start3A_367 = arith.constant 5 : i32
      %dma_start3A_368 = arith.constant 0 : i32
      %dma_start3A_369 = tpu.memref_slice %arg6[%dma_start3A_367, %add3A_366, %dma_start3A_368] : memref<9x53248x128xf32, #tpu.memory_space<hbm>> -> memref<1x128x128xf32, #tpu.memory_space<hbm>>
      %dma_start3A_370 = tpu.memref_squeeze %dma_start3A_369 : memref<1x128x128xf32, #tpu.memory_space<hbm>> -> memref<128x128xf32, #tpu.memory_space<hbm>>
      %dma_start3A_371 = arith.constant 0 : i32
      %dma_start3A_372 = tpu.memref_slice %arg6[%dma_start3A_367, %add3A_366, %dma_start3A_371] : memref<9x53248x128xf32, #tpu.memory_space<hbm>> -> memref<1x128x128xf32, #tpu.memory_space<hbm>>
      %dma_start3A_373 = tpu.memref_squeeze %dma_start3A_372 : memref<1x128x128xf32, #tpu.memory_space<hbm>> -> memref<128x128xf32, #tpu.memory_space<hbm>>
      tpu.enqueue_dma source(%arg15 : memref<128x128xf32, #tpu.memory_space<vmem>>) target(%dma_start3A_373 : memref<128x128xf32, #tpu.memory_space<hbm>>) target_semaphore(%arg23 : memref<!tpu.dma_semaphore, #tpu.memory_space<semaphore_mem>>)
      %dma_wait3A_374 = arith.constant 0 : i32
      %dma_wait3A_375 = arith.constant 0 : i32
      %dma_wait3A_376 = tpu.memref_slice %arg2[%dma_wait3A_374, %dma_wait3A_375] : memref<204304x128xf32, #tpu.memory_space<hbm>> -> memref<204304x128xf32, #tpu.memory_space<hbm>>
      tpu.wait_indirect_dma semaphore(%arg20 : memref<!tpu.dma_semaphore, #tpu.memory_space<semaphore_mem>>) src(%dma_wait3A_376 : memref<204304x128xf32, #tpu.memory_space<hbm>>) dst(%arg16 : memref<128x128xf32, #tpu.memory_space<vmem>>)
      %add3A_377 = arith.constant 1 : i32
      %add3A_378 = arith.addi %mul3A_314, %add3A_377 : i32
      %mul3A_379 = arith.constant 128 : i32
      %mul3A_380 = arith.muli %add3A_378, %mul3A_379 : i32
      %add3A_381 = arith.addi %mul3A_2, %mul3A_380 : i32
      %dma_start3A_382 = arith.constant 5 : i32
      %dma_start3A_383 = arith.constant 0 : i32
      %dma_start3A_384 = tpu.memref_slice %arg6[%dma_start3A_382, %add3A_381, %dma_start3A_383] : memref<9x53248x128xf32, #tpu.memory_space<hbm>> -> memref<1x128x128xf32, #tpu.memory_space<hbm>>
      %dma_start3A_385 = tpu.memref_squeeze %dma_start3A_384 : memref<1x128x128xf32, #tpu.memory_space<hbm>> -> memref<128x128xf32, #tpu.memory_space<hbm>>
      %dma_start3A_386 = arith.constant 0 : i32
      %dma_start3A_387 = tpu.memref_slice %arg6[%dma_start3A_382, %add3A_381, %dma_start3A_386] : memref<9x53248x128xf32, #tpu.memory_space<hbm>> -> memref<1x128x128xf32, #tpu.memory_space<hbm>>
      %dma_start3A_388 = tpu.memref_squeeze %dma_start3A_387 : memref<1x128x128xf32, #tpu.memory_space<hbm>> -> memref<128x128xf32, #tpu.memory_space<hbm>>
      tpu.enqueue_dma source(%arg16 : memref<128x128xf32, #tpu.memory_space<vmem>>) target(%dma_start3A_388 : memref<128x128xf32, #tpu.memory_space<hbm>>) target_semaphore(%arg23 : memref<!tpu.dma_semaphore, #tpu.memory_space<semaphore_mem>>)
      %dma_wait3A_389 = arith.constant 0 : i32
      %dma_wait3A_390 = arith.constant 0 : i32
      %dma_wait3A_391 = tpu.memref_slice %arg2[%dma_wait3A_389, %dma_wait3A_390] : memref<204304x128xf32, #tpu.memory_space<hbm>> -> memref<204304x128xf32, #tpu.memory_space<hbm>>
      tpu.wait_indirect_dma semaphore(%arg21 : memref<!tpu.dma_semaphore, #tpu.memory_space<semaphore_mem>>) src(%dma_wait3A_391 : memref<204304x128xf32, #tpu.memory_space<hbm>>) dst(%arg17 : memref<128x128xf32, #tpu.memory_space<vmem>>)
      %add3A_392 = arith.constant 2 : i32
      %add3A_393 = arith.addi %mul3A_314, %add3A_392 : i32
      %mul3A_394 = arith.constant 128 : i32
      %mul3A_395 = arith.muli %add3A_393, %mul3A_394 : i32
      %add3A_396 = arith.addi %mul3A_2, %mul3A_395 : i32
      %dma_start3A_397 = arith.constant 5 : i32
      %dma_start3A_398 = arith.constant 0 : i32
      %dma_start3A_399 = tpu.memref_slice %arg6[%dma_start3A_397, %add3A_396, %dma_start3A_398] : memref<9x53248x128xf32, #tpu.memory_space<hbm>> -> memref<1x128x128xf32, #tpu.memory_space<hbm>>
      %dma_start3A_400 = tpu.memref_squeeze %dma_start3A_399 : memref<1x128x128xf32, #tpu.memory_space<hbm>> -> memref<128x128xf32, #tpu.memory_space<hbm>>
      %dma_start3A_401 = arith.constant 0 : i32
      %dma_start3A_402 = tpu.memref_slice %arg6[%dma_start3A_397, %add3A_396, %dma_start3A_401] : memref<9x53248x128xf32, #tpu.memory_space<hbm>> -> memref<1x128x128xf32, #tpu.memory_space<hbm>>
      %dma_start3A_403 = tpu.memref_squeeze %dma_start3A_402 : memref<1x128x128xf32, #tpu.memory_space<hbm>> -> memref<128x128xf32, #tpu.memory_space<hbm>>
      tpu.enqueue_dma source(%arg17 : memref<128x128xf32, #tpu.memory_space<vmem>>) target(%dma_start3A_403 : memref<128x128xf32, #tpu.memory_space<hbm>>) target_semaphore(%arg23 : memref<!tpu.dma_semaphore, #tpu.memory_space<semaphore_mem>>)
      %dma_wait3A_404 = arith.constant 0 : i32
      %dma_wait3A_405 = arith.constant 0 : i32
      %dma_wait3A_406 = tpu.memref_slice %arg2[%dma_wait3A_404, %dma_wait3A_405] : memref<204304x128xf32, #tpu.memory_space<hbm>> -> memref<204304x128xf32, #tpu.memory_space<hbm>>
      tpu.wait_indirect_dma semaphore(%arg22 : memref<!tpu.dma_semaphore, #tpu.memory_space<semaphore_mem>>) src(%dma_wait3A_406 : memref<204304x128xf32, #tpu.memory_space<hbm>>) dst(%arg18 : memref<128x128xf32, #tpu.memory_space<vmem>>)
      %add3A_407 = arith.constant 3 : i32
      %add3A_408 = arith.addi %mul3A_314, %add3A_407 : i32
      %mul3A_409 = arith.constant 128 : i32
      %mul3A_410 = arith.muli %add3A_408, %mul3A_409 : i32
      %add3A_411 = arith.addi %mul3A_2, %mul3A_410 : i32
      %dma_start3A_412 = arith.constant 5 : i32
      %dma_start3A_413 = arith.constant 0 : i32
      %dma_start3A_414 = tpu.memref_slice %arg6[%dma_start3A_412, %add3A_411, %dma_start3A_413] : memref<9x53248x128xf32, #tpu.memory_space<hbm>> -> memref<1x128x128xf32, #tpu.memory_space<hbm>>
      %dma_start3A_415 = tpu.memref_squeeze %dma_start3A_414 : memref<1x128x128xf32, #tpu.memory_space<hbm>> -> memref<128x128xf32, #tpu.memory_space<hbm>>
      %dma_start3A_416 = arith.constant 0 : i32
      %dma_start3A_417 = tpu.memref_slice %arg6[%dma_start3A_412, %add3A_411, %dma_start3A_416] : memref<9x53248x128xf32, #tpu.memory_space<hbm>> -> memref<1x128x128xf32, #tpu.memory_space<hbm>>
      %dma_start3A_418 = tpu.memref_squeeze %dma_start3A_417 : memref<1x128x128xf32, #tpu.memory_space<hbm>> -> memref<128x128xf32, #tpu.memory_space<hbm>>
      tpu.enqueue_dma source(%arg18 : memref<128x128xf32, #tpu.memory_space<vmem>>) target(%dma_start3A_418 : memref<128x128xf32, #tpu.memory_space<hbm>>) target_semaphore(%arg23 : memref<!tpu.dma_semaphore, #tpu.memory_space<semaphore_mem>>)
      %dma_wait3A_419 = arith.constant 5 : i32
      %dma_wait3A_420 = arith.constant 0 : i32
      %dma_wait3A_421 = tpu.memref_slice %arg6[%dma_wait3A_419, %add3A_366, %dma_wait3A_420] : memref<9x53248x128xf32, #tpu.memory_space<hbm>> -> memref<1x128x128xf32, #tpu.memory_space<hbm>>
      %dma_wait3A_422 = tpu.memref_squeeze %dma_wait3A_421 : memref<1x128x128xf32, #tpu.memory_space<hbm>> -> memref<128x128xf32, #tpu.memory_space<hbm>>
      %dma_wait3A_423 = arith.constant 0 : i32
      %dma_wait3A_424 = tpu.memref_slice %arg6[%dma_wait3A_419, %add3A_366, %dma_wait3A_423] : memref<9x53248x128xf32, #tpu.memory_space<hbm>> -> memref<1x128x128xf32, #tpu.memory_space<hbm>>
      %dma_wait3A_425 = tpu.memref_squeeze %dma_wait3A_424 : memref<1x128x128xf32, #tpu.memory_space<hbm>> -> memref<128x128xf32, #tpu.memory_space<hbm>>
      tpu.wait_dma2 semaphore(%arg23 : memref<!tpu.dma_semaphore, #tpu.memory_space<semaphore_mem>>) src(%arg15 : memref<128x128xf32, #tpu.memory_space<vmem>>) dst(%dma_wait3A_425 : memref<128x128xf32, #tpu.memory_space<hbm>>)
      %dma_wait3A_426 = arith.constant 5 : i32
      %dma_wait3A_427 = arith.constant 0 : i32
      %dma_wait3A_428 = tpu.memref_slice %arg6[%dma_wait3A_426, %add3A_381, %dma_wait3A_427] : memref<9x53248x128xf32, #tpu.memory_space<hbm>> -> memref<1x128x128xf32, #tpu.memory_space<hbm>>
      %dma_wait3A_429 = tpu.memref_squeeze %dma_wait3A_428 : memref<1x128x128xf32, #tpu.memory_space<hbm>> -> memref<128x128xf32, #tpu.memory_space<hbm>>
      %dma_wait3A_430 = arith.constant 0 : i32
      %dma_wait3A_431 = tpu.memref_slice %arg6[%dma_wait3A_426, %add3A_381, %dma_wait3A_430] : memref<9x53248x128xf32, #tpu.memory_space<hbm>> -> memref<1x128x128xf32, #tpu.memory_space<hbm>>
      %dma_wait3A_432 = tpu.memref_squeeze %dma_wait3A_431 : memref<1x128x128xf32, #tpu.memory_space<hbm>> -> memref<128x128xf32, #tpu.memory_space<hbm>>
      tpu.wait_dma2 semaphore(%arg23 : memref<!tpu.dma_semaphore, #tpu.memory_space<semaphore_mem>>) src(%arg16 : memref<128x128xf32, #tpu.memory_space<vmem>>) dst(%dma_wait3A_432 : memref<128x128xf32, #tpu.memory_space<hbm>>)
      %dma_wait3A_433 = arith.constant 5 : i32
      %dma_wait3A_434 = arith.constant 0 : i32
      %dma_wait3A_435 = tpu.memref_slice %arg6[%dma_wait3A_433, %add3A_396, %dma_wait3A_434] : memref<9x53248x128xf32, #tpu.memory_space<hbm>> -> memref<1x128x128xf32, #tpu.memory_space<hbm>>
      %dma_wait3A_436 = tpu.memref_squeeze %dma_wait3A_435 : memref<1x128x128xf32, #tpu.memory_space<hbm>> -> memref<128x128xf32, #tpu.memory_space<hbm>>
      %dma_wait3A_437 = arith.constant 0 : i32
      %dma_wait3A_438 = tpu.memref_slice %arg6[%dma_wait3A_433, %add3A_396, %dma_wait3A_437] : memref<9x53248x128xf32, #tpu.memory_space<hbm>> -> memref<1x128x128xf32, #tpu.memory_space<hbm>>
      %dma_wait3A_439 = tpu.memref_squeeze %dma_wait3A_438 : memref<1x128x128xf32, #tpu.memory_space<hbm>> -> memref<128x128xf32, #tpu.memory_space<hbm>>
      tpu.wait_dma2 semaphore(%arg23 : memref<!tpu.dma_semaphore, #tpu.memory_space<semaphore_mem>>) src(%arg17 : memref<128x128xf32, #tpu.memory_space<vmem>>) dst(%dma_wait3A_439 : memref<128x128xf32, #tpu.memory_space<hbm>>)
      %dma_wait3A_440 = arith.constant 5 : i32
      %dma_wait3A_441 = arith.constant 0 : i32
      %dma_wait3A_442 = tpu.memref_slice %arg6[%dma_wait3A_440, %add3A_411, %dma_wait3A_441] : memref<9x53248x128xf32, #tpu.memory_space<hbm>> -> memref<1x128x128xf32, #tpu.memory_space<hbm>>
      %dma_wait3A_443 = tpu.memref_squeeze %dma_wait3A_442 : memref<1x128x128xf32, #tpu.memory_space<hbm>> -> memref<128x128xf32, #tpu.memory_space<hbm>>
      %dma_wait3A_444 = arith.constant 0 : i32
      %dma_wait3A_445 = tpu.memref_slice %arg6[%dma_wait3A_440, %add3A_411, %dma_wait3A_444] : memref<9x53248x128xf32, #tpu.memory_space<hbm>> -> memref<1x128x128xf32, #tpu.memory_space<hbm>>
      %dma_wait3A_446 = tpu.memref_squeeze %dma_wait3A_445 : memref<1x128x128xf32, #tpu.memory_space<hbm>> -> memref<128x128xf32, #tpu.memory_space<hbm>>
      tpu.wait_dma2 semaphore(%arg23 : memref<!tpu.dma_semaphore, #tpu.memory_space<semaphore_mem>>) src(%arg18 : memref<128x128xf32, #tpu.memory_space<vmem>>) dst(%dma_wait3A_446 : memref<128x128xf32, #tpu.memory_space<hbm>>)
    }
    %scan3A_181 = arith.constant 3 : i32
    %scan3A_182 = arith.constant 0 : i32
    %scan3A_183 = arith.constant 0 : i32
    %scan3A_184 = arith.constant 8 : i32
    %scan3A_185 = arith.addi %scan3A_183, %scan3A_184 : i32
    %scan3A_186 = arith.constant 1 : i32
    scf.for %scan3A_312 = %scan3A_183 to %scan3A_185 step %scan3A_186  : i32 {
      %mul3A_313 = arith.constant 16 : i32
      %mul3A_314 = arith.muli %scan3A_312, %mul3A_313 : i32
      %add3A_315 = arith.constant 1536 : i32
      %add3A_316 = arith.addi %add3A_315, %mul3A_314 : i32
      %get3A = arith.index_cast %add3A_316 : i32 to index
      %get3A_317 = tpu.vector_load %arg10[%get3A] {strides = array<i32>} : memref<1664xi32, #tpu.memory_space<vmem>>, vector<16xi32>,
      %get3A_318 = vector.shape_cast %get3A_317 : vector<16xi32> to vector<16xi32>
      %add3A_319 = arith.constant 228 : i32
      %add3A_320 = vector.broadcast %add3A_319 : i32 to vector<16xi32>
      %add3A_321 = arith.addi %get3A_318, %add3A_320 : vector<16xi32>
      %swap3A = arith.index_cast %mul3A_314 : i32 to index
      %swap3A_322 = tpu.vector_load %arg11[%swap3A] {strides = array<i32>} : memref<128xi32, #tpu.memory_space<vmem>>, vector<16xi32>,
      %swap3A_323 = vector.shape_cast %swap3A_322 : vector<16xi32> to vector<16xi32>
      %swap3A_324 = vector.shape_cast %add3A_321 : vector<16xi32> to vector<16xi32>
      tpu.vector_store %arg11[%swap3A], %swap3A_324 {strides = array<i32>} : memref<128xi32, #tpu.memory_space<vmem>>, vector<16xi32>,
    }
    %scan3A_187 = arith.constant 8 : i32
    %dma_start3A_188 = arith.constant 0 : i32
    %dma_start3A_189 = arith.constant 0 : i32
    %dma_start3A_190 = tpu.memref_slice %arg2[%dma_start3A_188, %dma_start3A_189] : memref<204304x128xf32, #tpu.memory_space<hbm>> -> memref<204304x128xf32, #tpu.memory_space<hbm>>
    tpu.enqueue_indirect_dma source(%dma_start3A_190 : memref<204304x128xf32, #tpu.memory_space<hbm>>) target(%arg15 : memref<128x128xf32, #tpu.memory_space<vmem>>) offsets(%arg11 : memref<128xi32, #tpu.memory_space<vmem>>) semaphore(%arg19 : memref<!tpu.dma_semaphore, #tpu.memory_space<semaphore_mem>>)
    %dma_wait3A_191 = arith.constant 0 : i32
    %dma_wait3A_192 = arith.constant 0 : i32
    %dma_wait3A_193 = tpu.memref_slice %arg2[%dma_wait3A_191, %dma_wait3A_192] : memref<204304x128xf32, #tpu.memory_space<hbm>> -> memref<204304x128xf32, #tpu.memory_space<hbm>>
    tpu.wait_indirect_dma semaphore(%arg19 : memref<!tpu.dma_semaphore, #tpu.memory_space<semaphore_mem>>) src(%dma_wait3A_193 : memref<204304x128xf32, #tpu.memory_space<hbm>>) dst(%arg15 : memref<128x128xf32, #tpu.memory_space<vmem>>)
    %add3A_194 = arith.constant 1536 : i32
    %add3A_195 = arith.addi %mul3A_2, %add3A_194 : i32
    %dma_start3A_196 = arith.constant 5 : i32
    %dma_start3A_197 = arith.constant 0 : i32
    %dma_start3A_198 = tpu.memref_slice %arg6[%dma_start3A_196, %add3A_195, %dma_start3A_197] : memref<9x53248x128xf32, #tpu.memory_space<hbm>> -> memref<1x128x128xf32, #tpu.memory_space<hbm>>
    %dma_start3A_199 = tpu.memref_squeeze %dma_start3A_198 : memref<1x128x128xf32, #tpu.memory_space<hbm>> -> memref<128x128xf32, #tpu.memory_space<hbm>>
    %dma_start3A_200 = arith.constant 0 : i32
    %dma_start3A_201 = tpu.memref_slice %arg6[%dma_start3A_196, %add3A_195, %dma_start3A_200] : memref<9x53248x128xf32, #tpu.memory_space<hbm>> -> memref<1x128x128xf32, #tpu.memory_space<hbm>>
    %dma_start3A_202 = tpu.memref_squeeze %dma_start3A_201 : memref<1x128x128xf32, #tpu.memory_space<hbm>> -> memref<128x128xf32, #tpu.memory_space<hbm>>
    tpu.enqueue_dma source(%arg15 : memref<128x128xf32, #tpu.memory_space<vmem>>) target(%dma_start3A_202 : memref<128x128xf32, #tpu.memory_space<hbm>>) target_semaphore(%arg23 : memref<!tpu.dma_semaphore, #tpu.memory_space<semaphore_mem>>)
    %dma_wait3A_203 = arith.constant 5 : i32
    %dma_wait3A_204 = arith.constant 0 : i32
    %dma_wait3A_205 = tpu.memref_slice %arg6[%dma_wait3A_203, %add3A_195, %dma_wait3A_204] : memref<9x53248x128xf32, #tpu.memory_space<hbm>> -> memref<1x128x128xf32, #tpu.memory_space<hbm>>
    %dma_wait3A_206 = tpu.memref_squeeze %dma_wait3A_205 : memref<1x128x128xf32, #tpu.memory_space<hbm>> -> memref<128x128xf32, #tpu.memory_space<hbm>>
    %dma_wait3A_207 = arith.constant 0 : i32
    %dma_wait3A_208 = tpu.memref_slice %arg6[%dma_wait3A_203, %add3A_195, %dma_wait3A_207] : memref<9x53248x128xf32, #tpu.memory_space<hbm>> -> memref<1x128x128xf32, #tpu.memory_space<hbm>>
    %dma_wait3A_209 = tpu.memref_squeeze %dma_wait3A_208 : memref<1x128x128xf32, #tpu.memory_space<hbm>> -> memref<128x128xf32, #tpu.memory_space<hbm>>
    tpu.wait_dma2 semaphore(%arg23 : memref<!tpu.dma_semaphore, #tpu.memory_space<semaphore_mem>>) src(%arg15 : memref<128x128xf32, #tpu.memory_space<vmem>>) dst(%dma_wait3A_209 : memref<128x128xf32, #tpu.memory_space<hbm>>)
    %scan3A_210 = arith.constant 0 : i32
    %scan3A_211 = arith.constant 0 : i32
    %scan3A_212 = arith.constant 3 : i32
    %scan3A_213 = arith.addi %scan3A_211, %scan3A_212 : i32
    %scan3A_214 = arith.constant 1 : i32
    scf.for %scan3A_312 = %scan3A_211 to %scan3A_213 step %scan3A_214  : i32 {
      %mul3A_313 = arith.constant 4 : i32
      %mul3A_314 = arith.muli %scan3A_312, %mul3A_313 : i32
      %add3A_315 = arith.constant 0 : i32
      %add3A_316 = arith.addi %mul3A_314, %add3A_315 : i32
      %scan3A_317 = arith.constant 0 : i32
      %scan3A_318 = arith.constant 0 : i32
      %scan3A_319 = arith.constant 8 : i32
      %scan3A_320 = arith.addi %scan3A_318, %scan3A_319 : i32
      %scan3A_321 = arith.constant 1 : i32
      scf.for %scan3A_447 = %scan3A_318 to %scan3A_320 step %scan3A_321  : i32 {
        %mul3A_448 = arith.constant 16 : i32
        %mul3A_449 = arith.muli %scan3A_447, %mul3A_448 : i32
        %mul3A_450 = arith.constant 128 : i32
        %mul3A_451 = arith.muli %add3A_316, %mul3A_450 : i32
        %add3A_452 = arith.addi %mul3A_451, %mul3A_449 : i32
        %get3A = arith.index_cast %add3A_452 : i32 to index
        %get3A_453 = tpu.vector_load %arg10[%get3A] {strides = array<i32>} : memref<1664xi32, #tpu.memory_space<vmem>>, vector<16xi32>,
        %get3A_454 = vector.shape_cast %get3A_453 : vector<16xi32> to vector<16xi32>
        %add3A_455 = arith.constant 452 : i32
        %add3A_456 = vector.broadcast %add3A_455 : i32 to vector<16xi32>
        %add3A_457 = arith.addi %get3A_454, %add3A_456 : vector<16xi32>
        %swap3A = arith.index_cast %mul3A_449 : i32 to index
        %swap3A_458 = tpu.vector_load %arg11[%swap3A] {strides = array<i32>} : memref<128xi32, #tpu.memory_space<vmem>>, vector<16xi32>,
        %swap3A_459 = vector.shape_cast %swap3A_458 : vector<16xi32> to vector<16xi32>
        %swap3A_460 = vector.shape_cast %add3A_457 : vector<16xi32> to vector<16xi32>
        tpu.vector_store %arg11[%swap3A], %swap3A_460 {strides = array<i32>} : memref<128xi32, #tpu.memory_space<vmem>>, vector<16xi32>,
      }
      %scan3A_322 = arith.constant 8 : i32
      %dma_start3A_323 = arith.constant 0 : i32
      %dma_start3A_324 = arith.constant 0 : i32
      %dma_start3A_325 = tpu.memref_slice %arg2[%dma_start3A_323, %dma_start3A_324] : memref<204304x128xf32, #tpu.memory_space<hbm>> -> memref<204304x128xf32, #tpu.memory_space<hbm>>
      tpu.enqueue_indirect_dma source(%dma_start3A_325 : memref<204304x128xf32, #tpu.memory_space<hbm>>) target(%arg15 : memref<128x128xf32, #tpu.memory_space<vmem>>) offsets(%arg11 : memref<128xi32, #tpu.memory_space<vmem>>) semaphore(%arg19 : memref<!tpu.dma_semaphore, #tpu.memory_space<semaphore_mem>>)
      %add3A_326 = arith.constant 1 : i32
      %add3A_327 = arith.addi %mul3A_314, %add3A_326 : i32
      %scan3A_328 = arith.constant 0 : i32
      %scan3A_329 = arith.constant 0 : i32
      %scan3A_330 = arith.constant 8 : i32
      %scan3A_331 = arith.addi %scan3A_329, %scan3A_330 : i32
      %scan3A_332 = arith.constant 1 : i32
      scf.for %scan3A_447 = %scan3A_329 to %scan3A_331 step %scan3A_332  : i32 {
        %mul3A_448 = arith.constant 16 : i32
        %mul3A_449 = arith.muli %scan3A_447, %mul3A_448 : i32
        %mul3A_450 = arith.constant 128 : i32
        %mul3A_451 = arith.muli %add3A_327, %mul3A_450 : i32
        %add3A_452 = arith.addi %mul3A_451, %mul3A_449 : i32
        %get3A = arith.index_cast %add3A_452 : i32 to index
        %get3A_453 = tpu.vector_load %arg10[%get3A] {strides = array<i32>} : memref<1664xi32, #tpu.memory_space<vmem>>, vector<16xi32>,
        %get3A_454 = vector.shape_cast %get3A_453 : vector<16xi32> to vector<16xi32>
        %add3A_455 = arith.constant 452 : i32
        %add3A_456 = vector.broadcast %add3A_455 : i32 to vector<16xi32>
        %add3A_457 = arith.addi %get3A_454, %add3A_456 : vector<16xi32>
        %swap3A = arith.index_cast %mul3A_449 : i32 to index
        %swap3A_458 = tpu.vector_load %arg12[%swap3A] {strides = array<i32>} : memref<128xi32, #tpu.memory_space<vmem>>, vector<16xi32>,
        %swap3A_459 = vector.shape_cast %swap3A_458 : vector<16xi32> to vector<16xi32>
        %swap3A_460 = vector.shape_cast %add3A_457 : vector<16xi32> to vector<16xi32>
        tpu.vector_store %arg12[%swap3A], %swap3A_460 {strides = array<i32>} : memref<128xi32, #tpu.memory_space<vmem>>, vector<16xi32>,
      }
      %scan3A_333 = arith.constant 8 : i32
      %dma_start3A_334 = arith.constant 0 : i32
      %dma_start3A_335 = arith.constant 0 : i32
      %dma_start3A_336 = tpu.memref_slice %arg2[%dma_start3A_334, %dma_start3A_335] : memref<204304x128xf32, #tpu.memory_space<hbm>> -> memref<204304x128xf32, #tpu.memory_space<hbm>>
      tpu.enqueue_indirect_dma source(%dma_start3A_336 : memref<204304x128xf32, #tpu.memory_space<hbm>>) target(%arg16 : memref<128x128xf32, #tpu.memory_space<vmem>>) offsets(%arg12 : memref<128xi32, #tpu.memory_space<vmem>>) semaphore(%arg20 : memref<!tpu.dma_semaphore, #tpu.memory_space<semaphore_mem>>)
      %add3A_337 = arith.constant 2 : i32
      %add3A_338 = arith.addi %mul3A_314, %add3A_337 : i32
      %scan3A_339 = arith.constant 0 : i32
      %scan3A_340 = arith.constant 0 : i32
      %scan3A_341 = arith.constant 8 : i32
      %scan3A_342 = arith.addi %scan3A_340, %scan3A_341 : i32
      %scan3A_343 = arith.constant 1 : i32
      scf.for %scan3A_447 = %scan3A_340 to %scan3A_342 step %scan3A_343  : i32 {
        %mul3A_448 = arith.constant 16 : i32
        %mul3A_449 = arith.muli %scan3A_447, %mul3A_448 : i32
        %mul3A_450 = arith.constant 128 : i32
        %mul3A_451 = arith.muli %add3A_338, %mul3A_450 : i32
        %add3A_452 = arith.addi %mul3A_451, %mul3A_449 : i32
        %get3A = arith.index_cast %add3A_452 : i32 to index
        %get3A_453 = tpu.vector_load %arg10[%get3A] {strides = array<i32>} : memref<1664xi32, #tpu.memory_space<vmem>>, vector<16xi32>,
        %get3A_454 = vector.shape_cast %get3A_453 : vector<16xi32> to vector<16xi32>
        %add3A_455 = arith.constant 452 : i32
        %add3A_456 = vector.broadcast %add3A_455 : i32 to vector<16xi32>
        %add3A_457 = arith.addi %get3A_454, %add3A_456 : vector<16xi32>
        %swap3A = arith.index_cast %mul3A_449 : i32 to index
        %swap3A_458 = tpu.vector_load %arg13[%swap3A] {strides = array<i32>} : memref<128xi32, #tpu.memory_space<vmem>>, vector<16xi32>,
        %swap3A_459 = vector.shape_cast %swap3A_458 : vector<16xi32> to vector<16xi32>
        %swap3A_460 = vector.shape_cast %add3A_457 : vector<16xi32> to vector<16xi32>
        tpu.vector_store %arg13[%swap3A], %swap3A_460 {strides = array<i32>} : memref<128xi32, #tpu.memory_space<vmem>>, vector<16xi32>,
      }
      %scan3A_344 = arith.constant 8 : i32
      %dma_start3A_345 = arith.constant 0 : i32
      %dma_start3A_346 = arith.constant 0 : i32
      %dma_start3A_347 = tpu.memref_slice %arg2[%dma_start3A_345, %dma_start3A_346] : memref<204304x128xf32, #tpu.memory_space<hbm>> -> memref<204304x128xf32, #tpu.memory_space<hbm>>
      tpu.enqueue_indirect_dma source(%dma_start3A_347 : memref<204304x128xf32, #tpu.memory_space<hbm>>) target(%arg17 : memref<128x128xf32, #tpu.memory_space<vmem>>) offsets(%arg13 : memref<128xi32, #tpu.memory_space<vmem>>) semaphore(%arg21 : memref<!tpu.dma_semaphore, #tpu.memory_space<semaphore_mem>>)
      %add3A_348 = arith.constant 3 : i32
      %add3A_349 = arith.addi %mul3A_314, %add3A_348 : i32
      %scan3A_350 = arith.constant 0 : i32
      %scan3A_351 = arith.constant 0 : i32
      %scan3A_352 = arith.constant 8 : i32
      %scan3A_353 = arith.addi %scan3A_351, %scan3A_352 : i32
      %scan3A_354 = arith.constant 1 : i32
      scf.for %scan3A_447 = %scan3A_351 to %scan3A_353 step %scan3A_354  : i32 {
        %mul3A_448 = arith.constant 16 : i32
        %mul3A_449 = arith.muli %scan3A_447, %mul3A_448 : i32
        %mul3A_450 = arith.constant 128 : i32
        %mul3A_451 = arith.muli %add3A_349, %mul3A_450 : i32
        %add3A_452 = arith.addi %mul3A_451, %mul3A_449 : i32
        %get3A = arith.index_cast %add3A_452 : i32 to index
        %get3A_453 = tpu.vector_load %arg10[%get3A] {strides = array<i32>} : memref<1664xi32, #tpu.memory_space<vmem>>, vector<16xi32>,
        %get3A_454 = vector.shape_cast %get3A_453 : vector<16xi32> to vector<16xi32>
        %add3A_455 = arith.constant 452 : i32
        %add3A_456 = vector.broadcast %add3A_455 : i32 to vector<16xi32>
        %add3A_457 = arith.addi %get3A_454, %add3A_456 : vector<16xi32>
        %swap3A = arith.index_cast %mul3A_449 : i32 to index
        %swap3A_458 = tpu.vector_load %arg14[%swap3A] {strides = array<i32>} : memref<128xi32, #tpu.memory_space<vmem>>, vector<16xi32>,
        %swap3A_459 = vector.shape_cast %swap3A_458 : vector<16xi32> to vector<16xi32>
        %swap3A_460 = vector.shape_cast %add3A_457 : vector<16xi32> to vector<16xi32>
        tpu.vector_store %arg14[%swap3A], %swap3A_460 {strides = array<i32>} : memref<128xi32, #tpu.memory_space<vmem>>, vector<16xi32>,
      }
      %scan3A_355 = arith.constant 8 : i32
      %dma_start3A_356 = arith.constant 0 : i32
      %dma_start3A_357 = arith.constant 0 : i32
      %dma_start3A_358 = tpu.memref_slice %arg2[%dma_start3A_356, %dma_start3A_357] : memref<204304x128xf32, #tpu.memory_space<hbm>> -> memref<204304x128xf32, #tpu.memory_space<hbm>>
      tpu.enqueue_indirect_dma source(%dma_start3A_358 : memref<204304x128xf32, #tpu.memory_space<hbm>>) target(%arg18 : memref<128x128xf32, #tpu.memory_space<vmem>>) offsets(%arg14 : memref<128xi32, #tpu.memory_space<vmem>>) semaphore(%arg22 : memref<!tpu.dma_semaphore, #tpu.memory_space<semaphore_mem>>)
      %dma_wait3A_359 = arith.constant 0 : i32
      %dma_wait3A_360 = arith.constant 0 : i32
      %dma_wait3A_361 = tpu.memref_slice %arg2[%dma_wait3A_359, %dma_wait3A_360] : memref<204304x128xf32, #tpu.memory_space<hbm>> -> memref<204304x128xf32, #tpu.memory_space<hbm>>
      tpu.wait_indirect_dma semaphore(%arg19 : memref<!tpu.dma_semaphore, #tpu.memory_space<semaphore_mem>>) src(%dma_wait3A_361 : memref<204304x128xf32, #tpu.memory_space<hbm>>) dst(%arg15 : memref<128x128xf32, #tpu.memory_space<vmem>>)
      %add3A_362 = arith.constant 0 : i32
      %add3A_363 = arith.addi %mul3A_314, %add3A_362 : i32
      %mul3A_364 = arith.constant 128 : i32
      %mul3A_365 = arith.muli %add3A_363, %mul3A_364 : i32
      %add3A_366 = arith.addi %mul3A_2, %mul3A_365 : i32
      %dma_start3A_367 = arith.constant 6 : i32
      %dma_start3A_368 = arith.constant 0 : i32
      %dma_start3A_369 = tpu.memref_slice %arg6[%dma_start3A_367, %add3A_366, %dma_start3A_368] : memref<9x53248x128xf32, #tpu.memory_space<hbm>> -> memref<1x128x128xf32, #tpu.memory_space<hbm>>
      %dma_start3A_370 = tpu.memref_squeeze %dma_start3A_369 : memref<1x128x128xf32, #tpu.memory_space<hbm>> -> memref<128x128xf32, #tpu.memory_space<hbm>>
      %dma_start3A_371 = arith.constant 0 : i32
      %dma_start3A_372 = tpu.memref_slice %arg6[%dma_start3A_367, %add3A_366, %dma_start3A_371] : memref<9x53248x128xf32, #tpu.memory_space<hbm>> -> memref<1x128x128xf32, #tpu.memory_space<hbm>>
      %dma_start3A_373 = tpu.memref_squeeze %dma_start3A_372 : memref<1x128x128xf32, #tpu.memory_space<hbm>> -> memref<128x128xf32, #tpu.memory_space<hbm>>
      tpu.enqueue_dma source(%arg15 : memref<128x128xf32, #tpu.memory_space<vmem>>) target(%dma_start3A_373 : memref<128x128xf32, #tpu.memory_space<hbm>>) target_semaphore(%arg23 : memref<!tpu.dma_semaphore, #tpu.memory_space<semaphore_mem>>)
      %dma_wait3A_374 = arith.constant 0 : i32
      %dma_wait3A_375 = arith.constant 0 : i32
      %dma_wait3A_376 = tpu.memref_slice %arg2[%dma_wait3A_374, %dma_wait3A_375] : memref<204304x128xf32, #tpu.memory_space<hbm>> -> memref<204304x128xf32, #tpu.memory_space<hbm>>
      tpu.wait_indirect_dma semaphore(%arg20 : memref<!tpu.dma_semaphore, #tpu.memory_space<semaphore_mem>>) src(%dma_wait3A_376 : memref<204304x128xf32, #tpu.memory_space<hbm>>) dst(%arg16 : memref<128x128xf32, #tpu.memory_space<vmem>>)
      %add3A_377 = arith.constant 1 : i32
      %add3A_378 = arith.addi %mul3A_314, %add3A_377 : i32
      %mul3A_379 = arith.constant 128 : i32
      %mul3A_380 = arith.muli %add3A_378, %mul3A_379 : i32
      %add3A_381 = arith.addi %mul3A_2, %mul3A_380 : i32
      %dma_start3A_382 = arith.constant 6 : i32
      %dma_start3A_383 = arith.constant 0 : i32
      %dma_start3A_384 = tpu.memref_slice %arg6[%dma_start3A_382, %add3A_381, %dma_start3A_383] : memref<9x53248x128xf32, #tpu.memory_space<hbm>> -> memref<1x128x128xf32, #tpu.memory_space<hbm>>
      %dma_start3A_385 = tpu.memref_squeeze %dma_start3A_384 : memref<1x128x128xf32, #tpu.memory_space<hbm>> -> memref<128x128xf32, #tpu.memory_space<hbm>>
      %dma_start3A_386 = arith.constant 0 : i32
      %dma_start3A_387 = tpu.memref_slice %arg6[%dma_start3A_382, %add3A_381, %dma_start3A_386] : memref<9x53248x128xf32, #tpu.memory_space<hbm>> -> memref<1x128x128xf32, #tpu.memory_space<hbm>>
      %dma_start3A_388 = tpu.memref_squeeze %dma_start3A_387 : memref<1x128x128xf32, #tpu.memory_space<hbm>> -> memref<128x128xf32, #tpu.memory_space<hbm>>
      tpu.enqueue_dma source(%arg16 : memref<128x128xf32, #tpu.memory_space<vmem>>) target(%dma_start3A_388 : memref<128x128xf32, #tpu.memory_space<hbm>>) target_semaphore(%arg23 : memref<!tpu.dma_semaphore, #tpu.memory_space<semaphore_mem>>)
      %dma_wait3A_389 = arith.constant 0 : i32
      %dma_wait3A_390 = arith.constant 0 : i32
      %dma_wait3A_391 = tpu.memref_slice %arg2[%dma_wait3A_389, %dma_wait3A_390] : memref<204304x128xf32, #tpu.memory_space<hbm>> -> memref<204304x128xf32, #tpu.memory_space<hbm>>
      tpu.wait_indirect_dma semaphore(%arg21 : memref<!tpu.dma_semaphore, #tpu.memory_space<semaphore_mem>>) src(%dma_wait3A_391 : memref<204304x128xf32, #tpu.memory_space<hbm>>) dst(%arg17 : memref<128x128xf32, #tpu.memory_space<vmem>>)
      %add3A_392 = arith.constant 2 : i32
      %add3A_393 = arith.addi %mul3A_314, %add3A_392 : i32
      %mul3A_394 = arith.constant 128 : i32
      %mul3A_395 = arith.muli %add3A_393, %mul3A_394 : i32
      %add3A_396 = arith.addi %mul3A_2, %mul3A_395 : i32
      %dma_start3A_397 = arith.constant 6 : i32
      %dma_start3A_398 = arith.constant 0 : i32
      %dma_start3A_399 = tpu.memref_slice %arg6[%dma_start3A_397, %add3A_396, %dma_start3A_398] : memref<9x53248x128xf32, #tpu.memory_space<hbm>> -> memref<1x128x128xf32, #tpu.memory_space<hbm>>
      %dma_start3A_400 = tpu.memref_squeeze %dma_start3A_399 : memref<1x128x128xf32, #tpu.memory_space<hbm>> -> memref<128x128xf32, #tpu.memory_space<hbm>>
      %dma_start3A_401 = arith.constant 0 : i32
      %dma_start3A_402 = tpu.memref_slice %arg6[%dma_start3A_397, %add3A_396, %dma_start3A_401] : memref<9x53248x128xf32, #tpu.memory_space<hbm>> -> memref<1x128x128xf32, #tpu.memory_space<hbm>>
      %dma_start3A_403 = tpu.memref_squeeze %dma_start3A_402 : memref<1x128x128xf32, #tpu.memory_space<hbm>> -> memref<128x128xf32, #tpu.memory_space<hbm>>
      tpu.enqueue_dma source(%arg17 : memref<128x128xf32, #tpu.memory_space<vmem>>) target(%dma_start3A_403 : memref<128x128xf32, #tpu.memory_space<hbm>>) target_semaphore(%arg23 : memref<!tpu.dma_semaphore, #tpu.memory_space<semaphore_mem>>)
      %dma_wait3A_404 = arith.constant 0 : i32
      %dma_wait3A_405 = arith.constant 0 : i32
      %dma_wait3A_406 = tpu.memref_slice %arg2[%dma_wait3A_404, %dma_wait3A_405] : memref<204304x128xf32, #tpu.memory_space<hbm>> -> memref<204304x128xf32, #tpu.memory_space<hbm>>
      tpu.wait_indirect_dma semaphore(%arg22 : memref<!tpu.dma_semaphore, #tpu.memory_space<semaphore_mem>>) src(%dma_wait3A_406 : memref<204304x128xf32, #tpu.memory_space<hbm>>) dst(%arg18 : memref<128x128xf32, #tpu.memory_space<vmem>>)
      %add3A_407 = arith.constant 3 : i32
      %add3A_408 = arith.addi %mul3A_314, %add3A_407 : i32
      %mul3A_409 = arith.constant 128 : i32
      %mul3A_410 = arith.muli %add3A_408, %mul3A_409 : i32
      %add3A_411 = arith.addi %mul3A_2, %mul3A_410 : i32
      %dma_start3A_412 = arith.constant 6 : i32
      %dma_start3A_413 = arith.constant 0 : i32
      %dma_start3A_414 = tpu.memref_slice %arg6[%dma_start3A_412, %add3A_411, %dma_start3A_413] : memref<9x53248x128xf32, #tpu.memory_space<hbm>> -> memref<1x128x128xf32, #tpu.memory_space<hbm>>
      %dma_start3A_415 = tpu.memref_squeeze %dma_start3A_414 : memref<1x128x128xf32, #tpu.memory_space<hbm>> -> memref<128x128xf32, #tpu.memory_space<hbm>>
      %dma_start3A_416 = arith.constant 0 : i32
      %dma_start3A_417 = tpu.memref_slice %arg6[%dma_start3A_412, %add3A_411, %dma_start3A_416] : memref<9x53248x128xf32, #tpu.memory_space<hbm>> -> memref<1x128x128xf32, #tpu.memory_space<hbm>>
      %dma_start3A_418 = tpu.memref_squeeze %dma_start3A_417 : memref<1x128x128xf32, #tpu.memory_space<hbm>> -> memref<128x128xf32, #tpu.memory_space<hbm>>
      tpu.enqueue_dma source(%arg18 : memref<128x128xf32, #tpu.memory_space<vmem>>) target(%dma_start3A_418 : memref<128x128xf32, #tpu.memory_space<hbm>>) target_semaphore(%arg23 : memref<!tpu.dma_semaphore, #tpu.memory_space<semaphore_mem>>)
      %dma_wait3A_419 = arith.constant 6 : i32
      %dma_wait3A_420 = arith.constant 0 : i32
      %dma_wait3A_421 = tpu.memref_slice %arg6[%dma_wait3A_419, %add3A_366, %dma_wait3A_420] : memref<9x53248x128xf32, #tpu.memory_space<hbm>> -> memref<1x128x128xf32, #tpu.memory_space<hbm>>
      %dma_wait3A_422 = tpu.memref_squeeze %dma_wait3A_421 : memref<1x128x128xf32, #tpu.memory_space<hbm>> -> memref<128x128xf32, #tpu.memory_space<hbm>>
      %dma_wait3A_423 = arith.constant 0 : i32
      %dma_wait3A_424 = tpu.memref_slice %arg6[%dma_wait3A_419, %add3A_366, %dma_wait3A_423] : memref<9x53248x128xf32, #tpu.memory_space<hbm>> -> memref<1x128x128xf32, #tpu.memory_space<hbm>>
      %dma_wait3A_425 = tpu.memref_squeeze %dma_wait3A_424 : memref<1x128x128xf32, #tpu.memory_space<hbm>> -> memref<128x128xf32, #tpu.memory_space<hbm>>
      tpu.wait_dma2 semaphore(%arg23 : memref<!tpu.dma_semaphore, #tpu.memory_space<semaphore_mem>>) src(%arg15 : memref<128x128xf32, #tpu.memory_space<vmem>>) dst(%dma_wait3A_425 : memref<128x128xf32, #tpu.memory_space<hbm>>)
      %dma_wait3A_426 = arith.constant 6 : i32
      %dma_wait3A_427 = arith.constant 0 : i32
      %dma_wait3A_428 = tpu.memref_slice %arg6[%dma_wait3A_426, %add3A_381, %dma_wait3A_427] : memref<9x53248x128xf32, #tpu.memory_space<hbm>> -> memref<1x128x128xf32, #tpu.memory_space<hbm>>
      %dma_wait3A_429 = tpu.memref_squeeze %dma_wait3A_428 : memref<1x128x128xf32, #tpu.memory_space<hbm>> -> memref<128x128xf32, #tpu.memory_space<hbm>>
      %dma_wait3A_430 = arith.constant 0 : i32
      %dma_wait3A_431 = tpu.memref_slice %arg6[%dma_wait3A_426, %add3A_381, %dma_wait3A_430] : memref<9x53248x128xf32, #tpu.memory_space<hbm>> -> memref<1x128x128xf32, #tpu.memory_space<hbm>>
      %dma_wait3A_432 = tpu.memref_squeeze %dma_wait3A_431 : memref<1x128x128xf32, #tpu.memory_space<hbm>> -> memref<128x128xf32, #tpu.memory_space<hbm>>
      tpu.wait_dma2 semaphore(%arg23 : memref<!tpu.dma_semaphore, #tpu.memory_space<semaphore_mem>>) src(%arg16 : memref<128x128xf32, #tpu.memory_space<vmem>>) dst(%dma_wait3A_432 : memref<128x128xf32, #tpu.memory_space<hbm>>)
      %dma_wait3A_433 = arith.constant 6 : i32
      %dma_wait3A_434 = arith.constant 0 : i32
      %dma_wait3A_435 = tpu.memref_slice %arg6[%dma_wait3A_433, %add3A_396, %dma_wait3A_434] : memref<9x53248x128xf32, #tpu.memory_space<hbm>> -> memref<1x128x128xf32, #tpu.memory_space<hbm>>
      %dma_wait3A_436 = tpu.memref_squeeze %dma_wait3A_435 : memref<1x128x128xf32, #tpu.memory_space<hbm>> -> memref<128x128xf32, #tpu.memory_space<hbm>>
      %dma_wait3A_437 = arith.constant 0 : i32
      %dma_wait3A_438 = tpu.memref_slice %arg6[%dma_wait3A_433, %add3A_396, %dma_wait3A_437] : memref<9x53248x128xf32, #tpu.memory_space<hbm>> -> memref<1x128x128xf32, #tpu.memory_space<hbm>>
      %dma_wait3A_439 = tpu.memref_squeeze %dma_wait3A_438 : memref<1x128x128xf32, #tpu.memory_space<hbm>> -> memref<128x128xf32, #tpu.memory_space<hbm>>
      tpu.wait_dma2 semaphore(%arg23 : memref<!tpu.dma_semaphore, #tpu.memory_space<semaphore_mem>>) src(%arg17 : memref<128x128xf32, #tpu.memory_space<vmem>>) dst(%dma_wait3A_439 : memref<128x128xf32, #tpu.memory_space<hbm>>)
      %dma_wait3A_440 = arith.constant 6 : i32
      %dma_wait3A_441 = arith.constant 0 : i32
      %dma_wait3A_442 = tpu.memref_slice %arg6[%dma_wait3A_440, %add3A_411, %dma_wait3A_441] : memref<9x53248x128xf32, #tpu.memory_space<hbm>> -> memref<1x128x128xf32, #tpu.memory_space<hbm>>
      %dma_wait3A_443 = tpu.memref_squeeze %dma_wait3A_442 : memref<1x128x128xf32, #tpu.memory_space<hbm>> -> memref<128x128xf32, #tpu.memory_space<hbm>>
      %dma_wait3A_444 = arith.constant 0 : i32
      %dma_wait3A_445 = tpu.memref_slice %arg6[%dma_wait3A_440, %add3A_411, %dma_wait3A_444] : memref<9x53248x128xf32, #tpu.memory_space<hbm>> -> memref<1x128x128xf32, #tpu.memory_space<hbm>>
      %dma_wait3A_446 = tpu.memref_squeeze %dma_wait3A_445 : memref<1x128x128xf32, #tpu.memory_space<hbm>> -> memref<128x128xf32, #tpu.memory_space<hbm>>
      tpu.wait_dma2 semaphore(%arg23 : memref<!tpu.dma_semaphore, #tpu.memory_space<semaphore_mem>>) src(%arg18 : memref<128x128xf32, #tpu.memory_space<vmem>>) dst(%dma_wait3A_446 : memref<128x128xf32, #tpu.memory_space<hbm>>)
    }
    %scan3A_215 = arith.constant 3 : i32
    %scan3A_216 = arith.constant 0 : i32
    %scan3A_217 = arith.constant 0 : i32
    %scan3A_218 = arith.constant 8 : i32
    %scan3A_219 = arith.addi %scan3A_217, %scan3A_218 : i32
    %scan3A_220 = arith.constant 1 : i32
    scf.for %scan3A_312 = %scan3A_217 to %scan3A_219 step %scan3A_220  : i32 {
      %mul3A_313 = arith.constant 16 : i32
      %mul3A_314 = arith.muli %scan3A_312, %mul3A_313 : i32
      %add3A_315 = arith.constant 1536 : i32
      %add3A_316 = arith.addi %add3A_315, %mul3A_314 : i32
      %get3A = arith.index_cast %add3A_316 : i32 to index
      %get3A_317 = tpu.vector_load %arg10[%get3A] {strides = array<i32>} : memref<1664xi32, #tpu.memory_space<vmem>>, vector<16xi32>,
      %get3A_318 = vector.shape_cast %get3A_317 : vector<16xi32> to vector<16xi32>
      %add3A_319 = arith.constant 452 : i32
      %add3A_320 = vector.broadcast %add3A_319 : i32 to vector<16xi32>
      %add3A_321 = arith.addi %get3A_318, %add3A_320 : vector<16xi32>
      %swap3A = arith.index_cast %mul3A_314 : i32 to index
      %swap3A_322 = tpu.vector_load %arg11[%swap3A] {strides = array<i32>} : memref<128xi32, #tpu.memory_space<vmem>>, vector<16xi32>,
      %swap3A_323 = vector.shape_cast %swap3A_322 : vector<16xi32> to vector<16xi32>
      %swap3A_324 = vector.shape_cast %add3A_321 : vector<16xi32> to vector<16xi32>
      tpu.vector_store %arg11[%swap3A], %swap3A_324 {strides = array<i32>} : memref<128xi32, #tpu.memory_space<vmem>>, vector<16xi32>,
    }
    %scan3A_221 = arith.constant 8 : i32
    %dma_start3A_222 = arith.constant 0 : i32
    %dma_start3A_223 = arith.constant 0 : i32
    %dma_start3A_224 = tpu.memref_slice %arg2[%dma_start3A_222, %dma_start3A_223] : memref<204304x128xf32, #tpu.memory_space<hbm>> -> memref<204304x128xf32, #tpu.memory_space<hbm>>
    tpu.enqueue_indirect_dma source(%dma_start3A_224 : memref<204304x128xf32, #tpu.memory_space<hbm>>) target(%arg15 : memref<128x128xf32, #tpu.memory_space<vmem>>) offsets(%arg11 : memref<128xi32, #tpu.memory_space<vmem>>) semaphore(%arg19 : memref<!tpu.dma_semaphore, #tpu.memory_space<semaphore_mem>>)
    %dma_wait3A_225 = arith.constant 0 : i32
    %dma_wait3A_226 = arith.constant 0 : i32
    %dma_wait3A_227 = tpu.memref_slice %arg2[%dma_wait3A_225, %dma_wait3A_226] : memref<204304x128xf32, #tpu.memory_space<hbm>> -> memref<204304x128xf32, #tpu.memory_space<hbm>>
    tpu.wait_indirect_dma semaphore(%arg19 : memref<!tpu.dma_semaphore, #tpu.memory_space<semaphore_mem>>) src(%dma_wait3A_227 : memref<204304x128xf32, #tpu.memory_space<hbm>>) dst(%arg15 : memref<128x128xf32, #tpu.memory_space<vmem>>)
    %add3A_228 = arith.constant 1536 : i32
    %add3A_229 = arith.addi %mul3A_2, %add3A_228 : i32
    %dma_start3A_230 = arith.constant 6 : i32
    %dma_start3A_231 = arith.constant 0 : i32
    %dma_start3A_232 = tpu.memref_slice %arg6[%dma_start3A_230, %add3A_229, %dma_start3A_231] : memref<9x53248x128xf32, #tpu.memory_space<hbm>> -> memref<1x128x128xf32, #tpu.memory_space<hbm>>
    %dma_start3A_233 = tpu.memref_squeeze %dma_start3A_232 : memref<1x128x128xf32, #tpu.memory_space<hbm>> -> memref<128x128xf32, #tpu.memory_space<hbm>>
    %dma_start3A_234 = arith.constant 0 : i32
    %dma_start3A_235 = tpu.memref_slice %arg6[%dma_start3A_230, %add3A_229, %dma_start3A_234] : memref<9x53248x128xf32, #tpu.memory_space<hbm>> -> memref<1x128x128xf32, #tpu.memory_space<hbm>>
    %dma_start3A_236 = tpu.memref_squeeze %dma_start3A_235 : memref<1x128x128xf32, #tpu.memory_space<hbm>> -> memref<128x128xf32, #tpu.memory_space<hbm>>
    tpu.enqueue_dma source(%arg15 : memref<128x128xf32, #tpu.memory_space<vmem>>) target(%dma_start3A_236 : memref<128x128xf32, #tpu.memory_space<hbm>>) target_semaphore(%arg23 : memref<!tpu.dma_semaphore, #tpu.memory_space<semaphore_mem>>)
    %dma_wait3A_237 = arith.constant 6 : i32
    %dma_wait3A_238 = arith.constant 0 : i32
    %dma_wait3A_239 = tpu.memref_slice %arg6[%dma_wait3A_237, %add3A_229, %dma_wait3A_238] : memref<9x53248x128xf32, #tpu.memory_space<hbm>> -> memref<1x128x128xf32, #tpu.memory_space<hbm>>
    %dma_wait3A_240 = tpu.memref_squeeze %dma_wait3A_239 : memref<1x128x128xf32, #tpu.memory_space<hbm>> -> memref<128x128xf32, #tpu.memory_space<hbm>>
    %dma_wait3A_241 = arith.constant 0 : i32
    %dma_wait3A_242 = tpu.memref_slice %arg6[%dma_wait3A_237, %add3A_229, %dma_wait3A_241] : memref<9x53248x128xf32, #tpu.memory_space<hbm>> -> memref<1x128x128xf32, #tpu.memory_space<hbm>>
    %dma_wait3A_243 = tpu.memref_squeeze %dma_wait3A_242 : memref<1x128x128xf32, #tpu.memory_space<hbm>> -> memref<128x128xf32, #tpu.memory_space<hbm>>
    tpu.wait_dma2 semaphore(%arg23 : memref<!tpu.dma_semaphore, #tpu.memory_space<semaphore_mem>>) src(%arg15 : memref<128x128xf32, #tpu.memory_space<vmem>>) dst(%dma_wait3A_243 : memref<128x128xf32, #tpu.memory_space<hbm>>)
    %scan3A_244 = arith.constant 0 : i32
    %scan3A_245 = arith.constant 0 : i32
    %scan3A_246 = arith.constant 3 : i32
    %scan3A_247 = arith.addi %scan3A_245, %scan3A_246 : i32
    %scan3A_248 = arith.constant 1 : i32
    scf.for %scan3A_312 = %scan3A_245 to %scan3A_247 step %scan3A_248  : i32 {
      %mul3A_313 = arith.constant 4 : i32
      %mul3A_314 = arith.muli %scan3A_312, %mul3A_313 : i32
      %add3A_315 = arith.constant 0 : i32
      %add3A_316 = arith.addi %mul3A_314, %add3A_315 : i32
      %scan3A_317 = arith.constant 0 : i32
      %scan3A_318 = arith.constant 0 : i32
      %scan3A_319 = arith.constant 8 : i32
      %scan3A_320 = arith.addi %scan3A_318, %scan3A_319 : i32
      %scan3A_321 = arith.constant 1 : i32
      scf.for %scan3A_447 = %scan3A_318 to %scan3A_320 step %scan3A_321  : i32 {
        %mul3A_448 = arith.constant 16 : i32
        %mul3A_449 = arith.muli %scan3A_447, %mul3A_448 : i32
        %mul3A_450 = arith.constant 128 : i32
        %mul3A_451 = arith.muli %add3A_316, %mul3A_450 : i32
        %add3A_452 = arith.addi %mul3A_451, %mul3A_449 : i32
        %get3A = arith.index_cast %add3A_452 : i32 to index
        %get3A_453 = tpu.vector_load %arg10[%get3A] {strides = array<i32>} : memref<1664xi32, #tpu.memory_space<vmem>>, vector<16xi32>,
        %get3A_454 = vector.shape_cast %get3A_453 : vector<16xi32> to vector<16xi32>
        %add3A_455 = arith.constant 453 : i32
        %add3A_456 = vector.broadcast %add3A_455 : i32 to vector<16xi32>
        %add3A_457 = arith.addi %get3A_454, %add3A_456 : vector<16xi32>
        %swap3A = arith.index_cast %mul3A_449 : i32 to index
        %swap3A_458 = tpu.vector_load %arg11[%swap3A] {strides = array<i32>} : memref<128xi32, #tpu.memory_space<vmem>>, vector<16xi32>,
        %swap3A_459 = vector.shape_cast %swap3A_458 : vector<16xi32> to vector<16xi32>
        %swap3A_460 = vector.shape_cast %add3A_457 : vector<16xi32> to vector<16xi32>
        tpu.vector_store %arg11[%swap3A], %swap3A_460 {strides = array<i32>} : memref<128xi32, #tpu.memory_space<vmem>>, vector<16xi32>,
      }
      %scan3A_322 = arith.constant 8 : i32
      %dma_start3A_323 = arith.constant 0 : i32
      %dma_start3A_324 = arith.constant 0 : i32
      %dma_start3A_325 = tpu.memref_slice %arg2[%dma_start3A_323, %dma_start3A_324] : memref<204304x128xf32, #tpu.memory_space<hbm>> -> memref<204304x128xf32, #tpu.memory_space<hbm>>
      tpu.enqueue_indirect_dma source(%dma_start3A_325 : memref<204304x128xf32, #tpu.memory_space<hbm>>) target(%arg15 : memref<128x128xf32, #tpu.memory_space<vmem>>) offsets(%arg11 : memref<128xi32, #tpu.memory_space<vmem>>) semaphore(%arg19 : memref<!tpu.dma_semaphore, #tpu.memory_space<semaphore_mem>>)
      %add3A_326 = arith.constant 1 : i32
      %add3A_327 = arith.addi %mul3A_314, %add3A_326 : i32
      %scan3A_328 = arith.constant 0 : i32
      %scan3A_329 = arith.constant 0 : i32
      %scan3A_330 = arith.constant 8 : i32
      %scan3A_331 = arith.addi %scan3A_329, %scan3A_330 : i32
      %scan3A_332 = arith.constant 1 : i32
      scf.for %scan3A_447 = %scan3A_329 to %scan3A_331 step %scan3A_332  : i32 {
        %mul3A_448 = arith.constant 16 : i32
        %mul3A_449 = arith.muli %scan3A_447, %mul3A_448 : i32
        %mul3A_450 = arith.constant 128 : i32
        %mul3A_451 = arith.muli %add3A_327, %mul3A_450 : i32
        %add3A_452 = arith.addi %mul3A_451, %mul3A_449 : i32
        %get3A = arith.index_cast %add3A_452 : i32 to index
        %get3A_453 = tpu.vector_load %arg10[%get3A] {strides = array<i32>} : memref<1664xi32, #tpu.memory_space<vmem>>, vector<16xi32>,
        %get3A_454 = vector.shape_cast %get3A_453 : vector<16xi32> to vector<16xi32>
        %add3A_455 = arith.constant 453 : i32
        %add3A_456 = vector.broadcast %add3A_455 : i32 to vector<16xi32>
        %add3A_457 = arith.addi %get3A_454, %add3A_456 : vector<16xi32>
        %swap3A = arith.index_cast %mul3A_449 : i32 to index
        %swap3A_458 = tpu.vector_load %arg12[%swap3A] {strides = array<i32>} : memref<128xi32, #tpu.memory_space<vmem>>, vector<16xi32>,
        %swap3A_459 = vector.shape_cast %swap3A_458 : vector<16xi32> to vector<16xi32>
        %swap3A_460 = vector.shape_cast %add3A_457 : vector<16xi32> to vector<16xi32>
        tpu.vector_store %arg12[%swap3A], %swap3A_460 {strides = array<i32>} : memref<128xi32, #tpu.memory_space<vmem>>, vector<16xi32>,
      }
      %scan3A_333 = arith.constant 8 : i32
      %dma_start3A_334 = arith.constant 0 : i32
      %dma_start3A_335 = arith.constant 0 : i32
      %dma_start3A_336 = tpu.memref_slice %arg2[%dma_start3A_334, %dma_start3A_335] : memref<204304x128xf32, #tpu.memory_space<hbm>> -> memref<204304x128xf32, #tpu.memory_space<hbm>>
      tpu.enqueue_indirect_dma source(%dma_start3A_336 : memref<204304x128xf32, #tpu.memory_space<hbm>>) target(%arg16 : memref<128x128xf32, #tpu.memory_space<vmem>>) offsets(%arg12 : memref<128xi32, #tpu.memory_space<vmem>>) semaphore(%arg20 : memref<!tpu.dma_semaphore, #tpu.memory_space<semaphore_mem>>)
      %add3A_337 = arith.constant 2 : i32
      %add3A_338 = arith.addi %mul3A_314, %add3A_337 : i32
      %scan3A_339 = arith.constant 0 : i32
      %scan3A_340 = arith.constant 0 : i32
      %scan3A_341 = arith.constant 8 : i32
      %scan3A_342 = arith.addi %scan3A_340, %scan3A_341 : i32
      %scan3A_343 = arith.constant 1 : i32
      scf.for %scan3A_447 = %scan3A_340 to %scan3A_342 step %scan3A_343  : i32 {
        %mul3A_448 = arith.constant 16 : i32
        %mul3A_449 = arith.muli %scan3A_447, %mul3A_448 : i32
        %mul3A_450 = arith.constant 128 : i32
        %mul3A_451 = arith.muli %add3A_338, %mul3A_450 : i32
        %add3A_452 = arith.addi %mul3A_451, %mul3A_449 : i32
        %get3A = arith.index_cast %add3A_452 : i32 to index
        %get3A_453 = tpu.vector_load %arg10[%get3A] {strides = array<i32>} : memref<1664xi32, #tpu.memory_space<vmem>>, vector<16xi32>,
        %get3A_454 = vector.shape_cast %get3A_453 : vector<16xi32> to vector<16xi32>
        %add3A_455 = arith.constant 453 : i32
        %add3A_456 = vector.broadcast %add3A_455 : i32 to vector<16xi32>
        %add3A_457 = arith.addi %get3A_454, %add3A_456 : vector<16xi32>
        %swap3A = arith.index_cast %mul3A_449 : i32 to index
        %swap3A_458 = tpu.vector_load %arg13[%swap3A] {strides = array<i32>} : memref<128xi32, #tpu.memory_space<vmem>>, vector<16xi32>,
        %swap3A_459 = vector.shape_cast %swap3A_458 : vector<16xi32> to vector<16xi32>
        %swap3A_460 = vector.shape_cast %add3A_457 : vector<16xi32> to vector<16xi32>
        tpu.vector_store %arg13[%swap3A], %swap3A_460 {strides = array<i32>} : memref<128xi32, #tpu.memory_space<vmem>>, vector<16xi32>,
      }
      %scan3A_344 = arith.constant 8 : i32
      %dma_start3A_345 = arith.constant 0 : i32
      %dma_start3A_346 = arith.constant 0 : i32
      %dma_start3A_347 = tpu.memref_slice %arg2[%dma_start3A_345, %dma_start3A_346] : memref<204304x128xf32, #tpu.memory_space<hbm>> -> memref<204304x128xf32, #tpu.memory_space<hbm>>
      tpu.enqueue_indirect_dma source(%dma_start3A_347 : memref<204304x128xf32, #tpu.memory_space<hbm>>) target(%arg17 : memref<128x128xf32, #tpu.memory_space<vmem>>) offsets(%arg13 : memref<128xi32, #tpu.memory_space<vmem>>) semaphore(%arg21 : memref<!tpu.dma_semaphore, #tpu.memory_space<semaphore_mem>>)
      %add3A_348 = arith.constant 3 : i32
      %add3A_349 = arith.addi %mul3A_314, %add3A_348 : i32
      %scan3A_350 = arith.constant 0 : i32
      %scan3A_351 = arith.constant 0 : i32
      %scan3A_352 = arith.constant 8 : i32
      %scan3A_353 = arith.addi %scan3A_351, %scan3A_352 : i32
      %scan3A_354 = arith.constant 1 : i32
      scf.for %scan3A_447 = %scan3A_351 to %scan3A_353 step %scan3A_354  : i32 {
        %mul3A_448 = arith.constant 16 : i32
        %mul3A_449 = arith.muli %scan3A_447, %mul3A_448 : i32
        %mul3A_450 = arith.constant 128 : i32
        %mul3A_451 = arith.muli %add3A_349, %mul3A_450 : i32
        %add3A_452 = arith.addi %mul3A_451, %mul3A_449 : i32
        %get3A = arith.index_cast %add3A_452 : i32 to index
        %get3A_453 = tpu.vector_load %arg10[%get3A] {strides = array<i32>} : memref<1664xi32, #tpu.memory_space<vmem>>, vector<16xi32>,
        %get3A_454 = vector.shape_cast %get3A_453 : vector<16xi32> to vector<16xi32>
        %add3A_455 = arith.constant 453 : i32
        %add3A_456 = vector.broadcast %add3A_455 : i32 to vector<16xi32>
        %add3A_457 = arith.addi %get3A_454, %add3A_456 : vector<16xi32>
        %swap3A = arith.index_cast %mul3A_449 : i32 to index
        %swap3A_458 = tpu.vector_load %arg14[%swap3A] {strides = array<i32>} : memref<128xi32, #tpu.memory_space<vmem>>, vector<16xi32>,
        %swap3A_459 = vector.shape_cast %swap3A_458 : vector<16xi32> to vector<16xi32>
        %swap3A_460 = vector.shape_cast %add3A_457 : vector<16xi32> to vector<16xi32>
        tpu.vector_store %arg14[%swap3A], %swap3A_460 {strides = array<i32>} : memref<128xi32, #tpu.memory_space<vmem>>, vector<16xi32>,
      }
      %scan3A_355 = arith.constant 8 : i32
      %dma_start3A_356 = arith.constant 0 : i32
      %dma_start3A_357 = arith.constant 0 : i32
      %dma_start3A_358 = tpu.memref_slice %arg2[%dma_start3A_356, %dma_start3A_357] : memref<204304x128xf32, #tpu.memory_space<hbm>> -> memref<204304x128xf32, #tpu.memory_space<hbm>>
      tpu.enqueue_indirect_dma source(%dma_start3A_358 : memref<204304x128xf32, #tpu.memory_space<hbm>>) target(%arg18 : memref<128x128xf32, #tpu.memory_space<vmem>>) offsets(%arg14 : memref<128xi32, #tpu.memory_space<vmem>>) semaphore(%arg22 : memref<!tpu.dma_semaphore, #tpu.memory_space<semaphore_mem>>)
      %dma_wait3A_359 = arith.constant 0 : i32
      %dma_wait3A_360 = arith.constant 0 : i32
      %dma_wait3A_361 = tpu.memref_slice %arg2[%dma_wait3A_359, %dma_wait3A_360] : memref<204304x128xf32, #tpu.memory_space<hbm>> -> memref<204304x128xf32, #tpu.memory_space<hbm>>
      tpu.wait_indirect_dma semaphore(%arg19 : memref<!tpu.dma_semaphore, #tpu.memory_space<semaphore_mem>>) src(%dma_wait3A_361 : memref<204304x128xf32, #tpu.memory_space<hbm>>) dst(%arg15 : memref<128x128xf32, #tpu.memory_space<vmem>>)
      %add3A_362 = arith.constant 0 : i32
      %add3A_363 = arith.addi %mul3A_314, %add3A_362 : i32
      %mul3A_364 = arith.constant 128 : i32
      %mul3A_365 = arith.muli %add3A_363, %mul3A_364 : i32
      %add3A_366 = arith.addi %mul3A_2, %mul3A_365 : i32
      %dma_start3A_367 = arith.constant 7 : i32
      %dma_start3A_368 = arith.constant 0 : i32
      %dma_start3A_369 = tpu.memref_slice %arg6[%dma_start3A_367, %add3A_366, %dma_start3A_368] : memref<9x53248x128xf32, #tpu.memory_space<hbm>> -> memref<1x128x128xf32, #tpu.memory_space<hbm>>
      %dma_start3A_370 = tpu.memref_squeeze %dma_start3A_369 : memref<1x128x128xf32, #tpu.memory_space<hbm>> -> memref<128x128xf32, #tpu.memory_space<hbm>>
      %dma_start3A_371 = arith.constant 0 : i32
      %dma_start3A_372 = tpu.memref_slice %arg6[%dma_start3A_367, %add3A_366, %dma_start3A_371] : memref<9x53248x128xf32, #tpu.memory_space<hbm>> -> memref<1x128x128xf32, #tpu.memory_space<hbm>>
      %dma_start3A_373 = tpu.memref_squeeze %dma_start3A_372 : memref<1x128x128xf32, #tpu.memory_space<hbm>> -> memref<128x128xf32, #tpu.memory_space<hbm>>
      tpu.enqueue_dma source(%arg15 : memref<128x128xf32, #tpu.memory_space<vmem>>) target(%dma_start3A_373 : memref<128x128xf32, #tpu.memory_space<hbm>>) target_semaphore(%arg23 : memref<!tpu.dma_semaphore, #tpu.memory_space<semaphore_mem>>)
      %dma_wait3A_374 = arith.constant 0 : i32
      %dma_wait3A_375 = arith.constant 0 : i32
      %dma_wait3A_376 = tpu.memref_slice %arg2[%dma_wait3A_374, %dma_wait3A_375] : memref<204304x128xf32, #tpu.memory_space<hbm>> -> memref<204304x128xf32, #tpu.memory_space<hbm>>
      tpu.wait_indirect_dma semaphore(%arg20 : memref<!tpu.dma_semaphore, #tpu.memory_space<semaphore_mem>>) src(%dma_wait3A_376 : memref<204304x128xf32, #tpu.memory_space<hbm>>) dst(%arg16 : memref<128x128xf32, #tpu.memory_space<vmem>>)
      %add3A_377 = arith.constant 1 : i32
      %add3A_378 = arith.addi %mul3A_314, %add3A_377 : i32
      %mul3A_379 = arith.constant 128 : i32
      %mul3A_380 = arith.muli %add3A_378, %mul3A_379 : i32
      %add3A_381 = arith.addi %mul3A_2, %mul3A_380 : i32
      %dma_start3A_382 = arith.constant 7 : i32
      %dma_start3A_383 = arith.constant 0 : i32
      %dma_start3A_384 = tpu.memref_slice %arg6[%dma_start3A_382, %add3A_381, %dma_start3A_383] : memref<9x53248x128xf32, #tpu.memory_space<hbm>> -> memref<1x128x128xf32, #tpu.memory_space<hbm>>
      %dma_start3A_385 = tpu.memref_squeeze %dma_start3A_384 : memref<1x128x128xf32, #tpu.memory_space<hbm>> -> memref<128x128xf32, #tpu.memory_space<hbm>>
      %dma_start3A_386 = arith.constant 0 : i32
      %dma_start3A_387 = tpu.memref_slice %arg6[%dma_start3A_382, %add3A_381, %dma_start3A_386] : memref<9x53248x128xf32, #tpu.memory_space<hbm>> -> memref<1x128x128xf32, #tpu.memory_space<hbm>>
      %dma_start3A_388 = tpu.memref_squeeze %dma_start3A_387 : memref<1x128x128xf32, #tpu.memory_space<hbm>> -> memref<128x128xf32, #tpu.memory_space<hbm>>
      tpu.enqueue_dma source(%arg16 : memref<128x128xf32, #tpu.memory_space<vmem>>) target(%dma_start3A_388 : memref<128x128xf32, #tpu.memory_space<hbm>>) target_semaphore(%arg23 : memref<!tpu.dma_semaphore, #tpu.memory_space<semaphore_mem>>)
      %dma_wait3A_389 = arith.constant 0 : i32
      %dma_wait3A_390 = arith.constant 0 : i32
      %dma_wait3A_391 = tpu.memref_slice %arg2[%dma_wait3A_389, %dma_wait3A_390] : memref<204304x128xf32, #tpu.memory_space<hbm>> -> memref<204304x128xf32, #tpu.memory_space<hbm>>
      tpu.wait_indirect_dma semaphore(%arg21 : memref<!tpu.dma_semaphore, #tpu.memory_space<semaphore_mem>>) src(%dma_wait3A_391 : memref<204304x128xf32, #tpu.memory_space<hbm>>) dst(%arg17 : memref<128x128xf32, #tpu.memory_space<vmem>>)
      %add3A_392 = arith.constant 2 : i32
      %add3A_393 = arith.addi %mul3A_314, %add3A_392 : i32
      %mul3A_394 = arith.constant 128 : i32
      %mul3A_395 = arith.muli %add3A_393, %mul3A_394 : i32
      %add3A_396 = arith.addi %mul3A_2, %mul3A_395 : i32
      %dma_start3A_397 = arith.constant 7 : i32
      %dma_start3A_398 = arith.constant 0 : i32
      %dma_start3A_399 = tpu.memref_slice %arg6[%dma_start3A_397, %add3A_396, %dma_start3A_398] : memref<9x53248x128xf32, #tpu.memory_space<hbm>> -> memref<1x128x128xf32, #tpu.memory_space<hbm>>
      %dma_start3A_400 = tpu.memref_squeeze %dma_start3A_399 : memref<1x128x128xf32, #tpu.memory_space<hbm>> -> memref<128x128xf32, #tpu.memory_space<hbm>>
      %dma_start3A_401 = arith.constant 0 : i32
      %dma_start3A_402 = tpu.memref_slice %arg6[%dma_start3A_397, %add3A_396, %dma_start3A_401] : memref<9x53248x128xf32, #tpu.memory_space<hbm>> -> memref<1x128x128xf32, #tpu.memory_space<hbm>>
      %dma_start3A_403 = tpu.memref_squeeze %dma_start3A_402 : memref<1x128x128xf32, #tpu.memory_space<hbm>> -> memref<128x128xf32, #tpu.memory_space<hbm>>
      tpu.enqueue_dma source(%arg17 : memref<128x128xf32, #tpu.memory_space<vmem>>) target(%dma_start3A_403 : memref<128x128xf32, #tpu.memory_space<hbm>>) target_semaphore(%arg23 : memref<!tpu.dma_semaphore, #tpu.memory_space<semaphore_mem>>)
      %dma_wait3A_404 = arith.constant 0 : i32
      %dma_wait3A_405 = arith.constant 0 : i32
      %dma_wait3A_406 = tpu.memref_slice %arg2[%dma_wait3A_404, %dma_wait3A_405] : memref<204304x128xf32, #tpu.memory_space<hbm>> -> memref<204304x128xf32, #tpu.memory_space<hbm>>
      tpu.wait_indirect_dma semaphore(%arg22 : memref<!tpu.dma_semaphore, #tpu.memory_space<semaphore_mem>>) src(%dma_wait3A_406 : memref<204304x128xf32, #tpu.memory_space<hbm>>) dst(%arg18 : memref<128x128xf32, #tpu.memory_space<vmem>>)
      %add3A_407 = arith.constant 3 : i32
      %add3A_408 = arith.addi %mul3A_314, %add3A_407 : i32
      %mul3A_409 = arith.constant 128 : i32
      %mul3A_410 = arith.muli %add3A_408, %mul3A_409 : i32
      %add3A_411 = arith.addi %mul3A_2, %mul3A_410 : i32
      %dma_start3A_412 = arith.constant 7 : i32
      %dma_start3A_413 = arith.constant 0 : i32
      %dma_start3A_414 = tpu.memref_slice %arg6[%dma_start3A_412, %add3A_411, %dma_start3A_413] : memref<9x53248x128xf32, #tpu.memory_space<hbm>> -> memref<1x128x128xf32, #tpu.memory_space<hbm>>
      %dma_start3A_415 = tpu.memref_squeeze %dma_start3A_414 : memref<1x128x128xf32, #tpu.memory_space<hbm>> -> memref<128x128xf32, #tpu.memory_space<hbm>>
      %dma_start3A_416 = arith.constant 0 : i32
      %dma_start3A_417 = tpu.memref_slice %arg6[%dma_start3A_412, %add3A_411, %dma_start3A_416] : memref<9x53248x128xf32, #tpu.memory_space<hbm>> -> memref<1x128x128xf32, #tpu.memory_space<hbm>>
      %dma_start3A_418 = tpu.memref_squeeze %dma_start3A_417 : memref<1x128x128xf32, #tpu.memory_space<hbm>> -> memref<128x128xf32, #tpu.memory_space<hbm>>
      tpu.enqueue_dma source(%arg18 : memref<128x128xf32, #tpu.memory_space<vmem>>) target(%dma_start3A_418 : memref<128x128xf32, #tpu.memory_space<hbm>>) target_semaphore(%arg23 : memref<!tpu.dma_semaphore, #tpu.memory_space<semaphore_mem>>)
      %dma_wait3A_419 = arith.constant 7 : i32
      %dma_wait3A_420 = arith.constant 0 : i32
      %dma_wait3A_421 = tpu.memref_slice %arg6[%dma_wait3A_419, %add3A_366, %dma_wait3A_420] : memref<9x53248x128xf32, #tpu.memory_space<hbm>> -> memref<1x128x128xf32, #tpu.memory_space<hbm>>
      %dma_wait3A_422 = tpu.memref_squeeze %dma_wait3A_421 : memref<1x128x128xf32, #tpu.memory_space<hbm>> -> memref<128x128xf32, #tpu.memory_space<hbm>>
      %dma_wait3A_423 = arith.constant 0 : i32
      %dma_wait3A_424 = tpu.memref_slice %arg6[%dma_wait3A_419, %add3A_366, %dma_wait3A_423] : memref<9x53248x128xf32, #tpu.memory_space<hbm>> -> memref<1x128x128xf32, #tpu.memory_space<hbm>>
      %dma_wait3A_425 = tpu.memref_squeeze %dma_wait3A_424 : memref<1x128x128xf32, #tpu.memory_space<hbm>> -> memref<128x128xf32, #tpu.memory_space<hbm>>
      tpu.wait_dma2 semaphore(%arg23 : memref<!tpu.dma_semaphore, #tpu.memory_space<semaphore_mem>>) src(%arg15 : memref<128x128xf32, #tpu.memory_space<vmem>>) dst(%dma_wait3A_425 : memref<128x128xf32, #tpu.memory_space<hbm>>)
      %dma_wait3A_426 = arith.constant 7 : i32
      %dma_wait3A_427 = arith.constant 0 : i32
      %dma_wait3A_428 = tpu.memref_slice %arg6[%dma_wait3A_426, %add3A_381, %dma_wait3A_427] : memref<9x53248x128xf32, #tpu.memory_space<hbm>> -> memref<1x128x128xf32, #tpu.memory_space<hbm>>
      %dma_wait3A_429 = tpu.memref_squeeze %dma_wait3A_428 : memref<1x128x128xf32, #tpu.memory_space<hbm>> -> memref<128x128xf32, #tpu.memory_space<hbm>>
      %dma_wait3A_430 = arith.constant 0 : i32
      %dma_wait3A_431 = tpu.memref_slice %arg6[%dma_wait3A_426, %add3A_381, %dma_wait3A_430] : memref<9x53248x128xf32, #tpu.memory_space<hbm>> -> memref<1x128x128xf32, #tpu.memory_space<hbm>>
      %dma_wait3A_432 = tpu.memref_squeeze %dma_wait3A_431 : memref<1x128x128xf32, #tpu.memory_space<hbm>> -> memref<128x128xf32, #tpu.memory_space<hbm>>
      tpu.wait_dma2 semaphore(%arg23 : memref<!tpu.dma_semaphore, #tpu.memory_space<semaphore_mem>>) src(%arg16 : memref<128x128xf32, #tpu.memory_space<vmem>>) dst(%dma_wait3A_432 : memref<128x128xf32, #tpu.memory_space<hbm>>)
      %dma_wait3A_433 = arith.constant 7 : i32
      %dma_wait3A_434 = arith.constant 0 : i32
      %dma_wait3A_435 = tpu.memref_slice %arg6[%dma_wait3A_433, %add3A_396, %dma_wait3A_434] : memref<9x53248x128xf32, #tpu.memory_space<hbm>> -> memref<1x128x128xf32, #tpu.memory_space<hbm>>
      %dma_wait3A_436 = tpu.memref_squeeze %dma_wait3A_435 : memref<1x128x128xf32, #tpu.memory_space<hbm>> -> memref<128x128xf32, #tpu.memory_space<hbm>>
      %dma_wait3A_437 = arith.constant 0 : i32
      %dma_wait3A_438 = tpu.memref_slice %arg6[%dma_wait3A_433, %add3A_396, %dma_wait3A_437] : memref<9x53248x128xf32, #tpu.memory_space<hbm>> -> memref<1x128x128xf32, #tpu.memory_space<hbm>>
      %dma_wait3A_439 = tpu.memref_squeeze %dma_wait3A_438 : memref<1x128x128xf32, #tpu.memory_space<hbm>> -> memref<128x128xf32, #tpu.memory_space<hbm>>
      tpu.wait_dma2 semaphore(%arg23 : memref<!tpu.dma_semaphore, #tpu.memory_space<semaphore_mem>>) src(%arg17 : memref<128x128xf32, #tpu.memory_space<vmem>>) dst(%dma_wait3A_439 : memref<128x128xf32, #tpu.memory_space<hbm>>)
      %dma_wait3A_440 = arith.constant 7 : i32
      %dma_wait3A_441 = arith.constant 0 : i32
      %dma_wait3A_442 = tpu.memref_slice %arg6[%dma_wait3A_440, %add3A_411, %dma_wait3A_441] : memref<9x53248x128xf32, #tpu.memory_space<hbm>> -> memref<1x128x128xf32, #tpu.memory_space<hbm>>
      %dma_wait3A_443 = tpu.memref_squeeze %dma_wait3A_442 : memref<1x128x128xf32, #tpu.memory_space<hbm>> -> memref<128x128xf32, #tpu.memory_space<hbm>>
      %dma_wait3A_444 = arith.constant 0 : i32
      %dma_wait3A_445 = tpu.memref_slice %arg6[%dma_wait3A_440, %add3A_411, %dma_wait3A_444] : memref<9x53248x128xf32, #tpu.memory_space<hbm>> -> memref<1x128x128xf32, #tpu.memory_space<hbm>>
      %dma_wait3A_446 = tpu.memref_squeeze %dma_wait3A_445 : memref<1x128x128xf32, #tpu.memory_space<hbm>> -> memref<128x128xf32, #tpu.memory_space<hbm>>
      tpu.wait_dma2 semaphore(%arg23 : memref<!tpu.dma_semaphore, #tpu.memory_space<semaphore_mem>>) src(%arg18 : memref<128x128xf32, #tpu.memory_space<vmem>>) dst(%dma_wait3A_446 : memref<128x128xf32, #tpu.memory_space<hbm>>)
    }
    %scan3A_249 = arith.constant 3 : i32
    %scan3A_250 = arith.constant 0 : i32
    %scan3A_251 = arith.constant 0 : i32
    %scan3A_252 = arith.constant 8 : i32
    %scan3A_253 = arith.addi %scan3A_251, %scan3A_252 : i32
    %scan3A_254 = arith.constant 1 : i32
    scf.for %scan3A_312 = %scan3A_251 to %scan3A_253 step %scan3A_254  : i32 {
      %mul3A_313 = arith.constant 16 : i32
      %mul3A_314 = arith.muli %scan3A_312, %mul3A_313 : i32
      %add3A_315 = arith.constant 1536 : i32
      %add3A_316 = arith.addi %add3A_315, %mul3A_314 : i32
      %get3A = arith.index_cast %add3A_316 : i32 to index
      %get3A_317 = tpu.vector_load %arg10[%get3A] {strides = array<i32>} : memref<1664xi32, #tpu.memory_space<vmem>>, vector<16xi32>,
      %get3A_318 = vector.shape_cast %get3A_317 : vector<16xi32> to vector<16xi32>
      %add3A_319 = arith.constant 453 : i32
      %add3A_320 = vector.broadcast %add3A_319 : i32 to vector<16xi32>
      %add3A_321 = arith.addi %get3A_318, %add3A_320 : vector<16xi32>
      %swap3A = arith.index_cast %mul3A_314 : i32 to index
      %swap3A_322 = tpu.vector_load %arg11[%swap3A] {strides = array<i32>} : memref<128xi32, #tpu.memory_space<vmem>>, vector<16xi32>,
      %swap3A_323 = vector.shape_cast %swap3A_322 : vector<16xi32> to vector<16xi32>
      %swap3A_324 = vector.shape_cast %add3A_321 : vector<16xi32> to vector<16xi32>
      tpu.vector_store %arg11[%swap3A], %swap3A_324 {strides = array<i32>} : memref<128xi32, #tpu.memory_space<vmem>>, vector<16xi32>,
    }
    %scan3A_255 = arith.constant 8 : i32
    %dma_start3A_256 = arith.constant 0 : i32
    %dma_start3A_257 = arith.constant 0 : i32
    %dma_start3A_258 = tpu.memref_slice %arg2[%dma_start3A_256, %dma_start3A_257] : memref<204304x128xf32, #tpu.memory_space<hbm>> -> memref<204304x128xf32, #tpu.memory_space<hbm>>
    tpu.enqueue_indirect_dma source(%dma_start3A_258 : memref<204304x128xf32, #tpu.memory_space<hbm>>) target(%arg15 : memref<128x128xf32, #tpu.memory_space<vmem>>) offsets(%arg11 : memref<128xi32, #tpu.memory_space<vmem>>) semaphore(%arg19 : memref<!tpu.dma_semaphore, #tpu.memory_space<semaphore_mem>>)
    %dma_wait3A_259 = arith.constant 0 : i32
    %dma_wait3A_260 = arith.constant 0 : i32
    %dma_wait3A_261 = tpu.memref_slice %arg2[%dma_wait3A_259, %dma_wait3A_260] : memref<204304x128xf32, #tpu.memory_space<hbm>> -> memref<204304x128xf32, #tpu.memory_space<hbm>>
    tpu.wait_indirect_dma semaphore(%arg19 : memref<!tpu.dma_semaphore, #tpu.memory_space<semaphore_mem>>) src(%dma_wait3A_261 : memref<204304x128xf32, #tpu.memory_space<hbm>>) dst(%arg15 : memref<128x128xf32, #tpu.memory_space<vmem>>)
    %add3A_262 = arith.constant 1536 : i32
    %add3A_263 = arith.addi %mul3A_2, %add3A_262 : i32
    %dma_start3A_264 = arith.constant 7 : i32
    %dma_start3A_265 = arith.constant 0 : i32
    %dma_start3A_266 = tpu.memref_slice %arg6[%dma_start3A_264, %add3A_263, %dma_start3A_265] : memref<9x53248x128xf32, #tpu.memory_space<hbm>> -> memref<1x128x128xf32, #tpu.memory_space<hbm>>
    %dma_start3A_267 = tpu.memref_squeeze %dma_start3A_266 : memref<1x128x128xf32, #tpu.memory_space<hbm>> -> memref<128x128xf32, #tpu.memory_space<hbm>>
    %dma_start3A_268 = arith.constant 0 : i32
    %dma_start3A_269 = tpu.memref_slice %arg6[%dma_start3A_264, %add3A_263, %dma_start3A_268] : memref<9x53248x128xf32, #tpu.memory_space<hbm>> -> memref<1x128x128xf32, #tpu.memory_space<hbm>>
    %dma_start3A_270 = tpu.memref_squeeze %dma_start3A_269 : memref<1x128x128xf32, #tpu.memory_space<hbm>> -> memref<128x128xf32, #tpu.memory_space<hbm>>
    tpu.enqueue_dma source(%arg15 : memref<128x128xf32, #tpu.memory_space<vmem>>) target(%dma_start3A_270 : memref<128x128xf32, #tpu.memory_space<hbm>>) target_semaphore(%arg23 : memref<!tpu.dma_semaphore, #tpu.memory_space<semaphore_mem>>)
    %dma_wait3A_271 = arith.constant 7 : i32
    %dma_wait3A_272 = arith.constant 0 : i32
    %dma_wait3A_273 = tpu.memref_slice %arg6[%dma_wait3A_271, %add3A_263, %dma_wait3A_272] : memref<9x53248x128xf32, #tpu.memory_space<hbm>> -> memref<1x128x128xf32, #tpu.memory_space<hbm>>
    %dma_wait3A_274 = tpu.memref_squeeze %dma_wait3A_273 : memref<1x128x128xf32, #tpu.memory_space<hbm>> -> memref<128x128xf32, #tpu.memory_space<hbm>>
    %dma_wait3A_275 = arith.constant 0 : i32
    %dma_wait3A_276 = tpu.memref_slice %arg6[%dma_wait3A_271, %add3A_263, %dma_wait3A_275] : memref<9x53248x128xf32, #tpu.memory_space<hbm>> -> memref<1x128x128xf32, #tpu.memory_space<hbm>>
    %dma_wait3A_277 = tpu.memref_squeeze %dma_wait3A_276 : memref<1x128x128xf32, #tpu.memory_space<hbm>> -> memref<128x128xf32, #tpu.memory_space<hbm>>
    tpu.wait_dma2 semaphore(%arg23 : memref<!tpu.dma_semaphore, #tpu.memory_space<semaphore_mem>>) src(%arg15 : memref<128x128xf32, #tpu.memory_space<vmem>>) dst(%dma_wait3A_277 : memref<128x128xf32, #tpu.memory_space<hbm>>)
    %scan3A_278 = arith.constant 0 : i32
    %scan3A_279 = arith.constant 0 : i32
    %scan3A_280 = arith.constant 3 : i32
    %scan3A_281 = arith.addi %scan3A_279, %scan3A_280 : i32
    %scan3A_282 = arith.constant 1 : i32
    scf.for %scan3A_312 = %scan3A_279 to %scan3A_281 step %scan3A_282  : i32 {
      %mul3A_313 = arith.constant 4 : i32
      %mul3A_314 = arith.muli %scan3A_312, %mul3A_313 : i32
      %add3A_315 = arith.constant 0 : i32
      %add3A_316 = arith.addi %mul3A_314, %add3A_315 : i32
      %scan3A_317 = arith.constant 0 : i32
      %scan3A_318 = arith.constant 0 : i32
      %scan3A_319 = arith.constant 8 : i32
      %scan3A_320 = arith.addi %scan3A_318, %scan3A_319 : i32
      %scan3A_321 = arith.constant 1 : i32
      scf.for %scan3A_447 = %scan3A_318 to %scan3A_320 step %scan3A_321  : i32 {
        %mul3A_448 = arith.constant 16 : i32
        %mul3A_449 = arith.muli %scan3A_447, %mul3A_448 : i32
        %mul3A_450 = arith.constant 128 : i32
        %mul3A_451 = arith.muli %add3A_316, %mul3A_450 : i32
        %add3A_452 = arith.addi %mul3A_451, %mul3A_449 : i32
        %get3A = arith.index_cast %add3A_452 : i32 to index
        %get3A_453 = tpu.vector_load %arg10[%get3A] {strides = array<i32>} : memref<1664xi32, #tpu.memory_space<vmem>>, vector<16xi32>,
        %get3A_454 = vector.shape_cast %get3A_453 : vector<16xi32> to vector<16xi32>
        %add3A_455 = arith.constant 454 : i32
        %add3A_456 = vector.broadcast %add3A_455 : i32 to vector<16xi32>
        %add3A_457 = arith.addi %get3A_454, %add3A_456 : vector<16xi32>
        %swap3A = arith.index_cast %mul3A_449 : i32 to index
        %swap3A_458 = tpu.vector_load %arg11[%swap3A] {strides = array<i32>} : memref<128xi32, #tpu.memory_space<vmem>>, vector<16xi32>,
        %swap3A_459 = vector.shape_cast %swap3A_458 : vector<16xi32> to vector<16xi32>
        %swap3A_460 = vector.shape_cast %add3A_457 : vector<16xi32> to vector<16xi32>
        tpu.vector_store %arg11[%swap3A], %swap3A_460 {strides = array<i32>} : memref<128xi32, #tpu.memory_space<vmem>>, vector<16xi32>,
      }
      %scan3A_322 = arith.constant 8 : i32
      %dma_start3A_323 = arith.constant 0 : i32
      %dma_start3A_324 = arith.constant 0 : i32
      %dma_start3A_325 = tpu.memref_slice %arg2[%dma_start3A_323, %dma_start3A_324] : memref<204304x128xf32, #tpu.memory_space<hbm>> -> memref<204304x128xf32, #tpu.memory_space<hbm>>
      tpu.enqueue_indirect_dma source(%dma_start3A_325 : memref<204304x128xf32, #tpu.memory_space<hbm>>) target(%arg15 : memref<128x128xf32, #tpu.memory_space<vmem>>) offsets(%arg11 : memref<128xi32, #tpu.memory_space<vmem>>) semaphore(%arg19 : memref<!tpu.dma_semaphore, #tpu.memory_space<semaphore_mem>>)
      %add3A_326 = arith.constant 1 : i32
      %add3A_327 = arith.addi %mul3A_314, %add3A_326 : i32
      %scan3A_328 = arith.constant 0 : i32
      %scan3A_329 = arith.constant 0 : i32
      %scan3A_330 = arith.constant 8 : i32
      %scan3A_331 = arith.addi %scan3A_329, %scan3A_330 : i32
      %scan3A_332 = arith.constant 1 : i32
      scf.for %scan3A_447 = %scan3A_329 to %scan3A_331 step %scan3A_332  : i32 {
        %mul3A_448 = arith.constant 16 : i32
        %mul3A_449 = arith.muli %scan3A_447, %mul3A_448 : i32
        %mul3A_450 = arith.constant 128 : i32
        %mul3A_451 = arith.muli %add3A_327, %mul3A_450 : i32
        %add3A_452 = arith.addi %mul3A_451, %mul3A_449 : i32
        %get3A = arith.index_cast %add3A_452 : i32 to index
        %get3A_453 = tpu.vector_load %arg10[%get3A] {strides = array<i32>} : memref<1664xi32, #tpu.memory_space<vmem>>, vector<16xi32>,
        %get3A_454 = vector.shape_cast %get3A_453 : vector<16xi32> to vector<16xi32>
        %add3A_455 = arith.constant 454 : i32
        %add3A_456 = vector.broadcast %add3A_455 : i32 to vector<16xi32>
        %add3A_457 = arith.addi %get3A_454, %add3A_456 : vector<16xi32>
        %swap3A = arith.index_cast %mul3A_449 : i32 to index
        %swap3A_458 = tpu.vector_load %arg12[%swap3A] {strides = array<i32>} : memref<128xi32, #tpu.memory_space<vmem>>, vector<16xi32>,
        %swap3A_459 = vector.shape_cast %swap3A_458 : vector<16xi32> to vector<16xi32>
        %swap3A_460 = vector.shape_cast %add3A_457 : vector<16xi32> to vector<16xi32>
        tpu.vector_store %arg12[%swap3A], %swap3A_460 {strides = array<i32>} : memref<128xi32, #tpu.memory_space<vmem>>, vector<16xi32>,
      }
      %scan3A_333 = arith.constant 8 : i32
      %dma_start3A_334 = arith.constant 0 : i32
      %dma_start3A_335 = arith.constant 0 : i32
      %dma_start3A_336 = tpu.memref_slice %arg2[%dma_start3A_334, %dma_start3A_335] : memref<204304x128xf32, #tpu.memory_space<hbm>> -> memref<204304x128xf32, #tpu.memory_space<hbm>>
      tpu.enqueue_indirect_dma source(%dma_start3A_336 : memref<204304x128xf32, #tpu.memory_space<hbm>>) target(%arg16 : memref<128x128xf32, #tpu.memory_space<vmem>>) offsets(%arg12 : memref<128xi32, #tpu.memory_space<vmem>>) semaphore(%arg20 : memref<!tpu.dma_semaphore, #tpu.memory_space<semaphore_mem>>)
      %add3A_337 = arith.constant 2 : i32
      %add3A_338 = arith.addi %mul3A_314, %add3A_337 : i32
      %scan3A_339 = arith.constant 0 : i32
      %scan3A_340 = arith.constant 0 : i32
      %scan3A_341 = arith.constant 8 : i32
      %scan3A_342 = arith.addi %scan3A_340, %scan3A_341 : i32
      %scan3A_343 = arith.constant 1 : i32
      scf.for %scan3A_447 = %scan3A_340 to %scan3A_342 step %scan3A_343  : i32 {
        %mul3A_448 = arith.constant 16 : i32
        %mul3A_449 = arith.muli %scan3A_447, %mul3A_448 : i32
        %mul3A_450 = arith.constant 128 : i32
        %mul3A_451 = arith.muli %add3A_338, %mul3A_450 : i32
        %add3A_452 = arith.addi %mul3A_451, %mul3A_449 : i32
        %get3A = arith.index_cast %add3A_452 : i32 to index
        %get3A_453 = tpu.vector_load %arg10[%get3A] {strides = array<i32>} : memref<1664xi32, #tpu.memory_space<vmem>>, vector<16xi32>,
        %get3A_454 = vector.shape_cast %get3A_453 : vector<16xi32> to vector<16xi32>
        %add3A_455 = arith.constant 454 : i32
        %add3A_456 = vector.broadcast %add3A_455 : i32 to vector<16xi32>
        %add3A_457 = arith.addi %get3A_454, %add3A_456 : vector<16xi32>
        %swap3A = arith.index_cast %mul3A_449 : i32 to index
        %swap3A_458 = tpu.vector_load %arg13[%swap3A] {strides = array<i32>} : memref<128xi32, #tpu.memory_space<vmem>>, vector<16xi32>,
        %swap3A_459 = vector.shape_cast %swap3A_458 : vector<16xi32> to vector<16xi32>
        %swap3A_460 = vector.shape_cast %add3A_457 : vector<16xi32> to vector<16xi32>
        tpu.vector_store %arg13[%swap3A], %swap3A_460 {strides = array<i32>} : memref<128xi32, #tpu.memory_space<vmem>>, vector<16xi32>,
      }
      %scan3A_344 = arith.constant 8 : i32
      %dma_start3A_345 = arith.constant 0 : i32
      %dma_start3A_346 = arith.constant 0 : i32
      %dma_start3A_347 = tpu.memref_slice %arg2[%dma_start3A_345, %dma_start3A_346] : memref<204304x128xf32, #tpu.memory_space<hbm>> -> memref<204304x128xf32, #tpu.memory_space<hbm>>
      tpu.enqueue_indirect_dma source(%dma_start3A_347 : memref<204304x128xf32, #tpu.memory_space<hbm>>) target(%arg17 : memref<128x128xf32, #tpu.memory_space<vmem>>) offsets(%arg13 : memref<128xi32, #tpu.memory_space<vmem>>) semaphore(%arg21 : memref<!tpu.dma_semaphore, #tpu.memory_space<semaphore_mem>>)
      %add3A_348 = arith.constant 3 : i32
      %add3A_349 = arith.addi %mul3A_314, %add3A_348 : i32
      %scan3A_350 = arith.constant 0 : i32
      %scan3A_351 = arith.constant 0 : i32
      %scan3A_352 = arith.constant 8 : i32
      %scan3A_353 = arith.addi %scan3A_351, %scan3A_352 : i32
      %scan3A_354 = arith.constant 1 : i32
      scf.for %scan3A_447 = %scan3A_351 to %scan3A_353 step %scan3A_354  : i32 {
        %mul3A_448 = arith.constant 16 : i32
        %mul3A_449 = arith.muli %scan3A_447, %mul3A_448 : i32
        %mul3A_450 = arith.constant 128 : i32
        %mul3A_451 = arith.muli %add3A_349, %mul3A_450 : i32
        %add3A_452 = arith.addi %mul3A_451, %mul3A_449 : i32
        %get3A = arith.index_cast %add3A_452 : i32 to index
        %get3A_453 = tpu.vector_load %arg10[%get3A] {strides = array<i32>} : memref<1664xi32, #tpu.memory_space<vmem>>, vector<16xi32>,
        %get3A_454 = vector.shape_cast %get3A_453 : vector<16xi32> to vector<16xi32>
        %add3A_455 = arith.constant 454 : i32
        %add3A_456 = vector.broadcast %add3A_455 : i32 to vector<16xi32>
        %add3A_457 = arith.addi %get3A_454, %add3A_456 : vector<16xi32>
        %swap3A = arith.index_cast %mul3A_449 : i32 to index
        %swap3A_458 = tpu.vector_load %arg14[%swap3A] {strides = array<i32>} : memref<128xi32, #tpu.memory_space<vmem>>, vector<16xi32>,
        %swap3A_459 = vector.shape_cast %swap3A_458 : vector<16xi32> to vector<16xi32>
        %swap3A_460 = vector.shape_cast %add3A_457 : vector<16xi32> to vector<16xi32>
        tpu.vector_store %arg14[%swap3A], %swap3A_460 {strides = array<i32>} : memref<128xi32, #tpu.memory_space<vmem>>, vector<16xi32>,
      }
      %scan3A_355 = arith.constant 8 : i32
      %dma_start3A_356 = arith.constant 0 : i32
      %dma_start3A_357 = arith.constant 0 : i32
      %dma_start3A_358 = tpu.memref_slice %arg2[%dma_start3A_356, %dma_start3A_357] : memref<204304x128xf32, #tpu.memory_space<hbm>> -> memref<204304x128xf32, #tpu.memory_space<hbm>>
      tpu.enqueue_indirect_dma source(%dma_start3A_358 : memref<204304x128xf32, #tpu.memory_space<hbm>>) target(%arg18 : memref<128x128xf32, #tpu.memory_space<vmem>>) offsets(%arg14 : memref<128xi32, #tpu.memory_space<vmem>>) semaphore(%arg22 : memref<!tpu.dma_semaphore, #tpu.memory_space<semaphore_mem>>)
      %dma_wait3A_359 = arith.constant 0 : i32
      %dma_wait3A_360 = arith.constant 0 : i32
      %dma_wait3A_361 = tpu.memref_slice %arg2[%dma_wait3A_359, %dma_wait3A_360] : memref<204304x128xf32, #tpu.memory_space<hbm>> -> memref<204304x128xf32, #tpu.memory_space<hbm>>
      tpu.wait_indirect_dma semaphore(%arg19 : memref<!tpu.dma_semaphore, #tpu.memory_space<semaphore_mem>>) src(%dma_wait3A_361 : memref<204304x128xf32, #tpu.memory_space<hbm>>) dst(%arg15 : memref<128x128xf32, #tpu.memory_space<vmem>>)
      %add3A_362 = arith.constant 0 : i32
      %add3A_363 = arith.addi %mul3A_314, %add3A_362 : i32
      %mul3A_364 = arith.constant 128 : i32
      %mul3A_365 = arith.muli %add3A_363, %mul3A_364 : i32
      %add3A_366 = arith.addi %mul3A_2, %mul3A_365 : i32
      %dma_start3A_367 = arith.constant 8 : i32
      %dma_start3A_368 = arith.constant 0 : i32
      %dma_start3A_369 = tpu.memref_slice %arg6[%dma_start3A_367, %add3A_366, %dma_start3A_368] : memref<9x53248x128xf32, #tpu.memory_space<hbm>> -> memref<1x128x128xf32, #tpu.memory_space<hbm>>
      %dma_start3A_370 = tpu.memref_squeeze %dma_start3A_369 : memref<1x128x128xf32, #tpu.memory_space<hbm>> -> memref<128x128xf32, #tpu.memory_space<hbm>>
      %dma_start3A_371 = arith.constant 0 : i32
      %dma_start3A_372 = tpu.memref_slice %arg6[%dma_start3A_367, %add3A_366, %dma_start3A_371] : memref<9x53248x128xf32, #tpu.memory_space<hbm>> -> memref<1x128x128xf32, #tpu.memory_space<hbm>>
      %dma_start3A_373 = tpu.memref_squeeze %dma_start3A_372 : memref<1x128x128xf32, #tpu.memory_space<hbm>> -> memref<128x128xf32, #tpu.memory_space<hbm>>
      tpu.enqueue_dma source(%arg15 : memref<128x128xf32, #tpu.memory_space<vmem>>) target(%dma_start3A_373 : memref<128x128xf32, #tpu.memory_space<hbm>>) target_semaphore(%arg23 : memref<!tpu.dma_semaphore, #tpu.memory_space<semaphore_mem>>)
      %dma_wait3A_374 = arith.constant 0 : i32
      %dma_wait3A_375 = arith.constant 0 : i32
      %dma_wait3A_376 = tpu.memref_slice %arg2[%dma_wait3A_374, %dma_wait3A_375] : memref<204304x128xf32, #tpu.memory_space<hbm>> -> memref<204304x128xf32, #tpu.memory_space<hbm>>
      tpu.wait_indirect_dma semaphore(%arg20 : memref<!tpu.dma_semaphore, #tpu.memory_space<semaphore_mem>>) src(%dma_wait3A_376 : memref<204304x128xf32, #tpu.memory_space<hbm>>) dst(%arg16 : memref<128x128xf32, #tpu.memory_space<vmem>>)
      %add3A_377 = arith.constant 1 : i32
      %add3A_378 = arith.addi %mul3A_314, %add3A_377 : i32
      %mul3A_379 = arith.constant 128 : i32
      %mul3A_380 = arith.muli %add3A_378, %mul3A_379 : i32
      %add3A_381 = arith.addi %mul3A_2, %mul3A_380 : i32
      %dma_start3A_382 = arith.constant 8 : i32
      %dma_start3A_383 = arith.constant 0 : i32
      %dma_start3A_384 = tpu.memref_slice %arg6[%dma_start3A_382, %add3A_381, %dma_start3A_383] : memref<9x53248x128xf32, #tpu.memory_space<hbm>> -> memref<1x128x128xf32, #tpu.memory_space<hbm>>
      %dma_start3A_385 = tpu.memref_squeeze %dma_start3A_384 : memref<1x128x128xf32, #tpu.memory_space<hbm>> -> memref<128x128xf32, #tpu.memory_space<hbm>>
      %dma_start3A_386 = arith.constant 0 : i32
      %dma_start3A_387 = tpu.memref_slice %arg6[%dma_start3A_382, %add3A_381, %dma_start3A_386] : memref<9x53248x128xf32, #tpu.memory_space<hbm>> -> memref<1x128x128xf32, #tpu.memory_space<hbm>>
      %dma_start3A_388 = tpu.memref_squeeze %dma_start3A_387 : memref<1x128x128xf32, #tpu.memory_space<hbm>> -> memref<128x128xf32, #tpu.memory_space<hbm>>
      tpu.enqueue_dma source(%arg16 : memref<128x128xf32, #tpu.memory_space<vmem>>) target(%dma_start3A_388 : memref<128x128xf32, #tpu.memory_space<hbm>>) target_semaphore(%arg23 : memref<!tpu.dma_semaphore, #tpu.memory_space<semaphore_mem>>)
      %dma_wait3A_389 = arith.constant 0 : i32
      %dma_wait3A_390 = arith.constant 0 : i32
      %dma_wait3A_391 = tpu.memref_slice %arg2[%dma_wait3A_389, %dma_wait3A_390] : memref<204304x128xf32, #tpu.memory_space<hbm>> -> memref<204304x128xf32, #tpu.memory_space<hbm>>
      tpu.wait_indirect_dma semaphore(%arg21 : memref<!tpu.dma_semaphore, #tpu.memory_space<semaphore_mem>>) src(%dma_wait3A_391 : memref<204304x128xf32, #tpu.memory_space<hbm>>) dst(%arg17 : memref<128x128xf32, #tpu.memory_space<vmem>>)
      %add3A_392 = arith.constant 2 : i32
      %add3A_393 = arith.addi %mul3A_314, %add3A_392 : i32
      %mul3A_394 = arith.constant 128 : i32
      %mul3A_395 = arith.muli %add3A_393, %mul3A_394 : i32
      %add3A_396 = arith.addi %mul3A_2, %mul3A_395 : i32
      %dma_start3A_397 = arith.constant 8 : i32
      %dma_start3A_398 = arith.constant 0 : i32
      %dma_start3A_399 = tpu.memref_slice %arg6[%dma_start3A_397, %add3A_396, %dma_start3A_398] : memref<9x53248x128xf32, #tpu.memory_space<hbm>> -> memref<1x128x128xf32, #tpu.memory_space<hbm>>
      %dma_start3A_400 = tpu.memref_squeeze %dma_start3A_399 : memref<1x128x128xf32, #tpu.memory_space<hbm>> -> memref<128x128xf32, #tpu.memory_space<hbm>>
      %dma_start3A_401 = arith.constant 0 : i32
      %dma_start3A_402 = tpu.memref_slice %arg6[%dma_start3A_397, %add3A_396, %dma_start3A_401] : memref<9x53248x128xf32, #tpu.memory_space<hbm>> -> memref<1x128x128xf32, #tpu.memory_space<hbm>>
      %dma_start3A_403 = tpu.memref_squeeze %dma_start3A_402 : memref<1x128x128xf32, #tpu.memory_space<hbm>> -> memref<128x128xf32, #tpu.memory_space<hbm>>
      tpu.enqueue_dma source(%arg17 : memref<128x128xf32, #tpu.memory_space<vmem>>) target(%dma_start3A_403 : memref<128x128xf32, #tpu.memory_space<hbm>>) target_semaphore(%arg23 : memref<!tpu.dma_semaphore, #tpu.memory_space<semaphore_mem>>)
      %dma_wait3A_404 = arith.constant 0 : i32
      %dma_wait3A_405 = arith.constant 0 : i32
      %dma_wait3A_406 = tpu.memref_slice %arg2[%dma_wait3A_404, %dma_wait3A_405] : memref<204304x128xf32, #tpu.memory_space<hbm>> -> memref<204304x128xf32, #tpu.memory_space<hbm>>
      tpu.wait_indirect_dma semaphore(%arg22 : memref<!tpu.dma_semaphore, #tpu.memory_space<semaphore_mem>>) src(%dma_wait3A_406 : memref<204304x128xf32, #tpu.memory_space<hbm>>) dst(%arg18 : memref<128x128xf32, #tpu.memory_space<vmem>>)
      %add3A_407 = arith.constant 3 : i32
      %add3A_408 = arith.addi %mul3A_314, %add3A_407 : i32
      %mul3A_409 = arith.constant 128 : i32
      %mul3A_410 = arith.muli %add3A_408, %mul3A_409 : i32
      %add3A_411 = arith.addi %mul3A_2, %mul3A_410 : i32
      %dma_start3A_412 = arith.constant 8 : i32
      %dma_start3A_413 = arith.constant 0 : i32
      %dma_start3A_414 = tpu.memref_slice %arg6[%dma_start3A_412, %add3A_411, %dma_start3A_413] : memref<9x53248x128xf32, #tpu.memory_space<hbm>> -> memref<1x128x128xf32, #tpu.memory_space<hbm>>
      %dma_start3A_415 = tpu.memref_squeeze %dma_start3A_414 : memref<1x128x128xf32, #tpu.memory_space<hbm>> -> memref<128x128xf32, #tpu.memory_space<hbm>>
      %dma_start3A_416 = arith.constant 0 : i32
      %dma_start3A_417 = tpu.memref_slice %arg6[%dma_start3A_412, %add3A_411, %dma_start3A_416] : memref<9x53248x128xf32, #tpu.memory_space<hbm>> -> memref<1x128x128xf32, #tpu.memory_space<hbm>>
      %dma_start3A_418 = tpu.memref_squeeze %dma_start3A_417 : memref<1x128x128xf32, #tpu.memory_space<hbm>> -> memref<128x128xf32, #tpu.memory_space<hbm>>
      tpu.enqueue_dma source(%arg18 : memref<128x128xf32, #tpu.memory_space<vmem>>) target(%dma_start3A_418 : memref<128x128xf32, #tpu.memory_space<hbm>>) target_semaphore(%arg23 : memref<!tpu.dma_semaphore, #tpu.memory_space<semaphore_mem>>)
      %dma_wait3A_419 = arith.constant 8 : i32
      %dma_wait3A_420 = arith.constant 0 : i32
      %dma_wait3A_421 = tpu.memref_slice %arg6[%dma_wait3A_419, %add3A_366, %dma_wait3A_420] : memref<9x53248x128xf32, #tpu.memory_space<hbm>> -> memref<1x128x128xf32, #tpu.memory_space<hbm>>
      %dma_wait3A_422 = tpu.memref_squeeze %dma_wait3A_421 : memref<1x128x128xf32, #tpu.memory_space<hbm>> -> memref<128x128xf32, #tpu.memory_space<hbm>>
      %dma_wait3A_423 = arith.constant 0 : i32
      %dma_wait3A_424 = tpu.memref_slice %arg6[%dma_wait3A_419, %add3A_366, %dma_wait3A_423] : memref<9x53248x128xf32, #tpu.memory_space<hbm>> -> memref<1x128x128xf32, #tpu.memory_space<hbm>>
      %dma_wait3A_425 = tpu.memref_squeeze %dma_wait3A_424 : memref<1x128x128xf32, #tpu.memory_space<hbm>> -> memref<128x128xf32, #tpu.memory_space<hbm>>
      tpu.wait_dma2 semaphore(%arg23 : memref<!tpu.dma_semaphore, #tpu.memory_space<semaphore_mem>>) src(%arg15 : memref<128x128xf32, #tpu.memory_space<vmem>>) dst(%dma_wait3A_425 : memref<128x128xf32, #tpu.memory_space<hbm>>)
      %dma_wait3A_426 = arith.constant 8 : i32
      %dma_wait3A_427 = arith.constant 0 : i32
      %dma_wait3A_428 = tpu.memref_slice %arg6[%dma_wait3A_426, %add3A_381, %dma_wait3A_427] : memref<9x53248x128xf32, #tpu.memory_space<hbm>> -> memref<1x128x128xf32, #tpu.memory_space<hbm>>
      %dma_wait3A_429 = tpu.memref_squeeze %dma_wait3A_428 : memref<1x128x128xf32, #tpu.memory_space<hbm>> -> memref<128x128xf32, #tpu.memory_space<hbm>>
      %dma_wait3A_430 = arith.constant 0 : i32
      %dma_wait3A_431 = tpu.memref_slice %arg6[%dma_wait3A_426, %add3A_381, %dma_wait3A_430] : memref<9x53248x128xf32, #tpu.memory_space<hbm>> -> memref<1x128x128xf32, #tpu.memory_space<hbm>>
      %dma_wait3A_432 = tpu.memref_squeeze %dma_wait3A_431 : memref<1x128x128xf32, #tpu.memory_space<hbm>> -> memref<128x128xf32, #tpu.memory_space<hbm>>
      tpu.wait_dma2 semaphore(%arg23 : memref<!tpu.dma_semaphore, #tpu.memory_space<semaphore_mem>>) src(%arg16 : memref<128x128xf32, #tpu.memory_space<vmem>>) dst(%dma_wait3A_432 : memref<128x128xf32, #tpu.memory_space<hbm>>)
      %dma_wait3A_433 = arith.constant 8 : i32
      %dma_wait3A_434 = arith.constant 0 : i32
      %dma_wait3A_435 = tpu.memref_slice %arg6[%dma_wait3A_433, %add3A_396, %dma_wait3A_434] : memref<9x53248x128xf32, #tpu.memory_space<hbm>> -> memref<1x128x128xf32, #tpu.memory_space<hbm>>
      %dma_wait3A_436 = tpu.memref_squeeze %dma_wait3A_435 : memref<1x128x128xf32, #tpu.memory_space<hbm>> -> memref<128x128xf32, #tpu.memory_space<hbm>>
      %dma_wait3A_437 = arith.constant 0 : i32
      %dma_wait3A_438 = tpu.memref_slice %arg6[%dma_wait3A_433, %add3A_396, %dma_wait3A_437] : memref<9x53248x128xf32, #tpu.memory_space<hbm>> -> memref<1x128x128xf32, #tpu.memory_space<hbm>>
      %dma_wait3A_439 = tpu.memref_squeeze %dma_wait3A_438 : memref<1x128x128xf32, #tpu.memory_space<hbm>> -> memref<128x128xf32, #tpu.memory_space<hbm>>
      tpu.wait_dma2 semaphore(%arg23 : memref<!tpu.dma_semaphore, #tpu.memory_space<semaphore_mem>>) src(%arg17 : memref<128x128xf32, #tpu.memory_space<vmem>>) dst(%dma_wait3A_439 : memref<128x128xf32, #tpu.memory_space<hbm>>)
      %dma_wait3A_440 = arith.constant 8 : i32
      %dma_wait3A_441 = arith.constant 0 : i32
      %dma_wait3A_442 = tpu.memref_slice %arg6[%dma_wait3A_440, %add3A_411, %dma_wait3A_441] : memref<9x53248x128xf32, #tpu.memory_space<hbm>> -> memref<1x128x128xf32, #tpu.memory_space<hbm>>
      %dma_wait3A_443 = tpu.memref_squeeze %dma_wait3A_442 : memref<1x128x128xf32, #tpu.memory_space<hbm>> -> memref<128x128xf32, #tpu.memory_space<hbm>>
      %dma_wait3A_444 = arith.constant 0 : i32
      %dma_wait3A_445 = tpu.memref_slice %arg6[%dma_wait3A_440, %add3A_411, %dma_wait3A_444] : memref<9x53248x128xf32, #tpu.memory_space<hbm>> -> memref<1x128x128xf32, #tpu.memory_space<hbm>>
      %dma_wait3A_446 = tpu.memref_squeeze %dma_wait3A_445 : memref<1x128x128xf32, #tpu.memory_space<hbm>> -> memref<128x128xf32, #tpu.memory_space<hbm>>
      tpu.wait_dma2 semaphore(%arg23 : memref<!tpu.dma_semaphore, #tpu.memory_space<semaphore_mem>>) src(%arg18 : memref<128x128xf32, #tpu.memory_space<vmem>>) dst(%dma_wait3A_446 : memref<128x128xf32, #tpu.memory_space<hbm>>)
    }
    %scan3A_283 = arith.constant 3 : i32
    %scan3A_284 = arith.constant 0 : i32
    %scan3A_285 = arith.constant 0 : i32
    %scan3A_286 = arith.constant 8 : i32
    %scan3A_287 = arith.addi %scan3A_285, %scan3A_286 : i32
    %scan3A_288 = arith.constant 1 : i32
    scf.for %scan3A_312 = %scan3A_285 to %scan3A_287 step %scan3A_288  : i32 {
      %mul3A_313 = arith.constant 16 : i32
      %mul3A_314 = arith.muli %scan3A_312, %mul3A_313 : i32
      %add3A_315 = arith.constant 1536 : i32
      %add3A_316 = arith.addi %add3A_315, %mul3A_314 : i32
      %get3A = arith.index_cast %add3A_316 : i32 to index
      %get3A_317 = tpu.vector_load %arg10[%get3A] {strides = array<i32>} : memref<1664xi32, #tpu.memory_space<vmem>>, vector<16xi32>,
      %get3A_318 = vector.shape_cast %get3A_317 : vector<16xi32> to vector<16xi32>
      %add3A_319 = arith.constant 454 : i32
      %add3A_320 = vector.broadcast %add3A_319 : i32 to vector<16xi32>
      %add3A_321 = arith.addi %get3A_318, %add3A_320 : vector<16xi32>
      %swap3A = arith.index_cast %mul3A_314 : i32 to index
      %swap3A_322 = tpu.vector_load %arg11[%swap3A] {strides = array<i32>} : memref<128xi32, #tpu.memory_space<vmem>>, vector<16xi32>,
      %swap3A_323 = vector.shape_cast %swap3A_322 : vector<16xi32> to vector<16xi32>
      %swap3A_324 = vector.shape_cast %add3A_321 : vector<16xi32> to vector<16xi32>
      tpu.vector_store %arg11[%swap3A], %swap3A_324 {strides = array<i32>} : memref<128xi32, #tpu.memory_space<vmem>>, vector<16xi32>,
    }
    %scan3A_289 = arith.constant 8 : i32
    %dma_start3A_290 = arith.constant 0 : i32
    %dma_start3A_291 = arith.constant 0 : i32
    %dma_start3A_292 = tpu.memref_slice %arg2[%dma_start3A_290, %dma_start3A_291] : memref<204304x128xf32, #tpu.memory_space<hbm>> -> memref<204304x128xf32, #tpu.memory_space<hbm>>
    tpu.enqueue_indirect_dma source(%dma_start3A_292 : memref<204304x128xf32, #tpu.memory_space<hbm>>) target(%arg15 : memref<128x128xf32, #tpu.memory_space<vmem>>) offsets(%arg11 : memref<128xi32, #tpu.memory_space<vmem>>) semaphore(%arg19 : memref<!tpu.dma_semaphore, #tpu.memory_space<semaphore_mem>>)
    %dma_wait3A_293 = arith.constant 0 : i32
    %dma_wait3A_294 = arith.constant 0 : i32
    %dma_wait3A_295 = tpu.memref_slice %arg2[%dma_wait3A_293, %dma_wait3A_294] : memref<204304x128xf32, #tpu.memory_space<hbm>> -> memref<204304x128xf32, #tpu.memory_space<hbm>>
    tpu.wait_indirect_dma semaphore(%arg19 : memref<!tpu.dma_semaphore, #tpu.memory_space<semaphore_mem>>) src(%dma_wait3A_295 : memref<204304x128xf32, #tpu.memory_space<hbm>>) dst(%arg15 : memref<128x128xf32, #tpu.memory_space<vmem>>)
    %add3A_296 = arith.constant 1536 : i32
    %add3A_297 = arith.addi %mul3A_2, %add3A_296 : i32
    %dma_start3A_298 = arith.constant 8 : i32
    %dma_start3A_299 = arith.constant 0 : i32
    %dma_start3A_300 = tpu.memref_slice %arg6[%dma_start3A_298, %add3A_297, %dma_start3A_299] : memref<9x53248x128xf32, #tpu.memory_space<hbm>> -> memref<1x128x128xf32, #tpu.memory_space<hbm>>
    %dma_start3A_301 = tpu.memref_squeeze %dma_start3A_300 : memref<1x128x128xf32, #tpu.memory_space<hbm>> -> memref<128x128xf32, #tpu.memory_space<hbm>>
    %dma_start3A_302 = arith.constant 0 : i32
    %dma_start3A_303 = tpu.memref_slice %arg6[%dma_start3A_298, %add3A_297, %dma_start3A_302] : memref<9x53248x128xf32, #tpu.memory_space<hbm>> -> memref<1x128x128xf32, #tpu.memory_space<hbm>>
    %dma_start3A_304 = tpu.memref_squeeze %dma_start3A_303 : memref<1x128x128xf32, #tpu.memory_space<hbm>> -> memref<128x128xf32, #tpu.memory_space<hbm>>
    tpu.enqueue_dma source(%arg15 : memref<128x128xf32, #tpu.memory_space<vmem>>) target(%dma_start3A_304 : memref<128x128xf32, #tpu.memory_space<hbm>>) target_semaphore(%arg23 : memref<!tpu.dma_semaphore, #tpu.memory_space<semaphore_mem>>)
    %dma_wait3A_305 = arith.constant 8 : i32
    %dma_wait3A_306 = arith.constant 0 : i32
    %dma_wait3A_307 = tpu.memref_slice %arg6[%dma_wait3A_305, %add3A_297, %dma_wait3A_306] : memref<9x53248x128xf32, #tpu.memory_space<hbm>> -> memref<1x128x128xf32, #tpu.memory_space<hbm>>
    %dma_wait3A_308 = tpu.memref_squeeze %dma_wait3A_307 : memref<1x128x128xf32, #tpu.memory_space<hbm>> -> memref<128x128xf32, #tpu.memory_space<hbm>>
    %dma_wait3A_309 = arith.constant 0 : i32
    %dma_wait3A_310 = tpu.memref_slice %arg6[%dma_wait3A_305, %add3A_297, %dma_wait3A_309] : memref<9x53248x128xf32, #tpu.memory_space<hbm>> -> memref<1x128x128xf32, #tpu.memory_space<hbm>>
    %dma_wait3A_311 = tpu.memref_squeeze %dma_wait3A_310 : memref<1x128x128xf32, #tpu.memory_space<hbm>> -> memref<128x128xf32, #tpu.memory_space<hbm>>
    tpu.wait_dma2 semaphore(%arg23 : memref<!tpu.dma_semaphore, #tpu.memory_space<semaphore_mem>>) src(%arg15 : memref<128x128xf32, #tpu.memory_space<vmem>>) dst(%dma_wait3A_311 : memref<128x128xf32, #tpu.memory_space<hbm>>)
    return
  }
}

module attributes {stable_mosaic.version = 14 : i64} {
  func.func @_gemm_body(%arg0: i32, %arg1: memref<9x512x128xf32, #tpu.memory_space<vmem>>, %arg2: memref<9x128x96xf32, #tpu.memory_space<vmem>>, %arg3: memref<1x96xf32, #tpu.memory_space<vmem>>, %arg4: memref<512x96xf32, #tpu.memory_space<vmem>>) attributes {dimension_semantics = [#tpu.dimension_semantics<arbitrary>], iteration_bounds = array<i64: 104>, scalar_prefetch = 0 : i64, scratch_operands = 0 : i64, tpu.core_type = #tpu.core_type<tc>, window_params = [{transform_indices = @transform_0, window_bounds = array<i64: 9, 512, 128>}, {pipeline_mode = #tpu.pipeline_mode<synchronous>, transform_indices = @transform_1, window_bounds = array<i64: 9, 128, 96>}, {pipeline_mode = #tpu.pipeline_mode<synchronous>, transform_indices = @transform_2, window_bounds = array<i64: 1, 96>}, {transform_indices = @transform_3, window_bounds = array<i64: 512, 96>}]} {
    %get3A = arith.constant 0 : index
    %get3A_0 = arith.constant 0 : index
    %get3A_1 = vector.load %arg3[%get3A, %get3A_0] : memref<1x96xf32, #tpu.memory_space<vmem>>, vector<1x96xf32>
    %broadcast_in_dim3A = vector.shape_cast %get3A_1 : vector<1x96xf32> to vector<1x96xf32>
    %broadcast_in_dim3A_2 = vector.broadcast %broadcast_in_dim3A : vector<1x96xf32> to vector<512x96xf32>
    %get3A_3 = arith.constant 0 : index
    %get3A_4 = arith.constant 0 : index
    %get3A_5 = arith.constant 0 : index
    %get3A_6 = vector.load %arg1[%get3A_3, %get3A_4, %get3A_5] : memref<9x512x128xf32, #tpu.memory_space<vmem>>, vector<1x512x128xf32>
    %get3A_7 = vector.shape_cast %get3A_6 : vector<1x512x128xf32> to vector<512x128xf32>
    %get3A_8 = arith.constant 0 : index
    %get3A_9 = arith.constant 0 : index
    %get3A_10 = arith.constant 0 : index
    %get3A_11 = vector.load %arg2[%get3A_8, %get3A_9, %get3A_10] : memref<9x128x96xf32, #tpu.memory_space<vmem>>, vector<1x128x96xf32>
    %get3A_12 = vector.shape_cast %get3A_11 : vector<1x128x96xf32> to vector<128x96xf32>
    %dot_general3A = arith.constant dense<0.000000e+00> : vector<512x96xf32>
    %dot_general3A_13 = tpu.matmul %get3A_7, %get3A_12, %dot_general3A {dimension_numbers = #tpu.dot_dimension_numbers<[1], [0], [0], [1], [0, 0, 1, 1], [], []>, transpose_lhs_hint = false} : vector<512x128xf32>, vector<128x96xf32>, vector<512x96xf32> -> vector<512x96xf32>
    %add3A = arith.addf %broadcast_in_dim3A_2, %dot_general3A_13 : vector<512x96xf32>
    %get3A_14 = arith.constant 1 : index
    %get3A_15 = arith.constant 0 : index
    %get3A_16 = arith.constant 0 : index
    %get3A_17 = vector.load %arg1[%get3A_14, %get3A_15, %get3A_16] : memref<9x512x128xf32, #tpu.memory_space<vmem>>, vector<1x512x128xf32>
    %get3A_18 = vector.shape_cast %get3A_17 : vector<1x512x128xf32> to vector<512x128xf32>
    %get3A_19 = arith.constant 1 : index
    %get3A_20 = arith.constant 0 : index
    %get3A_21 = arith.constant 0 : index
    %get3A_22 = vector.load %arg2[%get3A_19, %get3A_20, %get3A_21] : memref<9x128x96xf32, #tpu.memory_space<vmem>>, vector<1x128x96xf32>
    %get3A_23 = vector.shape_cast %get3A_22 : vector<1x128x96xf32> to vector<128x96xf32>
    %dot_general3A_24 = arith.constant dense<0.000000e+00> : vector<512x96xf32>
    %dot_general3A_25 = tpu.matmul %get3A_18, %get3A_23, %dot_general3A_24 {dimension_numbers = #tpu.dot_dimension_numbers<[1], [0], [0], [1], [0, 0, 1, 1], [], []>, transpose_lhs_hint = false} : vector<512x128xf32>, vector<128x96xf32>, vector<512x96xf32> -> vector<512x96xf32>
    %add3A_26 = arith.addf %add3A, %dot_general3A_25 : vector<512x96xf32>
    %get3A_27 = arith.constant 2 : index
    %get3A_28 = arith.constant 0 : index
    %get3A_29 = arith.constant 0 : index
    %get3A_30 = vector.load %arg1[%get3A_27, %get3A_28, %get3A_29] : memref<9x512x128xf32, #tpu.memory_space<vmem>>, vector<1x512x128xf32>
    %get3A_31 = vector.shape_cast %get3A_30 : vector<1x512x128xf32> to vector<512x128xf32>
    %get3A_32 = arith.constant 2 : index
    %get3A_33 = arith.constant 0 : index
    %get3A_34 = arith.constant 0 : index
    %get3A_35 = vector.load %arg2[%get3A_32, %get3A_33, %get3A_34] : memref<9x128x96xf32, #tpu.memory_space<vmem>>, vector<1x128x96xf32>
    %get3A_36 = vector.shape_cast %get3A_35 : vector<1x128x96xf32> to vector<128x96xf32>
    %dot_general3A_37 = arith.constant dense<0.000000e+00> : vector<512x96xf32>
    %dot_general3A_38 = tpu.matmul %get3A_31, %get3A_36, %dot_general3A_37 {dimension_numbers = #tpu.dot_dimension_numbers<[1], [0], [0], [1], [0, 0, 1, 1], [], []>, transpose_lhs_hint = false} : vector<512x128xf32>, vector<128x96xf32>, vector<512x96xf32> -> vector<512x96xf32>
    %add3A_39 = arith.addf %add3A_26, %dot_general3A_38 : vector<512x96xf32>
    %get3A_40 = arith.constant 3 : index
    %get3A_41 = arith.constant 0 : index
    %get3A_42 = arith.constant 0 : index
    %get3A_43 = vector.load %arg1[%get3A_40, %get3A_41, %get3A_42] : memref<9x512x128xf32, #tpu.memory_space<vmem>>, vector<1x512x128xf32>
    %get3A_44 = vector.shape_cast %get3A_43 : vector<1x512x128xf32> to vector<512x128xf32>
    %get3A_45 = arith.constant 3 : index
    %get3A_46 = arith.constant 0 : index
    %get3A_47 = arith.constant 0 : index
    %get3A_48 = vector.load %arg2[%get3A_45, %get3A_46, %get3A_47] : memref<9x128x96xf32, #tpu.memory_space<vmem>>, vector<1x128x96xf32>
    %get3A_49 = vector.shape_cast %get3A_48 : vector<1x128x96xf32> to vector<128x96xf32>
    %dot_general3A_50 = arith.constant dense<0.000000e+00> : vector<512x96xf32>
    %dot_general3A_51 = tpu.matmul %get3A_44, %get3A_49, %dot_general3A_50 {dimension_numbers = #tpu.dot_dimension_numbers<[1], [0], [0], [1], [0, 0, 1, 1], [], []>, transpose_lhs_hint = false} : vector<512x128xf32>, vector<128x96xf32>, vector<512x96xf32> -> vector<512x96xf32>
    %add3A_52 = arith.addf %add3A_39, %dot_general3A_51 : vector<512x96xf32>
    %get3A_53 = arith.constant 4 : index
    %get3A_54 = arith.constant 0 : index
    %get3A_55 = arith.constant 0 : index
    %get3A_56 = vector.load %arg1[%get3A_53, %get3A_54, %get3A_55] : memref<9x512x128xf32, #tpu.memory_space<vmem>>, vector<1x512x128xf32>
    %get3A_57 = vector.shape_cast %get3A_56 : vector<1x512x128xf32> to vector<512x128xf32>
    %get3A_58 = arith.constant 4 : index
    %get3A_59 = arith.constant 0 : index
    %get3A_60 = arith.constant 0 : index
    %get3A_61 = vector.load %arg2[%get3A_58, %get3A_59, %get3A_60] : memref<9x128x96xf32, #tpu.memory_space<vmem>>, vector<1x128x96xf32>
    %get3A_62 = vector.shape_cast %get3A_61 : vector<1x128x96xf32> to vector<128x96xf32>
    %dot_general3A_63 = arith.constant dense<0.000000e+00> : vector<512x96xf32>
    %dot_general3A_64 = tpu.matmul %get3A_57, %get3A_62, %dot_general3A_63 {dimension_numbers = #tpu.dot_dimension_numbers<[1], [0], [0], [1], [0, 0, 1, 1], [], []>, transpose_lhs_hint = false} : vector<512x128xf32>, vector<128x96xf32>, vector<512x96xf32> -> vector<512x96xf32>
    %add3A_65 = arith.addf %add3A_52, %dot_general3A_64 : vector<512x96xf32>
    %get3A_66 = arith.constant 5 : index
    %get3A_67 = arith.constant 0 : index
    %get3A_68 = arith.constant 0 : index
    %get3A_69 = vector.load %arg1[%get3A_66, %get3A_67, %get3A_68] : memref<9x512x128xf32, #tpu.memory_space<vmem>>, vector<1x512x128xf32>
    %get3A_70 = vector.shape_cast %get3A_69 : vector<1x512x128xf32> to vector<512x128xf32>
    %get3A_71 = arith.constant 5 : index
    %get3A_72 = arith.constant 0 : index
    %get3A_73 = arith.constant 0 : index
    %get3A_74 = vector.load %arg2[%get3A_71, %get3A_72, %get3A_73] : memref<9x128x96xf32, #tpu.memory_space<vmem>>, vector<1x128x96xf32>
    %get3A_75 = vector.shape_cast %get3A_74 : vector<1x128x96xf32> to vector<128x96xf32>
    %dot_general3A_76 = arith.constant dense<0.000000e+00> : vector<512x96xf32>
    %dot_general3A_77 = tpu.matmul %get3A_70, %get3A_75, %dot_general3A_76 {dimension_numbers = #tpu.dot_dimension_numbers<[1], [0], [0], [1], [0, 0, 1, 1], [], []>, transpose_lhs_hint = false} : vector<512x128xf32>, vector<128x96xf32>, vector<512x96xf32> -> vector<512x96xf32>
    %add3A_78 = arith.addf %add3A_65, %dot_general3A_77 : vector<512x96xf32>
    %get3A_79 = arith.constant 6 : index
    %get3A_80 = arith.constant 0 : index
    %get3A_81 = arith.constant 0 : index
    %get3A_82 = vector.load %arg1[%get3A_79, %get3A_80, %get3A_81] : memref<9x512x128xf32, #tpu.memory_space<vmem>>, vector<1x512x128xf32>
    %get3A_83 = vector.shape_cast %get3A_82 : vector<1x512x128xf32> to vector<512x128xf32>
    %get3A_84 = arith.constant 6 : index
    %get3A_85 = arith.constant 0 : index
    %get3A_86 = arith.constant 0 : index
    %get3A_87 = vector.load %arg2[%get3A_84, %get3A_85, %get3A_86] : memref<9x128x96xf32, #tpu.memory_space<vmem>>, vector<1x128x96xf32>
    %get3A_88 = vector.shape_cast %get3A_87 : vector<1x128x96xf32> to vector<128x96xf32>
    %dot_general3A_89 = arith.constant dense<0.000000e+00> : vector<512x96xf32>
    %dot_general3A_90 = tpu.matmul %get3A_83, %get3A_88, %dot_general3A_89 {dimension_numbers = #tpu.dot_dimension_numbers<[1], [0], [0], [1], [0, 0, 1, 1], [], []>, transpose_lhs_hint = false} : vector<512x128xf32>, vector<128x96xf32>, vector<512x96xf32> -> vector<512x96xf32>
    %add3A_91 = arith.addf %add3A_78, %dot_general3A_90 : vector<512x96xf32>
    %get3A_92 = arith.constant 7 : index
    %get3A_93 = arith.constant 0 : index
    %get3A_94 = arith.constant 0 : index
    %get3A_95 = vector.load %arg1[%get3A_92, %get3A_93, %get3A_94] : memref<9x512x128xf32, #tpu.memory_space<vmem>>, vector<1x512x128xf32>
    %get3A_96 = vector.shape_cast %get3A_95 : vector<1x512x128xf32> to vector<512x128xf32>
    %get3A_97 = arith.constant 7 : index
    %get3A_98 = arith.constant 0 : index
    %get3A_99 = arith.constant 0 : index
    %get3A_100 = vector.load %arg2[%get3A_97, %get3A_98, %get3A_99] : memref<9x128x96xf32, #tpu.memory_space<vmem>>, vector<1x128x96xf32>
    %get3A_101 = vector.shape_cast %get3A_100 : vector<1x128x96xf32> to vector<128x96xf32>
    %dot_general3A_102 = arith.constant dense<0.000000e+00> : vector<512x96xf32>
    %dot_general3A_103 = tpu.matmul %get3A_96, %get3A_101, %dot_general3A_102 {dimension_numbers = #tpu.dot_dimension_numbers<[1], [0], [0], [1], [0, 0, 1, 1], [], []>, transpose_lhs_hint = false} : vector<512x128xf32>, vector<128x96xf32>, vector<512x96xf32> -> vector<512x96xf32>
    %add3A_104 = arith.addf %add3A_91, %dot_general3A_103 : vector<512x96xf32>
    %get3A_105 = arith.constant 8 : index
    %get3A_106 = arith.constant 0 : index
    %get3A_107 = arith.constant 0 : index
    %get3A_108 = vector.load %arg1[%get3A_105, %get3A_106, %get3A_107] : memref<9x512x128xf32, #tpu.memory_space<vmem>>, vector<1x512x128xf32>
    %get3A_109 = vector.shape_cast %get3A_108 : vector<1x512x128xf32> to vector<512x128xf32>
    %get3A_110 = arith.constant 8 : index
    %get3A_111 = arith.constant 0 : index
    %get3A_112 = arith.constant 0 : index
    %get3A_113 = vector.load %arg2[%get3A_110, %get3A_111, %get3A_112] : memref<9x128x96xf32, #tpu.memory_space<vmem>>, vector<1x128x96xf32>
    %get3A_114 = vector.shape_cast %get3A_113 : vector<1x128x96xf32> to vector<128x96xf32>
    %dot_general3A_115 = arith.constant dense<0.000000e+00> : vector<512x96xf32>
    %dot_general3A_116 = tpu.matmul %get3A_109, %get3A_114, %dot_general3A_115 {dimension_numbers = #tpu.dot_dimension_numbers<[1], [0], [0], [1], [0, 0, 1, 1], [], []>, transpose_lhs_hint = false} : vector<512x128xf32>, vector<128x96xf32>, vector<512x96xf32> -> vector<512x96xf32>
    %add3A_117 = arith.addf %add3A_104, %dot_general3A_116 : vector<512x96xf32>
    %swap3A = arith.constant 0 : index
    %swap3A_118 = arith.constant 0 : index
    %swap3A_119 = vector.load %arg4[%swap3A, %swap3A_118] : memref<512x96xf32, #tpu.memory_space<vmem>>, vector<512x96xf32>
    tpu.vector_store %arg4[%swap3A, %swap3A_118], %add3A_117 {strides = array<i32>} : memref<512x96xf32, #tpu.memory_space<vmem>>, vector<512x96xf32>,
    return
  }
  func.func @transform_0(%arg0: i32) -> (i32, i32, i32) {
    %c0_i32 = arith.constant 0 : i32
    %c0_i32_0 = arith.constant 0 : i32
    %c0_i32_1 = arith.constant 0 : i32
    return %c0_i32, %arg0, %c0_i32_0 : i32, i32, i32
  }
  func.func @transform_1(%arg0: i32) -> (i32, i32, i32) {
    %c0_i32 = arith.constant 0 : i32
    %c0_i32_0 = arith.constant 0 : i32
    %c0_i32_1 = arith.constant 0 : i32
    %c0_i32_2 = arith.constant 0 : i32
    return %c0_i32, %c0_i32_0, %c0_i32_1 : i32, i32, i32
  }
  func.func @transform_2(%arg0: i32) -> (i32, i32) {
    %c0_i32 = arith.constant 0 : i32
    %c0_i32_0 = arith.constant 0 : i32
    %c0_i32_1 = arith.constant 0 : i32
    return %c0_i32, %c0_i32_0 : i32, i32
  }
  func.func @transform_3(%arg0: i32) -> (i32, i32) {
    %c0_i32 = arith.constant 0 : i32
    %c0_i32_0 = arith.constant 0 : i32
    return %arg0, %c0_i32 : i32, i32
  }
}

</mosaic_0001>

<sc_bundles>
// kernel: kernel.4.cloned.1.call-start
scs
__scs_entry_jumppad:
0x0: {  	(pc) =	sbr.rel $0x88, $3  }
0x1: {  	(tag) =	ssettag $0x0;
	lr =	simm.s32 $0x1  }
0x2: {  	[smem:$0x3F9D] =	sst lr;
	_ =	strace $0xD0000000  }
0x3: {  	_ = 	snop  }
0x4: {  	_ = 	snop  }
0x5: {  	_ = 	snop  }
0x6: {  	_ = 	snop  }
0x7: {  	_ = 	snop  }
__scs_overlays_trampoline_lowered:
0x8: {  	[smem:$0x3FAC] =	sst s0  }
0x9: {  	[smem:$0x3FAD] =	sst s1  }
0xa: {  	[smem:$0x3FAE] =	sst s2  }
0xb: {  	[smem:$0x3FAF] =	sst s3  }
0xc: {  	[smem:$0x3FB0] =	sst s4  }
0xd: {  	[smem:$0x3FB1] =	sst s5  }
0xe: {  	[smem:$0x3FB2] =	sst s6  }
0xf: {  	[smem:$0x3FB3] =	sst s7  }
0x10: {  	[smem:$0x3FB4] =	sst s8  }
0x11: {  	[smem:$0x3FB5] =	sst s9;
	s0 =	simm.s32 @!p0 $0x0  }
0x12: {  	s1 =	sld [smem:$0x3F9B];
	s0 =	simm.s32 @p0 $0x1  }
0x13: {  	[smem:$0x3FB6] =	sst s0;
	s0 =	simm.s32 @!p1 $0x0  }
0x14: {  	s2 =	sld [smem:$0x3F9A];
	s0 =	simm.s32 @p1 $0x1  }
0x15: {  	[smem:$0x3FB7] =	sst s0;
	s0 =	simm.s32 @!p2 $0x0  }
0x16: {  	s3 =	sld [smem:$0x3FDB];
	s0 =	simm.s32 @p2 $0x1  }
0x17: {  	s4 =	simm.s32 $0x1BF5;
	[smem:$0x3FB9] =	sst s0  }
0x18: {  	s0 =	sld [smem:$0x3F9C];
	_ =	swait.ge [sflag:s4], $0x0  }
0x19: {  	s7 =	sld [smem:$0x3F9D]  }
0x1a: {  	s8 =	sadd.s32 $0xFFFFE003, lr  }
0x1b: {  	s9 =	sadd.s32 $0xFFFFFEF7, lr;
	s5 =	simm.s32 $0xFFFFFFFF;
	p2 =	slt.u32 s8, $0xFFFFF086  }
0x1c: {  	p1 =	slt.u32 s9, $0xF7A;
	s5 =	simm.s32 @!p2 $0x0  }
0x1d: {  	s5 =	simm.s32 @p1 $0x1;
	p0 =	seq.s32 s7, s2  }
0x1e: {  	s7 =	smul.u32 @!p0 $0xF7A, s2;
	p2 =	seq.s32 @!p0 s5, $0x0  }
0x1f: {  	s9 =	smul.u32 $0xF7A, s1;
	s8 =	simm.s32 @!p0 $0x1BF5;
	p2 =	por !p2, p0  }
0x20: {  	[sflag:s8] =	ssyncset.s32 @!p0 $0xFFFFF086;
	s6 =	sadd.s32 @!p0 s3, s7;
	s7 =	simm.s32 @!p0 $0x108  }
0x21: {  	s3 =	sadd.s32 s3, s9;
	s6 =	sadd.s32 @!p0 $0x88, s6;
	s7 =	simm.s32 @p2 $0x1082  }
0x22: {  	[simem:s7], [sflag:s8] =	dma.local @!p0 [hbm:s6], $0xF7A  }
0x23: {  	s9 =	sor.u32 $0xD0000000, s2;
	s6 =	simm.s32 $0x108;
	_ =	swait.ge @!p0 [sflag:s8], $0x0  }
0x24: {  	s3 =	sadd.s32 $0x88, s3;
	s6 =	simm.s32 @!p1 $0x1082;
	[sflag:s4] =	ssyncset.s32 $0xFFFFF086  }
0x25: {  	[simem:s6], [sflag:s4] =	dma.local [hbm:s3], $0xF7A  }
0x26: {  	[smem:$0x3F9D] =	sst s1;
	(tag) =	ssettag s2;
	_ =	strace s9  }
0x27: {  	s1 =	sld [smem:$0x3FAD]  }
0x28: {  	s2 =	sld [smem:$0x3FAE]  }
0x29: {  	s4 =	sld [smem:$0x3FB0]  }
0x2a: {  	p0 =	seq.s32 s5, $0x0;
	s5 =	sld [smem:$0x3FB1]  }
0x2b: {  	s6 =	sld [smem:$0x3FB2]  }
0x2c: {  	s7 =	sld [smem:$0x3FB3]  }
0x2d: {  	s3 =	simm.s32 $0x108;
	s8 =	sld [smem:$0x3FB4]  }
0x2e: {  	s3 =	simm.s32 @!p0 $0x1082;
	s9 =	sld [smem:$0x3FB5]  }
0x2f: {  	lr =	sadd.s32 s0, s3;
	s0 =	sld [smem:$0x3FAC]  }
0x30: {  	s3 =	sld [smem:$0x3FAF]  }
0x31: {  	[smem:$0x3FB8] =	sst s10  }
0x32: {  	s10 =	sld [smem:$0x3FB6];
	_ =	sdelay $0x3  }
0x33: {  	p0 =	seq.s32 s10, $0x1;
	s10 =	sld [smem:$0x3FB8];
	_ =	sdelay $0x3  }
0x34: {  	[smem:$0x3FB8] =	sst s10  }
0x35: {  	s10 =	sld [smem:$0x3FB7];
	_ =	sdelay $0x3  }
0x36: {  	p1 =	seq.s32 s10, $0x1;
	s10 =	sld [smem:$0x3FB8];
	_ =	sdelay $0x3  }
0x37: {  	[smem:$0x3FB8] =	sst s10  }
0x38: {  	s10 =	sld [smem:$0x3FB9]  }
0x39: {  	_ = 	snop;
	(pc) =	sbr.ind lr, $3  }
0x3a: {  	_ = 	snop  }
0x3b: {  	_ = 	snop  }
0x3c: {  	p2 =	seq.s32 s10, $0x1;
	s10 =	sld [smem:$0x3FB8]  }
0x3d: {  	_ =	shalt  }
0x3e: {  	_ =	shalt  }
0x3f: {  	_ =	shalt  }
0x40: {  	_ =	shalt  }
0x41: {  	_ =	shalt  }
0x42: {  	_ =	shalt  }
0x43: {  	_ =	shalt  }
0x44: {  	_ =	shalt  }
0x45: {  	_ =	shalt  }
0x46: {  	_ =	shalt  }
0x47: {  	_ =	shalt  }
0x48: {  	_ =	shalt  }
0x49: {  	_ =	shalt  }
0x4a: {  	_ =	shalt  }
0x4b: {  	_ =	shalt  }
0x4c: {  	_ =	shalt  }
0x4d: {  	_ =	shalt  }
0x4e: {  	_ =	shalt  }
0x4f: {  	_ =	shalt  }
0x50: {  	_ =	shalt  }
0x51: {  	_ =	shalt  }
0x52: {  	_ =	shalt  }
0x53: {  	_ =	shalt  }
0x54: {  	_ =	shalt  }
0x55: {  	_ =	shalt  }
0x56: {  	_ =	shalt  }
0x57: {  	_ =	shalt  }
0x58: {  	_ =	shalt  }
0x59: {  	_ =	shalt  }
0x5a: {  	_ =	shalt  }
0x5b: {  	_ =	shalt  }
0x5c: {  	_ =	shalt  }
0x5d: {  	_ =	shalt  }
0x5e: {  	_ =	shalt  }
0x5f: {  	_ =	shalt  }
0x60: {  	_ =	shalt  }
0x61: {  	_ =	shalt  }
0x62: {  	_ =	shalt  }
0x63: {  	_ =	shalt  }
0x64: {  	_ =	shalt  }
0x65: {  	_ =	shalt  }
0x66: {  	_ =	shalt  }
0x67: {  	_ =	shalt  }
0x68: {  	_ =	shalt  }
0x69: {  	_ =	shalt  }
0x6a: {  	_ =	shalt  }
0x6b: {  	_ =	shalt  }
0x6c: {  	_ =	shalt  }
0x6d: {  	_ =	shalt  }
0x6e: {  	_ =	shalt  }
0x6f: {  	_ =	shalt  }
0x70: {  	_ =	shalt  }
0x71: {  	_ =	shalt  }
0x72: {  	_ =	shalt  }
0x73: {  	_ =	shalt  }
0x74: {  	_ =	shalt  }
0x75: {  	_ =	shalt  }
0x76: {  	_ =	shalt  }
0x77: {  	_ =	shalt  }
0x78: {  	_ =	shalt  }
0x79: {  	_ =	shalt  }
0x7a: {  	_ =	shalt  }
0x7b: {  	_ =	shalt  }
0x7c: {  	_ =	shalt  }
0x7d: {  	_ =	shalt  }
0x7e: {  	_ =	shalt  }
0x7f: {  	_ =	shalt  }
0x80: {  	_ =	shalt  }
0x81: {  	_ =	shalt  }
0x82: {  	_ =	shalt  }
0x83: {  	_ =	shalt  }
0x84: {  	_ =	shalt  }
0x85: {  	_ =	shalt  }
0x86: {  	_ =	shalt  }
0x87: {  	_ =	shalt  }
.Lfunc_end0:
.L_simem_size_0:
called_computation.1_lowered:
.L_overlay_start_0:
0x88: {  	s2 =	sld [smem:$0x3FD9]  }
0x89: {  	s3 =	sld [smem:$0x3FFE];
	_ =	sdelay $0x1  }
0x8a: {  	s1 =	srdreg.scid  }
0x8b: {  	s0 =	sand.u32 $0x1, s1  }
0x8c: {  	s17 =	sshll.u32 s0, $0xA;
	s2 =	sadd.s32 s3, s2  }
0x8d: {  	s2 =	sadd.s32 s2, s17  }
0x8e: {  	[smem:$0x3FC4] =	sst s2  }
0x8f: {  	_ = 	snop  }
0x90: {  	s2 =	sld [smem:$0x3FD0];
	(tm) =	ssettm $0x1  }
0x91: {  	s18 =	sld [smem:$0x3FFB];
	_ =	sdelay $0x3  }
0x92: {  	_ =	strace s18  }
0x93: {  	s3 =	sld [smem:$0x3FFC];
	_ =	sdelay $0x3  }
0x94: {  	_ =	strace s3  }
0x95: {  	s3 =	sld [smem:$0x3FFD];
	_ =	sdelay $0x3  }
0x96: {  	_ =	strace s3  }
0x97: {  	_ =	strace $0x8FFFFFFF  }
0x98: {  	s19 =	sld [smem:$0x3FDB];
	_ =	sdelay $0x1  }
0x99: {  	s4 =	simm.s32 $_scs_section_size  }
0x9a: {  	s5 =	simm.s32 $_size__tile_overlayer_lowered;
	s6 =	simm.s32 $_tile_overlayer_lowered  }
0x9b: {  	s22 =	simm.s32 $0x1BFF;
	s21 =	sshll.u32 s6, $0x1;
	s3 =	sadd.s32 s4, s19  }
0x9c: {  	s7 =	simm.s32 $0x0;
	s20 =	sshll.u32 s5, $0x1;
	s5 =	sadd.s32 s21, s3  }
0x9d: {  	[timem:s7], [sflag:s22] =	dma.local [hbm:s5], s20  }
0x9e: {  	_ =	swait.ge [sflag:s22], s20  }
0x9f: {  	s4 =	ssub.s32 $0x0, s20;
	[sflag:s22] =	ssyncset.done $0x0  }
0xa0: {  	[sflag:s22] =	ssyncadd.s32 s4;
	_ =	sdelay $0x1  }
0xa1: {  	s23 =	simm.s32 $0x1B8B  }
0xa2: {  	_ =	swait.ge [sflag:s23], $0x1  }
0xa3: {  	[sflag:s23] =	ssyncset.done $0x0  }
0xa4: {  	s25 =	simm.s32 $0x1B8E;
	s24 =	sld [smem:$0x3FFE];
	[sflag:s23] =	ssyncadd.s32 $0xFFFFFFFF  }
0xa5: {  	s26 =	simm.s32 $execute0_lowered;
	[smem:$0x3FD2] =	sst s25  }
0xa6: {  	s5 =	sshll.u32 s26, $0x1;
	_ =	strace $0x80000049;
	[dreg:$0x1] =	wrdreg $0xFFFFFFFF  }
0xa7: {  	s28 =	simm.s32 $_size_execute0_lowered;
	s3 =	sadd.s32 s3, s5;
	[dreg:$0x0] =	wrdreg $0x0  }
0xa8: {  	s5 =	sshll.u32 s28, $0x1;
	[dreg:$0x2] =	wrdreg s3  }
0xa9: {  	[dreg:$0x3] =	wrdreg s5  }
0xaa: {  	[dreg:$0x4] =	wrdreg $0xC0  }
0xab: {  	_ =	task [dreg:s7], $0x5FFFF  }
0xac: {  	[dreg:$0x1] =	wrdreg $0xFFFFFFFF  }
0xad: {  	[dreg:$0x0] =	wrdreg $0x60  }
0xae: {  	[dreg:$0x2] =	wrdreg s24  }
0xaf: {  	[dreg:$0x3] =	wrdreg s2  }
0xb0: {  	[dreg:$0x4] =	wrdreg $0x9  }
0xb1: {  	_ =	task.clear_ibuf [dreg:s7], $0x5FFFF;
	_ =	strace $0x90000049  }
0xb2: {  	s29 =	simm.s32 $0x9;
	_ =	strace $0x8000004B  }
0xb3: {  	_ =	swait.ge [sflag:s29], $0x1  }
0xb4: {  	[sflag:s29] =	ssyncadd.s32 $0xFFFFFFFF  }
0xb5: {  	_ =	strace $0x9000004B  }
0xb6: {  	_ =	sfence  }
0xb7: {  	s30 =	sld [smem:$0x0];
	_ =	sdelay $0x2  }
0xb8: {  	s31 =	sshll.u32 s1, $0xD;
	s1 =	sshrl.u32 s1, $0x2  }
0xb9: {  	s3 =	sand.u32 $0x4000, s31;
	s1 =	sadd.s32 s1, s30  }
0xba: {  	s0 =	sor.u32 s3, s0;
	s1 =	sshll.u32 s1, $0x11  }
0xbb: {  	s0 =	sor.u32 s1, s0  }
0xbc: {  	s0 =	sadd.s32 $0x8F2B, s0  }
0xbd: {  	[sflag:s0] =	ssyncadd.remote.s32 $0x1  }
0xbe: {  	_ =	sfence.sel $0xFFFF  }
0xbf: {  	[dreg:$0x0] =	wrdreg $0xFFFFFFFF;
	(pc) =	sbr.abs _section_cstart, $3  }
0xc0: {  	[dreg:$0x1] =	wrdreg $0xFFFFFFFF  }
0xc1: {  	_ =	task.clear_ibuf [dreg:s7], $0x2FFFF;
	_ =	strace $0x9FFFFFFF  }
0xc2: {  	(tm) =	ssettm $0x7FFFFFFF  }
0xc3: {  	_ =	shalt  }
tec
execute0_lowered:
.L_overlay_start_1:
0x0: {  	(tag) =	ssettag $0x1  }
0x1: {  	s0 =	srdreg.scid;
	s3 =	stileid.u32  }
0x2: {  	s0 =	sand.u32 $0x1, s0;
	s1 =	sshll.u32 s3, $0x1;
	s3 =	smul.u32 $0x68000, s3  }
0x3: {  	s10 =	rddreg [dreg:$0x0];
	s2 =	sor.u32 s0, s1;
	s4 =	smul.u32 $0x34000, s0  }
0x4: {  	s7 =	sadd.s32 $0x964A00, s10;
	s0 =	ssub.s32 $0x2, s0;
	s8 =	smul.u32 $0xD0, s2  }
0x5: {  	s1 =	simm.s32 $0x0;
	s2 =	smul.u32 $0x34000, s2;
	s26 =	sshrl.u32 s0, $0x1  }
0x6: {  	[smem:$0x7FF] =	sst s1;
	s6 =	sadd.s32 s4, s3;
	s9 =	ssub.s32 s0, s26  }
0x7: {  	s2 =	sshrl.u32 s2, $0x3;
	s4 =	sshrl.u32 s6, $0x3;
	s29 =	sadd.s32 $0xC000, s6  }
0x8: {  	s30 =	sadd.s32 $0x4000, s6;
	s31 =	sadd.s32 $0x8000, s6;
	s5 =	sadd.s32 $0x68C000, s6  }
0x9: {  	s12 =	sadd.s32 $0x684000, s6;
	s14 =	sadd.s32 $0x688000, s6;
	s15 =	sadd.s32 $0xD00000, s6  }
0xa: {  	s16 =	sadd.s32 $0xD0C000, s6;
	s19 =	sadd.s32 $0xD04000, s6;
	s20 =	sadd.s32 $0xD08000, s6  }
0xb: {  	s21 =	sadd.s32 $0x1380000, s6;
	s22 =	sadd.s32 $0x138C000, s6;
	s24 =	sadd.s32 $0x1384000, s6  }
0xc: {  	s11 =	sadd.s32 s7, s2;
	s28 =	sadd.s32 s4, s7;
	s0 =	sshrl.u32 s29, $0x3  }
0xd: {  	s2 =	sshrl.u32 s30, $0x3;
	s3 =	sshrl.u32 s31, $0x3;
	s4 =	sadd.s32 $0x680000, s6  }
0xe: {  	[dreg:$0x3] =	wrdreg s28;
	s25 =	sadd.s32 s0, s7;
	s2 =	sadd.s32 s2, s7  }
0xf: {  	s3 =	sadd.s32 s3, s7;
	s0 =	sshrl.u32 s4, $0x3;
	[dreg:$0xe] =	wrdreg s2  }
0x10: {  	s28 =	sadd.s32 $0x1388000, s6;
	s4 =	sadd.s32 $0x1A0C000, s6;
	[dreg:$0x8] =	wrdreg s3  }
0x11: {  	s2 =	sshrl.u32 s5, $0x3;
	s3 =	sshrl.u32 s12, $0x3;
	s23 =	sadd.s32 s0, s7  }
0x12: {  	s0 =	sshrl.u32 s14, $0x3;
	s5 =	sadd.s32 $0x1A04000, s6;
	s14 =	sadd.s32 $0x2080000, s6  }
0x13: {  	s13 =	sadd.s32 s2, s7;
	s26 =	sadd.s32 s3, s7;
	s2 =	sshrl.u32 s15, $0x3  }
0x14: {  	s3 =	sshrl.u32 s16, $0x3;
	s0 =	sadd.s32 s0, s7;
	[dreg:$0x6] =	wrdreg s13  }
0x15: {  	s15 =	sadd.s32 $0x208C000, s6;
	[dreg:$0x9] =	wrdreg s0;
	s17 =	sadd.s32 s2, s7  }
0x16: {  	s18 =	sadd.s32 s3, s7;
	s0 =	sshrl.u32 s19, $0x3;
	s2 =	sshrl.u32 s20, $0x3  }
0x17: {  	s3 =	sshrl.u32 s21, $0x3;
	s13 =	sadd.s32 $0x1A08000, s6;
	[dreg:$0xa] =	wrdreg s17  }
0x18: {  	s19 =	sadd.s32 $0x2088000, s6;
	s20 =	sadd.s32 $0x2700000, s6;
	[dreg:$0xb] =	wrdreg s18  }
0x19: {  	s0 =	sadd.s32 s0, s7;
	s31 =	sadd.s32 s2, s7;
	s29 =	sadd.s32 s3, s7  }
0x1a: {  	s2 =	sshrl.u32 s24, $0x3;
	s3 =	sshrl.u32 s28, $0x3;
	s18 =	sadd.s32 $0x2084000, s6  }
0x1b: {  	s24 =	sadd.s32 $0x2704000, s6;
	[dreg:$0xc] =	wrdreg s0;
	s0 =	sshrl.u32 s22, $0x3  }
0x1c: {  	s30 =	sadd.s32 s2, s7;
	s2 =	sadd.s32 s3, s7;
	s3 =	sadd.s32 $0x1A00000, s6  }
0x1d: {  	s22 =	sadd.s32 $0x270C000, s6;
	s0 =	sadd.s32 s0, s7;
	[dreg:$0x11] =	wrdreg s30  }
0x1e: {  	[dreg:$0x12] =	wrdreg s2;
	s2 =	sshrl.u32 s4, $0x3;
	s30 =	sadd.s32 $0x2708000, s6  }
0x1f: {  	[dreg:$0x10] =	wrdreg s0;
	s0 =	sshrl.u32 s3, $0x3;
	s3 =	sshrl.u32 s5, $0x3  }
0x20: {  	s4 =	sadd.s32 s2, s7;
	s2 =	sshrl.u32 s14, $0x3;
	s14 =	sadd.s32 $0x2D8C000, s6  }
0x21: {  	s28 =	sadd.s32 s0, s7;
	s12 =	sadd.s32 s3, s7;
	s0 =	sshrl.u32 s13, $0x3  }
0x22: {  	s3 =	sshrl.u32 s15, $0x3;
	s16 =	sadd.s32 s2, s7;
	s2 =	sshrl.u32 s19, $0x3  }
0x23: {  	s15 =	sadd.s32 $0x2D84000, s6;
	[dreg:$0x15] =	wrdreg s12;
	s0 =	sadd.s32 s0, s7  }
0x24: {  	[dreg:$0x17] =	wrdreg s16;
	s17 =	sadd.s32 s3, s7;
	s3 =	sshrl.u32 s20, $0x3  }
0x25: {  	s21 =	sadd.s32 s2, s7;
	s2 =	sshrl.u32 s24, $0x3;
	[dreg:$0x16] =	wrdreg s0  }
0x26: {  	s16 =	sadd.s32 $0x2D88000, s6;
	s20 =	sadd.s32 $0x3404000, s6;
	[dreg:$0x18] =	wrdreg s17  }
0x27: {  	s24 =	sadd.s32 s8, s10;
	s0 =	sshrl.u32 s18, $0x3;
	[dreg:$0x1a] =	wrdreg s21  }
0x28: {  	s5 =	sadd.s32 s3, s7;
	s3 =	sshrl.u32 s30, $0x3;
	s13 =	sadd.s32 s2, s7  }
0x29: {  	s17 =	sadd.s32 $0x3400000, s6;
	s18 =	sadd.s32 $0x340C000, s6;
	s21 =	rddreg [dreg:$0x1]  }
0x2a: {  	s0 =	sadd.s32 s0, s7;
	s2 =	sadd.s32 s3, s7;
	s3 =	sadd.s32 $0x2D80000, s6  }
0x2b: {  	s6 =	sadd.s32 $0x3408000, s6;
	[dreg:$0x19] =	wrdreg s0;
	s0 =	sshrl.u32 s22, $0x3  }
0x2c: {  	[dreg:$0x1e] =	wrdreg s2;
	s2 =	sshrl.u32 s14, $0x3;
	s14 =	sshrl.u32 s6, $0x3  }
0x2d: {  	s12 =	sadd.s32 s0, s7;
	s0 =	sshrl.u32 s3, $0x3;
	s3 =	sshrl.u32 s15, $0x3  }
0x2e: {  	s2 =	sadd.s32 s2, s7;
	s30 =	sadd.s32 s0, s7;
	s0 =	smov.u32 s4  }
0x2f: {  	[smem:$0x7EA] =	sst s2;
	s2 =	smov.u32 s5;
	s3 =	sadd.s32 s3, s7  }
0x30: {  	s4 =	sshrl.u32 s17, $0x3;
	[smem:$0x7EB] =	sst s3;
	s3 =	sshrl.u32 s16, $0x3  }
0x31: {  	s5 =	sshrl.u32 s18, $0x3;
	s19 =	sadd.s32 s4, s7;
	s3 =	sadd.s32 s3, s7  }
0x32: {  	[smem:$0x7EC] =	sst s3;
	s3 =	smov.u32 s12;
	s12 =	sshrl.u32 s20, $0x3  }
0x33: {  	s15 =	sadd.s32 s5, s7;
	s12 =	sadd.s32 s12, s7;
	s7 =	sadd.s32 s14, s7  }
0x34: {  	s22 =	sadd.s32 s21, s8;
	s4 =	smov.u32 s13;
	[smem:$0x7ED] =	sst s7  }
0x35: {  	s13 =	sadd.s32 $0x310000, s24;
	_ =	strace $0x8000004A;
	[smem:$0x7EE] =	sst s22  }
0x36: {  	s14 =	sadd.s32 $0x311A00, s24;
	[smem:$0x7EF] =	sst s13  }
0x37: {  	s6 =	smov.u32 s15;
	s15 =	sadd.s32 $0x6000, s11;
	[smem:$0x7F0] =	sst s14  }
0x38: {  	s16 =	sadd.s32 $0xD6000, s11;
	[smem:$0x7F1] =	sst s15  }
0x39: {  	s17 =	sadd.s32 $0x1A6000, s11;
	[smem:$0x7F2] =	sst s16  }
0x3a: {  	s18 =	sadd.s32 $0x276000, s11;
	[smem:$0x7F3] =	sst s17  }
0x3b: {  	s5 =	smov.u32 s19;
	s19 =	sadd.s32 $0x346000, s11;
	[smem:$0x7F4] =	sst s18  }
0x3c: {  	s20 =	sadd.s32 $0x416000, s11;
	[smem:$0x7F5] =	sst s19  }
0x3d: {  	s21 =	sadd.s32 $0x4E6000, s11;
	[smem:$0x7F6] =	sst s20  }
0x3e: {  	s24 =	sadd.s32 $0x686000, s11;
	[smem:$0x7F7] =	sst s21  }
0x3f: {  	s9 =	smax.u32 s9, $0x1;
	[smem:$0x7F9] =	sst s24  }
0x40: {  	[smem:$0x7FA] =	sst s9  }
0x41: {  	[dreg:$0x4] =	wrdreg s25  }
0x42: {  	[dreg:$0x5] =	wrdreg s23  }
0x43: {  	[dreg:$0x7] =	wrdreg s26  }
0x44: {  	[dreg:$0xd] =	wrdreg s31  }
0x45: {  	[dreg:$0xf] =	wrdreg s29  }
0x46: {  	[dreg:$0x13] =	wrdreg s28  }
0x47: {  	s8 =	sadd.s32 $0x646800, s10;
	s10 =	simm.s32 $0x1A00;
	[dreg:$0x14] =	wrdreg s0  }
0x48: {  	s7 =	smov.u32 s12;
	s12 =	simm.s32 $0x1A80;
	[dreg:$0x1b] =	wrdreg s2  }
0x49: {  	s22 =	sadd.s32 $0x5B6000, s11;
	s9 =	simm.s32 $0x80;
	[dreg:$0x1c] =	wrdreg s3  }
0x4a: {  	s11 =	simm.s32 $0x1C00;
	s13 =	simm.s32 $0x5C00;
	[dreg:$0x1d] =	wrdreg s4  }
0x4b: {  	s14 =	simm.s32 $0x1B00;
	s15 =	simm.s32 $0x9C00;
	[dreg:$0x1f] =	wrdreg s30  }
0x4c: {  	s16 =	simm.s32 $0x1B80;
	s17 =	simm.s32 $0xDC00;
	[smem:$0x7FB] =	sst s5  }
0x4d: {  	s18 =	simm.s32 $0x1;
	s19 =	simm.s32 $0x2;
	[smem:$0x7FC] =	sst s6  }
0x4e: {  	s20 =	simm.s32 $0x3;
	s21 =	simm.s32 $0x4;
	[smem:$0x7FD] =	sst s7  }
0x4f: {  	s24 =	simm.s32 $0x0;
	[smem:$0x7F8] =	sst s22;
	s22 =	simm.s32 $0x5  }
.LBB2_1:
0x50: {  	s5 =	sld [smem:$0x7EE];
	_ =	sdelay $0x1  }
0x51: {  	[smem:$0x7E9] =	sst s24;
	s6 =	simm.s32 $0x6  }
0x52: {  	[tilespmem:s1], [sflag:$0x6] =	stream.linear.gather [hbm4b:s5+s1], $0x680, $0x38;
	[tilespmem:$0x11C00] =	vst v63  }
0x53: {  	_ =	swait.ge [sflag:s6], $0x680  }
0x54: {  	s29 =	sld [smem:$0x7EF]  }
0x55: {  	[sflag:s6] =	ssyncset.done $0x0  }
0x56: {  	s23 =	simm.s32 $0x680;
	[sflag:s6] =	ssyncadd.s32 $0xFFFFF980  }
0x57: {  	[tilespmem:s23], [sflag:$0x6] =	stream.linear.gather [hbm4b:s29+s1], $0x680, $0x38;
	[tilespmem:$0x11C00] =	vst v63  }
0x58: {  	_ =	swait.ge [sflag:s6], $0x680  }
0x59: {  	s30 =	sld [smem:$0x7F0]  }
0x5a: {  	[sflag:s6] =	ssyncset.done $0x0  }
0x5b: {  	s31 =	simm.s32 $0xD00;
	[sflag:s6] =	ssyncadd.s32 $0xFFFFF980  }
0x5c: {  	[tilespmem:s31], [sflag:$0x6] =	stream.linear.gather [hbm4b:s30+s1], $0x680, $0x38;
	[tilespmem:$0x11C00] =	vst v63  }
0x5d: {  	_ =	swait.ge [sflag:s6], $0x680  }
0x5e: {  	[sflag:s6] =	ssyncset.done $0x0  }
0x5f: {  	s23 =	simm.s32 $0x0;
	[sflag:s6] =	ssyncadd.s32 $0xFFFFF980  }
0x60: {  	v0 =	vld [tilespmem:s23+$0x0];
	_ =	sdelay $0x1  }
0x61: {  	v1 =	vld [tilespmem:s23+$0x680];
	_ =	sdelay $0x2  }
0x62: {  	v0 =	vmul.u32 $0xE2, v0;
	_ =	sdelay $0x1  }
0x63: {  	s24 =	simm.s32 $0x10;
	v2 =	vld [tilespmem:s23+$0xD00];
	v0 =	vadd.s32 v1, v0  }
0x64: {  	v3 =	vmul.u32 $0xE2, v0;
	v0 =	vld [tilespmem:s24+$0x0];
	_ =	sdelay $0x1  }
0x65: {  	v1 =	vld [tilespmem:s24+$0x680];
	_ =	sdelay $0x1  }
0x66: {  	s25 =	simm.s32 $0x80;
	v2 =	vadd.s32 v2, v3  }
.LBB2_2:
0x67: {  	s26 =	sshra.s32 s25, $0x2;
	p0 =	sne.s32 s25, $0x19C0;
	s25 =	sadd.s32 $0x40, s25;
	v3 =	vld [tilespmem:s24+$0xD00];
	v4 =	vmul.u32 $0xE2, v0;
	[tilespmem:s23+$0x1380] =	vst v2  }
.Ltmp0:
0x68: {  	s23 =	smov.u32 s24;
	v0 =	vld [tilespmem:s26+$0x0];
	s24 =	smov.u32 s26;
	(pc) =	sbr.rel @p0 .LBB2_2-.Ltmp0, $3  }
0x69: {  	v2 =	vadd.s32 v1, v4  }
0x6a: {  	v1 =	vld [tilespmem:s24+$0x680];
	v2 =	vmul.u32 $0xE2, v2;
	_ =	sdelay $0x1  }
0x6b: {  	v2 =	vadd.s32 v3, v2  }
0x6c: {  	v3 =	vld [tilespmem:s24+$0xD00];
	v0 =	vmul.u32 $0xE2, v0;
	_ =	sdelay $0x1  }
0x6d: {  	v0 =	vadd.s32 v1, v0  }
0x6e: {  	v0 =	vmul.u32 $0xE2, v0;
	_ =	sdelay $0x1  }
0x6f: {  	[tilespmem:s23+$0x1380] =	vst v2;
	v0 =	vadd.s32 v3, v0  }
0x70: {  	s23 =	simm.s32 $0x1480;
	[tilespmem:s24+$0x1380] =	vst v0  }
0x71: {  	v0 =	vld [tilespmem:s23+$0xFFFFFF00];
	_ =	sdelay $0x4  }
0x72: {  	[tilespmem:$0x1A00] =	vst v0  }
0x73: {  	v0 =	vld [tilespmem:s23+$0xFFFFFF10];
	_ =	sdelay $0x4  }
0x74: {  	[tilespmem:$0x1A10] =	vst v0  }
0x75: {  	v0 =	vld [tilespmem:s23+$0xFFFFFF20];
	_ =	sdelay $0x4  }
0x76: {  	[tilespmem:$0x1A20] =	vst v0  }
0x77: {  	v0 =	vld [tilespmem:s23+$0xFFFFFF30];
	_ =	sdelay $0x4  }
0x78: {  	[tilespmem:$0x1A30] =	vst v0  }
0x79: {  	v0 =	vld [tilespmem:s23+$0xFFFFFF40];
	_ =	sdelay $0x4  }
0x7a: {  	[tilespmem:$0x1A40] =	vst v0  }
0x7b: {  	v0 =	vld [tilespmem:s23+$0xFFFFFF50];
	_ =	sdelay $0x4  }
0x7c: {  	[tilespmem:$0x1A50] =	vst v0  }
0x7d: {  	v0 =	vld [tilespmem:s23+$0xFFFFFF60];
	_ =	sdelay $0x4  }
0x7e: {  	[tilespmem:$0x1A60] =	vst v0  }
0x7f: {  	v0 =	vld [tilespmem:s23+$0xFFFFFF70];
	_ =	sdelay $0x4  }
0x80: {  	[tilespmem:$0x1A70] =	vst v0  }
0x81: {  	[tilespmem:s11], [sflag:$0x1] =	stream.indirect.gather [hbm4b:s8+s9], $0x80, s10, s9, $0xb8;
	[tilespmem:$0x11C00] =	vst v63  }
0x82: {  	v0 =	vld [tilespmem:s23+$0xFFFFFF80];
	_ =	sdelay $0x4  }
0x83: {  	[tilespmem:$0x1A80] =	vst v0  }
0x84: {  	v0 =	vld [tilespmem:s23+$0xFFFFFF90];
	_ =	sdelay $0x4  }
0x85: {  	[tilespmem:$0x1A90] =	vst v0  }
0x86: {  	v0 =	vld [tilespmem:s23+$0xFFFFFFA0];
	_ =	sdelay $0x4  }
0x87: {  	[tilespmem:$0x1AA0] =	vst v0  }
0x88: {  	v0 =	vld [tilespmem:s23+$0xFFFFFFB0];
	_ =	sdelay $0x4  }
0x89: {  	[tilespmem:$0x1AB0] =	vst v0  }
0x8a: {  	v0 =	vld [tilespmem:s23+$0xFFFFFFC0];
	_ =	sdelay $0x4  }
0x8b: {  	[tilespmem:$0x1AC0] =	vst v0  }
0x8c: {  	v0 =	vld [tilespmem:s23+$0xFFFFFFD0];
	_ =	sdelay $0x4  }
0x8d: {  	[tilespmem:$0x1AD0] =	vst v0  }
0x8e: {  	v0 =	vld [tilespmem:s23+$0xFFFFFFE0];
	_ =	sdelay $0x4  }
0x8f: {  	[tilespmem:$0x1AE0] =	vst v0  }
0x90: {  	v0 =	vld [tilespmem:s23+$0xFFFFFFF0];
	_ =	sdelay $0x4  }
0x91: {  	[tilespmem:$0x1AF0] =	vst v0  }
0x92: {  	[tilespmem:s13], [sflag:$0x2] =	stream.indirect.gather [hbm4b:s8+s9], $0x80, s12, s9, $0xb8;
	[tilespmem:$0x11C00] =	vst v63  }
0x93: {  	v0 =	vld [tilespmem:s23+$0x0];
	_ =	sdelay $0x4  }
0x94: {  	[tilespmem:$0x1B00] =	vst v0  }
0x95: {  	v0 =	vld [tilespmem:s23+$0x10];
	_ =	sdelay $0x4  }
0x96: {  	[tilespmem:$0x1B10] =	vst v0  }
0x97: {  	v0 =	vld [tilespmem:s23+$0x20];
	_ =	sdelay $0x4  }
0x98: {  	[tilespmem:$0x1B20] =	vst v0  }
0x99: {  	v0 =	vld [tilespmem:s23+$0x30];
	_ =	sdelay $0x4  }
0x9a: {  	[tilespmem:$0x1B30] =	vst v0  }
0x9b: {  	v0 =	vld [tilespmem:s23+$0x40];
	_ =	sdelay $0x4  }
0x9c: {  	[tilespmem:$0x1B40] =	vst v0  }
0x9d: {  	v0 =	vld [tilespmem:s23+$0x50];
	_ =	sdelay $0x4  }
0x9e: {  	[tilespmem:$0x1B50] =	vst v0  }
0x9f: {  	v0 =	vld [tilespmem:s23+$0x60];
	_ =	sdelay $0x4  }
0xa0: {  	[tilespmem:$0x1B60] =	vst v0  }
0xa1: {  	v0 =	vld [tilespmem:s23+$0x70];
	_ =	sdelay $0x4  }
0xa2: {  	[tilespmem:$0x1B70] =	vst v0  }
0xa3: {  	[tilespmem:s15], [sflag:$0x3] =	stream.indirect.gather [hbm4b:s8+s9], $0x80, s14, s9, $0xb8;
	[tilespmem:$0x11C00] =	vst v63  }
0xa4: {  	v0 =	vld [tilespmem:s23+$0x80];
	_ =	sdelay $0x4  }
0xa5: {  	[tilespmem:$0x1B80] =	vst v0  }
0xa6: {  	v0 =	vld [tilespmem:s23+$0x90];
	_ =	sdelay $0x4  }
0xa7: {  	[tilespmem:$0x1B90] =	vst v0  }
0xa8: {  	v0 =	vld [tilespmem:s23+$0xA0];
	_ =	sdelay $0x4  }
0xa9: {  	[tilespmem:$0x1BA0] =	vst v0  }
0xaa: {  	v0 =	vld [tilespmem:s23+$0xB0];
	_ =	sdelay $0x4  }
0xab: {  	[tilespmem:$0x1BB0] =	vst v0  }
0xac: {  	v0 =	vld [tilespmem:s23+$0xC0];
	_ =	sdelay $0x4  }
0xad: {  	[tilespmem:$0x1BC0] =	vst v0  }
0xae: {  	v0 =	vld [tilespmem:s23+$0xD0];
	_ =	sdelay $0x4  }
0xaf: {  	[tilespmem:$0x1BD0] =	vst v0  }
0xb0: {  	v0 =	vld [tilespmem:s23+$0xE0];
	_ =	sdelay $0x4  }
0xb1: {  	[tilespmem:$0x1BE0] =	vst v0  }
0xb2: {  	v0 =	vld [tilespmem:s23+$0xF0];
	_ =	sdelay $0x4  }
0xb3: {  	[tilespmem:$0x1BF0] =	vst v0  }
0xb4: {  	[tilespmem:s17], [sflag:$0x4] =	stream.indirect.gather [hbm4b:s8+s9], $0x80, s16, s9, $0xb8;
	[tilespmem:$0x11C00] =	vst v63  }
0xb5: {  	_ =	swait.ge [sflag:s18], $0x4000  }
0xb6: {  	[sflag:s18] =	ssyncset.done $0x0;
	s31 =	rddreg [dreg:$0x3]  }
0xb7: {  	[sflag:s18] =	ssyncadd.s32 $0xFFFFC000;
	s6 =	sadd.s32 $0x0, s31  }
0xb8: {  	[hbm4b:s6+s1] =	stream.linear.scatter [tilespmem:s11], [sflag:$0x5], $0x4000, $0x38;
	[tilespmem:$0x11C00] =	vst v63  }
0xb9: {  	_ =	swait.ge [sflag:s19], $0x4000  }
0xba: {  	[sflag:s19] =	ssyncset.done $0x0;
	s30 =	rddreg [dreg:$0xe]  }
0xbb: {  	[sflag:s19] =	ssyncadd.s32 $0xFFFFC000;
	s7 =	sadd.s32 $0x0, s30  }
0xbc: {  	[hbm4b:s7+s1] =	stream.linear.scatter [tilespmem:s13], [sflag:$0x5], $0x4000, $0x38;
	[tilespmem:$0x11C00] =	vst v63  }
0xbd: {  	_ =	swait.ge [sflag:s20], $0x4000  }
0xbe: {  	[sflag:s20] =	ssyncset.done $0x0;
	s28 =	rddreg [dreg:$0x8]  }
0xbf: {  	[sflag:s20] =	ssyncadd.s32 $0xFFFFC000;
	s25 =	sadd.s32 $0x0, s28  }
0xc0: {  	[hbm4b:s25+s1] =	stream.linear.scatter [tilespmem:s15], [sflag:$0x5], $0x4000, $0x38;
	[tilespmem:$0x11C00] =	vst v63  }
0xc1: {  	_ =	swait.ge [sflag:s21], $0x4000  }
0xc2: {  	[sflag:s21] =	ssyncset.done $0x0;
	s29 =	rddreg [dreg:$0x4]  }
0xc3: {  	[sflag:s21] =	ssyncadd.s32 $0xFFFFC000;
	s26 =	sadd.s32 $0x0, s29  }
0xc4: {  	[hbm4b:s26+s1] =	stream.linear.scatter [tilespmem:s17], [sflag:$0x5], $0x4000, $0x38;
	[tilespmem:$0x11C00] =	vst v63  }
0xc5: {  	_ =	swait.ge [sflag:s22], $0x4000  }
0xc6: {  	[sflag:s22] =	ssyncset.done $0x0  }
0xc7: {  	[sflag:s22] =	ssyncadd.s32 $0xFFFFC000  }
0xc8: {  	_ =	swait.ge [sflag:s22], $0x4000  }
0xc9: {  	[sflag:s22] =	ssyncset.done $0x0  }
0xca: {  	[sflag:s22] =	ssyncadd.s32 $0xFFFFC000  }
0xcb: {  	_ =	swait.ge [sflag:s22], $0x4000  }
0xcc: {  	[sflag:s22] =	ssyncset.done $0x0  }
0xcd: {  	[sflag:s22] =	ssyncadd.s32 $0xFFFFC000  }
0xce: {  	_ =	swait.ge [sflag:s22], $0x4000  }
0xcf: {  	s5 =	sld [smem:$0x7EB]  }
0xd0: {  	s24 =	simm.s32 $0x2000;
	[sflag:s22] =	ssyncset.done $0x0;
	s6 =	sld [smem:$0x7EC]  }
.LBB2_4:
0xd1: {  	p0 =	sne.s32 s24, $0x4000;
	[sflag:s22] =	ssyncadd.s32 $0xFFFFC000;
	s23 =	sadd.s32 $0x200, s23  }
0xd2: {  	s25 =	smov.u32 s24;
	s24 =	sadd.s32 $0x2000, s24;
	v0 =	vld [tilespmem:s23+$0xFFFFFF00];
	_ =	sdelay $0x4  }
0xd3: {  	[tilespmem:$0x1A00] =	vst v0  }
0xd4: {  	v0 =	vld [tilespmem:s23+$0xFFFFFF10];
	_ =	sdelay $0x4  }
0xd5: {  	[tilespmem:$0x1A10] =	vst v0  }
0xd6: {  	v0 =	vld [tilespmem:s23+$0xFFFFFF20];
	_ =	sdelay $0x4  }
0xd7: {  	[tilespmem:$0x1A20] =	vst v0  }
0xd8: {  	v0 =	vld [tilespmem:s23+$0xFFFFFF30];
	_ =	sdelay $0x4  }
0xd9: {  	[tilespmem:$0x1A30] =	vst v0  }
0xda: {  	v0 =	vld [tilespmem:s23+$0xFFFFFF40];
	_ =	sdelay $0x4  }
0xdb: {  	[tilespmem:$0x1A40] =	vst v0  }
0xdc: {  	v0 =	vld [tilespmem:s23+$0xFFFFFF50];
	_ =	sdelay $0x4  }
0xdd: {  	[tilespmem:$0x1A50] =	vst v0  }
0xde: {  	v0 =	vld [tilespmem:s23+$0xFFFFFF60];
	_ =	sdelay $0x4  }
0xdf: {  	[tilespmem:$0x1A60] =	vst v0  }
0xe0: {  	v0 =	vld [tilespmem:s23+$0xFFFFFF70];
	_ =	sdelay $0x4  }
0xe1: {  	[tilespmem:$0x1A70] =	vst v0  }
0xe2: {  	[tilespmem:s11], [sflag:$0x1] =	stream.indirect.gather [hbm4b:s8+s9], $0x80, s10, s9, $0xb8;
	[tilespmem:$0x11C00] =	vst v63  }
0xe3: {  	v0 =	vld [tilespmem:s23+$0xFFFFFF80];
	_ =	sdelay $0x4  }
0xe4: {  	[tilespmem:$0x1A80] =	vst v0  }
0xe5: {  	v0 =	vld [tilespmem:s23+$0xFFFFFF90];
	_ =	sdelay $0x4  }
0xe6: {  	[tilespmem:$0x1A90] =	vst v0  }
0xe7: {  	v0 =	vld [tilespmem:s23+$0xFFFFFFA0];
	_ =	sdelay $0x4  }
0xe8: {  	[tilespmem:$0x1AA0] =	vst v0  }
0xe9: {  	v0 =	vld [tilespmem:s23+$0xFFFFFFB0];
	_ =	sdelay $0x4  }
0xea: {  	[tilespmem:$0x1AB0] =	vst v0  }
0xeb: {  	v0 =	vld [tilespmem:s23+$0xFFFFFFC0];
	_ =	sdelay $0x4  }
0xec: {  	[tilespmem:$0x1AC0] =	vst v0  }
0xed: {  	v0 =	vld [tilespmem:s23+$0xFFFFFFD0];
	_ =	sdelay $0x4  }
0xee: {  	[tilespmem:$0x1AD0] =	vst v0  }
0xef: {  	v0 =	vld [tilespmem:s23+$0xFFFFFFE0];
	_ =	sdelay $0x4  }
0xf0: {  	[tilespmem:$0x1AE0] =	vst v0  }
0xf1: {  	v0 =	vld [tilespmem:s23+$0xFFFFFFF0];
	_ =	sdelay $0x4  }
0xf2: {  	[tilespmem:$0x1AF0] =	vst v0  }
0xf3: {  	[tilespmem:s13], [sflag:$0x2] =	stream.indirect.gather [hbm4b:s8+s9], $0x80, s12, s9, $0xb8;
	[tilespmem:$0x11C00] =	vst v63  }
0xf4: {  	v0 =	vld [tilespmem:s23+$0x0];
	_ =	sdelay $0x4  }
0xf5: {  	[tilespmem:$0x1B00] =	vst v0  }
0xf6: {  	v0 =	vld [tilespmem:s23+$0x10];
	_ =	sdelay $0x4  }
0xf7: {  	[tilespmem:$0x1B10] =	vst v0  }
0xf8: {  	v0 =	vld [tilespmem:s23+$0x20];
	_ =	sdelay $0x4  }
0xf9: {  	[tilespmem:$0x1B20] =	vst v0  }
0xfa: {  	v0 =	vld [tilespmem:s23+$0x30];
	_ =	sdelay $0x4  }
0xfb: {  	[tilespmem:$0x1B30] =	vst v0  }
0xfc: {  	v0 =	vld [tilespmem:s23+$0x40];
	_ =	sdelay $0x4  }
0xfd: {  	[tilespmem:$0x1B40] =	vst v0  }
0xfe: {  	v0 =	vld [tilespmem:s23+$0x50];
	_ =	sdelay $0x4  }
0xff: {  	[tilespmem:$0x1B50] =	vst v0  }
0x100: {  	v0 =	vld [tilespmem:s23+$0x60];
	_ =	sdelay $0x4  }
0x101: {  	[tilespmem:$0x1B60] =	vst v0  }
0x102: {  	v0 =	vld [tilespmem:s23+$0x70];
	_ =	sdelay $0x4  }
0x103: {  	[tilespmem:$0x1B70] =	vst v0  }
0x104: {  	[tilespmem:s15], [sflag:$0x3] =	stream.indirect.gather [hbm4b:s8+s9], $0x80, s14, s9, $0xb8;
	[tilespmem:$0x11C00] =	vst v63  }
0x105: {  	v0 =	vld [tilespmem:s23+$0x80];
	_ =	sdelay $0x4  }
0x106: {  	[tilespmem:$0x1B80] =	vst v0  }
0x107: {  	v0 =	vld [tilespmem:s23+$0x90];
	_ =	sdelay $0x4  }
0x108: {  	[tilespmem:$0x1B90] =	vst v0  }
0x109: {  	v0 =	vld [tilespmem:s23+$0xA0];
	_ =	sdelay $0x4  }
0x10a: {  	[tilespmem:$0x1BA0] =	vst v0  }
0x10b: {  	v0 =	vld [tilespmem:s23+$0xB0];
	_ =	sdelay $0x4  }
0x10c: {  	[tilespmem:$0x1BB0] =	vst v0  }
0x10d: {  	v0 =	vld [tilespmem:s23+$0xC0];
	_ =	sdelay $0x4  }
0x10e: {  	[tilespmem:$0x1BC0] =	vst v0  }
0x10f: {  	v0 =	vld [tilespmem:s23+$0xD0];
	_ =	sdelay $0x4  }
0x110: {  	[tilespmem:$0x1BD0] =	vst v0  }
0x111: {  	v0 =	vld [tilespmem:s23+$0xE0];
	_ =	sdelay $0x4  }
0x112: {  	[tilespmem:$0x1BE0] =	vst v0  }
0x113: {  	v0 =	vld [tilespmem:s23+$0xF0];
	_ =	sdelay $0x4  }
0x114: {  	[tilespmem:$0x1BF0] =	vst v0  }
0x115: {  	[tilespmem:s17], [sflag:$0x4] =	stream.indirect.gather [hbm4b:s8+s9], $0x80, s16, s9, $0xb8;
	[tilespmem:$0x11C00] =	vst v63  }
0x116: {  	_ =	swait.ge [sflag:s18], $0x4000  }
0x117: {  	[sflag:s18] =	ssyncset.done $0x0  }
0x118: {  	s26 =	sadd.s32 s25, s31;
	[sflag:s18] =	ssyncadd.s32 $0xFFFFC000  }
0x119: {  	[hbm4b:s26+s1] =	stream.linear.scatter [tilespmem:s11], [sflag:$0x5], $0x4000, $0x38;
	[tilespmem:$0x11C00] =	vst v63  }
0x11a: {  	_ =	swait.ge [sflag:s19], $0x4000  }
0x11b: {  	[sflag:s19] =	ssyncset.done $0x0  }
0x11c: {  	s26 =	sadd.s32 s25, s30;
	[sflag:s19] =	ssyncadd.s32 $0xFFFFC000  }
0x11d: {  	[hbm4b:s26+s1] =	stream.linear.scatter [tilespmem:s13], [sflag:$0x5], $0x4000, $0x38;
	[tilespmem:$0x11C00] =	vst v63  }
0x11e: {  	_ =	swait.ge [sflag:s20], $0x4000  }
0x11f: {  	[sflag:s20] =	ssyncset.done $0x0  }
0x120: {  	s26 =	sadd.s32 s25, s28;
	[sflag:s20] =	ssyncadd.s32 $0xFFFFC000  }
0x121: {  	[hbm4b:s26+s1] =	stream.linear.scatter [tilespmem:s15], [sflag:$0x5], $0x4000, $0x38;
	[tilespmem:$0x11C00] =	vst v63  }
0x122: {  	_ =	swait.ge [sflag:s21], $0x4000  }
0x123: {  	[sflag:s21] =	ssyncset.done $0x0  }
0x124: {  	s25 =	sadd.s32 s25, s29;
	[sflag:s21] =	ssyncadd.s32 $0xFFFFC000  }
0x125: {  	[hbm4b:s25+s1] =	stream.linear.scatter [tilespmem:s17], [sflag:$0x5], $0x4000, $0x38;
	[tilespmem:$0x11C00] =	vst v63  }
0x126: {  	_ =	swait.ge [sflag:s22], $0x4000  }
0x127: {  	[sflag:s22] =	ssyncset.done $0x0  }
0x128: {  	[sflag:s22] =	ssyncadd.s32 $0xFFFFC000  }
0x129: {  	_ =	swait.ge [sflag:s22], $0x4000  }
0x12a: {  	[sflag:s22] =	ssyncset.done $0x0  }
0x12b: {  	[sflag:s22] =	ssyncadd.s32 $0xFFFFC000  }
.Ltmp1:
0x12c: {  	_ =	swait.ge [sflag:s22], $0x4000;
	(pc) =	sbr.rel @p0 .LBB2_4-.Ltmp1, $4  }
0x12d: {  	[sflag:s22] =	ssyncset.done $0x0  }
0x12e: {  	[sflag:s22] =	ssyncadd.s32 $0xFFFFC000  }
0x12f: {  	_ =	swait.ge [sflag:s22], $0x4000  }
0x130: {  	[sflag:s22] =	ssyncset.done $0x0  }
0x131: {  	[sflag:s22] =	ssyncadd.s32 $0xFFFFC000  }
0x132: {  	v0 =	vld [tilespmem:$0x1980]  }
0x133: {  	v1 =	vld [tilespmem:$0x1990]  }
0x134: {  	v2 =	vld [tilespmem:$0x19A0]  }
0x135: {  	v3 =	vld [tilespmem:$0x19B0]  }
0x136: {  	v4 =	vld [tilespmem:$0x19C0]  }
0x137: {  	v60 =	vld [tilespmem:$0x19D0];
	[tilespmem:$0x1A00] =	vst v0  }
0x138: {  	v61 =	vld [tilespmem:$0x19E0];
	[tilespmem:$0x1A10] =	vst v1  }
0x139: {  	v62 =	vld [tilespmem:$0x19F0];
	[tilespmem:$0x1A20] =	vst v2  }
0x13a: {  	[tilespmem:$0x1A30] =	vst v3  }
0x13b: {  	[tilespmem:$0x1A40] =	vst v4  }
0x13c: {  	[tilespmem:$0x1A50] =	vst v60  }
0x13d: {  	[tilespmem:$0x1A60] =	vst v61  }
0x13e: {  	[tilespmem:$0x1A70] =	vst v62  }
0x13f: {  	[tilespmem:s11], [sflag:$0x1] =	stream.indirect.gather [hbm4b:s8+s9], $0x80, s10, s9, $0xb8;
	[tilespmem:$0x11C00] =	vst v63  }
0x140: {  	_ =	swait.ge [sflag:s18], $0x4000  }
0x141: {  	s0 =	sld [smem:$0x7F1]  }
0x142: {  	[sflag:s18] =	ssyncset.done $0x0  }
0x143: {  	s23 =	simm.s32 $0x0;
	[sflag:s18] =	ssyncadd.s32 $0xFFFFC000  }
0x144: {  	[hbm4b:s0+s23] =	stream.linear.scatter [tilespmem:s11], [sflag:$0x5], $0x4000, $0x38;
	[tilespmem:$0x11C00] =	vst v63  }
0x145: {  	_ =	swait.ge [sflag:s22], $0x4000  }
0x146: {  	[sflag:s22] =	ssyncset.done $0x0  }
0x147: {  	s23 =	simm.s32 $0x1480;
	[sflag:s22] =	ssyncadd.s32 $0xFFFFC000  }
0x148: {  	v63 =	vld [tilespmem:s23+$0xFFFFFF00];
	_ =	sdelay $0x4  }
0x149: {  	v0 =	vadd.s32 $0x1, v63  }
0x14a: {  	[tilespmem:$0x1A00] =	vst v0  }
0x14b: {  	v0 =	vld [tilespmem:s23+$0xFFFFFF10];
	_ =	sdelay $0x4  }
0x14c: {  	v0 =	vadd.s32 $0x1, v0  }
0x14d: {  	[tilespmem:$0x1A10] =	vst v0  }
0x14e: {  	v0 =	vld [tilespmem:s23+$0xFFFFFF20];
	_ =	sdelay $0x4  }
0x14f: {  	v0 =	vadd.s32 $0x1, v0  }
0x150: {  	[tilespmem:$0x1A20] =	vst v0  }
0x151: {  	v0 =	vld [tilespmem:s23+$0xFFFFFF30];
	_ =	sdelay $0x4  }
0x152: {  	v0 =	vadd.s32 $0x1, v0  }
0x153: {  	[tilespmem:$0x1A30] =	vst v0  }
0x154: {  	v0 =	vld [tilespmem:s23+$0xFFFFFF40];
	_ =	sdelay $0x4  }
0x155: {  	v0 =	vadd.s32 $0x1, v0  }
0x156: {  	[tilespmem:$0x1A40] =	vst v0  }
0x157: {  	v0 =	vld [tilespmem:s23+$0xFFFFFF50];
	_ =	sdelay $0x4  }
0x158: {  	v0 =	vadd.s32 $0x1, v0  }
0x159: {  	[tilespmem:$0x1A50] =	vst v0  }
0x15a: {  	v0 =	vld [tilespmem:s23+$0xFFFFFF60];
	_ =	sdelay $0x4  }
0x15b: {  	v0 =	vadd.s32 $0x1, v0  }
0x15c: {  	[tilespmem:$0x1A60] =	vst v0  }
0x15d: {  	v0 =	vld [tilespmem:s23+$0xFFFFFF70];
	_ =	sdelay $0x4  }
0x15e: {  	v0 =	vadd.s32 $0x1, v0  }
0x15f: {  	[tilespmem:$0x1A70] =	vst v0  }
0x160: {  	[tilespmem:s11], [sflag:$0x1] =	stream.indirect.gather [hbm4b:s8+s9], $0x80, s10, s9, $0xb8;
	[tilespmem:$0x11C00] =	vst v63  }
0x161: {  	v0 =	vld [tilespmem:s23+$0xFFFFFF80];
	_ =	sdelay $0x4  }
0x162: {  	v0 =	vadd.s32 $0x1, v0  }
0x163: {  	[tilespmem:$0x1A80] =	vst v0  }
0x164: {  	v0 =	vld [tilespmem:s23+$0xFFFFFF90];
	_ =	sdelay $0x4  }
0x165: {  	v0 =	vadd.s32 $0x1, v0  }
0x166: {  	[tilespmem:$0x1A90] =	vst v0  }
0x167: {  	v0 =	vld [tilespmem:s23+$0xFFFFFFA0];
	_ =	sdelay $0x4  }
0x168: {  	v0 =	vadd.s32 $0x1, v0  }
0x169: {  	[tilespmem:$0x1AA0] =	vst v0  }
0x16a: {  	v0 =	vld [tilespmem:s23+$0xFFFFFFB0];
	_ =	sdelay $0x4  }
0x16b: {  	v0 =	vadd.s32 $0x1, v0  }
0x16c: {  	[tilespmem:$0x1AB0] =	vst v0  }
0x16d: {  	v0 =	vld [tilespmem:s23+$0xFFFFFFC0];
	_ =	sdelay $0x4  }
0x16e: {  	v0 =	vadd.s32 $0x1, v0  }
0x16f: {  	[tilespmem:$0x1AC0] =	vst v0  }
0x170: {  	v0 =	vld [tilespmem:s23+$0xFFFFFFD0];
	_ =	sdelay $0x4  }
0x171: {  	v0 =	vadd.s32 $0x1, v0  }
0x172: {  	[tilespmem:$0x1AD0] =	vst v0  }
0x173: {  	v0 =	vld [tilespmem:s23+$0xFFFFFFE0];
	_ =	sdelay $0x4  }
0x174: {  	v0 =	vadd.s32 $0x1, v0  }
0x175: {  	[tilespmem:$0x1AE0] =	vst v0  }
0x176: {  	v0 =	vld [tilespmem:s23+$0xFFFFFFF0];
	_ =	sdelay $0x4  }
0x177: {  	v0 =	vadd.s32 $0x1, v0  }
0x178: {  	[tilespmem:$0x1AF0] =	vst v0  }
0x179: {  	[tilespmem:s13], [sflag:$0x2] =	stream.indirect.gather [hbm4b:s8+s9], $0x80, s12, s9, $0xb8;
	[tilespmem:$0x11C00] =	vst v63  }
0x17a: {  	v0 =	vld [tilespmem:s23+$0x0];
	_ =	sdelay $0x4  }
0x17b: {  	v0 =	vadd.s32 $0x1, v0  }
0x17c: {  	[tilespmem:$0x1B00] =	vst v0  }
0x17d: {  	v0 =	vld [tilespmem:s23+$0x10];
	_ =	sdelay $0x4  }
0x17e: {  	v0 =	vadd.s32 $0x1, v0  }
0x17f: {  	[tilespmem:$0x1B10] =	vst v0  }
0x180: {  	v0 =	vld [tilespmem:s23+$0x20];
	_ =	sdelay $0x4  }
0x181: {  	v0 =	vadd.s32 $0x1, v0  }
0x182: {  	[tilespmem:$0x1B20] =	vst v0  }
0x183: {  	v0 =	vld [tilespmem:s23+$0x30];
	_ =	sdelay $0x4  }
0x184: {  	v0 =	vadd.s32 $0x1, v0  }
0x185: {  	[tilespmem:$0x1B30] =	vst v0  }
0x186: {  	v0 =	vld [tilespmem:s23+$0x40];
	_ =	sdelay $0x4  }
0x187: {  	v0 =	vadd.s32 $0x1, v0  }
0x188: {  	[tilespmem:$0x1B40] =	vst v0  }
0x189: {  	v0 =	vld [tilespmem:s23+$0x50];
	_ =	sdelay $0x4  }
0x18a: {  	v0 =	vadd.s32 $0x1, v0  }
0x18b: {  	[tilespmem:$0x1B50] =	vst v0  }
0x18c: {  	v0 =	vld [tilespmem:s23+$0x60];
	_ =	sdelay $0x4  }
0x18d: {  	v0 =	vadd.s32 $0x1, v0  }
0x18e: {  	[tilespmem:$0x1B60] =	vst v0  }
0x18f: {  	v0 =	vld [tilespmem:s23+$0x70];
	_ =	sdelay $0x4  }
0x190: {  	v0 =	vadd.s32 $0x1, v0  }
0x191: {  	[tilespmem:$0x1B70] =	vst v0  }
0x192: {  	[tilespmem:s15], [sflag:$0x3] =	stream.indirect.gather [hbm4b:s8+s9], $0x80, s14, s9, $0xb8;
	[tilespmem:$0x11C00] =	vst v63  }
0x193: {  	v0 =	vld [tilespmem:s23+$0x80];
	_ =	sdelay $0x4  }
0x194: {  	v0 =	vadd.s32 $0x1, v0  }
0x195: {  	[tilespmem:$0x1B80] =	vst v0  }
0x196: {  	v0 =	vld [tilespmem:s23+$0x90];
	_ =	sdelay $0x4  }
0x197: {  	v0 =	vadd.s32 $0x1, v0  }
0x198: {  	[tilespmem:$0x1B90] =	vst v0  }
0x199: {  	v0 =	vld [tilespmem:s23+$0xA0];
	_ =	sdelay $0x4  }
0x19a: {  	v0 =	vadd.s32 $0x1, v0  }
0x19b: {  	[tilespmem:$0x1BA0] =	vst v0  }
0x19c: {  	v0 =	vld [tilespmem:s23+$0xB0];
	_ =	sdelay $0x4  }
0x19d: {  	v0 =	vadd.s32 $0x1, v0  }
0x19e: {  	[tilespmem:$0x1BB0] =	vst v0  }
0x19f: {  	v0 =	vld [tilespmem:s23+$0xC0];
	_ =	sdelay $0x4  }
0x1a0: {  	v0 =	vadd.s32 $0x1, v0  }
0x1a1: {  	[tilespmem:$0x1BC0] =	vst v0  }
0x1a2: {  	v0 =	vld [tilespmem:s23+$0xD0];
	_ =	sdelay $0x4  }
0x1a3: {  	v0 =	vadd.s32 $0x1, v0  }
0x1a4: {  	[tilespmem:$0x1BD0] =	vst v0  }
0x1a5: {  	v0 =	vld [tilespmem:s23+$0xE0];
	_ =	sdelay $0x4  }
0x1a6: {  	v0 =	vadd.s32 $0x1, v0  }
0x1a7: {  	[tilespmem:$0x1BE0] =	vst v0  }
0x1a8: {  	v0 =	vld [tilespmem:s23+$0xF0];
	_ =	sdelay $0x4  }
0x1a9: {  	v0 =	vadd.s32 $0x1, v0  }
0x1aa: {  	[tilespmem:$0x1BF0] =	vst v0  }
0x1ab: {  	[tilespmem:s17], [sflag:$0x4] =	stream.indirect.gather [hbm4b:s8+s9], $0x80, s16, s9, $0xb8;
	[tilespmem:$0x11C00] =	vst v63  }
0x1ac: {  	_ =	swait.ge [sflag:s18], $0x4000  }
0x1ad: {  	[sflag:s18] =	ssyncset.done $0x0;
	s31 =	rddreg [dreg:$0x5]  }
0x1ae: {  	[sflag:s18] =	ssyncadd.s32 $0xFFFFC000;
	s24 =	sadd.s32 $0x0, s31  }
0x1af: {  	[hbm4b:s24+s1] =	stream.linear.scatter [tilespmem:s11], [sflag:$0x5], $0x4000, $0x38;
	[tilespmem:$0x11C00] =	vst v63  }
0x1b0: {  	_ =	swait.ge [sflag:s19], $0x4000  }
0x1b1: {  	[sflag:s19] =	ssyncset.done $0x0;
	s28 =	rddreg [dreg:$0x7]  }
0x1b2: {  	[sflag:s19] =	ssyncadd.s32 $0xFFFFC000;
	s25 =	sadd.s32 $0x0, s28  }
0x1b3: {  	[hbm4b:s25+s1] =	stream.linear.scatter [tilespmem:s13], [sflag:$0x5], $0x4000, $0x38;
	[tilespmem:$0x11C00] =	vst v63  }
0x1b4: {  	_ =	swait.ge [sflag:s20], $0x4000  }
0x1b5: {  	[sflag:s20] =	ssyncset.done $0x0;
	s0 =	rddreg [dreg:$0x9]  }
0x1b6: {  	[sflag:s20] =	ssyncadd.s32 $0xFFFFC000;
	s26 =	sadd.s32 $0x0, s0  }
0x1b7: {  	[hbm4b:s26+s1] =	stream.linear.scatter [tilespmem:s15], [sflag:$0x5], $0x4000, $0x38;
	[tilespmem:$0x11C00] =	vst v63  }
0x1b8: {  	_ =	swait.ge [sflag:s21], $0x4000  }
0x1b9: {  	[sflag:s21] =	ssyncset.done $0x0;
	s30 =	rddreg [dreg:$0x6]  }
0x1ba: {  	[sflag:s21] =	ssyncadd.s32 $0xFFFFC000;
	s29 =	sadd.s32 $0x0, s30  }
0x1bb: {  	[hbm4b:s29+s1] =	stream.linear.scatter [tilespmem:s17], [sflag:$0x5], $0x4000, $0x38;
	[tilespmem:$0x11C00] =	vst v63  }
0x1bc: {  	_ =	swait.ge [sflag:s22], $0x4000  }
0x1bd: {  	[sflag:s22] =	ssyncset.done $0x0  }
0x1be: {  	[sflag:s22] =	ssyncadd.s32 $0xFFFFC000  }
0x1bf: {  	_ =	swait.ge [sflag:s22], $0x4000  }
0x1c0: {  	[sflag:s22] =	ssyncset.done $0x0  }
0x1c1: {  	[sflag:s22] =	ssyncadd.s32 $0xFFFFC000  }
0x1c2: {  	_ =	swait.ge [sflag:s22], $0x4000  }
0x1c3: {  	[sflag:s22] =	ssyncset.done $0x0  }
0x1c4: {  	[sflag:s22] =	ssyncadd.s32 $0xFFFFC000  }
0x1c5: {  	_ =	swait.ge [sflag:s22], $0x4000  }
0x1c6: {  	s24 =	simm.s32 $0x2000;
	[sflag:s22] =	ssyncset.done $0x0  }
.LBB2_6:
0x1c7: {  	p0 =	sne.s32 s24, $0x4000;
	[sflag:s22] =	ssyncadd.s32 $0xFFFFC000;
	s23 =	sadd.s32 $0x200, s23  }
0x1c8: {  	s25 =	smov.u32 s24;
	s24 =	sadd.s32 $0x2000, s24;
	v0 =	vld [tilespmem:s23+$0xFFFFFF00];
	_ =	sdelay $0x4  }
0x1c9: {  	v0 =	vadd.s32 $0x1, v0  }
0x1ca: {  	[tilespmem:$0x1A00] =	vst v0  }
0x1cb: {  	v0 =	vld [tilespmem:s23+$0xFFFFFF10];
	_ =	sdelay $0x4  }
0x1cc: {  	v0 =	vadd.s32 $0x1, v0  }
0x1cd: {  	[tilespmem:$0x1A10] =	vst v0  }
0x1ce: {  	v0 =	vld [tilespmem:s23+$0xFFFFFF20];
	_ =	sdelay $0x4  }
0x1cf: {  	v0 =	vadd.s32 $0x1, v0  }
0x1d0: {  	[tilespmem:$0x1A20] =	vst v0  }
0x1d1: {  	v0 =	vld [tilespmem:s23+$0xFFFFFF30];
	_ =	sdelay $0x4  }
0x1d2: {  	v0 =	vadd.s32 $0x1, v0  }
0x1d3: {  	[tilespmem:$0x1A30] =	vst v0  }
0x1d4: {  	v0 =	vld [tilespmem:s23+$0xFFFFFF40];
	_ =	sdelay $0x4  }
0x1d5: {  	v0 =	vadd.s32 $0x1, v0  }
0x1d6: {  	[tilespmem:$0x1A40] =	vst v0  }
0x1d7: {  	v0 =	vld [tilespmem:s23+$0xFFFFFF50];
	_ =	sdelay $0x4  }
0x1d8: {  	v0 =	vadd.s32 $0x1, v0  }
0x1d9: {  	[tilespmem:$0x1A50] =	vst v0  }
0x1da: {  	v0 =	vld [tilespmem:s23+$0xFFFFFF60];
	_ =	sdelay $0x4  }
0x1db: {  	v0 =	vadd.s32 $0x1, v0  }
0x1dc: {  	[tilespmem:$0x1A60] =	vst v0  }
0x1dd: {  	v0 =	vld [tilespmem:s23+$0xFFFFFF70];
	_ =	sdelay $0x4  }
0x1de: {  	v0 =	vadd.s32 $0x1, v0  }
0x1df: {  	[tilespmem:$0x1A70] =	vst v0  }
0x1e0: {  	[tilespmem:s11], [sflag:$0x1] =	stream.indirect.gather [hbm4b:s8+s9], $0x80, s10, s9, $0xb8;
	[tilespmem:$0x11C00] =	vst v63  }
0x1e1: {  	v0 =	vld [tilespmem:s23+$0xFFFFFF80];
	_ =	sdelay $0x4  }
0x1e2: {  	v0 =	vadd.s32 $0x1, v0  }
0x1e3: {  	[tilespmem:$0x1A80] =	vst v0  }
0x1e4: {  	v0 =	vld [tilespmem:s23+$0xFFFFFF90];
	_ =	sdelay $0x4  }
0x1e5: {  	v0 =	vadd.s32 $0x1, v0  }
0x1e6: {  	[tilespmem:$0x1A90] =	vst v0  }
0x1e7: {  	v0 =	vld [tilespmem:s23+$0xFFFFFFA0];
	_ =	sdelay $0x4  }
0x1e8: {  	v0 =	vadd.s32 $0x1, v0  }
0x1e9: {  	[tilespmem:$0x1AA0] =	vst v0  }
0x1ea: {  	v0 =	vld [tilespmem:s23+$0xFFFFFFB0];
	_ =	sdelay $0x4  }
0x1eb: {  	v0 =	vadd.s32 $0x1, v0  }
0x1ec: {  	[tilespmem:$0x1AB0] =	vst v0  }
0x1ed: {  	v0 =	vld [tilespmem:s23+$0xFFFFFFC0];
	_ =	sdelay $0x4  }
0x1ee: {  	v0 =	vadd.s32 $0x1, v0  }
0x1ef: {  	[tilespmem:$0x1AC0] =	vst v0  }
0x1f0: {  	v0 =	vld [tilespmem:s23+$0xFFFFFFD0];
	_ =	sdelay $0x4  }
0x1f1: {  	v0 =	vadd.s32 $0x1, v0  }
0x1f2: {  	[tilespmem:$0x1AD0] =	vst v0  }
0x1f3: {  	v0 =	vld [tilespmem:s23+$0xFFFFFFE0];
	_ =	sdelay $0x4  }
0x1f4: {  	v0 =	vadd.s32 $0x1, v0  }
0x1f5: {  	[tilespmem:$0x1AE0] =	vst v0  }
0x1f6: {  	v0 =	vld [tilespmem:s23+$0xFFFFFFF0];
	_ =	sdelay $0x4  }
0x1f7: {  	v0 =	vadd.s32 $0x1, v0  }
0x1f8: {  	[tilespmem:$0x1AF0] =	vst v0  }
0x1f9: {  	[tilespmem:s13], [sflag:$0x2] =	stream.indirect.gather [hbm4b:s8+s9], $0x80, s12, s9, $0xb8;
	[tilespmem:$0x11C00] =	vst v63  }
0x1fa: {  	v0 =	vld [tilespmem:s23+$0x0];
	_ =	sdelay $0x4  }
0x1fb: {  	v0 =	vadd.s32 $0x1, v0  }
0x1fc: {  	[tilespmem:$0x1B00] =	vst v0  }
0x1fd: {  	v0 =	vld [tilespmem:s23+$0x10];
	_ =	sdelay $0x4  }
0x1fe: {  	v0 =	vadd.s32 $0x1, v0  }
0x1ff: {  	[tilespmem:$0x1B10] =	vst v0  }
0x200: {  	v0 =	vld [tilespmem:s23+$0x20];
	_ =	sdelay $0x4  }
0x201: {  	v0 =	vadd.s32 $0x1, v0  }
0x202: {  	[tilespmem:$0x1B20] =	vst v0  }
0x203: {  	v0 =	vld [tilespmem:s23+$0x30];
	_ =	sdelay $0x4  }
0x204: {  	v0 =	vadd.s32 $0x1, v0  }
0x205: {  	[tilespmem:$0x1B30] =	vst v0  }
0x206: {  	v0 =	vld [tilespmem:s23+$0x40];
	_ =	sdelay $0x4  }
0x207: {  	v0 =	vadd.s32 $0x1, v0  }
0x208: {  	[tilespmem:$0x1B40] =	vst v0  }
0x209: {  	v0 =	vld [tilespmem:s23+$0x50];
	_ =	sdelay $0x4  }
0x20a: {  	v0 =	vadd.s32 $0x1, v0  }
0x20b: {  	[tilespmem:$0x1B50] =	vst v0  }
0x20c: {  	v0 =	vld [tilespmem:s23+$0x60];
	_ =	sdelay $0x4  }
0x20d: {  	v0 =	vadd.s32 $0x1, v0  }
0x20e: {  	[tilespmem:$0x1B60] =	vst v0  }
0x20f: {  	v0 =	vld [tilespmem:s23+$0x70];
	_ =	sdelay $0x4  }
0x210: {  	v0 =	vadd.s32 $0x1, v0  }
0x211: {  	[tilespmem:$0x1B70] =	vst v0  }
0x212: {  	[tilespmem:s15], [sflag:$0x3] =	stream.indirect.gather [hbm4b:s8+s9], $0x80, s14, s9, $0xb8;
	[tilespmem:$0x11C00] =	vst v63  }
0x213: {  	v0 =	vld [tilespmem:s23+$0x80];
	_ =	sdelay $0x4  }
0x214: {  	v0 =	vadd.s32 $0x1, v0  }
0x215: {  	[tilespmem:$0x1B80] =	vst v0  }
0x216: {  	v0 =	vld [tilespmem:s23+$0x90];
	_ =	sdelay $0x4  }
0x217: {  	v0 =	vadd.s32 $0x1, v0  }
0x218: {  	[tilespmem:$0x1B90] =	vst v0  }
0x219: {  	v0 =	vld [tilespmem:s23+$0xA0];
	_ =	sdelay $0x4  }
0x21a: {  	v0 =	vadd.s32 $0x1, v0  }
0x21b: {  	[tilespmem:$0x1BA0] =	vst v0  }
0x21c: {  	v0 =	vld [tilespmem:s23+$0xB0];
	_ =	sdelay $0x4  }
0x21d: {  	v0 =	vadd.s32 $0x1, v0  }
0x21e: {  	[tilespmem:$0x1BB0] =	vst v0  }
0x21f: {  	v0 =	vld [tilespmem:s23+$0xC0];
	_ =	sdelay $0x4  }
0x220: {  	v0 =	vadd.s32 $0x1, v0  }
0x221: {  	[tilespmem:$0x1BC0] =	vst v0  }
0x222: {  	v0 =	vld [tilespmem:s23+$0xD0];
	_ =	sdelay $0x4  }
0x223: {  	v0 =	vadd.s32 $0x1, v0  }
0x224: {  	[tilespmem:$0x1BD0] =	vst v0  }
0x225: {  	v0 =	vld [tilespmem:s23+$0xE0];
	_ =	sdelay $0x4  }
0x226: {  	v0 =	vadd.s32 $0x1, v0  }
0x227: {  	[tilespmem:$0x1BE0] =	vst v0  }
0x228: {  	v0 =	vld [tilespmem:s23+$0xF0];
	_ =	sdelay $0x4  }
0x229: {  	v0 =	vadd.s32 $0x1, v0  }
0x22a: {  	[tilespmem:$0x1BF0] =	vst v0  }
0x22b: {  	[tilespmem:s17], [sflag:$0x4] =	stream.indirect.gather [hbm4b:s8+s9], $0x80, s16, s9, $0xb8;
	[tilespmem:$0x11C00] =	vst v63  }
0x22c: {  	_ =	swait.ge [sflag:s18], $0x4000  }
0x22d: {  	[sflag:s18] =	ssyncset.done $0x0  }
0x22e: {  	s26 =	sadd.s32 s25, s31;
	[sflag:s18] =	ssyncadd.s32 $0xFFFFC000  }
0x22f: {  	[hbm4b:s26+s1] =	stream.linear.scatter [tilespmem:s11], [sflag:$0x5], $0x4000, $0x38;
	[tilespmem:$0x11C00] =	vst v63  }
0x230: {  	_ =	swait.ge [sflag:s19], $0x4000  }
0x231: {  	[sflag:s19] =	ssyncset.done $0x0  }
0x232: {  	s26 =	sadd.s32 s25, s28;
	[sflag:s19] =	ssyncadd.s32 $0xFFFFC000  }
0x233: {  	[hbm4b:s26+s1] =	stream.linear.scatter [tilespmem:s13], [sflag:$0x5], $0x4000, $0x38;
	[tilespmem:$0x11C00] =	vst v63  }
0x234: {  	_ =	swait.ge [sflag:s20], $0x4000  }
0x235: {  	[sflag:s20] =	ssyncset.done $0x0  }
0x236: {  	s26 =	sadd.s32 s25, s0;
	[sflag:s20] =	ssyncadd.s32 $0xFFFFC000  }
0x237: {  	[hbm4b:s26+s1] =	stream.linear.scatter [tilespmem:s15], [sflag:$0x5], $0x4000, $0x38;
	[tilespmem:$0x11C00] =	vst v63  }
0x238: {  	_ =	swait.ge [sflag:s21], $0x4000  }
0x239: {  	[sflag:s21] =	ssyncset.done $0x0  }
0x23a: {  	s25 =	sadd.s32 s25, s30;
	[sflag:s21] =	ssyncadd.s32 $0xFFFFC000  }
0x23b: {  	[hbm4b:s25+s1] =	stream.linear.scatter [tilespmem:s17], [sflag:$0x5], $0x4000, $0x38;
	[tilespmem:$0x11C00] =	vst v63  }
0x23c: {  	_ =	swait.ge [sflag:s22], $0x4000  }
0x23d: {  	[sflag:s22] =	ssyncset.done $0x0  }
0x23e: {  	[sflag:s22] =	ssyncadd.s32 $0xFFFFC000  }
0x23f: {  	_ =	swait.ge [sflag:s22], $0x4000  }
0x240: {  	[sflag:s22] =	ssyncset.done $0x0  }
0x241: {  	[sflag:s22] =	ssyncadd.s32 $0xFFFFC000  }
.Ltmp2:
0x242: {  	_ =	swait.ge [sflag:s22], $0x4000;
	(pc) =	sbr.rel @p0 .LBB2_6-.Ltmp2, $4  }
0x243: {  	[sflag:s22] =	ssyncset.done $0x0  }
0x244: {  	[sflag:s22] =	ssyncadd.s32 $0xFFFFC000  }
0x245: {  	_ =	swait.ge [sflag:s22], $0x4000  }
0x246: {  	[sflag:s22] =	ssyncset.done $0x0  }
0x247: {  	[sflag:s22] =	ssyncadd.s32 $0xFFFFC000  }
0x248: {  	v0 =	vld [tilespmem:$0x1980]  }
0x249: {  	v1 =	vld [tilespmem:$0x1990]  }
0x24a: {  	v2 =	vld [tilespmem:$0x19A0]  }
0x24b: {  	v3 =	vld [tilespmem:$0x19B0]  }
0x24c: {  	v4 =	vld [tilespmem:$0x19C0]  }
0x24d: {  	v5 =	vld [tilespmem:$0x19D0];
	v0 =	vadd.s32 $0x1, v0  }
0x24e: {  	v55 =	vld [tilespmem:$0x19E0];
	v54 =	vadd.s32 $0x1, v1;
	[tilespmem:$0x1A00] =	vst v0  }
0x24f: {  	v57 =	vld [tilespmem:$0x19F0];
	v56 =	vadd.s32 $0x1, v2;
	[tilespmem:$0x1A10] =	vst v54  }
0x250: {  	v58 =	vadd.s32 $0x1, v3;
	[tilespmem:$0x1A20] =	vst v56  }
0x251: {  	v59 =	vadd.s32 $0x1, v4;
	[tilespmem:$0x1A30] =	vst v58  }
0x252: {  	v60 =	vadd.s32 $0x1, v5;
	[tilespmem:$0x1A40] =	vst v59  }
0x253: {  	v61 =	vadd.s32 $0x1, v55;
	[tilespmem:$0x1A50] =	vst v60  }
0x254: {  	v62 =	vadd.s32 $0x1, v57;
	[tilespmem:$0x1A60] =	vst v61  }
0x255: {  	[tilespmem:$0x1A70] =	vst v62  }
0x256: {  	[tilespmem:s11], [sflag:$0x1] =	stream.indirect.gather [hbm4b:s8+s9], $0x80, s10, s9, $0xb8;
	[tilespmem:$0x11C00] =	vst v63  }
0x257: {  	_ =	swait.ge [sflag:s18], $0x4000  }
0x258: {  	s0 =	sld [smem:$0x7F2]  }
0x259: {  	[sflag:s18] =	ssyncset.done $0x0  }
0x25a: {  	s23 =	simm.s32 $0x0;
	[sflag:s18] =	ssyncadd.s32 $0xFFFFC000  }
0x25b: {  	[hbm4b:s0+s23] =	stream.linear.scatter [tilespmem:s11], [sflag:$0x5], $0x4000, $0x38;
	[tilespmem:$0x11C00] =	vst v63  }
0x25c: {  	_ =	swait.ge [sflag:s22], $0x4000  }
0x25d: {  	[sflag:s22] =	ssyncset.done $0x0  }
0x25e: {  	s23 =	simm.s32 $0x1480;
	[sflag:s22] =	ssyncadd.s32 $0xFFFFC000  }
0x25f: {  	v63 =	vld [tilespmem:s23+$0xFFFFFF00];
	_ =	sdelay $0x4  }
0x260: {  	v0 =	vadd.s32 $0x2, v63  }
0x261: {  	[tilespmem:$0x1A00] =	vst v0  }
0x262: {  	v0 =	vld [tilespmem:s23+$0xFFFFFF10];
	_ =	sdelay $0x4  }
0x263: {  	v0 =	vadd.s32 $0x2, v0  }
0x264: {  	[tilespmem:$0x1A10] =	vst v0  }
0x265: {  	v0 =	vld [tilespmem:s23+$0xFFFFFF20];
	_ =	sdelay $0x4  }
0x266: {  	v0 =	vadd.s32 $0x2, v0  }
0x267: {  	[tilespmem:$0x1A20] =	vst v0  }
0x268: {  	v0 =	vld [tilespmem:s23+$0xFFFFFF30];
	_ =	sdelay $0x4  }
0x269: {  	v0 =	vadd.s32 $0x2, v0  }
0x26a: {  	[tilespmem:$0x1A30] =	vst v0  }
0x26b: {  	v0 =	vld [tilespmem:s23+$0xFFFFFF40];
	_ =	sdelay $0x4  }
0x26c: {  	v0 =	vadd.s32 $0x2, v0  }
0x26d: {  	[tilespmem:$0x1A40] =	vst v0  }
0x26e: {  	v0 =	vld [tilespmem:s23+$0xFFFFFF50];
	_ =	sdelay $0x4  }
0x26f: {  	v0 =	vadd.s32 $0x2, v0  }
0x270: {  	[tilespmem:$0x1A50] =	vst v0  }
0x271: {  	v0 =	vld [tilespmem:s23+$0xFFFFFF60];
	_ =	sdelay $0x4  }
0x272: {  	v0 =	vadd.s32 $0x2, v0  }
0x273: {  	[tilespmem:$0x1A60] =	vst v0  }
0x274: {  	v0 =	vld [tilespmem:s23+$0xFFFFFF70];
	_ =	sdelay $0x4  }
0x275: {  	v0 =	vadd.s32 $0x2, v0  }
0x276: {  	[tilespmem:$0x1A70] =	vst v0  }
0x277: {  	[tilespmem:s11], [sflag:$0x1] =	stream.indirect.gather [hbm4b:s8+s9], $0x80, s10, s9, $0xb8;
	[tilespmem:$0x11C00] =	vst v63  }
0x278: {  	v0 =	vld [tilespmem:s23+$0xFFFFFF80];
	_ =	sdelay $0x4  }
0x279: {  	v0 =	vadd.s32 $0x2, v0  }
0x27a: {  	[tilespmem:$0x1A80] =	vst v0  }
0x27b: {  	v0 =	vld [tilespmem:s23+$0xFFFFFF90];
	_ =	sdelay $0x4  }
0x27c: {  	v0 =	vadd.s32 $0x2, v0  }
0x27d: {  	[tilespmem:$0x1A90] =	vst v0  }
0x27e: {  	v0 =	vld [tilespmem:s23+$0xFFFFFFA0];
	_ =	sdelay $0x4  }
0x27f: {  	v0 =	vadd.s32 $0x2, v0  }
0x280: {  	[tilespmem:$0x1AA0] =	vst v0  }
0x281: {  	v0 =	vld [tilespmem:s23+$0xFFFFFFB0];
	_ =	sdelay $0x4  }
0x282: {  	v0 =	vadd.s32 $0x2, v0  }
0x283: {  	[tilespmem:$0x1AB0] =	vst v0  }
0x284: {  	v0 =	vld [tilespmem:s23+$0xFFFFFFC0];
	_ =	sdelay $0x4  }
0x285: {  	v0 =	vadd.s32 $0x2, v0  }
0x286: {  	[tilespmem:$0x1AC0] =	vst v0  }
0x287: {  	v0 =	vld [tilespmem:s23+$0xFFFFFFD0];
	_ =	sdelay $0x4  }
0x288: {  	v0 =	vadd.s32 $0x2, v0  }
0x289: {  	[tilespmem:$0x1AD0] =	vst v0  }
0x28a: {  	v0 =	vld [tilespmem:s23+$0xFFFFFFE0];
	_ =	sdelay $0x4  }
0x28b: {  	v0 =	vadd.s32 $0x2, v0  }
0x28c: {  	[tilespmem:$0x1AE0] =	vst v0  }
0x28d: {  	v0 =	vld [tilespmem:s23+$0xFFFFFFF0];
	_ =	sdelay $0x4  }
0x28e: {  	v0 =	vadd.s32 $0x2, v0  }
0x28f: {  	[tilespmem:$0x1AF0] =	vst v0  }
0x290: {  	[tilespmem:s13], [sflag:$0x2] =	stream.indirect.gather [hbm4b:s8+s9], $0x80, s12, s9, $0xb8;
	[tilespmem:$0x11C00] =	vst v63  }
0x291: {  	v0 =	vld [tilespmem:s23+$0x0];
	_ =	sdelay $0x4  }
0x292: {  	v0 =	vadd.s32 $0x2, v0  }
0x293: {  	[tilespmem:$0x1B00] =	vst v0  }
0x294: {  	v0 =	vld [tilespmem:s23+$0x10];
	_ =	sdelay $0x4  }
0x295: {  	v0 =	vadd.s32 $0x2, v0  }
0x296: {  	[tilespmem:$0x1B10] =	vst v0  }
0x297: {  	v0 =	vld [tilespmem:s23+$0x20];
	_ =	sdelay $0x4  }
0x298: {  	v0 =	vadd.s32 $0x2, v0  }
0x299: {  	[tilespmem:$0x1B20] =	vst v0  }
0x29a: {  	v0 =	vld [tilespmem:s23+$0x30];
	_ =	sdelay $0x4  }
0x29b: {  	v0 =	vadd.s32 $0x2, v0  }
0x29c: {  	[tilespmem:$0x1B30] =	vst v0  }
0x29d: {  	v0 =	vld [tilespmem:s23+$0x40];
	_ =	sdelay $0x4  }
0x29e: {  	v0 =	vadd.s32 $0x2, v0  }
0x29f: {  	[tilespmem:$0x1B40] =	vst v0  }
0x2a0: {  	v0 =	vld [tilespmem:s23+$0x50];
	_ =	sdelay $0x4  }
0x2a1: {  	v0 =	vadd.s32 $0x2, v0  }
0x2a2: {  	[tilespmem:$0x1B50] =	vst v0  }
0x2a3: {  	v0 =	vld [tilespmem:s23+$0x60];
	_ =	sdelay $0x4  }
0x2a4: {  	v0 =	vadd.s32 $0x2, v0  }
0x2a5: {  	[tilespmem:$0x1B60] =	vst v0  }
0x2a6: {  	v0 =	vld [tilespmem:s23+$0x70];
	_ =	sdelay $0x4  }
0x2a7: {  	v0 =	vadd.s32 $0x2, v0  }
0x2a8: {  	[tilespmem:$0x1B70] =	vst v0  }
0x2a9: {  	[tilespmem:s15], [sflag:$0x3] =	stream.indirect.gather [hbm4b:s8+s9], $0x80, s14, s9, $0xb8;
	[tilespmem:$0x11C00] =	vst v63  }
0x2aa: {  	v0 =	vld [tilespmem:s23+$0x80];
	_ =	sdelay $0x4  }
0x2ab: {  	v0 =	vadd.s32 $0x2, v0  }
0x2ac: {  	[tilespmem:$0x1B80] =	vst v0  }
0x2ad: {  	v0 =	vld [tilespmem:s23+$0x90];
	_ =	sdelay $0x4  }
0x2ae: {  	v0 =	vadd.s32 $0x2, v0  }
0x2af: {  	[tilespmem:$0x1B90] =	vst v0  }
0x2b0: {  	v0 =	vld [tilespmem:s23+$0xA0];
	_ =	sdelay $0x4  }
0x2b1: {  	v0 =	vadd.s32 $0x2, v0  }
0x2b2: {  	[tilespmem:$0x1BA0] =	vst v0  }
0x2b3: {  	v0 =	vld [tilespmem:s23+$0xB0];
	_ =	sdelay $0x4  }
0x2b4: {  	v0 =	vadd.s32 $0x2, v0  }
0x2b5: {  	[tilespmem:$0x1BB0] =	vst v0  }
0x2b6: {  	v0 =	vld [tilespmem:s23+$0xC0];
	_ =	sdelay $0x4  }
0x2b7: {  	v0 =	vadd.s32 $0x2, v0  }
0x2b8: {  	[tilespmem:$0x1BC0] =	vst v0  }
0x2b9: {  	v0 =	vld [tilespmem:s23+$0xD0];
	_ =	sdelay $0x4  }
0x2ba: {  	v0 =	vadd.s32 $0x2, v0  }
0x2bb: {  	[tilespmem:$0x1BD0] =	vst v0  }
0x2bc: {  	v0 =	vld [tilespmem:s23+$0xE0];
	_ =	sdelay $0x4  }
0x2bd: {  	v0 =	vadd.s32 $0x2, v0  }
0x2be: {  	[tilespmem:$0x1BE0] =	vst v0  }
0x2bf: {  	v0 =	vld [tilespmem:s23+$0xF0];
	_ =	sdelay $0x4  }
0x2c0: {  	v0 =	vadd.s32 $0x2, v0  }
0x2c1: {  	[tilespmem:$0x1BF0] =	vst v0  }
0x2c2: {  	[tilespmem:s17], [sflag:$0x4] =	stream.indirect.gather [hbm4b:s8+s9], $0x80, s16, s9, $0xb8;
	[tilespmem:$0x11C00] =	vst v63  }
0x2c3: {  	_ =	swait.ge [sflag:s18], $0x4000  }
0x2c4: {  	[sflag:s18] =	ssyncset.done $0x0;
	s0 =	rddreg [dreg:$0xa]  }
0x2c5: {  	[sflag:s18] =	ssyncadd.s32 $0xFFFFC000;
	s24 =	sadd.s32 $0x0, s0  }
0x2c6: {  	[hbm4b:s24+s1] =	stream.linear.scatter [tilespmem:s11], [sflag:$0x5], $0x4000, $0x38;
	[tilespmem:$0x11C00] =	vst v63  }
0x2c7: {  	_ =	swait.ge [sflag:s19], $0x4000  }
0x2c8: {  	[sflag:s19] =	ssyncset.done $0x0;
	s30 =	rddreg [dreg:$0xc]  }
0x2c9: {  	[sflag:s19] =	ssyncadd.s32 $0xFFFFC000;
	s25 =	sadd.s32 $0x0, s30  }
0x2ca: {  	[hbm4b:s25+s1] =	stream.linear.scatter [tilespmem:s13], [sflag:$0x5], $0x4000, $0x38;
	[tilespmem:$0x11C00] =	vst v63  }
0x2cb: {  	_ =	swait.ge [sflag:s20], $0x4000  }
0x2cc: {  	[sflag:s20] =	ssyncset.done $0x0;
	s29 =	rddreg [dreg:$0xd]  }
0x2cd: {  	[sflag:s20] =	ssyncadd.s32 $0xFFFFC000;
	s26 =	sadd.s32 $0x0, s29  }
0x2ce: {  	[hbm4b:s26+s1] =	stream.linear.scatter [tilespmem:s15], [sflag:$0x5], $0x4000, $0x38;
	[tilespmem:$0x11C00] =	vst v63  }
0x2cf: {  	_ =	swait.ge [sflag:s21], $0x4000  }
0x2d0: {  	[sflag:s21] =	ssyncset.done $0x0;
	s28 =	rddreg [dreg:$0xb]  }
0x2d1: {  	[sflag:s21] =	ssyncadd.s32 $0xFFFFC000;
	s31 =	sadd.s32 $0x0, s28  }
0x2d2: {  	[hbm4b:s31+s1] =	stream.linear.scatter [tilespmem:s17], [sflag:$0x5], $0x4000, $0x38;
	[tilespmem:$0x11C00] =	vst v63  }
0x2d3: {  	_ =	swait.ge [sflag:s22], $0x4000  }
0x2d4: {  	[sflag:s22] =	ssyncset.done $0x0  }
0x2d5: {  	[sflag:s22] =	ssyncadd.s32 $0xFFFFC000  }
0x2d6: {  	_ =	swait.ge [sflag:s22], $0x4000  }
0x2d7: {  	[sflag:s22] =	ssyncset.done $0x0  }
0x2d8: {  	[sflag:s22] =	ssyncadd.s32 $0xFFFFC000  }
0x2d9: {  	_ =	swait.ge [sflag:s22], $0x4000  }
0x2da: {  	[sflag:s22] =	ssyncset.done $0x0  }
0x2db: {  	[sflag:s22] =	ssyncadd.s32 $0xFFFFC000  }
0x2dc: {  	_ =	swait.ge [sflag:s22], $0x4000  }
0x2dd: {  	s24 =	simm.s32 $0x2000;
	[sflag:s22] =	ssyncset.done $0x0  }
.LBB2_8:
0x2de: {  	p0 =	sne.s32 s24, $0x4000;
	[sflag:s22] =	ssyncadd.s32 $0xFFFFC000;
	s23 =	sadd.s32 $0x200, s23  }
0x2df: {  	s25 =	smov.u32 s24;
	s24 =	sadd.s32 $0x2000, s24;
	v0 =	vld [tilespmem:s23+$0xFFFFFF00];
	_ =	sdelay $0x4  }
0x2e0: {  	v0 =	vadd.s32 $0x2, v0  }
0x2e1: {  	[tilespmem:$0x1A00] =	vst v0  }
0x2e2: {  	v0 =	vld [tilespmem:s23+$0xFFFFFF10];
	_ =	sdelay $0x4  }
0x2e3: {  	v0 =	vadd.s32 $0x2, v0  }
0x2e4: {  	[tilespmem:$0x1A10] =	vst v0  }
0x2e5: {  	v0 =	vld [tilespmem:s23+$0xFFFFFF20];
	_ =	sdelay $0x4  }
0x2e6: {  	v0 =	vadd.s32 $0x2, v0  }
0x2e7: {  	[tilespmem:$0x1A20] =	vst v0  }
0x2e8: {  	v0 =	vld [tilespmem:s23+$0xFFFFFF30];
	_ =	sdelay $0x4  }
0x2e9: {  	v0 =	vadd.s32 $0x2, v0  }
0x2ea: {  	[tilespmem:$0x1A30] =	vst v0  }
0x2eb: {  	v0 =	vld [tilespmem:s23+$0xFFFFFF40];
	_ =	sdelay $0x4  }
0x2ec: {  	v0 =	vadd.s32 $0x2, v0  }
0x2ed: {  	[tilespmem:$0x1A40] =	vst v0  }
0x2ee: {  	v0 =	vld [tilespmem:s23+$0xFFFFFF50];
	_ =	sdelay $0x4  }
0x2ef: {  	v0 =	vadd.s32 $0x2, v0  }
0x2f0: {  	[tilespmem:$0x1A50] =	vst v0  }
0x2f1: {  	v0 =	vld [tilespmem:s23+$0xFFFFFF60];
	_ =	sdelay $0x4  }
0x2f2: {  	v0 =	vadd.s32 $0x2, v0  }
0x2f3: {  	[tilespmem:$0x1A60] =	vst v0  }
0x2f4: {  	v0 =	vld [tilespmem:s23+$0xFFFFFF70];
	_ =	sdelay $0x4  }
0x2f5: {  	v0 =	vadd.s32 $0x2, v0  }
0x2f6: {  	[tilespmem:$0x1A70] =	vst v0  }
0x2f7: {  	[tilespmem:s11], [sflag:$0x1] =	stream.indirect.gather [hbm4b:s8+s9], $0x80, s10, s9, $0xb8;
	[tilespmem:$0x11C00] =	vst v63  }
0x2f8: {  	v0 =	vld [tilespmem:s23+$0xFFFFFF80];
	_ =	sdelay $0x4  }
0x2f9: {  	v0 =	vadd.s32 $0x2, v0  }
0x2fa: {  	[tilespmem:$0x1A80] =	vst v0  }
0x2fb: {  	v0 =	vld [tilespmem:s23+$0xFFFFFF90];
	_ =	sdelay $0x4  }
0x2fc: {  	v0 =	vadd.s32 $0x2, v0  }
0x2fd: {  	[tilespmem:$0x1A90] =	vst v0  }
0x2fe: {  	v0 =	vld [tilespmem:s23+$0xFFFFFFA0];
	_ =	sdelay $0x4  }
0x2ff: {  	v0 =	vadd.s32 $0x2, v0  }
0x300: {  	[tilespmem:$0x1AA0] =	vst v0  }
0x301: {  	v0 =	vld [tilespmem:s23+$0xFFFFFFB0];
	_ =	sdelay $0x4  }
0x302: {  	v0 =	vadd.s32 $0x2, v0  }
0x303: {  	[tilespmem:$0x1AB0] =	vst v0  }
0x304: {  	v0 =	vld [tilespmem:s23+$0xFFFFFFC0];
	_ =	sdelay $0x4  }
0x305: {  	v0 =	vadd.s32 $0x2, v0  }
0x306: {  	[tilespmem:$0x1AC0] =	vst v0  }
0x307: {  	v0 =	vld [tilespmem:s23+$0xFFFFFFD0];
	_ =	sdelay $0x4  }
0x308: {  	v0 =	vadd.s32 $0x2, v0  }
0x309: {  	[tilespmem:$0x1AD0] =	vst v0  }
0x30a: {  	v0 =	vld [tilespmem:s23+$0xFFFFFFE0];
	_ =	sdelay $0x4  }
0x30b: {  	v0 =	vadd.s32 $0x2, v0  }
0x30c: {  	[tilespmem:$0x1AE0] =	vst v0  }
0x30d: {  	v0 =	vld [tilespmem:s23+$0xFFFFFFF0];
	_ =	sdelay $0x4  }
0x30e: {  	v0 =	vadd.s32 $0x2, v0  }
0x30f: {  	[tilespmem:$0x1AF0] =	vst v0  }
0x310: {  	[tilespmem:s13], [sflag:$0x2] =	stream.indirect.gather [hbm4b:s8+s9], $0x80, s12, s9, $0xb8;
	[tilespmem:$0x11C00] =	vst v63  }
0x311: {  	v0 =	vld [tilespmem:s23+$0x0];
	_ =	sdelay $0x4  }
0x312: {  	v0 =	vadd.s32 $0x2, v0  }
0x313: {  	[tilespmem:$0x1B00] =	vst v0  }
0x314: {  	v0 =	vld [tilespmem:s23+$0x10];
	_ =	sdelay $0x4  }
0x315: {  	v0 =	vadd.s32 $0x2, v0  }
0x316: {  	[tilespmem:$0x1B10] =	vst v0  }
0x317: {  	v0 =	vld [tilespmem:s23+$0x20];
	_ =	sdelay $0x4  }
0x318: {  	v0 =	vadd.s32 $0x2, v0  }
0x319: {  	[tilespmem:$0x1B20] =	vst v0  }
0x31a: {  	v0 =	vld [tilespmem:s23+$0x30];
	_ =	sdelay $0x4  }
0x31b: {  	v0 =	vadd.s32 $0x2, v0  }
0x31c: {  	[tilespmem:$0x1B30] =	vst v0  }
0x31d: {  	v0 =	vld [tilespmem:s23+$0x40];
	_ =	sdelay $0x4  }
0x31e: {  	v0 =	vadd.s32 $0x2, v0  }
0x31f: {  	[tilespmem:$0x1B40] =	vst v0  }
0x320: {  	v0 =	vld [tilespmem:s23+$0x50];
	_ =	sdelay $0x4  }
0x321: {  	v0 =	vadd.s32 $0x2, v0  }
0x322: {  	[tilespmem:$0x1B50] =	vst v0  }
0x323: {  	v0 =	vld [tilespmem:s23+$0x60];
	_ =	sdelay $0x4  }
0x324: {  	v0 =	vadd.s32 $0x2, v0  }
0x325: {  	[tilespmem:$0x1B60] =	vst v0  }
0x326: {  	v0 =	vld [tilespmem:s23+$0x70];
	_ =	sdelay $0x4  }
0x327: {  	v0 =	vadd.s32 $0x2, v0  }
0x328: {  	[tilespmem:$0x1B70] =	vst v0  }
0x329: {  	[tilespmem:s15], [sflag:$0x3] =	stream.indirect.gather [hbm4b:s8+s9], $0x80, s14, s9, $0xb8;
	[tilespmem:$0x11C00] =	vst v63  }
0x32a: {  	v0 =	vld [tilespmem:s23+$0x80];
	_ =	sdelay $0x4  }
0x32b: {  	v0 =	vadd.s32 $0x2, v0  }
0x32c: {  	[tilespmem:$0x1B80] =	vst v0  }
0x32d: {  	v0 =	vld [tilespmem:s23+$0x90];
	_ =	sdelay $0x4  }
0x32e: {  	v0 =	vadd.s32 $0x2, v0  }
0x32f: {  	[tilespmem:$0x1B90] =	vst v0  }
0x330: {  	v0 =	vld [tilespmem:s23+$0xA0];
	_ =	sdelay $0x4  }
0x331: {  	v0 =	vadd.s32 $0x2, v0  }
0x332: {  	[tilespmem:$0x1BA0] =	vst v0  }
0x333: {  	v0 =	vld [tilespmem:s23+$0xB0];
	_ =	sdelay $0x4  }
0x334: {  	v0 =	vadd.s32 $0x2, v0  }
0x335: {  	[tilespmem:$0x1BB0] =	vst v0  }
0x336: {  	v0 =	vld [tilespmem:s23+$0xC0];
	_ =	sdelay $0x4  }
0x337: {  	v0 =	vadd.s32 $0x2, v0  }
0x338: {  	[tilespmem:$0x1BC0] =	vst v0  }
0x339: {  	v0 =	vld [tilespmem:s23+$0xD0];
	_ =	sdelay $0x4  }
0x33a: {  	v0 =	vadd.s32 $0x2, v0  }
0x33b: {  	[tilespmem:$0x1BD0] =	vst v0  }
0x33c: {  	v0 =	vld [tilespmem:s23+$0xE0];
	_ =	sdelay $0x4  }
0x33d: {  	v0 =	vadd.s32 $0x2, v0  }
0x33e: {  	[tilespmem:$0x1BE0] =	vst v0  }
0x33f: {  	v0 =	vld [tilespmem:s23+$0xF0];
	_ =	sdelay $0x4  }
0x340: {  	v0 =	vadd.s32 $0x2, v0  }
0x341: {  	[tilespmem:$0x1BF0] =	vst v0  }
0x342: {  	[tilespmem:s17], [sflag:$0x4] =	stream.indirect.gather [hbm4b:s8+s9], $0x80, s16, s9, $0xb8;
	[tilespmem:$0x11C00] =	vst v63  }
0x343: {  	_ =	swait.ge [sflag:s18], $0x4000  }
0x344: {  	[sflag:s18] =	ssyncset.done $0x0  }
0x345: {  	s26 =	sadd.s32 s25, s0;
	[sflag:s18] =	ssyncadd.s32 $0xFFFFC000  }
0x346: {  	[hbm4b:s26+s1] =	stream.linear.scatter [tilespmem:s11], [sflag:$0x5], $0x4000, $0x38;
	[tilespmem:$0x11C00] =	vst v63  }
0x347: {  	_ =	swait.ge [sflag:s19], $0x4000  }
0x348: {  	[sflag:s19] =	ssyncset.done $0x0  }
0x349: {  	s26 =	sadd.s32 s25, s30;
	[sflag:s19] =	ssyncadd.s32 $0xFFFFC000  }
0x34a: {  	[hbm4b:s26+s1] =	stream.linear.scatter [tilespmem:s13], [sflag:$0x5], $0x4000, $0x38;
	[tilespmem:$0x11C00] =	vst v63  }
0x34b: {  	_ =	swait.ge [sflag:s20], $0x4000  }
0x34c: {  	[sflag:s20] =	ssyncset.done $0x0  }
0x34d: {  	s26 =	sadd.s32 s25, s29;
	[sflag:s20] =	ssyncadd.s32 $0xFFFFC000  }
0x34e: {  	[hbm4b:s26+s1] =	stream.linear.scatter [tilespmem:s15], [sflag:$0x5], $0x4000, $0x38;
	[tilespmem:$0x11C00] =	vst v63  }
0x34f: {  	_ =	swait.ge [sflag:s21], $0x4000  }
0x350: {  	[sflag:s21] =	ssyncset.done $0x0  }
0x351: {  	s25 =	sadd.s32 s25, s28;
	[sflag:s21] =	ssyncadd.s32 $0xFFFFC000  }
0x352: {  	[hbm4b:s25+s1] =	stream.linear.scatter [tilespmem:s17], [sflag:$0x5], $0x4000, $0x38;
	[tilespmem:$0x11C00] =	vst v63  }
0x353: {  	_ =	swait.ge [sflag:s22], $0x4000  }
0x354: {  	[sflag:s22] =	ssyncset.done $0x0  }
0x355: {  	[sflag:s22] =	ssyncadd.s32 $0xFFFFC000  }
0x356: {  	_ =	swait.ge [sflag:s22], $0x4000  }
0x357: {  	[sflag:s22] =	ssyncset.done $0x0  }
0x358: {  	[sflag:s22] =	ssyncadd.s32 $0xFFFFC000  }
.Ltmp3:
0x359: {  	_ =	swait.ge [sflag:s22], $0x4000;
	(pc) =	sbr.rel @p0 .LBB2_8-.Ltmp3, $4  }
0x35a: {  	[sflag:s22] =	ssyncset.done $0x0  }
0x35b: {  	[sflag:s22] =	ssyncadd.s32 $0xFFFFC000  }
0x35c: {  	_ =	swait.ge [sflag:s22], $0x4000  }
0x35d: {  	[sflag:s22] =	ssyncset.done $0x0  }
0x35e: {  	[sflag:s22] =	ssyncadd.s32 $0xFFFFC000  }
0x35f: {  	v0 =	vld [tilespmem:$0x1980]  }
0x360: {  	v1 =	vld [tilespmem:$0x1990]  }
0x361: {  	v2 =	vld [tilespmem:$0x19A0]  }
0x362: {  	v3 =	vld [tilespmem:$0x19B0]  }
0x363: {  	v4 =	vld [tilespmem:$0x19C0]  }
0x364: {  	v5 =	vld [tilespmem:$0x19D0];
	v0 =	vadd.s32 $0x2, v0  }
0x365: {  	v55 =	vld [tilespmem:$0x19E0];
	v54 =	vadd.s32 $0x2, v1;
	[tilespmem:$0x1A00] =	vst v0  }
0x366: {  	v57 =	vld [tilespmem:$0x19F0];
	v56 =	vadd.s32 $0x2, v2;
	[tilespmem:$0x1A10] =	vst v54  }
0x367: {  	v58 =	vadd.s32 $0x2, v3;
	[tilespmem:$0x1A20] =	vst v56  }
0x368: {  	v59 =	vadd.s32 $0x2, v4;
	[tilespmem:$0x1A30] =	vst v58  }
0x369: {  	v60 =	vadd.s32 $0x2, v5;
	[tilespmem:$0x1A40] =	vst v59  }
0x36a: {  	v61 =	vadd.s32 $0x2, v55;
	[tilespmem:$0x1A50] =	vst v60  }
0x36b: {  	v62 =	vadd.s32 $0x2, v57;
	[tilespmem:$0x1A60] =	vst v61  }
0x36c: {  	[tilespmem:$0x1A70] =	vst v62  }
0x36d: {  	[tilespmem:s11], [sflag:$0x1] =	stream.indirect.gather [hbm4b:s8+s9], $0x80, s10, s9, $0xb8;
	[tilespmem:$0x11C00] =	vst v63  }
0x36e: {  	_ =	swait.ge [sflag:s18], $0x4000  }
0x36f: {  	s0 =	sld [smem:$0x7F3]  }
0x370: {  	[sflag:s18] =	ssyncset.done $0x0  }
0x371: {  	s23 =	simm.s32 $0x0;
	[sflag:s18] =	ssyncadd.s32 $0xFFFFC000  }
0x372: {  	[hbm4b:s0+s23] =	stream.linear.scatter [tilespmem:s11], [sflag:$0x5], $0x4000, $0x38;
	[tilespmem:$0x11C00] =	vst v63  }
0x373: {  	_ =	swait.ge [sflag:s22], $0x4000  }
0x374: {  	[sflag:s22] =	ssyncset.done $0x0  }
0x375: {  	s23 =	simm.s32 $0x1480;
	[sflag:s22] =	ssyncadd.s32 $0xFFFFC000  }
0x376: {  	v63 =	vld [tilespmem:s23+$0xFFFFFF00];
	_ =	sdelay $0x4  }
0x377: {  	v0 =	vadd.s32 $0xE2, v63  }
0x378: {  	[tilespmem:$0x1A00] =	vst v0  }
0x379: {  	v0 =	vld [tilespmem:s23+$0xFFFFFF10];
	_ =	sdelay $0x4  }
0x37a: {  	v0 =	vadd.s32 $0xE2, v0  }
0x37b: {  	[tilespmem:$0x1A10] =	vst v0  }
0x37c: {  	v0 =	vld [tilespmem:s23+$0xFFFFFF20];
	_ =	sdelay $0x4  }
0x37d: {  	v0 =	vadd.s32 $0xE2, v0  }
0x37e: {  	[tilespmem:$0x1A20] =	vst v0  }
0x37f: {  	v0 =	vld [tilespmem:s23+$0xFFFFFF30];
	_ =	sdelay $0x4  }
0x380: {  	v0 =	vadd.s32 $0xE2, v0  }
0x381: {  	[tilespmem:$0x1A30] =	vst v0  }
0x382: {  	v0 =	vld [tilespmem:s23+$0xFFFFFF40];
	_ =	sdelay $0x4  }
0x383: {  	v0 =	vadd.s32 $0xE2, v0  }
0x384: {  	[tilespmem:$0x1A40] =	vst v0  }
0x385: {  	v0 =	vld [tilespmem:s23+$0xFFFFFF50];
	_ =	sdelay $0x4  }
0x386: {  	v0 =	vadd.s32 $0xE2, v0  }
0x387: {  	[tilespmem:$0x1A50] =	vst v0  }
0x388: {  	v0 =	vld [tilespmem:s23+$0xFFFFFF60];
	_ =	sdelay $0x4  }
0x389: {  	v0 =	vadd.s32 $0xE2, v0  }
0x38a: {  	[tilespmem:$0x1A60] =	vst v0  }
0x38b: {  	v0 =	vld [tilespmem:s23+$0xFFFFFF70];
	_ =	sdelay $0x4  }
0x38c: {  	v0 =	vadd.s32 $0xE2, v0  }
0x38d: {  	[tilespmem:$0x1A70] =	vst v0  }
0x38e: {  	[tilespmem:s11], [sflag:$0x1] =	stream.indirect.gather [hbm4b:s8+s9], $0x80, s10, s9, $0xb8;
	[tilespmem:$0x11C00] =	vst v63  }
0x38f: {  	v0 =	vld [tilespmem:s23+$0xFFFFFF80];
	_ =	sdelay $0x4  }
0x390: {  	v0 =	vadd.s32 $0xE2, v0  }
0x391: {  	[tilespmem:$0x1A80] =	vst v0  }
0x392: {  	v0 =	vld [tilespmem:s23+$0xFFFFFF90];
	_ =	sdelay $0x4  }
0x393: {  	v0 =	vadd.s32 $0xE2, v0  }
0x394: {  	[tilespmem:$0x1A90] =	vst v0  }
0x395: {  	v0 =	vld [tilespmem:s23+$0xFFFFFFA0];
	_ =	sdelay $0x4  }
0x396: {  	v0 =	vadd.s32 $0xE2, v0  }
0x397: {  	[tilespmem:$0x1AA0] =	vst v0  }
0x398: {  	v0 =	vld [tilespmem:s23+$0xFFFFFFB0];
	_ =	sdelay $0x4  }
0x399: {  	v0 =	vadd.s32 $0xE2, v0  }
0x39a: {  	[tilespmem:$0x1AB0] =	vst v0  }
0x39b: {  	v0 =	vld [tilespmem:s23+$0xFFFFFFC0];
	_ =	sdelay $0x4  }
0x39c: {  	v0 =	vadd.s32 $0xE2, v0  }
0x39d: {  	[tilespmem:$0x1AC0] =	vst v0  }
0x39e: {  	v0 =	vld [tilespmem:s23+$0xFFFFFFD0];
	_ =	sdelay $0x4  }
0x39f: {  	v0 =	vadd.s32 $0xE2, v0  }
0x3a0: {  	[tilespmem:$0x1AD0] =	vst v0  }
0x3a1: {  	v0 =	vld [tilespmem:s23+$0xFFFFFFE0];
	_ =	sdelay $0x4  }
0x3a2: {  	v0 =	vadd.s32 $0xE2, v0  }
0x3a3: {  	[tilespmem:$0x1AE0] =	vst v0  }
0x3a4: {  	v0 =	vld [tilespmem:s23+$0xFFFFFFF0];
	_ =	sdelay $0x4  }
0x3a5: {  	v0 =	vadd.s32 $0xE2, v0  }
0x3a6: {  	[tilespmem:$0x1AF0] =	vst v0  }
0x3a7: {  	[tilespmem:s13], [sflag:$0x2] =	stream.indirect.gather [hbm4b:s8+s9], $0x80, s12, s9, $0xb8;
	[tilespmem:$0x11C00] =	vst v63  }
0x3a8: {  	v0 =	vld [tilespmem:s23+$0x0];
	_ =	sdelay $0x4  }
0x3a9: {  	v0 =	vadd.s32 $0xE2, v0  }
0x3aa: {  	[tilespmem:$0x1B00] =	vst v0  }
0x3ab: {  	v0 =	vld [tilespmem:s23+$0x10];
	_ =	sdelay $0x4  }
0x3ac: {  	v0 =	vadd.s32 $0xE2, v0  }
0x3ad: {  	[tilespmem:$0x1B10] =	vst v0  }
0x3ae: {  	v0 =	vld [tilespmem:s23+$0x20];
	_ =	sdelay $0x4  }
0x3af: {  	v0 =	vadd.s32 $0xE2, v0  }
0x3b0: {  	[tilespmem:$0x1B20] =	vst v0  }
0x3b1: {  	v0 =	vld [tilespmem:s23+$0x30];
	_ =	sdelay $0x4  }
0x3b2: {  	v0 =	vadd.s32 $0xE2, v0  }
0x3b3: {  	[tilespmem:$0x1B30] =	vst v0  }
0x3b4: {  	v0 =	vld [tilespmem:s23+$0x40];
	_ =	sdelay $0x4  }
0x3b5: {  	v0 =	vadd.s32 $0xE2, v0  }
0x3b6: {  	[tilespmem:$0x1B40] =	vst v0  }
0x3b7: {  	v0 =	vld [tilespmem:s23+$0x50];
	_ =	sdelay $0x4  }
0x3b8: {  	v0 =	vadd.s32 $0xE2, v0  }
0x3b9: {  	[tilespmem:$0x1B50] =	vst v0  }
0x3ba: {  	v0 =	vld [tilespmem:s23+$0x60];
	_ =	sdelay $0x4  }
0x3bb: {  	v0 =	vadd.s32 $0xE2, v0  }
0x3bc: {  	[tilespmem:$0x1B60] =	vst v0  }
0x3bd: {  	v0 =	vld [tilespmem:s23+$0x70];
	_ =	sdelay $0x4  }
0x3be: {  	v0 =	vadd.s32 $0xE2, v0  }
0x3bf: {  	[tilespmem:$0x1B70] =	vst v0  }
0x3c0: {  	[tilespmem:s15], [sflag:$0x3] =	stream.indirect.gather [hbm4b:s8+s9], $0x80, s14, s9, $0xb8;
	[tilespmem:$0x11C00] =	vst v63  }
0x3c1: {  	v0 =	vld [tilespmem:s23+$0x80];
	_ =	sdelay $0x4  }
0x3c2: {  	v0 =	vadd.s32 $0xE2, v0  }
0x3c3: {  	[tilespmem:$0x1B80] =	vst v0  }
0x3c4: {  	v0 =	vld [tilespmem:s23+$0x90];
	_ =	sdelay $0x4  }
0x3c5: {  	v0 =	vadd.s32 $0xE2, v0  }
0x3c6: {  	[tilespmem:$0x1B90] =	vst v0  }
0x3c7: {  	v0 =	vld [tilespmem:s23+$0xA0];
	_ =	sdelay $0x4  }
0x3c8: {  	v0 =	vadd.s32 $0xE2, v0  }
0x3c9: {  	[tilespmem:$0x1BA0] =	vst v0  }
0x3ca: {  	v0 =	vld [tilespmem:s23+$0xB0];
	_ =	sdelay $0x4  }
0x3cb: {  	v0 =	vadd.s32 $0xE2, v0  }
0x3cc: {  	[tilespmem:$0x1BB0] =	vst v0  }
0x3cd: {  	v0 =	vld [tilespmem:s23+$0xC0];
	_ =	sdelay $0x4  }
0x3ce: {  	v0 =	vadd.s32 $0xE2, v0  }
0x3cf: {  	[tilespmem:$0x1BC0] =	vst v0  }
0x3d0: {  	v0 =	vld [tilespmem:s23+$0xD0];
	_ =	sdelay $0x4  }
0x3d1: {  	v0 =	vadd.s32 $0xE2, v0  }
0x3d2: {  	[tilespmem:$0x1BD0] =	vst v0  }
0x3d3: {  	v0 =	vld [tilespmem:s23+$0xE0];
	_ =	sdelay $0x4  }
0x3d4: {  	v0 =	vadd.s32 $0xE2, v0  }
0x3d5: {  	[tilespmem:$0x1BE0] =	vst v0  }
0x3d6: {  	v0 =	vld [tilespmem:s23+$0xF0];
	_ =	sdelay $0x4  }
0x3d7: {  	v0 =	vadd.s32 $0xE2, v0  }
0x3d8: {  	[tilespmem:$0x1BF0] =	vst v0  }
0x3d9: {  	[tilespmem:s17], [sflag:$0x4] =	stream.indirect.gather [hbm4b:s8+s9], $0x80, s16, s9, $0xb8;
	[tilespmem:$0x11C00] =	vst v63  }
0x3da: {  	_ =	swait.ge [sflag:s18], $0x4000  }
0x3db: {  	[sflag:s18] =	ssyncset.done $0x0;
	s29 =	rddreg [dreg:$0xf]  }
0x3dc: {  	[sflag:s18] =	ssyncadd.s32 $0xFFFFC000;
	s24 =	sadd.s32 $0x0, s29  }
0x3dd: {  	[hbm4b:s24+s1] =	stream.linear.scatter [tilespmem:s11], [sflag:$0x5], $0x4000, $0x38;
	[tilespmem:$0x11C00] =	vst v63  }
0x3de: {  	_ =	swait.ge [sflag:s19], $0x4000  }
0x3df: {  	[sflag:s19] =	ssyncset.done $0x0;
	s30 =	rddreg [dreg:$0x11]  }
0x3e0: {  	[sflag:s19] =	ssyncadd.s32 $0xFFFFC000;
	s25 =	sadd.s32 $0x0, s30  }
0x3e1: {  	[hbm4b:s25+s1] =	stream.linear.scatter [tilespmem:s13], [sflag:$0x5], $0x4000, $0x38;
	[tilespmem:$0x11C00] =	vst v63  }
0x3e2: {  	_ =	swait.ge [sflag:s20], $0x4000  }
0x3e3: {  	[sflag:s20] =	ssyncset.done $0x0;
	s28 =	rddreg [dreg:$0x12]  }
0x3e4: {  	[sflag:s20] =	ssyncadd.s32 $0xFFFFC000;
	s26 =	sadd.s32 $0x0, s28  }
0x3e5: {  	[hbm4b:s26+s1] =	stream.linear.scatter [tilespmem:s15], [sflag:$0x5], $0x4000, $0x38;
	[tilespmem:$0x11C00] =	vst v63  }
0x3e6: {  	_ =	swait.ge [sflag:s21], $0x4000  }
0x3e7: {  	[sflag:s21] =	ssyncset.done $0x0;
	s0 =	rddreg [dreg:$0x10]  }
0x3e8: {  	[sflag:s21] =	ssyncadd.s32 $0xFFFFC000;
	s31 =	sadd.s32 $0x0, s0  }
0x3e9: {  	[hbm4b:s31+s1] =	stream.linear.scatter [tilespmem:s17], [sflag:$0x5], $0x4000, $0x38;
	[tilespmem:$0x11C00] =	vst v63  }
0x3ea: {  	_ =	swait.ge [sflag:s22], $0x4000  }
0x3eb: {  	[sflag:s22] =	ssyncset.done $0x0  }
0x3ec: {  	[sflag:s22] =	ssyncadd.s32 $0xFFFFC000  }
0x3ed: {  	_ =	swait.ge [sflag:s22], $0x4000  }
0x3ee: {  	[sflag:s22] =	ssyncset.done $0x0  }
0x3ef: {  	[sflag:s22] =	ssyncadd.s32 $0xFFFFC000  }
0x3f0: {  	_ =	swait.ge [sflag:s22], $0x4000  }
0x3f1: {  	[sflag:s22] =	ssyncset.done $0x0  }
0x3f2: {  	[sflag:s22] =	ssyncadd.s32 $0xFFFFC000  }
0x3f3: {  	_ =	swait.ge [sflag:s22], $0x4000  }
0x3f4: {  	s24 =	simm.s32 $0x2000;
	[sflag:s22] =	ssyncset.done $0x0  }
.LBB2_10:
0x3f5: {  	p0 =	sne.s32 s24, $0x4000;
	[sflag:s22] =	ssyncadd.s32 $0xFFFFC000;
	s23 =	sadd.s32 $0x200, s23  }
0x3f6: {  	s25 =	smov.u32 s24;
	s24 =	sadd.s32 $0x2000, s24;
	v0 =	vld [tilespmem:s23+$0xFFFFFF00];
	_ =	sdelay $0x4  }
0x3f7: {  	v0 =	vadd.s32 $0xE2, v0  }
0x3f8: {  	[tilespmem:$0x1A00] =	vst v0  }
0x3f9: {  	v0 =	vld [tilespmem:s23+$0xFFFFFF10];
	_ =	sdelay $0x4  }
0x3fa: {  	v0 =	vadd.s32 $0xE2, v0  }
0x3fb: {  	[tilespmem:$0x1A10] =	vst v0  }
0x3fc: {  	v0 =	vld [tilespmem:s23+$0xFFFFFF20];
	_ =	sdelay $0x4  }
0x3fd: {  	v0 =	vadd.s32 $0xE2, v0  }
0x3fe: {  	[tilespmem:$0x1A20] =	vst v0  }
0x3ff: {  	v0 =	vld [tilespmem:s23+$0xFFFFFF30];
	_ =	sdelay $0x4  }
0x400: {  	v0 =	vadd.s32 $0xE2, v0  }
0x401: {  	[tilespmem:$0x1A30] =	vst v0  }
0x402: {  	v0 =	vld [tilespmem:s23+$0xFFFFFF40];
	_ =	sdelay $0x4  }
0x403: {  	v0 =	vadd.s32 $0xE2, v0  }
0x404: {  	[tilespmem:$0x1A40] =	vst v0  }
0x405: {  	v0 =	vld [tilespmem:s23+$0xFFFFFF50];
	_ =	sdelay $0x4  }
0x406: {  	v0 =	vadd.s32 $0xE2, v0  }
0x407: {  	[tilespmem:$0x1A50] =	vst v0  }
0x408: {  	v0 =	vld [tilespmem:s23+$0xFFFFFF60];
	_ =	sdelay $0x4  }
0x409: {  	v0 =	vadd.s32 $0xE2, v0  }
0x40a: {  	[tilespmem:$0x1A60] =	vst v0  }
0x40b: {  	v0 =	vld [tilespmem:s23+$0xFFFFFF70];
	_ =	sdelay $0x4  }
0x40c: {  	v0 =	vadd.s32 $0xE2, v0  }
0x40d: {  	[tilespmem:$0x1A70] =	vst v0  }
0x40e: {  	[tilespmem:s11], [sflag:$0x1] =	stream.indirect.gather [hbm4b:s8+s9], $0x80, s10, s9, $0xb8;
	[tilespmem:$0x11C00] =	vst v63  }
0x40f: {  	v0 =	vld [tilespmem:s23+$0xFFFFFF80];
	_ =	sdelay $0x4  }
0x410: {  	v0 =	vadd.s32 $0xE2, v0  }
0x411: {  	[tilespmem:$0x1A80] =	vst v0  }
0x412: {  	v0 =	vld [tilespmem:s23+$0xFFFFFF90];
	_ =	sdelay $0x4  }
0x413: {  	v0 =	vadd.s32 $0xE2, v0  }
0x414: {  	[tilespmem:$0x1A90] =	vst v0  }
0x415: {  	v0 =	vld [tilespmem:s23+$0xFFFFFFA0];
	_ =	sdelay $0x4  }
0x416: {  	v0 =	vadd.s32 $0xE2, v0  }
0x417: {  	[tilespmem:$0x1AA0] =	vst v0  }
0x418: {  	v0 =	vld [tilespmem:s23+$0xFFFFFFB0];
	_ =	sdelay $0x4  }
0x419: {  	v0 =	vadd.s32 $0xE2, v0  }
0x41a: {  	[tilespmem:$0x1AB0] =	vst v0  }
0x41b: {  	v0 =	vld [tilespmem:s23+$0xFFFFFFC0];
	_ =	sdelay $0x4  }
0x41c: {  	v0 =	vadd.s32 $0xE2, v0  }
0x41d: {  	[tilespmem:$0x1AC0] =	vst v0  }
0x41e: {  	v0 =	vld [tilespmem:s23+$0xFFFFFFD0];
	_ =	sdelay $0x4  }
0x41f: {  	v0 =	vadd.s32 $0xE2, v0  }
0x420: {  	[tilespmem:$0x1AD0] =	vst v0  }
0x421: {  	v0 =	vld [tilespmem:s23+$0xFFFFFFE0];
	_ =	sdelay $0x4  }
0x422: {  	v0 =	vadd.s32 $0xE2, v0  }
0x423: {  	[tilespmem:$0x1AE0] =	vst v0  }
0x424: {  	v0 =	vld [tilespmem:s23+$0xFFFFFFF0];
	_ =	sdelay $0x4  }
0x425: {  	v0 =	vadd.s32 $0xE2, v0  }
0x426: {  	[tilespmem:$0x1AF0] =	vst v0  }
0x427: {  	[tilespmem:s13], [sflag:$0x2] =	stream.indirect.gather [hbm4b:s8+s9], $0x80, s12, s9, $0xb8;
	[tilespmem:$0x11C00] =	vst v63  }
0x428: {  	v0 =	vld [tilespmem:s23+$0x0];
	_ =	sdelay $0x4  }
0x429: {  	v0 =	vadd.s32 $0xE2, v0  }
0x42a: {  	[tilespmem:$0x1B00] =	vst v0  }
0x42b: {  	v0 =	vld [tilespmem:s23+$0x10];
	_ =	sdelay $0x4  }
0x42c: {  	v0 =	vadd.s32 $0xE2, v0  }
0x42d: {  	[tilespmem:$0x1B10] =	vst v0  }
0x42e: {  	v0 =	vld [tilespmem:s23+$0x20];
	_ =	sdelay $0x4  }
0x42f: {  	v0 =	vadd.s32 $0xE2, v0  }
0x430: {  	[tilespmem:$0x1B20] =	vst v0  }
0x431: {  	v0 =	vld [tilespmem:s23+$0x30];
	_ =	sdelay $0x4  }
0x432: {  	v0 =	vadd.s32 $0xE2, v0  }
0x433: {  	[tilespmem:$0x1B30] =	vst v0  }
0x434: {  	v0 =	vld [tilespmem:s23+$0x40];
	_ =	sdelay $0x4  }
0x435: {  	v0 =	vadd.s32 $0xE2, v0  }
0x436: {  	[tilespmem:$0x1B40] =	vst v0  }
0x437: {  	v0 =	vld [tilespmem:s23+$0x50];
	_ =	sdelay $0x4  }
0x438: {  	v0 =	vadd.s32 $0xE2, v0  }
0x439: {  	[tilespmem:$0x1B50] =	vst v0  }
0x43a: {  	v0 =	vld [tilespmem:s23+$0x60];
	_ =	sdelay $0x4  }
0x43b: {  	v0 =	vadd.s32 $0xE2, v0  }
0x43c: {  	[tilespmem:$0x1B60] =	vst v0  }
0x43d: {  	v0 =	vld [tilespmem:s23+$0x70];
	_ =	sdelay $0x4  }
0x43e: {  	v0 =	vadd.s32 $0xE2, v0  }
0x43f: {  	[tilespmem:$0x1B70] =	vst v0  }
0x440: {  	[tilespmem:s15], [sflag:$0x3] =	stream.indirect.gather [hbm4b:s8+s9], $0x80, s14, s9, $0xb8;
	[tilespmem:$0x11C00] =	vst v63  }
0x441: {  	v0 =	vld [tilespmem:s23+$0x80];
	_ =	sdelay $0x4  }
0x442: {  	v0 =	vadd.s32 $0xE2, v0  }
0x443: {  	[tilespmem:$0x1B80] =	vst v0  }
0x444: {  	v0 =	vld [tilespmem:s23+$0x90];
	_ =	sdelay $0x4  }
0x445: {  	v0 =	vadd.s32 $0xE2, v0  }
0x446: {  	[tilespmem:$0x1B90] =	vst v0  }
0x447: {  	v0 =	vld [tilespmem:s23+$0xA0];
	_ =	sdelay $0x4  }
0x448: {  	v0 =	vadd.s32 $0xE2, v0  }
0x449: {  	[tilespmem:$0x1BA0] =	vst v0  }
0x44a: {  	v0 =	vld [tilespmem:s23+$0xB0];
	_ =	sdelay $0x4  }
0x44b: {  	v0 =	vadd.s32 $0xE2, v0  }
0x44c: {  	[tilespmem:$0x1BB0] =	vst v0  }
0x44d: {  	v0 =	vld [tilespmem:s23+$0xC0];
	_ =	sdelay $0x4  }
0x44e: {  	v0 =	vadd.s32 $0xE2, v0  }
0x44f: {  	[tilespmem:$0x1BC0] =	vst v0  }
0x450: {  	v0 =	vld [tilespmem:s23+$0xD0];
	_ =	sdelay $0x4  }
0x451: {  	v0 =	vadd.s32 $0xE2, v0  }
0x452: {  	[tilespmem:$0x1BD0] =	vst v0  }
0x453: {  	v0 =	vld [tilespmem:s23+$0xE0];
	_ =	sdelay $0x4  }
0x454: {  	v0 =	vadd.s32 $0xE2, v0  }
0x455: {  	[tilespmem:$0x1BE0] =	vst v0  }
0x456: {  	v0 =	vld [tilespmem:s23+$0xF0];
	_ =	sdelay $0x4  }
0x457: {  	v0 =	vadd.s32 $0xE2, v0  }
0x458: {  	[tilespmem:$0x1BF0] =	vst v0  }
0x459: {  	[tilespmem:s17], [sflag:$0x4] =	stream.indirect.gather [hbm4b:s8+s9], $0x80, s16, s9, $0xb8;
	[tilespmem:$0x11C00] =	vst v63  }
0x45a: {  	_ =	swait.ge [sflag:s18], $0x4000  }
0x45b: {  	[sflag:s18] =	ssyncset.done $0x0  }
0x45c: {  	s26 =	sadd.s32 s25, s29;
	[sflag:s18] =	ssyncadd.s32 $0xFFFFC000  }
0x45d: {  	[hbm4b:s26+s1] =	stream.linear.scatter [tilespmem:s11], [sflag:$0x5], $0x4000, $0x38;
	[tilespmem:$0x11C00] =	vst v63  }
0x45e: {  	_ =	swait.ge [sflag:s19], $0x4000  }
0x45f: {  	[sflag:s19] =	ssyncset.done $0x0  }
0x460: {  	s26 =	sadd.s32 s25, s30;
	[sflag:s19] =	ssyncadd.s32 $0xFFFFC000  }
0x461: {  	[hbm4b:s26+s1] =	stream.linear.scatter [tilespmem:s13], [sflag:$0x5], $0x4000, $0x38;
	[tilespmem:$0x11C00] =	vst v63  }
0x462: {  	_ =	swait.ge [sflag:s20], $0x4000  }
0x463: {  	[sflag:s20] =	ssyncset.done $0x0  }
0x464: {  	s26 =	sadd.s32 s25, s28;
	[sflag:s20] =	ssyncadd.s32 $0xFFFFC000  }
0x465: {  	[hbm4b:s26+s1] =	stream.linear.scatter [tilespmem:s15], [sflag:$0x5], $0x4000, $0x38;
	[tilespmem:$0x11C00] =	vst v63  }
0x466: {  	_ =	swait.ge [sflag:s21], $0x4000  }
0x467: {  	[sflag:s21] =	ssyncset.done $0x0  }
0x468: {  	s25 =	sadd.s32 s25, s0;
	[sflag:s21] =	ssyncadd.s32 $0xFFFFC000  }
0x469: {  	[hbm4b:s25+s1] =	stream.linear.scatter [tilespmem:s17], [sflag:$0x5], $0x4000, $0x38;
	[tilespmem:$0x11C00] =	vst v63  }
0x46a: {  	_ =	swait.ge [sflag:s22], $0x4000  }
0x46b: {  	[sflag:s22] =	ssyncset.done $0x0  }
0x46c: {  	[sflag:s22] =	ssyncadd.s32 $0xFFFFC000  }
0x46d: {  	_ =	swait.ge [sflag:s22], $0x4000  }
0x46e: {  	[sflag:s22] =	ssyncset.done $0x0  }
0x46f: {  	[sflag:s22] =	ssyncadd.s32 $0xFFFFC000  }
.Ltmp4:
0x470: {  	_ =	swait.ge [sflag:s22], $0x4000;
	(pc) =	sbr.rel @p0 .LBB2_10-.Ltmp4, $4  }
0x471: {  	[sflag:s22] =	ssyncset.done $0x0  }
0x472: {  	[sflag:s22] =	ssyncadd.s32 $0xFFFFC000  }
0x473: {  	_ =	swait.ge [sflag:s22], $0x4000  }
0x474: {  	[sflag:s22] =	ssyncset.done $0x0  }
0x475: {  	[sflag:s22] =	ssyncadd.s32 $0xFFFFC000  }
0x476: {  	v0 =	vld [tilespmem:$0x1980]  }
0x477: {  	v1 =	vld [tilespmem:$0x1990]  }
0x478: {  	v2 =	vld [tilespmem:$0x19A0]  }
0x479: {  	v3 =	vld [tilespmem:$0x19B0]  }
0x47a: {  	v4 =	vld [tilespmem:$0x19C0]  }
0x47b: {  	v5 =	vld [tilespmem:$0x19D0];
	v0 =	vadd.s32 $0xE2, v0  }
0x47c: {  	v55 =	vld [tilespmem:$0x19E0];
	v54 =	vadd.s32 $0xE2, v1;
	[tilespmem:$0x1A00] =	vst v0  }
0x47d: {  	v57 =	vld [tilespmem:$0x19F0];
	v56 =	vadd.s32 $0xE2, v2;
	[tilespmem:$0x1A10] =	vst v54  }
0x47e: {  	v58 =	vadd.s32 $0xE2, v3;
	[tilespmem:$0x1A20] =	vst v56  }
0x47f: {  	v59 =	vadd.s32 $0xE2, v4;
	[tilespmem:$0x1A30] =	vst v58  }
0x480: {  	v60 =	vadd.s32 $0xE2, v5;
	[tilespmem:$0x1A40] =	vst v59  }
0x481: {  	v61 =	vadd.s32 $0xE2, v55;
	[tilespmem:$0x1A50] =	vst v60  }
0x482: {  	v62 =	vadd.s32 $0xE2, v57;
	[tilespmem:$0x1A60] =	vst v61  }
0x483: {  	[tilespmem:$0x1A70] =	vst v62  }
0x484: {  	[tilespmem:s11], [sflag:$0x1] =	stream.indirect.gather [hbm4b:s8+s9], $0x80, s10, s9, $0xb8;
	[tilespmem:$0x11C00] =	vst v63  }
0x485: {  	_ =	swait.ge [sflag:s18], $0x4000  }
0x486: {  	s0 =	sld [smem:$0x7F4]  }
0x487: {  	[sflag:s18] =	ssyncset.done $0x0  }
0x488: {  	s23 =	simm.s32 $0x0;
	[sflag:s18] =	ssyncadd.s32 $0xFFFFC000  }
0x489: {  	[hbm4b:s0+s23] =	stream.linear.scatter [tilespmem:s11], [sflag:$0x5], $0x4000, $0x38;
	[tilespmem:$0x11C00] =	vst v63  }
0x48a: {  	_ =	swait.ge [sflag:s22], $0x4000  }
0x48b: {  	[sflag:s22] =	ssyncset.done $0x0  }
0x48c: {  	s23 =	simm.s32 $0x1480;
	[sflag:s22] =	ssyncadd.s32 $0xFFFFC000  }
0x48d: {  	v63 =	vld [tilespmem:s23+$0xFFFFFF00];
	_ =	sdelay $0x4  }
0x48e: {  	v0 =	vadd.s32 $0xE3, v63  }
0x48f: {  	[tilespmem:$0x1A00] =	vst v0  }
0x490: {  	v0 =	vld [tilespmem:s23+$0xFFFFFF10];
	_ =	sdelay $0x4  }
0x491: {  	v0 =	vadd.s32 $0xE3, v0  }
0x492: {  	[tilespmem:$0x1A10] =	vst v0  }
0x493: {  	v0 =	vld [tilespmem:s23+$0xFFFFFF20];
	_ =	sdelay $0x4  }
0x494: {  	v0 =	vadd.s32 $0xE3, v0  }
0x495: {  	[tilespmem:$0x1A20] =	vst v0  }
0x496: {  	v0 =	vld [tilespmem:s23+$0xFFFFFF30];
	_ =	sdelay $0x4  }
0x497: {  	v0 =	vadd.s32 $0xE3, v0  }
0x498: {  	[tilespmem:$0x1A30] =	vst v0  }
0x499: {  	v0 =	vld [tilespmem:s23+$0xFFFFFF40];
	_ =	sdelay $0x4  }
0x49a: {  	v0 =	vadd.s32 $0xE3, v0  }
0x49b: {  	[tilespmem:$0x1A40] =	vst v0  }
0x49c: {  	v0 =	vld [tilespmem:s23+$0xFFFFFF50];
	_ =	sdelay $0x4  }
0x49d: {  	v0 =	vadd.s32 $0xE3, v0  }
0x49e: {  	[tilespmem:$0x1A50] =	vst v0  }
0x49f: {  	v0 =	vld [tilespmem:s23+$0xFFFFFF60];
	_ =	sdelay $0x4  }
0x4a0: {  	v0 =	vadd.s32 $0xE3, v0  }
0x4a1: {  	[tilespmem:$0x1A60] =	vst v0  }
0x4a2: {  	v0 =	vld [tilespmem:s23+$0xFFFFFF70];
	_ =	sdelay $0x4  }
0x4a3: {  	v0 =	vadd.s32 $0xE3, v0  }
0x4a4: {  	[tilespmem:$0x1A70] =	vst v0  }
0x4a5: {  	[tilespmem:s11], [sflag:$0x1] =	stream.indirect.gather [hbm4b:s8+s9], $0x80, s10, s9, $0xb8;
	[tilespmem:$0x11C00] =	vst v63  }
0x4a6: {  	v0 =	vld [tilespmem:s23+$0xFFFFFF80];
	_ =	sdelay $0x4  }
0x4a7: {  	v0 =	vadd.s32 $0xE3, v0  }
0x4a8: {  	[tilespmem:$0x1A80] =	vst v0  }
0x4a9: {  	v0 =	vld [tilespmem:s23+$0xFFFFFF90];
	_ =	sdelay $0x4  }
0x4aa: {  	v0 =	vadd.s32 $0xE3, v0  }
0x4ab: {  	[tilespmem:$0x1A90] =	vst v0  }
0x4ac: {  	v0 =	vld [tilespmem:s23+$0xFFFFFFA0];
	_ =	sdelay $0x4  }
0x4ad: {  	v0 =	vadd.s32 $0xE3, v0  }
0x4ae: {  	[tilespmem:$0x1AA0] =	vst v0  }
0x4af: {  	v0 =	vld [tilespmem:s23+$0xFFFFFFB0];
	_ =	sdelay $0x4  }
0x4b0: {  	v0 =	vadd.s32 $0xE3, v0  }
0x4b1: {  	[tilespmem:$0x1AB0] =	vst v0  }
0x4b2: {  	v0 =	vld [tilespmem:s23+$0xFFFFFFC0];
	_ =	sdelay $0x4  }
0x4b3: {  	v0 =	vadd.s32 $0xE3, v0  }
0x4b4: {  	[tilespmem:$0x1AC0] =	vst v0  }
0x4b5: {  	v0 =	vld [tilespmem:s23+$0xFFFFFFD0];
	_ =	sdelay $0x4  }
0x4b6: {  	v0 =	vadd.s32 $0xE3, v0  }
0x4b7: {  	[tilespmem:$0x1AD0] =	vst v0  }
0x4b8: {  	v0 =	vld [tilespmem:s23+$0xFFFFFFE0];
	_ =	sdelay $0x4  }
0x4b9: {  	v0 =	vadd.s32 $0xE3, v0  }
0x4ba: {  	[tilespmem:$0x1AE0] =	vst v0  }
0x4bb: {  	v0 =	vld [tilespmem:s23+$0xFFFFFFF0];
	_ =	sdelay $0x4  }
0x4bc: {  	v0 =	vadd.s32 $0xE3, v0  }
0x4bd: {  	[tilespmem:$0x1AF0] =	vst v0  }
0x4be: {  	[tilespmem:s13], [sflag:$0x2] =	stream.indirect.gather [hbm4b:s8+s9], $0x80, s12, s9, $0xb8;
	[tilespmem:$0x11C00] =	vst v63  }
0x4bf: {  	v0 =	vld [tilespmem:s23+$0x0];
	_ =	sdelay $0x4  }
0x4c0: {  	v0 =	vadd.s32 $0xE3, v0  }
0x4c1: {  	[tilespmem:$0x1B00] =	vst v0  }
0x4c2: {  	v0 =	vld [tilespmem:s23+$0x10];
	_ =	sdelay $0x4  }
0x4c3: {  	v0 =	vadd.s32 $0xE3, v0  }
0x4c4: {  	[tilespmem:$0x1B10] =	vst v0  }
0x4c5: {  	v0 =	vld [tilespmem:s23+$0x20];
	_ =	sdelay $0x4  }
0x4c6: {  	v0 =	vadd.s32 $0xE3, v0  }
0x4c7: {  	[tilespmem:$0x1B20] =	vst v0  }
0x4c8: {  	v0 =	vld [tilespmem:s23+$0x30];
	_ =	sdelay $0x4  }
0x4c9: {  	v0 =	vadd.s32 $0xE3, v0  }
0x4ca: {  	[tilespmem:$0x1B30] =	vst v0  }
0x4cb: {  	v0 =	vld [tilespmem:s23+$0x40];
	_ =	sdelay $0x4  }
0x4cc: {  	v0 =	vadd.s32 $0xE3, v0  }
0x4cd: {  	[tilespmem:$0x1B40] =	vst v0  }
0x4ce: {  	v0 =	vld [tilespmem:s23+$0x50];
	_ =	sdelay $0x4  }
0x4cf: {  	v0 =	vadd.s32 $0xE3, v0  }
0x4d0: {  	[tilespmem:$0x1B50] =	vst v0  }
0x4d1: {  	v0 =	vld [tilespmem:s23+$0x60];
	_ =	sdelay $0x4  }
0x4d2: {  	v0 =	vadd.s32 $0xE3, v0  }
0x4d3: {  	[tilespmem:$0x1B60] =	vst v0  }
0x4d4: {  	v0 =	vld [tilespmem:s23+$0x70];
	_ =	sdelay $0x4  }
0x4d5: {  	v0 =	vadd.s32 $0xE3, v0  }
0x4d6: {  	[tilespmem:$0x1B70] =	vst v0  }
0x4d7: {  	[tilespmem:s15], [sflag:$0x3] =	stream.indirect.gather [hbm4b:s8+s9], $0x80, s14, s9, $0xb8;
	[tilespmem:$0x11C00] =	vst v63  }
0x4d8: {  	v0 =	vld [tilespmem:s23+$0x80];
	_ =	sdelay $0x4  }
0x4d9: {  	v0 =	vadd.s32 $0xE3, v0  }
0x4da: {  	[tilespmem:$0x1B80] =	vst v0  }
0x4db: {  	v0 =	vld [tilespmem:s23+$0x90];
	_ =	sdelay $0x4  }
0x4dc: {  	v0 =	vadd.s32 $0xE3, v0  }
0x4dd: {  	[tilespmem:$0x1B90] =	vst v0  }
0x4de: {  	v0 =	vld [tilespmem:s23+$0xA0];
	_ =	sdelay $0x4  }
0x4df: {  	v0 =	vadd.s32 $0xE3, v0  }
0x4e0: {  	[tilespmem:$0x1BA0] =	vst v0  }
0x4e1: {  	v0 =	vld [tilespmem:s23+$0xB0];
	_ =	sdelay $0x4  }
0x4e2: {  	v0 =	vadd.s32 $0xE3, v0  }
0x4e3: {  	[tilespmem:$0x1BB0] =	vst v0  }
0x4e4: {  	v0 =	vld [tilespmem:s23+$0xC0];
	_ =	sdelay $0x4  }
0x4e5: {  	v0 =	vadd.s32 $0xE3, v0  }
0x4e6: {  	[tilespmem:$0x1BC0] =	vst v0  }
0x4e7: {  	v0 =	vld [tilespmem:s23+$0xD0];
	_ =	sdelay $0x4  }
0x4e8: {  	v0 =	vadd.s32 $0xE3, v0  }
0x4e9: {  	[tilespmem:$0x1BD0] =	vst v0  }
0x4ea: {  	v0 =	vld [tilespmem:s23+$0xE0];
	_ =	sdelay $0x4  }
0x4eb: {  	v0 =	vadd.s32 $0xE3, v0  }
0x4ec: {  	[tilespmem:$0x1BE0] =	vst v0  }
0x4ed: {  	v0 =	vld [tilespmem:s23+$0xF0];
	_ =	sdelay $0x4  }
0x4ee: {  	v0 =	vadd.s32 $0xE3, v0  }
0x4ef: {  	[tilespmem:$0x1BF0] =	vst v0  }
0x4f0: {  	[tilespmem:s17], [sflag:$0x4] =	stream.indirect.gather [hbm4b:s8+s9], $0x80, s16, s9, $0xb8;
	[tilespmem:$0x11C00] =	vst v63  }
0x4f1: {  	_ =	swait.ge [sflag:s18], $0x4000  }
0x4f2: {  	[sflag:s18] =	ssyncset.done $0x0;
	s28 =	rddreg [dreg:$0x13]  }
0x4f3: {  	[sflag:s18] =	ssyncadd.s32 $0xFFFFC000;
	s24 =	sadd.s32 $0x0, s28  }
0x4f4: {  	[hbm4b:s24+s1] =	stream.linear.scatter [tilespmem:s11], [sflag:$0x5], $0x4000, $0x38;
	[tilespmem:$0x11C00] =	vst v63  }
0x4f5: {  	_ =	swait.ge [sflag:s19], $0x4000  }
0x4f6: {  	[sflag:s19] =	ssyncset.done $0x0;
	s30 =	rddreg [dreg:$0x15]  }
0x4f7: {  	[sflag:s19] =	ssyncadd.s32 $0xFFFFC000;
	s26 =	sadd.s32 $0x0, s30  }
0x4f8: {  	[hbm4b:s26+s1] =	stream.linear.scatter [tilespmem:s13], [sflag:$0x5], $0x4000, $0x38;
	[tilespmem:$0x11C00] =	vst v63  }
0x4f9: {  	_ =	swait.ge [sflag:s20], $0x4000  }
0x4fa: {  	[sflag:s20] =	ssyncset.done $0x0;
	s2 =	rddreg [dreg:$0x16]  }
0x4fb: {  	[sflag:s20] =	ssyncadd.s32 $0xFFFFC000;
	s29 =	sadd.s32 $0x0, s2  }
0x4fc: {  	[hbm4b:s29+s1] =	stream.linear.scatter [tilespmem:s15], [sflag:$0x5], $0x4000, $0x38;
	[tilespmem:$0x11C00] =	vst v63  }
0x4fd: {  	_ =	swait.ge [sflag:s21], $0x4000  }
0x4fe: {  	[sflag:s21] =	ssyncset.done $0x0;
	s0 =	rddreg [dreg:$0x14]  }
0x4ff: {  	[sflag:s21] =	ssyncadd.s32 $0xFFFFC000;
	s31 =	sadd.s32 $0x0, s0  }
0x500: {  	[hbm4b:s31+s1] =	stream.linear.scatter [tilespmem:s17], [sflag:$0x5], $0x4000, $0x38;
	[tilespmem:$0x11C00] =	vst v63  }
0x501: {  	_ =	swait.ge [sflag:s22], $0x4000  }
0x502: {  	[sflag:s22] =	ssyncset.done $0x0  }
0x503: {  	[sflag:s22] =	ssyncadd.s32 $0xFFFFC000  }
0x504: {  	_ =	swait.ge [sflag:s22], $0x4000  }
0x505: {  	[sflag:s22] =	ssyncset.done $0x0  }
0x506: {  	[sflag:s22] =	ssyncadd.s32 $0xFFFFC000  }
0x507: {  	_ =	swait.ge [sflag:s22], $0x4000  }
0x508: {  	[sflag:s22] =	ssyncset.done $0x0  }
0x509: {  	[sflag:s22] =	ssyncadd.s32 $0xFFFFC000  }
0x50a: {  	_ =	swait.ge [sflag:s22], $0x4000  }
0x50b: {  	s24 =	simm.s32 $0x2000;
	[sflag:s22] =	ssyncset.done $0x0  }
.LBB2_12:
0x50c: {  	p0 =	sne.s32 s24, $0x4000;
	[sflag:s22] =	ssyncadd.s32 $0xFFFFC000;
	s23 =	sadd.s32 $0x200, s23  }
0x50d: {  	s25 =	smov.u32 s24;
	s24 =	sadd.s32 $0x2000, s24;
	v0 =	vld [tilespmem:s23+$0xFFFFFF00];
	_ =	sdelay $0x4  }
0x50e: {  	v0 =	vadd.s32 $0xE3, v0  }
0x50f: {  	[tilespmem:$0x1A00] =	vst v0  }
0x510: {  	v0 =	vld [tilespmem:s23+$0xFFFFFF10];
	_ =	sdelay $0x4  }
0x511: {  	v0 =	vadd.s32 $0xE3, v0  }
0x512: {  	[tilespmem:$0x1A10] =	vst v0  }
0x513: {  	v0 =	vld [tilespmem:s23+$0xFFFFFF20];
	_ =	sdelay $0x4  }
0x514: {  	v0 =	vadd.s32 $0xE3, v0  }
0x515: {  	[tilespmem:$0x1A20] =	vst v0  }
0x516: {  	v0 =	vld [tilespmem:s23+$0xFFFFFF30];
	_ =	sdelay $0x4  }
0x517: {  	v0 =	vadd.s32 $0xE3, v0  }
0x518: {  	[tilespmem:$0x1A30] =	vst v0  }
0x519: {  	v0 =	vld [tilespmem:s23+$0xFFFFFF40];
	_ =	sdelay $0x4  }
0x51a: {  	v0 =	vadd.s32 $0xE3, v0  }
0x51b: {  	[tilespmem:$0x1A40] =	vst v0  }
0x51c: {  	v0 =	vld [tilespmem:s23+$0xFFFFFF50];
	_ =	sdelay $0x4  }
0x51d: {  	v0 =	vadd.s32 $0xE3, v0  }
0x51e: {  	[tilespmem:$0x1A50] =	vst v0  }
0x51f: {  	v0 =	vld [tilespmem:s23+$0xFFFFFF60];
	_ =	sdelay $0x4  }
0x520: {  	v0 =	vadd.s32 $0xE3, v0  }
0x521: {  	[tilespmem:$0x1A60] =	vst v0  }
0x522: {  	v0 =	vld [tilespmem:s23+$0xFFFFFF70];
	_ =	sdelay $0x4  }
0x523: {  	v0 =	vadd.s32 $0xE3, v0  }
0x524: {  	[tilespmem:$0x1A70] =	vst v0  }
0x525: {  	[tilespmem:s11], [sflag:$0x1] =	stream.indirect.gather [hbm4b:s8+s9], $0x80, s10, s9, $0xb8;
	[tilespmem:$0x11C00] =	vst v63  }
0x526: {  	v0 =	vld [tilespmem:s23+$0xFFFFFF80];
	_ =	sdelay $0x4  }
0x527: {  	v0 =	vadd.s32 $0xE3, v0  }
0x528: {  	[tilespmem:$0x1A80] =	vst v0  }
0x529: {  	v0 =	vld [tilespmem:s23+$0xFFFFFF90];
	_ =	sdelay $0x4  }
0x52a: {  	v0 =	vadd.s32 $0xE3, v0  }
0x52b: {  	[tilespmem:$0x1A90] =	vst v0  }
0x52c: {  	v0 =	vld [tilespmem:s23+$0xFFFFFFA0];
	_ =	sdelay $0x4  }
0x52d: {  	v0 =	vadd.s32 $0xE3, v0  }
0x52e: {  	[tilespmem:$0x1AA0] =	vst v0  }
0x52f: {  	v0 =	vld [tilespmem:s23+$0xFFFFFFB0];
	_ =	sdelay $0x4  }
0x530: {  	v0 =	vadd.s32 $0xE3, v0  }
0x531: {  	[tilespmem:$0x1AB0] =	vst v0  }
0x532: {  	v0 =	vld [tilespmem:s23+$0xFFFFFFC0];
	_ =	sdelay $0x4  }
0x533: {  	v0 =	vadd.s32 $0xE3, v0  }
0x534: {  	[tilespmem:$0x1AC0] =	vst v0  }
0x535: {  	v0 =	vld [tilespmem:s23+$0xFFFFFFD0];
	_ =	sdelay $0x4  }
0x536: {  	v0 =	vadd.s32 $0xE3, v0  }
0x537: {  	[tilespmem:$0x1AD0] =	vst v0  }
0x538: {  	v0 =	vld [tilespmem:s23+$0xFFFFFFE0];
	_ =	sdelay $0x4  }
0x539: {  	v0 =	vadd.s32 $0xE3, v0  }
0x53a: {  	[tilespmem:$0x1AE0] =	vst v0  }
0x53b: {  	v0 =	vld [tilespmem:s23+$0xFFFFFFF0];
	_ =	sdelay $0x4  }
0x53c: {  	v0 =	vadd.s32 $0xE3, v0  }
0x53d: {  	[tilespmem:$0x1AF0] =	vst v0  }
0x53e: {  	[tilespmem:s13], [sflag:$0x2] =	stream.indirect.gather [hbm4b:s8+s9], $0x80, s12, s9, $0xb8;
	[tilespmem:$0x11C00] =	vst v63  }
0x53f: {  	v0 =	vld [tilespmem:s23+$0x0];
	_ =	sdelay $0x4  }
0x540: {  	v0 =	vadd.s32 $0xE3, v0  }
0x541: {  	[tilespmem:$0x1B00] =	vst v0  }
0x542: {  	v0 =	vld [tilespmem:s23+$0x10];
	_ =	sdelay $0x4  }
0x543: {  	v0 =	vadd.s32 $0xE3, v0  }
0x544: {  	[tilespmem:$0x1B10] =	vst v0  }
0x545: {  	v0 =	vld [tilespmem:s23+$0x20];
	_ =	sdelay $0x4  }
0x546: {  	v0 =	vadd.s32 $0xE3, v0  }
0x547: {  	[tilespmem:$0x1B20] =	vst v0  }
0x548: {  	v0 =	vld [tilespmem:s23+$0x30];
	_ =	sdelay $0x4  }
0x549: {  	v0 =	vadd.s32 $0xE3, v0  }
0x54a: {  	[tilespmem:$0x1B30] =	vst v0  }
0x54b: {  	v0 =	vld [tilespmem:s23+$0x40];
	_ =	sdelay $0x4  }
0x54c: {  	v0 =	vadd.s32 $0xE3, v0  }
0x54d: {  	[tilespmem:$0x1B40] =	vst v0  }
0x54e: {  	v0 =	vld [tilespmem:s23+$0x50];
	_ =	sdelay $0x4  }
0x54f: {  	v0 =	vadd.s32 $0xE3, v0  }
0x550: {  	[tilespmem:$0x1B50] =	vst v0  }
0x551: {  	v0 =	vld [tilespmem:s23+$0x60];
	_ =	sdelay $0x4  }
0x552: {  	v0 =	vadd.s32 $0xE3, v0  }
0x553: {  	[tilespmem:$0x1B60] =	vst v0  }
0x554: {  	v0 =	vld [tilespmem:s23+$0x70];
	_ =	sdelay $0x4  }
0x555: {  	v0 =	vadd.s32 $0xE3, v0  }
0x556: {  	[tilespmem:$0x1B70] =	vst v0  }
0x557: {  	[tilespmem:s15], [sflag:$0x3] =	stream.indirect.gather [hbm4b:s8+s9], $0x80, s14, s9, $0xb8;
	[tilespmem:$0x11C00] =	vst v63  }
0x558: {  	v0 =	vld [tilespmem:s23+$0x80];
	_ =	sdelay $0x4  }
0x559: {  	v0 =	vadd.s32 $0xE3, v0  }
0x55a: {  	[tilespmem:$0x1B80] =	vst v0  }
0x55b: {  	v0 =	vld [tilespmem:s23+$0x90];
	_ =	sdelay $0x4  }
0x55c: {  	v0 =	vadd.s32 $0xE3, v0  }
0x55d: {  	[tilespmem:$0x1B90] =	vst v0  }
0x55e: {  	v0 =	vld [tilespmem:s23+$0xA0];
	_ =	sdelay $0x4  }
0x55f: {  	v0 =	vadd.s32 $0xE3, v0  }
0x560: {  	[tilespmem:$0x1BA0] =	vst v0  }
0x561: {  	v0 =	vld [tilespmem:s23+$0xB0];
	_ =	sdelay $0x4  }
0x562: {  	v0 =	vadd.s32 $0xE3, v0  }
0x563: {  	[tilespmem:$0x1BB0] =	vst v0  }
0x564: {  	v0 =	vld [tilespmem:s23+$0xC0];
	_ =	sdelay $0x4  }
0x565: {  	v0 =	vadd.s32 $0xE3, v0  }
0x566: {  	[tilespmem:$0x1BC0] =	vst v0  }
0x567: {  	v0 =	vld [tilespmem:s23+$0xD0];
	_ =	sdelay $0x4  }
0x568: {  	v0 =	vadd.s32 $0xE3, v0  }
0x569: {  	[tilespmem:$0x1BD0] =	vst v0  }
0x56a: {  	v0 =	vld [tilespmem:s23+$0xE0];
	_ =	sdelay $0x4  }
0x56b: {  	v0 =	vadd.s32 $0xE3, v0  }
0x56c: {  	[tilespmem:$0x1BE0] =	vst v0  }
0x56d: {  	v0 =	vld [tilespmem:s23+$0xF0];
	_ =	sdelay $0x4  }
0x56e: {  	v0 =	vadd.s32 $0xE3, v0  }
0x56f: {  	[tilespmem:$0x1BF0] =	vst v0  }
0x570: {  	[tilespmem:s17], [sflag:$0x4] =	stream.indirect.gather [hbm4b:s8+s9], $0x80, s16, s9, $0xb8;
	[tilespmem:$0x11C00] =	vst v63  }
0x571: {  	_ =	swait.ge [sflag:s18], $0x4000  }
0x572: {  	[sflag:s18] =	ssyncset.done $0x0  }
0x573: {  	s26 =	sadd.s32 s25, s28;
	[sflag:s18] =	ssyncadd.s32 $0xFFFFC000  }
0x574: {  	[hbm4b:s26+s1] =	stream.linear.scatter [tilespmem:s11], [sflag:$0x5], $0x4000, $0x38;
	[tilespmem:$0x11C00] =	vst v63  }
0x575: {  	_ =	swait.ge [sflag:s19], $0x4000  }
0x576: {  	[sflag:s19] =	ssyncset.done $0x0  }
0x577: {  	s26 =	sadd.s32 s25, s30;
	[sflag:s19] =	ssyncadd.s32 $0xFFFFC000  }
0x578: {  	[hbm4b:s26+s1] =	stream.linear.scatter [tilespmem:s13], [sflag:$0x5], $0x4000, $0x38;
	[tilespmem:$0x11C00] =	vst v63  }
0x579: {  	_ =	swait.ge [sflag:s20], $0x4000  }
0x57a: {  	[sflag:s20] =	ssyncset.done $0x0  }
0x57b: {  	s26 =	sadd.s32 s25, s2;
	[sflag:s20] =	ssyncadd.s32 $0xFFFFC000  }
0x57c: {  	[hbm4b:s26+s1] =	stream.linear.scatter [tilespmem:s15], [sflag:$0x5], $0x4000, $0x38;
	[tilespmem:$0x11C00] =	vst v63  }
0x57d: {  	_ =	swait.ge [sflag:s21], $0x4000  }
0x57e: {  	[sflag:s21] =	ssyncset.done $0x0  }
0x57f: {  	s25 =	sadd.s32 s25, s0;
	[sflag:s21] =	ssyncadd.s32 $0xFFFFC000  }
0x580: {  	[hbm4b:s25+s1] =	stream.linear.scatter [tilespmem:s17], [sflag:$0x5], $0x4000, $0x38;
	[tilespmem:$0x11C00] =	vst v63  }
0x581: {  	_ =	swait.ge [sflag:s22], $0x4000  }
0x582: {  	[sflag:s22] =	ssyncset.done $0x0  }
0x583: {  	[sflag:s22] =	ssyncadd.s32 $0xFFFFC000  }
0x584: {  	_ =	swait.ge [sflag:s22], $0x4000  }
0x585: {  	[sflag:s22] =	ssyncset.done $0x0  }
0x586: {  	[sflag:s22] =	ssyncadd.s32 $0xFFFFC000  }
.Ltmp5:
0x587: {  	_ =	swait.ge [sflag:s22], $0x4000;
	(pc) =	sbr.rel @p0 .LBB2_12-.Ltmp5, $4  }
0x588: {  	[sflag:s22] =	ssyncset.done $0x0  }
0x589: {  	[sflag:s22] =	ssyncadd.s32 $0xFFFFC000  }
0x58a: {  	_ =	swait.ge [sflag:s22], $0x4000  }
0x58b: {  	[sflag:s22] =	ssyncset.done $0x0  }
0x58c: {  	[sflag:s22] =	ssyncadd.s32 $0xFFFFC000  }
0x58d: {  	v0 =	vld [tilespmem:$0x1980]  }
0x58e: {  	v1 =	vld [tilespmem:$0x1990]  }
0x58f: {  	v2 =	vld [tilespmem:$0x19A0]  }
0x590: {  	v3 =	vld [tilespmem:$0x19B0]  }
0x591: {  	v4 =	vld [tilespmem:$0x19C0]  }
0x592: {  	v5 =	vld [tilespmem:$0x19D0];
	v0 =	vadd.s32 $0xE3, v0  }
0x593: {  	v55 =	vld [tilespmem:$0x19E0];
	v54 =	vadd.s32 $0xE3, v1;
	[tilespmem:$0x1A00] =	vst v0  }
0x594: {  	v57 =	vld [tilespmem:$0x19F0];
	v56 =	vadd.s32 $0xE3, v2;
	[tilespmem:$0x1A10] =	vst v54  }
0x595: {  	v58 =	vadd.s32 $0xE3, v3;
	[tilespmem:$0x1A20] =	vst v56  }
0x596: {  	v59 =	vadd.s32 $0xE3, v4;
	[tilespmem:$0x1A30] =	vst v58  }
0x597: {  	v60 =	vadd.s32 $0xE3, v5;
	[tilespmem:$0x1A40] =	vst v59  }
0x598: {  	v61 =	vadd.s32 $0xE3, v55;
	[tilespmem:$0x1A50] =	vst v60  }
0x599: {  	v62 =	vadd.s32 $0xE3, v57;
	[tilespmem:$0x1A60] =	vst v61  }
0x59a: {  	[tilespmem:$0x1A70] =	vst v62  }
0x59b: {  	[tilespmem:s11], [sflag:$0x1] =	stream.indirect.gather [hbm4b:s8+s9], $0x80, s10, s9, $0xb8;
	[tilespmem:$0x11C00] =	vst v63  }
0x59c: {  	_ =	swait.ge [sflag:s18], $0x4000  }
0x59d: {  	s2 =	sld [smem:$0x7F5]  }
0x59e: {  	[sflag:s18] =	ssyncset.done $0x0  }
0x59f: {  	s23 =	simm.s32 $0x0;
	[sflag:s18] =	ssyncadd.s32 $0xFFFFC000  }
0x5a0: {  	[hbm4b:s2+s23] =	stream.linear.scatter [tilespmem:s11], [sflag:$0x5], $0x4000, $0x38;
	[tilespmem:$0x11C00] =	vst v63  }
0x5a1: {  	_ =	swait.ge [sflag:s22], $0x4000  }
0x5a2: {  	[sflag:s22] =	ssyncset.done $0x0  }
0x5a3: {  	s23 =	simm.s32 $0x1480;
	[sflag:s22] =	ssyncadd.s32 $0xFFFFC000  }
0x5a4: {  	v63 =	vld [tilespmem:s23+$0xFFFFFF00];
	_ =	sdelay $0x4  }
0x5a5: {  	v0 =	vadd.s32 $0xE4, v63  }
0x5a6: {  	[tilespmem:$0x1A00] =	vst v0  }
0x5a7: {  	v0 =	vld [tilespmem:s23+$0xFFFFFF10];
	_ =	sdelay $0x4  }
0x5a8: {  	v0 =	vadd.s32 $0xE4, v0  }
0x5a9: {  	[tilespmem:$0x1A10] =	vst v0  }
0x5aa: {  	v0 =	vld [tilespmem:s23+$0xFFFFFF20];
	_ =	sdelay $0x4  }
0x5ab: {  	v0 =	vadd.s32 $0xE4, v0  }
0x5ac: {  	[tilespmem:$0x1A20] =	vst v0  }
0x5ad: {  	v0 =	vld [tilespmem:s23+$0xFFFFFF30];
	_ =	sdelay $0x4  }
0x5ae: {  	v0 =	vadd.s32 $0xE4, v0  }
0x5af: {  	[tilespmem:$0x1A30] =	vst v0  }
0x5b0: {  	v0 =	vld [tilespmem:s23+$0xFFFFFF40];
	_ =	sdelay $0x4  }
0x5b1: {  	v0 =	vadd.s32 $0xE4, v0  }
0x5b2: {  	[tilespmem:$0x1A40] =	vst v0  }
0x5b3: {  	v0 =	vld [tilespmem:s23+$0xFFFFFF50];
	_ =	sdelay $0x4  }
0x5b4: {  	v0 =	vadd.s32 $0xE4, v0  }
0x5b5: {  	[tilespmem:$0x1A50] =	vst v0  }
0x5b6: {  	v0 =	vld [tilespmem:s23+$0xFFFFFF60];
	_ =	sdelay $0x4  }
0x5b7: {  	v0 =	vadd.s32 $0xE4, v0  }
0x5b8: {  	[tilespmem:$0x1A60] =	vst v0  }
0x5b9: {  	v0 =	vld [tilespmem:s23+$0xFFFFFF70];
	_ =	sdelay $0x4  }
0x5ba: {  	v0 =	vadd.s32 $0xE4, v0  }
0x5bb: {  	[tilespmem:$0x1A70] =	vst v0  }
0x5bc: {  	[tilespmem:s11], [sflag:$0x1] =	stream.indirect.gather [hbm4b:s8+s9], $0x80, s10, s9, $0xb8;
	[tilespmem:$0x11C00] =	vst v63  }
0x5bd: {  	v0 =	vld [tilespmem:s23+$0xFFFFFF80];
	_ =	sdelay $0x4  }
0x5be: {  	v0 =	vadd.s32 $0xE4, v0  }
0x5bf: {  	[tilespmem:$0x1A80] =	vst v0  }
0x5c0: {  	v0 =	vld [tilespmem:s23+$0xFFFFFF90];
	_ =	sdelay $0x4  }
0x5c1: {  	v0 =	vadd.s32 $0xE4, v0  }
0x5c2: {  	[tilespmem:$0x1A90] =	vst v0  }
0x5c3: {  	v0 =	vld [tilespmem:s23+$0xFFFFFFA0];
	_ =	sdelay $0x4  }
0x5c4: {  	v0 =	vadd.s32 $0xE4, v0  }
0x5c5: {  	[tilespmem:$0x1AA0] =	vst v0  }
0x5c6: {  	v0 =	vld [tilespmem:s23+$0xFFFFFFB0];
	_ =	sdelay $0x4  }
0x5c7: {  	v0 =	vadd.s32 $0xE4, v0  }
0x5c8: {  	[tilespmem:$0x1AB0] =	vst v0  }
0x5c9: {  	v0 =	vld [tilespmem:s23+$0xFFFFFFC0];
	_ =	sdelay $0x4  }
0x5ca: {  	v0 =	vadd.s32 $0xE4, v0  }
0x5cb: {  	[tilespmem:$0x1AC0] =	vst v0  }
0x5cc: {  	v0 =	vld [tilespmem:s23+$0xFFFFFFD0];
	_ =	sdelay $0x4  }
0x5cd: {  	v0 =	vadd.s32 $0xE4, v0  }
0x5ce: {  	[tilespmem:$0x1AD0] =	vst v0  }
0x5cf: {  	v0 =	vld [tilespmem:s23+$0xFFFFFFE0];
	_ =	sdelay $0x4  }
0x5d0: {  	v0 =	vadd.s32 $0xE4, v0  }
0x5d1: {  	[tilespmem:$0x1AE0] =	vst v0  }
0x5d2: {  	v0 =	vld [tilespmem:s23+$0xFFFFFFF0];
	_ =	sdelay $0x4  }
0x5d3: {  	v0 =	vadd.s32 $0xE4, v0  }
0x5d4: {  	[tilespmem:$0x1AF0] =	vst v0  }
0x5d5: {  	[tilespmem:s13], [sflag:$0x2] =	stream.indirect.gather [hbm4b:s8+s9], $0x80, s12, s9, $0xb8;
	[tilespmem:$0x11C00] =	vst v63  }
0x5d6: {  	v0 =	vld [tilespmem:s23+$0x0];
	_ =	sdelay $0x4  }
0x5d7: {  	v0 =	vadd.s32 $0xE4, v0  }
0x5d8: {  	[tilespmem:$0x1B00] =	vst v0  }
0x5d9: {  	v0 =	vld [tilespmem:s23+$0x10];
	_ =	sdelay $0x4  }
0x5da: {  	v0 =	vadd.s32 $0xE4, v0  }
0x5db: {  	[tilespmem:$0x1B10] =	vst v0  }
0x5dc: {  	v0 =	vld [tilespmem:s23+$0x20];
	_ =	sdelay $0x4  }
0x5dd: {  	v0 =	vadd.s32 $0xE4, v0  }
0x5de: {  	[tilespmem:$0x1B20] =	vst v0  }
0x5df: {  	v0 =	vld [tilespmem:s23+$0x30];
	_ =	sdelay $0x4  }
0x5e0: {  	v0 =	vadd.s32 $0xE4, v0  }
0x5e1: {  	[tilespmem:$0x1B30] =	vst v0  }
0x5e2: {  	v0 =	vld [tilespmem:s23+$0x40];
	_ =	sdelay $0x4  }
0x5e3: {  	v0 =	vadd.s32 $0xE4, v0  }
0x5e4: {  	[tilespmem:$0x1B40] =	vst v0  }
0x5e5: {  	v0 =	vld [tilespmem:s23+$0x50];
	_ =	sdelay $0x4  }
0x5e6: {  	v0 =	vadd.s32 $0xE4, v0  }
0x5e7: {  	[tilespmem:$0x1B50] =	vst v0  }
0x5e8: {  	v0 =	vld [tilespmem:s23+$0x60];
	_ =	sdelay $0x4  }
0x5e9: {  	v0 =	vadd.s32 $0xE4, v0  }
0x5ea: {  	[tilespmem:$0x1B60] =	vst v0  }
0x5eb: {  	v0 =	vld [tilespmem:s23+$0x70];
	_ =	sdelay $0x4  }
0x5ec: {  	v0 =	vadd.s32 $0xE4, v0  }
0x5ed: {  	[tilespmem:$0x1B70] =	vst v0  }
0x5ee: {  	[tilespmem:s15], [sflag:$0x3] =	stream.indirect.gather [hbm4b:s8+s9], $0x80, s14, s9, $0xb8;
	[tilespmem:$0x11C00] =	vst v63  }
0x5ef: {  	v0 =	vld [tilespmem:s23+$0x80];
	_ =	sdelay $0x4  }
0x5f0: {  	v0 =	vadd.s32 $0xE4, v0  }
0x5f1: {  	[tilespmem:$0x1B80] =	vst v0  }
0x5f2: {  	v0 =	vld [tilespmem:s23+$0x90];
	_ =	sdelay $0x4  }
0x5f3: {  	v0 =	vadd.s32 $0xE4, v0  }
0x5f4: {  	[tilespmem:$0x1B90] =	vst v0  }
0x5f5: {  	v0 =	vld [tilespmem:s23+$0xA0];
	_ =	sdelay $0x4  }
0x5f6: {  	v0 =	vadd.s32 $0xE4, v0  }
0x5f7: {  	[tilespmem:$0x1BA0] =	vst v0  }
0x5f8: {  	v0 =	vld [tilespmem:s23+$0xB0];
	_ =	sdelay $0x4  }
0x5f9: {  	v0 =	vadd.s32 $0xE4, v0  }
0x5fa: {  	[tilespmem:$0x1BB0] =	vst v0  }
0x5fb: {  	v0 =	vld [tilespmem:s23+$0xC0];
	_ =	sdelay $0x4  }
0x5fc: {  	v0 =	vadd.s32 $0xE4, v0  }
0x5fd: {  	[tilespmem:$0x1BC0] =	vst v0  }
0x5fe: {  	v0 =	vld [tilespmem:s23+$0xD0];
	_ =	sdelay $0x4  }
0x5ff: {  	v0 =	vadd.s32 $0xE4, v0  }
0x600: {  	[tilespmem:$0x1BD0] =	vst v0  }
0x601: {  	v0 =	vld [tilespmem:s23+$0xE0];
	_ =	sdelay $0x4  }
0x602: {  	v0 =	vadd.s32 $0xE4, v0  }
0x603: {  	[tilespmem:$0x1BE0] =	vst v0  }
0x604: {  	v0 =	vld [tilespmem:s23+$0xF0];
	_ =	sdelay $0x4  }
0x605: {  	v0 =	vadd.s32 $0xE4, v0  }
0x606: {  	[tilespmem:$0x1BF0] =	vst v0  }
0x607: {  	[tilespmem:s17], [sflag:$0x4] =	stream.indirect.gather [hbm4b:s8+s9], $0x80, s16, s9, $0xb8;
	[tilespmem:$0x11C00] =	vst v63  }
0x608: {  	_ =	swait.ge [sflag:s18], $0x4000  }
0x609: {  	[sflag:s18] =	ssyncset.done $0x0;
	s2 =	rddreg [dreg:$0x17]  }
0x60a: {  	[sflag:s18] =	ssyncadd.s32 $0xFFFFC000;
	s24 =	sadd.s32 $0x0, s2  }
0x60b: {  	[hbm4b:s24+s1] =	stream.linear.scatter [tilespmem:s11], [sflag:$0x5], $0x4000, $0x38;
	[tilespmem:$0x11C00] =	vst v63  }
0x60c: {  	_ =	swait.ge [sflag:s19], $0x4000  }
0x60d: {  	[sflag:s19] =	ssyncset.done $0x0;
	s3 =	rddreg [dreg:$0x19]  }
0x60e: {  	[sflag:s19] =	ssyncadd.s32 $0xFFFFC000;
	s28 =	sadd.s32 $0x0, s3  }
0x60f: {  	[hbm4b:s28+s1] =	stream.linear.scatter [tilespmem:s13], [sflag:$0x5], $0x4000, $0x38;
	[tilespmem:$0x11C00] =	vst v63  }
0x610: {  	_ =	swait.ge [sflag:s20], $0x4000  }
0x611: {  	[sflag:s20] =	ssyncset.done $0x0;
	s4 =	rddreg [dreg:$0x1a]  }
0x612: {  	[sflag:s20] =	ssyncadd.s32 $0xFFFFC000;
	s29 =	sadd.s32 $0x0, s4  }
0x613: {  	[hbm4b:s29+s1] =	stream.linear.scatter [tilespmem:s15], [sflag:$0x5], $0x4000, $0x38;
	[tilespmem:$0x11C00] =	vst v63  }
0x614: {  	_ =	swait.ge [sflag:s21], $0x4000  }
0x615: {  	[sflag:s21] =	ssyncset.done $0x0;
	s30 =	rddreg [dreg:$0x18]  }
0x616: {  	[sflag:s21] =	ssyncadd.s32 $0xFFFFC000;
	s31 =	sadd.s32 $0x0, s30  }
0x617: {  	[hbm4b:s31+s1] =	stream.linear.scatter [tilespmem:s17], [sflag:$0x5], $0x4000, $0x38;
	[tilespmem:$0x11C00] =	vst v63  }
0x618: {  	_ =	swait.ge [sflag:s22], $0x4000  }
0x619: {  	[sflag:s22] =	ssyncset.done $0x0  }
0x61a: {  	[sflag:s22] =	ssyncadd.s32 $0xFFFFC000  }
0x61b: {  	_ =	swait.ge [sflag:s22], $0x4000  }
0x61c: {  	[sflag:s22] =	ssyncset.done $0x0  }
0x61d: {  	[sflag:s22] =	ssyncadd.s32 $0xFFFFC000  }
0x61e: {  	_ =	swait.ge [sflag:s22], $0x4000  }
0x61f: {  	[sflag:s22] =	ssyncset.done $0x0  }
0x620: {  	[sflag:s22] =	ssyncadd.s32 $0xFFFFC000  }
0x621: {  	_ =	swait.ge [sflag:s22], $0x4000  }
0x622: {  	s24 =	simm.s32 $0x2000;
	[sflag:s22] =	ssyncset.done $0x0  }
.LBB2_14:
0x623: {  	p0 =	sne.s32 s24, $0x4000;
	[sflag:s22] =	ssyncadd.s32 $0xFFFFC000;
	s23 =	sadd.s32 $0x200, s23  }
0x624: {  	s25 =	smov.u32 s24;
	s24 =	sadd.s32 $0x2000, s24;
	v0 =	vld [tilespmem:s23+$0xFFFFFF00];
	_ =	sdelay $0x4  }
0x625: {  	v0 =	vadd.s32 $0xE4, v0  }
0x626: {  	[tilespmem:$0x1A00] =	vst v0  }
0x627: {  	v0 =	vld [tilespmem:s23+$0xFFFFFF10];
	_ =	sdelay $0x4  }
0x628: {  	v0 =	vadd.s32 $0xE4, v0  }
0x629: {  	[tilespmem:$0x1A10] =	vst v0  }
0x62a: {  	v0 =	vld [tilespmem:s23+$0xFFFFFF20];
	_ =	sdelay $0x4  }
0x62b: {  	v0 =	vadd.s32 $0xE4, v0  }
0x62c: {  	[tilespmem:$0x1A20] =	vst v0  }
0x62d: {  	v0 =	vld [tilespmem:s23+$0xFFFFFF30];
	_ =	sdelay $0x4  }
0x62e: {  	v0 =	vadd.s32 $0xE4, v0  }
0x62f: {  	[tilespmem:$0x1A30] =	vst v0  }
0x630: {  	v0 =	vld [tilespmem:s23+$0xFFFFFF40];
	_ =	sdelay $0x4  }
0x631: {  	v0 =	vadd.s32 $0xE4, v0  }
0x632: {  	[tilespmem:$0x1A40] =	vst v0  }
0x633: {  	v0 =	vld [tilespmem:s23+$0xFFFFFF50];
	_ =	sdelay $0x4  }
0x634: {  	v0 =	vadd.s32 $0xE4, v0  }
0x635: {  	[tilespmem:$0x1A50] =	vst v0  }
0x636: {  	v0 =	vld [tilespmem:s23+$0xFFFFFF60];
	_ =	sdelay $0x4  }
0x637: {  	v0 =	vadd.s32 $0xE4, v0  }
0x638: {  	[tilespmem:$0x1A60] =	vst v0  }
0x639: {  	v0 =	vld [tilespmem:s23+$0xFFFFFF70];
	_ =	sdelay $0x4  }
0x63a: {  	v0 =	vadd.s32 $0xE4, v0  }
0x63b: {  	[tilespmem:$0x1A70] =	vst v0  }
0x63c: {  	[tilespmem:s11], [sflag:$0x1] =	stream.indirect.gather [hbm4b:s8+s9], $0x80, s10, s9, $0xb8;
	[tilespmem:$0x11C00] =	vst v63  }
0x63d: {  	v0 =	vld [tilespmem:s23+$0xFFFFFF80];
	_ =	sdelay $0x4  }
0x63e: {  	v0 =	vadd.s32 $0xE4, v0  }
0x63f: {  	[tilespmem:$0x1A80] =	vst v0  }
0x640: {  	v0 =	vld [tilespmem:s23+$0xFFFFFF90];
	_ =	sdelay $0x4  }
0x641: {  	v0 =	vadd.s32 $0xE4, v0  }
0x642: {  	[tilespmem:$0x1A90] =	vst v0  }
0x643: {  	v0 =	vld [tilespmem:s23+$0xFFFFFFA0];
	_ =	sdelay $0x4  }
0x644: {  	v0 =	vadd.s32 $0xE4, v0  }
0x645: {  	[tilespmem:$0x1AA0] =	vst v0  }
0x646: {  	v0 =	vld [tilespmem:s23+$0xFFFFFFB0];
	_ =	sdelay $0x4  }
0x647: {  	v0 =	vadd.s32 $0xE4, v0  }
0x648: {  	[tilespmem:$0x1AB0] =	vst v0  }
0x649: {  	v0 =	vld [tilespmem:s23+$0xFFFFFFC0];
	_ =	sdelay $0x4  }
0x64a: {  	v0 =	vadd.s32 $0xE4, v0  }
0x64b: {  	[tilespmem:$0x1AC0] =	vst v0  }
0x64c: {  	v0 =	vld [tilespmem:s23+$0xFFFFFFD0];
	_ =	sdelay $0x4  }
0x64d: {  	v0 =	vadd.s32 $0xE4, v0  }
0x64e: {  	[tilespmem:$0x1AD0] =	vst v0  }
0x64f: {  	v0 =	vld [tilespmem:s23+$0xFFFFFFE0];
	_ =	sdelay $0x4  }
0x650: {  	v0 =	vadd.s32 $0xE4, v0  }
0x651: {  	[tilespmem:$0x1AE0] =	vst v0  }
0x652: {  	v0 =	vld [tilespmem:s23+$0xFFFFFFF0];
	_ =	sdelay $0x4  }
0x653: {  	v0 =	vadd.s32 $0xE4, v0  }
0x654: {  	[tilespmem:$0x1AF0] =	vst v0  }
0x655: {  	[tilespmem:s13], [sflag:$0x2] =	stream.indirect.gather [hbm4b:s8+s9], $0x80, s12, s9, $0xb8;
	[tilespmem:$0x11C00] =	vst v63  }
0x656: {  	v0 =	vld [tilespmem:s23+$0x0];
	_ =	sdelay $0x4  }
0x657: {  	v0 =	vadd.s32 $0xE4, v0  }
0x658: {  	[tilespmem:$0x1B00] =	vst v0  }
0x659: {  	v0 =	vld [tilespmem:s23+$0x10];
	_ =	sdelay $0x4  }
0x65a: {  	v0 =	vadd.s32 $0xE4, v0  }
0x65b: {  	[tilespmem:$0x1B10] =	vst v0  }
0x65c: {  	v0 =	vld [tilespmem:s23+$0x20];
	_ =	sdelay $0x4  }
0x65d: {  	v0 =	vadd.s32 $0xE4, v0  }
0x65e: {  	[tilespmem:$0x1B20] =	vst v0  }
0x65f: {  	v0 =	vld [tilespmem:s23+$0x30];
	_ =	sdelay $0x4  }
0x660: {  	v0 =	vadd.s32 $0xE4, v0  }
0x661: {  	[tilespmem:$0x1B30] =	vst v0  }
0x662: {  	v0 =	vld [tilespmem:s23+$0x40];
	_ =	sdelay $0x4  }
0x663: {  	v0 =	vadd.s32 $0xE4, v0  }
0x664: {  	[tilespmem:$0x1B40] =	vst v0  }
0x665: {  	v0 =	vld [tilespmem:s23+$0x50];
	_ =	sdelay $0x4  }
0x666: {  	v0 =	vadd.s32 $0xE4, v0  }
0x667: {  	[tilespmem:$0x1B50] =	vst v0  }
0x668: {  	v0 =	vld [tilespmem:s23+$0x60];
	_ =	sdelay $0x4  }
0x669: {  	v0 =	vadd.s32 $0xE4, v0  }
0x66a: {  	[tilespmem:$0x1B60] =	vst v0  }
0x66b: {  	v0 =	vld [tilespmem:s23+$0x70];
	_ =	sdelay $0x4  }
0x66c: {  	v0 =	vadd.s32 $0xE4, v0  }
0x66d: {  	[tilespmem:$0x1B70] =	vst v0  }
0x66e: {  	[tilespmem:s15], [sflag:$0x3] =	stream.indirect.gather [hbm4b:s8+s9], $0x80, s14, s9, $0xb8;
	[tilespmem:$0x11C00] =	vst v63  }
0x66f: {  	v0 =	vld [tilespmem:s23+$0x80];
	_ =	sdelay $0x4  }
0x670: {  	v0 =	vadd.s32 $0xE4, v0  }
0x671: {  	[tilespmem:$0x1B80] =	vst v0  }
0x672: {  	v0 =	vld [tilespmem:s23+$0x90];
	_ =	sdelay $0x4  }
0x673: {  	v0 =	vadd.s32 $0xE4, v0  }
0x674: {  	[tilespmem:$0x1B90] =	vst v0  }
0x675: {  	v0 =	vld [tilespmem:s23+$0xA0];
	_ =	sdelay $0x4  }
0x676: {  	v0 =	vadd.s32 $0xE4, v0  }
0x677: {  	[tilespmem:$0x1BA0] =	vst v0  }
0x678: {  	v0 =	vld [tilespmem:s23+$0xB0];
	_ =	sdelay $0x4  }
0x679: {  	v0 =	vadd.s32 $0xE4, v0  }
0x67a: {  	[tilespmem:$0x1BB0] =	vst v0  }
0x67b: {  	v0 =	vld [tilespmem:s23+$0xC0];
	_ =	sdelay $0x4  }
0x67c: {  	v0 =	vadd.s32 $0xE4, v0  }
0x67d: {  	[tilespmem:$0x1BC0] =	vst v0  }
0x67e: {  	v0 =	vld [tilespmem:s23+$0xD0];
	_ =	sdelay $0x4  }
0x67f: {  	v0 =	vadd.s32 $0xE4, v0  }
0x680: {  	[tilespmem:$0x1BD0] =	vst v0  }
0x681: {  	v0 =	vld [tilespmem:s23+$0xE0];
	_ =	sdelay $0x4  }
0x682: {  	v0 =	vadd.s32 $0xE4, v0  }
0x683: {  	[tilespmem:$0x1BE0] =	vst v0  }
0x684: {  	v0 =	vld [tilespmem:s23+$0xF0];
	_ =	sdelay $0x4  }
0x685: {  	v0 =	vadd.s32 $0xE4, v0  }
0x686: {  	[tilespmem:$0x1BF0] =	vst v0  }
0x687: {  	[tilespmem:s17], [sflag:$0x4] =	stream.indirect.gather [hbm4b:s8+s9], $0x80, s16, s9, $0xb8;
	[tilespmem:$0x11C00] =	vst v63  }
0x688: {  	_ =	swait.ge [sflag:s18], $0x4000  }
0x689: {  	[sflag:s18] =	ssyncset.done $0x0  }
0x68a: {  	s26 =	sadd.s32 s25, s2;
	[sflag:s18] =	ssyncadd.s32 $0xFFFFC000  }
0x68b: {  	[hbm4b:s26+s1] =	stream.linear.scatter [tilespmem:s11], [sflag:$0x5], $0x4000, $0x38;
	[tilespmem:$0x11C00] =	vst v63  }
0x68c: {  	_ =	swait.ge [sflag:s19], $0x4000  }
0x68d: {  	[sflag:s19] =	ssyncset.done $0x0  }
0x68e: {  	s26 =	sadd.s32 s25, s3;
	[sflag:s19] =	ssyncadd.s32 $0xFFFFC000  }
0x68f: {  	[hbm4b:s26+s1] =	stream.linear.scatter [tilespmem:s13], [sflag:$0x5], $0x4000, $0x38;
	[tilespmem:$0x11C00] =	vst v63  }
0x690: {  	_ =	swait.ge [sflag:s20], $0x4000  }
0x691: {  	[sflag:s20] =	ssyncset.done $0x0  }
0x692: {  	s26 =	sadd.s32 s25, s4;
	[sflag:s20] =	ssyncadd.s32 $0xFFFFC000  }
0x693: {  	[hbm4b:s26+s1] =	stream.linear.scatter [tilespmem:s15], [sflag:$0x5], $0x4000, $0x38;
	[tilespmem:$0x11C00] =	vst v63  }
0x694: {  	_ =	swait.ge [sflag:s21], $0x4000  }
0x695: {  	[sflag:s21] =	ssyncset.done $0x0  }
0x696: {  	s25 =	sadd.s32 s25, s30;
	[sflag:s21] =	ssyncadd.s32 $0xFFFFC000  }
0x697: {  	[hbm4b:s25+s1] =	stream.linear.scatter [tilespmem:s17], [sflag:$0x5], $0x4000, $0x38;
	[tilespmem:$0x11C00] =	vst v63  }
0x698: {  	_ =	swait.ge [sflag:s22], $0x4000  }
0x699: {  	[sflag:s22] =	ssyncset.done $0x0  }
0x69a: {  	[sflag:s22] =	ssyncadd.s32 $0xFFFFC000  }
0x69b: {  	_ =	swait.ge [sflag:s22], $0x4000  }
0x69c: {  	[sflag:s22] =	ssyncset.done $0x0  }
0x69d: {  	[sflag:s22] =	ssyncadd.s32 $0xFFFFC000  }
.Ltmp6:
0x69e: {  	_ =	swait.ge [sflag:s22], $0x4000;
	(pc) =	sbr.rel @p0 .LBB2_14-.Ltmp6, $4  }
0x69f: {  	[sflag:s22] =	ssyncset.done $0x0  }
0x6a0: {  	[sflag:s22] =	ssyncadd.s32 $0xFFFFC000  }
0x6a1: {  	_ =	swait.ge [sflag:s22], $0x4000  }
0x6a2: {  	[sflag:s22] =	ssyncset.done $0x0  }
0x6a3: {  	[sflag:s22] =	ssyncadd.s32 $0xFFFFC000  }
0x6a4: {  	v0 =	vld [tilespmem:$0x1980]  }
0x6a5: {  	v1 =	vld [tilespmem:$0x1990]  }
0x6a6: {  	v2 =	vld [tilespmem:$0x19A0]  }
0x6a7: {  	v3 =	vld [tilespmem:$0x19B0]  }
0x6a8: {  	v4 =	vld [tilespmem:$0x19C0]  }
0x6a9: {  	v5 =	vld [tilespmem:$0x19D0];
	v0 =	vadd.s32 $0xE4, v0  }
0x6aa: {  	v55 =	vld [tilespmem:$0x19E0];
	v54 =	vadd.s32 $0xE4, v1;
	[tilespmem:$0x1A00] =	vst v0  }
0x6ab: {  	v57 =	vld [tilespmem:$0x19F0];
	v56 =	vadd.s32 $0xE4, v2;
	[tilespmem:$0x1A10] =	vst v54  }
0x6ac: {  	v58 =	vadd.s32 $0xE4, v3;
	[tilespmem:$0x1A20] =	vst v56  }
0x6ad: {  	v59 =	vadd.s32 $0xE4, v4;
	[tilespmem:$0x1A30] =	vst v58  }
0x6ae: {  	v60 =	vadd.s32 $0xE4, v5;
	[tilespmem:$0x1A40] =	vst v59  }
0x6af: {  	v61 =	vadd.s32 $0xE4, v55;
	[tilespmem:$0x1A50] =	vst v60  }
0x6b0: {  	v62 =	vadd.s32 $0xE4, v57;
	[tilespmem:$0x1A60] =	vst v61  }
0x6b1: {  	[tilespmem:$0x1A70] =	vst v62  }
0x6b2: {  	[tilespmem:s11], [sflag:$0x1] =	stream.indirect.gather [hbm4b:s8+s9], $0x80, s10, s9, $0xb8;
	[tilespmem:$0x11C00] =	vst v63  }
0x6b3: {  	_ =	swait.ge [sflag:s18], $0x4000  }
0x6b4: {  	s2 =	sld [smem:$0x7F6]  }
0x6b5: {  	[sflag:s18] =	ssyncset.done $0x0  }
0x6b6: {  	s23 =	simm.s32 $0x0;
	[sflag:s18] =	ssyncadd.s32 $0xFFFFC000  }
0x6b7: {  	[hbm4b:s2+s23] =	stream.linear.scatter [tilespmem:s11], [sflag:$0x5], $0x4000, $0x38;
	[tilespmem:$0x11C00] =	vst v63  }
0x6b8: {  	_ =	swait.ge [sflag:s22], $0x4000  }
0x6b9: {  	[sflag:s22] =	ssyncset.done $0x0  }
0x6ba: {  	s23 =	simm.s32 $0x1480;
	[sflag:s22] =	ssyncadd.s32 $0xFFFFC000  }
0x6bb: {  	v63 =	vld [tilespmem:s23+$0xFFFFFF00];
	_ =	sdelay $0x4  }
0x6bc: {  	v0 =	vadd.s32 $0x1C4, v63  }
0x6bd: {  	[tilespmem:$0x1A00] =	vst v0  }
0x6be: {  	v0 =	vld [tilespmem:s23+$0xFFFFFF10];
	_ =	sdelay $0x4  }
0x6bf: {  	v0 =	vadd.s32 $0x1C4, v0  }
0x6c0: {  	[tilespmem:$0x1A10] =	vst v0  }
0x6c1: {  	v0 =	vld [tilespmem:s23+$0xFFFFFF20];
	_ =	sdelay $0x4  }
0x6c2: {  	v0 =	vadd.s32 $0x1C4, v0  }
0x6c3: {  	[tilespmem:$0x1A20] =	vst v0  }
0x6c4: {  	v0 =	vld [tilespmem:s23+$0xFFFFFF30];
	_ =	sdelay $0x4  }
0x6c5: {  	v0 =	vadd.s32 $0x1C4, v0  }
0x6c6: {  	[tilespmem:$0x1A30] =	vst v0  }
0x6c7: {  	v0 =	vld [tilespmem:s23+$0xFFFFFF40];
	_ =	sdelay $0x4  }
0x6c8: {  	v0 =	vadd.s32 $0x1C4, v0  }
0x6c9: {  	[tilespmem:$0x1A40] =	vst v0  }
0x6ca: {  	v0 =	vld [tilespmem:s23+$0xFFFFFF50];
	_ =	sdelay $0x4  }
0x6cb: {  	v0 =	vadd.s32 $0x1C4, v0  }
0x6cc: {  	[tilespmem:$0x1A50] =	vst v0  }
0x6cd: {  	v0 =	vld [tilespmem:s23+$0xFFFFFF60];
	_ =	sdelay $0x4  }
0x6ce: {  	v0 =	vadd.s32 $0x1C4, v0  }
0x6cf: {  	[tilespmem:$0x1A60] =	vst v0  }
0x6d0: {  	v0 =	vld [tilespmem:s23+$0xFFFFFF70];
	_ =	sdelay $0x4  }
0x6d1: {  	v0 =	vadd.s32 $0x1C4, v0  }
0x6d2: {  	[tilespmem:$0x1A70] =	vst v0  }
0x6d3: {  	[tilespmem:s11], [sflag:$0x1] =	stream.indirect.gather [hbm4b:s8+s9], $0x80, s10, s9, $0xb8;
	[tilespmem:$0x11C00] =	vst v63  }
0x6d4: {  	v0 =	vld [tilespmem:s23+$0xFFFFFF80];
	_ =	sdelay $0x4  }
0x6d5: {  	v0 =	vadd.s32 $0x1C4, v0  }
0x6d6: {  	[tilespmem:$0x1A80] =	vst v0  }
0x6d7: {  	v0 =	vld [tilespmem:s23+$0xFFFFFF90];
	_ =	sdelay $0x4  }
0x6d8: {  	v0 =	vadd.s32 $0x1C4, v0  }
0x6d9: {  	[tilespmem:$0x1A90] =	vst v0  }
0x6da: {  	v0 =	vld [tilespmem:s23+$0xFFFFFFA0];
	_ =	sdelay $0x4  }
0x6db: {  	v0 =	vadd.s32 $0x1C4, v0  }
0x6dc: {  	[tilespmem:$0x1AA0] =	vst v0  }
0x6dd: {  	v0 =	vld [tilespmem:s23+$0xFFFFFFB0];
	_ =	sdelay $0x4  }
0x6de: {  	v0 =	vadd.s32 $0x1C4, v0  }
0x6df: {  	[tilespmem:$0x1AB0] =	vst v0  }
0x6e0: {  	v0 =	vld [tilespmem:s23+$0xFFFFFFC0];
	_ =	sdelay $0x4  }
0x6e1: {  	v0 =	vadd.s32 $0x1C4, v0  }
0x6e2: {  	[tilespmem:$0x1AC0] =	vst v0  }
0x6e3: {  	v0 =	vld [tilespmem:s23+$0xFFFFFFD0];
	_ =	sdelay $0x4  }
0x6e4: {  	v0 =	vadd.s32 $0x1C4, v0  }
0x6e5: {  	[tilespmem:$0x1AD0] =	vst v0  }
0x6e6: {  	v0 =	vld [tilespmem:s23+$0xFFFFFFE0];
	_ =	sdelay $0x4  }
0x6e7: {  	v0 =	vadd.s32 $0x1C4, v0  }
0x6e8: {  	[tilespmem:$0x1AE0] =	vst v0  }
0x6e9: {  	v0 =	vld [tilespmem:s23+$0xFFFFFFF0];
	_ =	sdelay $0x4  }
0x6ea: {  	v0 =	vadd.s32 $0x1C4, v0  }
0x6eb: {  	[tilespmem:$0x1AF0] =	vst v0  }
0x6ec: {  	[tilespmem:s13], [sflag:$0x2] =	stream.indirect.gather [hbm4b:s8+s9], $0x80, s12, s9, $0xb8;
	[tilespmem:$0x11C00] =	vst v63  }
0x6ed: {  	v0 =	vld [tilespmem:s23+$0x0];
	_ =	sdelay $0x4  }
0x6ee: {  	v0 =	vadd.s32 $0x1C4, v0  }
0x6ef: {  	[tilespmem:$0x1B00] =	vst v0  }
0x6f0: {  	v0 =	vld [tilespmem:s23+$0x10];
	_ =	sdelay $0x4  }
0x6f1: {  	v0 =	vadd.s32 $0x1C4, v0  }
0x6f2: {  	[tilespmem:$0x1B10] =	vst v0  }
0x6f3: {  	v0 =	vld [tilespmem:s23+$0x20];
	_ =	sdelay $0x4  }
0x6f4: {  	v0 =	vadd.s32 $0x1C4, v0  }
0x6f5: {  	[tilespmem:$0x1B20] =	vst v0  }
0x6f6: {  	v0 =	vld [tilespmem:s23+$0x30];
	_ =	sdelay $0x4  }
0x6f7: {  	v0 =	vadd.s32 $0x1C4, v0  }
0x6f8: {  	[tilespmem:$0x1B30] =	vst v0  }
0x6f9: {  	v0 =	vld [tilespmem:s23+$0x40];
	_ =	sdelay $0x4  }
0x6fa: {  	v0 =	vadd.s32 $0x1C4, v0  }
0x6fb: {  	[tilespmem:$0x1B40] =	vst v0  }
0x6fc: {  	v0 =	vld [tilespmem:s23+$0x50];
	_ =	sdelay $0x4  }
0x6fd: {  	v0 =	vadd.s32 $0x1C4, v0  }
0x6fe: {  	[tilespmem:$0x1B50] =	vst v0  }
0x6ff: {  	v0 =	vld [tilespmem:s23+$0x60];
	_ =	sdelay $0x4  }
0x700: {  	v0 =	vadd.s32 $0x1C4, v0  }
0x701: {  	[tilespmem:$0x1B60] =	vst v0  }
0x702: {  	v0 =	vld [tilespmem:s23+$0x70];
	_ =	sdelay $0x4  }
0x703: {  	v0 =	vadd.s32 $0x1C4, v0  }
0x704: {  	[tilespmem:$0x1B70] =	vst v0  }
0x705: {  	[tilespmem:s15], [sflag:$0x3] =	stream.indirect.gather [hbm4b:s8+s9], $0x80, s14, s9, $0xb8;
	[tilespmem:$0x11C00] =	vst v63  }
0x706: {  	v0 =	vld [tilespmem:s23+$0x80];
	_ =	sdelay $0x4  }
0x707: {  	v0 =	vadd.s32 $0x1C4, v0  }
0x708: {  	[tilespmem:$0x1B80] =	vst v0  }
0x709: {  	v0 =	vld [tilespmem:s23+$0x90];
	_ =	sdelay $0x4  }
0x70a: {  	v0 =	vadd.s32 $0x1C4, v0  }
0x70b: {  	[tilespmem:$0x1B90] =	vst v0  }
0x70c: {  	v0 =	vld [tilespmem:s23+$0xA0];
	_ =	sdelay $0x4  }
0x70d: {  	v0 =	vadd.s32 $0x1C4, v0  }
0x70e: {  	[tilespmem:$0x1BA0] =	vst v0  }
0x70f: {  	v0 =	vld [tilespmem:s23+$0xB0];
	_ =	sdelay $0x4  }
0x710: {  	v0 =	vadd.s32 $0x1C4, v0  }
0x711: {  	[tilespmem:$0x1BB0] =	vst v0  }
0x712: {  	v0 =	vld [tilespmem:s23+$0xC0];
	_ =	sdelay $0x4  }
0x713: {  	v0 =	vadd.s32 $0x1C4, v0  }
0x714: {  	[tilespmem:$0x1BC0] =	vst v0  }
0x715: {  	v0 =	vld [tilespmem:s23+$0xD0];
	_ =	sdelay $0x4  }
0x716: {  	v0 =	vadd.s32 $0x1C4, v0  }
0x717: {  	[tilespmem:$0x1BD0] =	vst v0  }
0x718: {  	v0 =	vld [tilespmem:s23+$0xE0];
	_ =	sdelay $0x4  }
0x719: {  	v0 =	vadd.s32 $0x1C4, v0  }
0x71a: {  	[tilespmem:$0x1BE0] =	vst v0  }
0x71b: {  	v0 =	vld [tilespmem:s23+$0xF0];
	_ =	sdelay $0x4  }
0x71c: {  	v0 =	vadd.s32 $0x1C4, v0  }
0x71d: {  	[tilespmem:$0x1BF0] =	vst v0  }
0x71e: {  	[tilespmem:s17], [sflag:$0x4] =	stream.indirect.gather [hbm4b:s8+s9], $0x80, s16, s9, $0xb8;
	[tilespmem:$0x11C00] =	vst v63  }
0x71f: {  	_ =	swait.ge [sflag:s18], $0x4000  }
0x720: {  	[sflag:s18] =	ssyncset.done $0x0;
	s2 =	rddreg [dreg:$0x1b]  }
0x721: {  	[sflag:s18] =	ssyncadd.s32 $0xFFFFC000;
	s24 =	sadd.s32 $0x0, s2  }
0x722: {  	[hbm4b:s24+s1] =	stream.linear.scatter [tilespmem:s11], [sflag:$0x5], $0x4000, $0x38;
	[tilespmem:$0x11C00] =	vst v63  }
0x723: {  	_ =	swait.ge [sflag:s19], $0x4000  }
0x724: {  	[sflag:s19] =	ssyncset.done $0x0;
	s4 =	rddreg [dreg:$0x1d]  }
0x725: {  	[sflag:s19] =	ssyncadd.s32 $0xFFFFC000;
	s28 =	sadd.s32 $0x0, s4  }
0x726: {  	[hbm4b:s28+s1] =	stream.linear.scatter [tilespmem:s13], [sflag:$0x5], $0x4000, $0x38;
	[tilespmem:$0x11C00] =	vst v63  }
0x727: {  	_ =	swait.ge [sflag:s20], $0x4000  }
0x728: {  	[sflag:s20] =	ssyncset.done $0x0;
	s30 =	rddreg [dreg:$0x1e]  }
0x729: {  	[sflag:s20] =	ssyncadd.s32 $0xFFFFC000;
	s29 =	sadd.s32 $0x0, s30  }
0x72a: {  	[hbm4b:s29+s1] =	stream.linear.scatter [tilespmem:s15], [sflag:$0x5], $0x4000, $0x38;
	[tilespmem:$0x11C00] =	vst v63  }
0x72b: {  	_ =	swait.ge [sflag:s21], $0x4000  }
0x72c: {  	[sflag:s21] =	ssyncset.done $0x0;
	s3 =	rddreg [dreg:$0x1c]  }
0x72d: {  	[sflag:s21] =	ssyncadd.s32 $0xFFFFC000;
	s31 =	sadd.s32 $0x0, s3  }
0x72e: {  	[hbm4b:s31+s1] =	stream.linear.scatter [tilespmem:s17], [sflag:$0x5], $0x4000, $0x38;
	[tilespmem:$0x11C00] =	vst v63  }
0x72f: {  	_ =	swait.ge [sflag:s22], $0x4000  }
0x730: {  	[sflag:s22] =	ssyncset.done $0x0  }
0x731: {  	[sflag:s22] =	ssyncadd.s32 $0xFFFFC000  }
0x732: {  	_ =	swait.ge [sflag:s22], $0x4000  }
0x733: {  	[sflag:s22] =	ssyncset.done $0x0  }
0x734: {  	[sflag:s22] =	ssyncadd.s32 $0xFFFFC000  }
0x735: {  	_ =	swait.ge [sflag:s22], $0x4000  }
0x736: {  	[sflag:s22] =	ssyncset.done $0x0  }
0x737: {  	[sflag:s22] =	ssyncadd.s32 $0xFFFFC000  }
0x738: {  	_ =	swait.ge [sflag:s22], $0x4000  }
0x739: {  	s24 =	simm.s32 $0x2000;
	[sflag:s22] =	ssyncset.done $0x0  }
.LBB2_16:
0x73a: {  	p0 =	sne.s32 s24, $0x4000;
	[sflag:s22] =	ssyncadd.s32 $0xFFFFC000;
	s23 =	sadd.s32 $0x200, s23  }
0x73b: {  	s25 =	smov.u32 s24;
	s24 =	sadd.s32 $0x2000, s24;
	v0 =	vld [tilespmem:s23+$0xFFFFFF00];
	_ =	sdelay $0x4  }
0x73c: {  	v0 =	vadd.s32 $0x1C4, v0  }
0x73d: {  	[tilespmem:$0x1A00] =	vst v0  }
0x73e: {  	v0 =	vld [tilespmem:s23+$0xFFFFFF10];
	_ =	sdelay $0x4  }
0x73f: {  	v0 =	vadd.s32 $0x1C4, v0  }
0x740: {  	[tilespmem:$0x1A10] =	vst v0  }
0x741: {  	v0 =	vld [tilespmem:s23+$0xFFFFFF20];
	_ =	sdelay $0x4  }
0x742: {  	v0 =	vadd.s32 $0x1C4, v0  }
0x743: {  	[tilespmem:$0x1A20] =	vst v0  }
0x744: {  	v0 =	vld [tilespmem:s23+$0xFFFFFF30];
	_ =	sdelay $0x4  }
0x745: {  	v0 =	vadd.s32 $0x1C4, v0  }
0x746: {  	[tilespmem:$0x1A30] =	vst v0  }
0x747: {  	v0 =	vld [tilespmem:s23+$0xFFFFFF40];
	_ =	sdelay $0x4  }
0x748: {  	v0 =	vadd.s32 $0x1C4, v0  }
0x749: {  	[tilespmem:$0x1A40] =	vst v0  }
0x74a: {  	v0 =	vld [tilespmem:s23+$0xFFFFFF50];
	_ =	sdelay $0x4  }
0x74b: {  	v0 =	vadd.s32 $0x1C4, v0  }
0x74c: {  	[tilespmem:$0x1A50] =	vst v0  }
0x74d: {  	v0 =	vld [tilespmem:s23+$0xFFFFFF60];
	_ =	sdelay $0x4  }
0x74e: {  	v0 =	vadd.s32 $0x1C4, v0  }
0x74f: {  	[tilespmem:$0x1A60] =	vst v0  }
0x750: {  	v0 =	vld [tilespmem:s23+$0xFFFFFF70];
	_ =	sdelay $0x4  }
0x751: {  	v0 =	vadd.s32 $0x1C4, v0  }
0x752: {  	[tilespmem:$0x1A70] =	vst v0  }
0x753: {  	[tilespmem:s11], [sflag:$0x1] =	stream.indirect.gather [hbm4b:s8+s9], $0x80, s10, s9, $0xb8;
	[tilespmem:$0x11C00] =	vst v63  }
0x754: {  	v0 =	vld [tilespmem:s23+$0xFFFFFF80];
	_ =	sdelay $0x4  }
0x755: {  	v0 =	vadd.s32 $0x1C4, v0  }
0x756: {  	[tilespmem:$0x1A80] =	vst v0  }
0x757: {  	v0 =	vld [tilespmem:s23+$0xFFFFFF90];
	_ =	sdelay $0x4  }
0x758: {  	v0 =	vadd.s32 $0x1C4, v0  }
0x759: {  	[tilespmem:$0x1A90] =	vst v0  }
0x75a: {  	v0 =	vld [tilespmem:s23+$0xFFFFFFA0];
	_ =	sdelay $0x4  }
0x75b: {  	v0 =	vadd.s32 $0x1C4, v0  }
0x75c: {  	[tilespmem:$0x1AA0] =	vst v0  }
0x75d: {  	v0 =	vld [tilespmem:s23+$0xFFFFFFB0];
	_ =	sdelay $0x4  }
0x75e: {  	v0 =	vadd.s32 $0x1C4, v0  }
0x75f: {  	[tilespmem:$0x1AB0] =	vst v0  }
0x760: {  	v0 =	vld [tilespmem:s23+$0xFFFFFFC0];
	_ =	sdelay $0x4  }
0x761: {  	v0 =	vadd.s32 $0x1C4, v0  }
0x762: {  	[tilespmem:$0x1AC0] =	vst v0  }
0x763: {  	v0 =	vld [tilespmem:s23+$0xFFFFFFD0];
	_ =	sdelay $0x4  }
0x764: {  	v0 =	vadd.s32 $0x1C4, v0  }
0x765: {  	[tilespmem:$0x1AD0] =	vst v0  }
0x766: {  	v0 =	vld [tilespmem:s23+$0xFFFFFFE0];
	_ =	sdelay $0x4  }
0x767: {  	v0 =	vadd.s32 $0x1C4, v0  }
0x768: {  	[tilespmem:$0x1AE0] =	vst v0  }
0x769: {  	v0 =	vld [tilespmem:s23+$0xFFFFFFF0];
	_ =	sdelay $0x4  }
0x76a: {  	v0 =	vadd.s32 $0x1C4, v0  }
0x76b: {  	[tilespmem:$0x1AF0] =	vst v0  }
0x76c: {  	[tilespmem:s13], [sflag:$0x2] =	stream.indirect.gather [hbm4b:s8+s9], $0x80, s12, s9, $0xb8;
	[tilespmem:$0x11C00] =	vst v63  }
0x76d: {  	v0 =	vld [tilespmem:s23+$0x0];
	_ =	sdelay $0x4  }
0x76e: {  	v0 =	vadd.s32 $0x1C4, v0  }
0x76f: {  	[tilespmem:$0x1B00] =	vst v0  }
0x770: {  	v0 =	vld [tilespmem:s23+$0x10];
	_ =	sdelay $0x4  }
0x771: {  	v0 =	vadd.s32 $0x1C4, v0  }
0x772: {  	[tilespmem:$0x1B10] =	vst v0  }
0x773: {  	v0 =	vld [tilespmem:s23+$0x20];
	_ =	sdelay $0x4  }
0x774: {  	v0 =	vadd.s32 $0x1C4, v0  }
0x775: {  	[tilespmem:$0x1B20] =	vst v0  }
0x776: {  	v0 =	vld [tilespmem:s23+$0x30];
	_ =	sdelay $0x4  }
0x777: {  	v0 =	vadd.s32 $0x1C4, v0  }
0x778: {  	[tilespmem:$0x1B30] =	vst v0  }
0x779: {  	v0 =	vld [tilespmem:s23+$0x40];
	_ =	sdelay $0x4  }
0x77a: {  	v0 =	vadd.s32 $0x1C4, v0  }
0x77b: {  	[tilespmem:$0x1B40] =	vst v0  }
0x77c: {  	v0 =	vld [tilespmem:s23+$0x50];
	_ =	sdelay $0x4  }
0x77d: {  	v0 =	vadd.s32 $0x1C4, v0  }
0x77e: {  	[tilespmem:$0x1B50] =	vst v0  }
0x77f: {  	v0 =	vld [tilespmem:s23+$0x60];
	_ =	sdelay $0x4  }
0x780: {  	v0 =	vadd.s32 $0x1C4, v0  }
0x781: {  	[tilespmem:$0x1B60] =	vst v0  }
0x782: {  	v0 =	vld [tilespmem:s23+$0x70];
	_ =	sdelay $0x4  }
0x783: {  	v0 =	vadd.s32 $0x1C4, v0  }
0x784: {  	[tilespmem:$0x1B70] =	vst v0  }
0x785: {  	[tilespmem:s15], [sflag:$0x3] =	stream.indirect.gather [hbm4b:s8+s9], $0x80, s14, s9, $0xb8;
	[tilespmem:$0x11C00] =	vst v63  }
0x786: {  	v0 =	vld [tilespmem:s23+$0x80];
	_ =	sdelay $0x4  }
0x787: {  	v0 =	vadd.s32 $0x1C4, v0  }
0x788: {  	[tilespmem:$0x1B80] =	vst v0  }
0x789: {  	v0 =	vld [tilespmem:s23+$0x90];
	_ =	sdelay $0x4  }
0x78a: {  	v0 =	vadd.s32 $0x1C4, v0  }
0x78b: {  	[tilespmem:$0x1B90] =	vst v0  }
0x78c: {  	v0 =	vld [tilespmem:s23+$0xA0];
	_ =	sdelay $0x4  }
0x78d: {  	v0 =	vadd.s32 $0x1C4, v0  }
0x78e: {  	[tilespmem:$0x1BA0] =	vst v0  }
0x78f: {  	v0 =	vld [tilespmem:s23+$0xB0];
	_ =	sdelay $0x4  }
0x790: {  	v0 =	vadd.s32 $0x1C4, v0  }
0x791: {  	[tilespmem:$0x1BB0] =	vst v0  }
0x792: {  	v0 =	vld [tilespmem:s23+$0xC0];
	_ =	sdelay $0x4  }
0x793: {  	v0 =	vadd.s32 $0x1C4, v0  }
0x794: {  	[tilespmem:$0x1BC0] =	vst v0  }
0x795: {  	v0 =	vld [tilespmem:s23+$0xD0];
	_ =	sdelay $0x4  }
0x796: {  	v0 =	vadd.s32 $0x1C4, v0  }
0x797: {  	[tilespmem:$0x1BD0] =	vst v0  }
0x798: {  	v0 =	vld [tilespmem:s23+$0xE0];
	_ =	sdelay $0x4  }
0x799: {  	v0 =	vadd.s32 $0x1C4, v0  }
0x79a: {  	[tilespmem:$0x1BE0] =	vst v0  }
0x79b: {  	v0 =	vld [tilespmem:s23+$0xF0];
	_ =	sdelay $0x4  }
0x79c: {  	v0 =	vadd.s32 $0x1C4, v0  }
0x79d: {  	[tilespmem:$0x1BF0] =	vst v0  }
0x79e: {  	[tilespmem:s17], [sflag:$0x4] =	stream.indirect.gather [hbm4b:s8+s9], $0x80, s16, s9, $0xb8;
	[tilespmem:$0x11C00] =	vst v63  }
0x79f: {  	_ =	swait.ge [sflag:s18], $0x4000  }
0x7a0: {  	[sflag:s18] =	ssyncset.done $0x0  }
0x7a1: {  	s26 =	sadd.s32 s25, s2;
	[sflag:s18] =	ssyncadd.s32 $0xFFFFC000  }
0x7a2: {  	[hbm4b:s26+s1] =	stream.linear.scatter [tilespmem:s11], [sflag:$0x5], $0x4000, $0x38;
	[tilespmem:$0x11C00] =	vst v63  }
0x7a3: {  	_ =	swait.ge [sflag:s19], $0x4000  }
0x7a4: {  	[sflag:s19] =	ssyncset.done $0x0  }
0x7a5: {  	s26 =	sadd.s32 s25, s4;
	[sflag:s19] =	ssyncadd.s32 $0xFFFFC000  }
0x7a6: {  	[hbm4b:s26+s1] =	stream.linear.scatter [tilespmem:s13], [sflag:$0x5], $0x4000, $0x38;
	[tilespmem:$0x11C00] =	vst v63  }
0x7a7: {  	_ =	swait.ge [sflag:s20], $0x4000  }
0x7a8: {  	[sflag:s20] =	ssyncset.done $0x0  }
0x7a9: {  	s26 =	sadd.s32 s25, s30;
	[sflag:s20] =	ssyncadd.s32 $0xFFFFC000  }
0x7aa: {  	[hbm4b:s26+s1] =	stream.linear.scatter [tilespmem:s15], [sflag:$0x5], $0x4000, $0x38;
	[tilespmem:$0x11C00] =	vst v63  }
0x7ab: {  	_ =	swait.ge [sflag:s21], $0x4000  }
0x7ac: {  	[sflag:s21] =	ssyncset.done $0x0  }
0x7ad: {  	s25 =	sadd.s32 s25, s3;
	[sflag:s21] =	ssyncadd.s32 $0xFFFFC000  }
0x7ae: {  	[hbm4b:s25+s1] =	stream.linear.scatter [tilespmem:s17], [sflag:$0x5], $0x4000, $0x38;
	[tilespmem:$0x11C00] =	vst v63  }
0x7af: {  	_ =	swait.ge [sflag:s22], $0x4000  }
0x7b0: {  	[sflag:s22] =	ssyncset.done $0x0  }
0x7b1: {  	[sflag:s22] =	ssyncadd.s32 $0xFFFFC000  }
0x7b2: {  	_ =	swait.ge [sflag:s22], $0x4000  }
0x7b3: {  	[sflag:s22] =	ssyncset.done $0x0  }
0x7b4: {  	[sflag:s22] =	ssyncadd.s32 $0xFFFFC000  }
.Ltmp7:
0x7b5: {  	_ =	swait.ge [sflag:s22], $0x4000;
	(pc) =	sbr.rel @p0 .LBB2_16-.Ltmp7, $4  }
0x7b6: {  	[sflag:s22] =	ssyncset.done $0x0  }
0x7b7: {  	[sflag:s22] =	ssyncadd.s32 $0xFFFFC000  }
0x7b8: {  	_ =	swait.ge [sflag:s22], $0x4000  }
0x7b9: {  	[sflag:s22] =	ssyncset.done $0x0  }
0x7ba: {  	[sflag:s22] =	ssyncadd.s32 $0xFFFFC000  }
0x7bb: {  	v0 =	vld [tilespmem:$0x1980]  }
0x7bc: {  	v1 =	vld [tilespmem:$0x1990]  }
0x7bd: {  	v2 =	vld [tilespmem:$0x19A0]  }
0x7be: {  	v3 =	vld [tilespmem:$0x19B0]  }
0x7bf: {  	v4 =	vld [tilespmem:$0x19C0]  }
0x7c0: {  	v5 =	vld [tilespmem:$0x19D0];
	v0 =	vadd.s32 $0x1C4, v0  }
0x7c1: {  	v55 =	vld [tilespmem:$0x19E0];
	v54 =	vadd.s32 $0x1C4, v1;
	[tilespmem:$0x1A00] =	vst v0  }
0x7c2: {  	v57 =	vld [tilespmem:$0x19F0];
	v56 =	vadd.s32 $0x1C4, v2;
	[tilespmem:$0x1A10] =	vst v54  }
0x7c3: {  	v58 =	vadd.s32 $0x1C4, v3;
	[tilespmem:$0x1A20] =	vst v56  }
0x7c4: {  	v59 =	vadd.s32 $0x1C4, v4;
	[tilespmem:$0x1A30] =	vst v58  }
0x7c5: {  	v60 =	vadd.s32 $0x1C4, v5;
	[tilespmem:$0x1A40] =	vst v59  }
0x7c6: {  	v61 =	vadd.s32 $0x1C4, v55;
	[tilespmem:$0x1A50] =	vst v60  }
0x7c7: {  	v62 =	vadd.s32 $0x1C4, v57;
	[tilespmem:$0x1A60] =	vst v61  }
0x7c8: {  	[tilespmem:$0x1A70] =	vst v62  }
0x7c9: {  	[tilespmem:s11], [sflag:$0x1] =	stream.indirect.gather [hbm4b:s8+s9], $0x80, s10, s9, $0xb8;
	[tilespmem:$0x11C00] =	vst v63  }
0x7ca: {  	_ =	swait.ge [sflag:s18], $0x4000  }
0x7cb: {  	s7 =	sld [smem:$0x7F7]  }
0x7cc: {  	[sflag:s18] =	ssyncset.done $0x0  }
0x7cd: {  	s23 =	simm.s32 $0x0;
	[sflag:s18] =	ssyncadd.s32 $0xFFFFC000  }
0x7ce: {  	[hbm4b:s7+s23] =	stream.linear.scatter [tilespmem:s11], [sflag:$0x5], $0x4000, $0x38;
	[tilespmem:$0x11C00] =	vst v63  }
0x7cf: {  	_ =	swait.ge [sflag:s22], $0x4000  }
0x7d0: {  	[sflag:s22] =	ssyncset.done $0x0  }
0x7d1: {  	s23 =	simm.s32 $0x1480;
	[sflag:s22] =	ssyncadd.s32 $0xFFFFC000  }
0x7d2: {  	v63 =	vld [tilespmem:s23+$0xFFFFFF00];
	_ =	sdelay $0x4  }
0x7d3: {  	v0 =	vadd.s32 $0x1C5, v63  }
0x7d4: {  	[tilespmem:$0x1A00] =	vst v0  }
0x7d5: {  	v0 =	vld [tilespmem:s23+$0xFFFFFF10];
	_ =	sdelay $0x4  }
0x7d6: {  	v0 =	vadd.s32 $0x1C5, v0  }
0x7d7: {  	[tilespmem:$0x1A10] =	vst v0  }
0x7d8: {  	v0 =	vld [tilespmem:s23+$0xFFFFFF20];
	_ =	sdelay $0x4  }
0x7d9: {  	v0 =	vadd.s32 $0x1C5, v0  }
0x7da: {  	[tilespmem:$0x1A20] =	vst v0  }
0x7db: {  	v0 =	vld [tilespmem:s23+$0xFFFFFF30];
	_ =	sdelay $0x4  }
0x7dc: {  	v0 =	vadd.s32 $0x1C5, v0  }
0x7dd: {  	[tilespmem:$0x1A30] =	vst v0  }
0x7de: {  	v0 =	vld [tilespmem:s23+$0xFFFFFF40];
	_ =	sdelay $0x4  }
0x7df: {  	v0 =	vadd.s32 $0x1C5, v0  }
0x7e0: {  	[tilespmem:$0x1A40] =	vst v0  }
0x7e1: {  	v0 =	vld [tilespmem:s23+$0xFFFFFF50];
	_ =	sdelay $0x4  }
0x7e2: {  	v0 =	vadd.s32 $0x1C5, v0  }
0x7e3: {  	[tilespmem:$0x1A50] =	vst v0  }
0x7e4: {  	v0 =	vld [tilespmem:s23+$0xFFFFFF60];
	_ =	sdelay $0x4  }
0x7e5: {  	v0 =	vadd.s32 $0x1C5, v0  }
0x7e6: {  	[tilespmem:$0x1A60] =	vst v0  }
0x7e7: {  	v0 =	vld [tilespmem:s23+$0xFFFFFF70];
	_ =	sdelay $0x4  }
0x7e8: {  	v0 =	vadd.s32 $0x1C5, v0  }
0x7e9: {  	[tilespmem:$0x1A70] =	vst v0  }
0x7ea: {  	[tilespmem:s11], [sflag:$0x1] =	stream.indirect.gather [hbm4b:s8+s9], $0x80, s10, s9, $0xb8;
	[tilespmem:$0x11C00] =	vst v63  }
0x7eb: {  	v0 =	vld [tilespmem:s23+$0xFFFFFF80];
	_ =	sdelay $0x4  }
0x7ec: {  	v0 =	vadd.s32 $0x1C5, v0  }
0x7ed: {  	[tilespmem:$0x1A80] =	vst v0  }
0x7ee: {  	v0 =	vld [tilespmem:s23+$0xFFFFFF90];
	_ =	sdelay $0x4  }
0x7ef: {  	v0 =	vadd.s32 $0x1C5, v0  }
0x7f0: {  	[tilespmem:$0x1A90] =	vst v0  }
0x7f1: {  	v0 =	vld [tilespmem:s23+$0xFFFFFFA0];
	_ =	sdelay $0x4  }
0x7f2: {  	v0 =	vadd.s32 $0x1C5, v0  }
0x7f3: {  	[tilespmem:$0x1AA0] =	vst v0  }
0x7f4: {  	v0 =	vld [tilespmem:s23+$0xFFFFFFB0];
	_ =	sdelay $0x4  }
0x7f5: {  	v0 =	vadd.s32 $0x1C5, v0  }
0x7f6: {  	[tilespmem:$0x1AB0] =	vst v0  }
0x7f7: {  	v0 =	vld [tilespmem:s23+$0xFFFFFFC0];
	_ =	sdelay $0x4  }
0x7f8: {  	v0 =	vadd.s32 $0x1C5, v0  }
0x7f9: {  	[tilespmem:$0x1AC0] =	vst v0  }
0x7fa: {  	v0 =	vld [tilespmem:s23+$0xFFFFFFD0];
	_ =	sdelay $0x4  }
0x7fb: {  	v0 =	vadd.s32 $0x1C5, v0  }
0x7fc: {  	[tilespmem:$0x1AD0] =	vst v0  }
0x7fd: {  	v0 =	vld [tilespmem:s23+$0xFFFFFFE0];
	_ =	sdelay $0x4  }
0x7fe: {  	v0 =	vadd.s32 $0x1C5, v0  }
0x7ff: {  	[tilespmem:$0x1AE0] =	vst v0  }
0x800: {  	v0 =	vld [tilespmem:s23+$0xFFFFFFF0];
	_ =	sdelay $0x4  }
0x801: {  	v0 =	vadd.s32 $0x1C5, v0  }
0x802: {  	[tilespmem:$0x1AF0] =	vst v0  }
0x803: {  	[tilespmem:s13], [sflag:$0x2] =	stream.indirect.gather [hbm4b:s8+s9], $0x80, s12, s9, $0xb8;
	[tilespmem:$0x11C00] =	vst v63  }
0x804: {  	v0 =	vld [tilespmem:s23+$0x0];
	_ =	sdelay $0x4  }
0x805: {  	v0 =	vadd.s32 $0x1C5, v0  }
0x806: {  	[tilespmem:$0x1B00] =	vst v0  }
0x807: {  	v0 =	vld [tilespmem:s23+$0x10];
	_ =	sdelay $0x4  }
0x808: {  	v0 =	vadd.s32 $0x1C5, v0  }
0x809: {  	[tilespmem:$0x1B10] =	vst v0  }
0x80a: {  	v0 =	vld [tilespmem:s23+$0x20];
	_ =	sdelay $0x4  }
0x80b: {  	v0 =	vadd.s32 $0x1C5, v0  }
0x80c: {  	[tilespmem:$0x1B20] =	vst v0  }
0x80d: {  	v0 =	vld [tilespmem:s23+$0x30];
	_ =	sdelay $0x4  }
0x80e: {  	v0 =	vadd.s32 $0x1C5, v0  }
0x80f: {  	[tilespmem:$0x1B30] =	vst v0  }
0x810: {  	v0 =	vld [tilespmem:s23+$0x40];
	_ =	sdelay $0x4  }
0x811: {  	v0 =	vadd.s32 $0x1C5, v0  }
0x812: {  	[tilespmem:$0x1B40] =	vst v0  }
0x813: {  	v0 =	vld [tilespmem:s23+$0x50];
	_ =	sdelay $0x4  }
0x814: {  	v0 =	vadd.s32 $0x1C5, v0  }
0x815: {  	[tilespmem:$0x1B50] =	vst v0  }
0x816: {  	v0 =	vld [tilespmem:s23+$0x60];
	_ =	sdelay $0x4  }
0x817: {  	v0 =	vadd.s32 $0x1C5, v0  }
0x818: {  	[tilespmem:$0x1B60] =	vst v0  }
0x819: {  	v0 =	vld [tilespmem:s23+$0x70];
	_ =	sdelay $0x4  }
0x81a: {  	v0 =	vadd.s32 $0x1C5, v0  }
0x81b: {  	[tilespmem:$0x1B70] =	vst v0  }
0x81c: {  	[tilespmem:s15], [sflag:$0x3] =	stream.indirect.gather [hbm4b:s8+s9], $0x80, s14, s9, $0xb8;
	[tilespmem:$0x11C00] =	vst v63  }
0x81d: {  	v0 =	vld [tilespmem:s23+$0x80];
	_ =	sdelay $0x4  }
0x81e: {  	v0 =	vadd.s32 $0x1C5, v0  }
0x81f: {  	[tilespmem:$0x1B80] =	vst v0  }
0x820: {  	v0 =	vld [tilespmem:s23+$0x90];
	_ =	sdelay $0x4  }
0x821: {  	v0 =	vadd.s32 $0x1C5, v0  }
0x822: {  	[tilespmem:$0x1B90] =	vst v0  }
0x823: {  	v0 =	vld [tilespmem:s23+$0xA0];
	_ =	sdelay $0x4  }
0x824: {  	v0 =	vadd.s32 $0x1C5, v0  }
0x825: {  	[tilespmem:$0x1BA0] =	vst v0  }
0x826: {  	v0 =	vld [tilespmem:s23+$0xB0];
	_ =	sdelay $0x4  }
0x827: {  	v0 =	vadd.s32 $0x1C5, v0  }
0x828: {  	[tilespmem:$0x1BB0] =	vst v0  }
0x829: {  	v0 =	vld [tilespmem:s23+$0xC0];
	_ =	sdelay $0x4  }
0x82a: {  	v0 =	vadd.s32 $0x1C5, v0  }
0x82b: {  	[tilespmem:$0x1BC0] =	vst v0  }
0x82c: {  	v0 =	vld [tilespmem:s23+$0xD0];
	_ =	sdelay $0x4  }
0x82d: {  	v0 =	vadd.s32 $0x1C5, v0  }
0x82e: {  	[tilespmem:$0x1BD0] =	vst v0  }
0x82f: {  	v0 =	vld [tilespmem:s23+$0xE0];
	_ =	sdelay $0x4  }
0x830: {  	v0 =	vadd.s32 $0x1C5, v0  }
0x831: {  	[tilespmem:$0x1BE0] =	vst v0  }
0x832: {  	v0 =	vld [tilespmem:s23+$0xF0];
	_ =	sdelay $0x4  }
0x833: {  	v0 =	vadd.s32 $0x1C5, v0  }
0x834: {  	[tilespmem:$0x1BF0] =	vst v0  }
0x835: {  	[tilespmem:s17], [sflag:$0x4] =	stream.indirect.gather [hbm4b:s8+s9], $0x80, s16, s9, $0xb8;
	[tilespmem:$0x11C00] =	vst v63  }
0x836: {  	_ =	swait.ge [sflag:s18], $0x4000  }
0x837: {  	[sflag:s18] =	ssyncset.done $0x0;
	s30 =	rddreg [dreg:$0x1f]  }
0x838: {  	[sflag:s18] =	ssyncadd.s32 $0xFFFFC000;
	s24 =	sadd.s32 $0x0, s30  }
0x839: {  	[hbm4b:s24+s1] =	stream.linear.scatter [tilespmem:s11], [sflag:$0x5], $0x4000, $0x38;
	[tilespmem:$0x11C00] =	vst v63  }
0x83a: {  	_ =	swait.ge [sflag:s19], $0x4000  }
0x83b: {  	[sflag:s19] =	ssyncset.done $0x0  }
0x83c: {  	s28 =	sadd.s32 $0x0, s5;
	[sflag:s19] =	ssyncadd.s32 $0xFFFFC000  }
0x83d: {  	[hbm4b:s28+s1] =	stream.linear.scatter [tilespmem:s13], [sflag:$0x5], $0x4000, $0x38;
	[tilespmem:$0x11C00] =	vst v63  }
0x83e: {  	_ =	swait.ge [sflag:s20], $0x4000  }
0x83f: {  	[sflag:s20] =	ssyncset.done $0x0  }
0x840: {  	s29 =	sadd.s32 $0x0, s6;
	[sflag:s20] =	ssyncadd.s32 $0xFFFFC000  }
0x841: {  	[hbm4b:s29+s1] =	stream.linear.scatter [tilespmem:s15], [sflag:$0x5], $0x4000, $0x38;
	[tilespmem:$0x11C00] =	vst v63  }
0x842: {  	_ =	swait.ge [sflag:s21], $0x4000  }
0x843: {  	s7 =	smov.u32 s5;
	s5 =	sld [smem:$0x7EA];
	_ =	sdelay $0x1  }
0x844: {  	[sflag:s21] =	ssyncset.done $0x0  }
0x845: {  	[sflag:s21] =	ssyncadd.s32 $0xFFFFC000;
	s31 =	sadd.s32 $0x0, s5  }
0x846: {  	[hbm4b:s31+s1] =	stream.linear.scatter [tilespmem:s17], [sflag:$0x5], $0x4000, $0x38;
	[tilespmem:$0x11C00] =	vst v63  }
0x847: {  	_ =	swait.ge [sflag:s22], $0x4000  }
0x848: {  	[sflag:s22] =	ssyncset.done $0x0  }
0x849: {  	[sflag:s22] =	ssyncadd.s32 $0xFFFFC000  }
0x84a: {  	_ =	swait.ge [sflag:s22], $0x4000  }
0x84b: {  	[sflag:s22] =	ssyncset.done $0x0  }
0x84c: {  	[sflag:s22] =	ssyncadd.s32 $0xFFFFC000  }
0x84d: {  	_ =	swait.ge [sflag:s22], $0x4000  }
0x84e: {  	[sflag:s22] =	ssyncset.done $0x0  }
0x84f: {  	[sflag:s22] =	ssyncadd.s32 $0xFFFFC000  }
0x850: {  	_ =	swait.ge [sflag:s22], $0x4000  }
0x851: {  	s24 =	simm.s32 $0x2000;
	[sflag:s22] =	ssyncset.done $0x0  }
.LBB2_18:
0x852: {  	p0 =	sne.s32 s24, $0x4000;
	[sflag:s22] =	ssyncadd.s32 $0xFFFFC000;
	s23 =	sadd.s32 $0x200, s23  }
0x853: {  	s25 =	smov.u32 s24;
	s24 =	sadd.s32 $0x2000, s24;
	v0 =	vld [tilespmem:s23+$0xFFFFFF00];
	_ =	sdelay $0x4  }
0x854: {  	v0 =	vadd.s32 $0x1C5, v0  }
0x855: {  	[tilespmem:$0x1A00] =	vst v0  }
0x856: {  	v0 =	vld [tilespmem:s23+$0xFFFFFF10];
	_ =	sdelay $0x4  }
0x857: {  	v0 =	vadd.s32 $0x1C5, v0  }
0x858: {  	[tilespmem:$0x1A10] =	vst v0  }
0x859: {  	v0 =	vld [tilespmem:s23+$0xFFFFFF20];
	_ =	sdelay $0x4  }
0x85a: {  	v0 =	vadd.s32 $0x1C5, v0  }
0x85b: {  	[tilespmem:$0x1A20] =	vst v0  }
0x85c: {  	v0 =	vld [tilespmem:s23+$0xFFFFFF30];
	_ =	sdelay $0x4  }
0x85d: {  	v0 =	vadd.s32 $0x1C5, v0  }
0x85e: {  	[tilespmem:$0x1A30] =	vst v0  }
0x85f: {  	v0 =	vld [tilespmem:s23+$0xFFFFFF40];
	_ =	sdelay $0x4  }
0x860: {  	v0 =	vadd.s32 $0x1C5, v0  }
0x861: {  	[tilespmem:$0x1A40] =	vst v0  }
0x862: {  	v0 =	vld [tilespmem:s23+$0xFFFFFF50];
	_ =	sdelay $0x4  }
0x863: {  	v0 =	vadd.s32 $0x1C5, v0  }
0x864: {  	[tilespmem:$0x1A50] =	vst v0  }
0x865: {  	v0 =	vld [tilespmem:s23+$0xFFFFFF60];
	_ =	sdelay $0x4  }
0x866: {  	v0 =	vadd.s32 $0x1C5, v0  }
0x867: {  	[tilespmem:$0x1A60] =	vst v0  }
0x868: {  	v0 =	vld [tilespmem:s23+$0xFFFFFF70];
	_ =	sdelay $0x4  }
0x869: {  	v0 =	vadd.s32 $0x1C5, v0  }
0x86a: {  	[tilespmem:$0x1A70] =	vst v0  }
0x86b: {  	[tilespmem:s11], [sflag:$0x1] =	stream.indirect.gather [hbm4b:s8+s9], $0x80, s10, s9, $0xb8;
	[tilespmem:$0x11C00] =	vst v63  }
0x86c: {  	v0 =	vld [tilespmem:s23+$0xFFFFFF80];
	_ =	sdelay $0x4  }
0x86d: {  	v0 =	vadd.s32 $0x1C5, v0  }
0x86e: {  	[tilespmem:$0x1A80] =	vst v0  }
0x86f: {  	v0 =	vld [tilespmem:s23+$0xFFFFFF90];
	_ =	sdelay $0x4  }
0x870: {  	v0 =	vadd.s32 $0x1C5, v0  }
0x871: {  	[tilespmem:$0x1A90] =	vst v0  }
0x872: {  	v0 =	vld [tilespmem:s23+$0xFFFFFFA0];
	_ =	sdelay $0x4  }
0x873: {  	v0 =	vadd.s32 $0x1C5, v0  }
0x874: {  	[tilespmem:$0x1AA0] =	vst v0  }
0x875: {  	v0 =	vld [tilespmem:s23+$0xFFFFFFB0];
	_ =	sdelay $0x4  }
0x876: {  	v0 =	vadd.s32 $0x1C5, v0  }
0x877: {  	[tilespmem:$0x1AB0] =	vst v0  }
0x878: {  	v0 =	vld [tilespmem:s23+$0xFFFFFFC0];
	_ =	sdelay $0x4  }
0x879: {  	v0 =	vadd.s32 $0x1C5, v0  }
0x87a: {  	[tilespmem:$0x1AC0] =	vst v0  }
0x87b: {  	v0 =	vld [tilespmem:s23+$0xFFFFFFD0];
	_ =	sdelay $0x4  }
0x87c: {  	v0 =	vadd.s32 $0x1C5, v0  }
0x87d: {  	[tilespmem:$0x1AD0] =	vst v0  }
0x87e: {  	v0 =	vld [tilespmem:s23+$0xFFFFFFE0];
	_ =	sdelay $0x4  }
0x87f: {  	v0 =	vadd.s32 $0x1C5, v0  }
0x880: {  	[tilespmem:$0x1AE0] =	vst v0  }
0x881: {  	v0 =	vld [tilespmem:s23+$0xFFFFFFF0];
	_ =	sdelay $0x4  }
0x882: {  	v0 =	vadd.s32 $0x1C5, v0  }
0x883: {  	[tilespmem:$0x1AF0] =	vst v0  }
0x884: {  	[tilespmem:s13], [sflag:$0x2] =	stream.indirect.gather [hbm4b:s8+s9], $0x80, s12, s9, $0xb8;
	[tilespmem:$0x11C00] =	vst v63  }
0x885: {  	v0 =	vld [tilespmem:s23+$0x0];
	_ =	sdelay $0x4  }
0x886: {  	v0 =	vadd.s32 $0x1C5, v0  }
0x887: {  	[tilespmem:$0x1B00] =	vst v0  }
0x888: {  	v0 =	vld [tilespmem:s23+$0x10];
	_ =	sdelay $0x4  }
0x889: {  	v0 =	vadd.s32 $0x1C5, v0  }
0x88a: {  	[tilespmem:$0x1B10] =	vst v0  }
0x88b: {  	v0 =	vld [tilespmem:s23+$0x20];
	_ =	sdelay $0x4  }
0x88c: {  	v0 =	vadd.s32 $0x1C5, v0  }
0x88d: {  	[tilespmem:$0x1B20] =	vst v0  }
0x88e: {  	v0 =	vld [tilespmem:s23+$0x30];
	_ =	sdelay $0x4  }
0x88f: {  	v0 =	vadd.s32 $0x1C5, v0  }
0x890: {  	[tilespmem:$0x1B30] =	vst v0  }
0x891: {  	v0 =	vld [tilespmem:s23+$0x40];
	_ =	sdelay $0x4  }
0x892: {  	v0 =	vadd.s32 $0x1C5, v0  }
0x893: {  	[tilespmem:$0x1B40] =	vst v0  }
0x894: {  	v0 =	vld [tilespmem:s23+$0x50];
	_ =	sdelay $0x4  }
0x895: {  	v0 =	vadd.s32 $0x1C5, v0  }
0x896: {  	[tilespmem:$0x1B50] =	vst v0  }
0x897: {  	v0 =	vld [tilespmem:s23+$0x60];
	_ =	sdelay $0x4  }
0x898: {  	v0 =	vadd.s32 $0x1C5, v0  }
0x899: {  	[tilespmem:$0x1B60] =	vst v0  }
0x89a: {  	v0 =	vld [tilespmem:s23+$0x70];
	_ =	sdelay $0x4  }
0x89b: {  	v0 =	vadd.s32 $0x1C5, v0  }
0x89c: {  	[tilespmem:$0x1B70] =	vst v0  }
0x89d: {  	[tilespmem:s15], [sflag:$0x3] =	stream.indirect.gather [hbm4b:s8+s9], $0x80, s14, s9, $0xb8;
	[tilespmem:$0x11C00] =	vst v63  }
0x89e: {  	v0 =	vld [tilespmem:s23+$0x80];
	_ =	sdelay $0x4  }
0x89f: {  	v0 =	vadd.s32 $0x1C5, v0  }
0x8a0: {  	[tilespmem:$0x1B80] =	vst v0  }
0x8a1: {  	v0 =	vld [tilespmem:s23+$0x90];
	_ =	sdelay $0x4  }
0x8a2: {  	v0 =	vadd.s32 $0x1C5, v0  }
0x8a3: {  	[tilespmem:$0x1B90] =	vst v0  }
0x8a4: {  	v0 =	vld [tilespmem:s23+$0xA0];
	_ =	sdelay $0x4  }
0x8a5: {  	v0 =	vadd.s32 $0x1C5, v0  }
0x8a6: {  	[tilespmem:$0x1BA0] =	vst v0  }
0x8a7: {  	v0 =	vld [tilespmem:s23+$0xB0];
	_ =	sdelay $0x4  }
0x8a8: {  	v0 =	vadd.s32 $0x1C5, v0  }
0x8a9: {  	[tilespmem:$0x1BB0] =	vst v0  }
0x8aa: {  	v0 =	vld [tilespmem:s23+$0xC0];
	_ =	sdelay $0x4  }
0x8ab: {  	v0 =	vadd.s32 $0x1C5, v0  }
0x8ac: {  	[tilespmem:$0x1BC0] =	vst v0  }
0x8ad: {  	v0 =	vld [tilespmem:s23+$0xD0];
	_ =	sdelay $0x4  }
0x8ae: {  	v0 =	vadd.s32 $0x1C5, v0  }
0x8af: {  	[tilespmem:$0x1BD0] =	vst v0  }
0x8b0: {  	v0 =	vld [tilespmem:s23+$0xE0];
	_ =	sdelay $0x4  }
0x8b1: {  	v0 =	vadd.s32 $0x1C5, v0  }
0x8b2: {  	[tilespmem:$0x1BE0] =	vst v0  }
0x8b3: {  	v0 =	vld [tilespmem:s23+$0xF0];
	_ =	sdelay $0x4  }
0x8b4: {  	v0 =	vadd.s32 $0x1C5, v0  }
0x8b5: {  	[tilespmem:$0x1BF0] =	vst v0  }
0x8b6: {  	[tilespmem:s17], [sflag:$0x4] =	stream.indirect.gather [hbm4b:s8+s9], $0x80, s16, s9, $0xb8;
	[tilespmem:$0x11C00] =	vst v63  }
0x8b7: {  	_ =	swait.ge [sflag:s18], $0x4000  }
0x8b8: {  	[sflag:s18] =	ssyncset.done $0x0  }
0x8b9: {  	s26 =	sadd.s32 s25, s30;
	[sflag:s18] =	ssyncadd.s32 $0xFFFFC000  }
0x8ba: {  	[hbm4b:s26+s1] =	stream.linear.scatter [tilespmem:s11], [sflag:$0x5], $0x4000, $0x38;
	[tilespmem:$0x11C00] =	vst v63  }
0x8bb: {  	_ =	swait.ge [sflag:s19], $0x4000  }
0x8bc: {  	[sflag:s19] =	ssyncset.done $0x0  }
0x8bd: {  	s26 =	sadd.s32 s25, s7;
	[sflag:s19] =	ssyncadd.s32 $0xFFFFC000  }
0x8be: {  	[hbm4b:s26+s1] =	stream.linear.scatter [tilespmem:s13], [sflag:$0x5], $0x4000, $0x38;
	[tilespmem:$0x11C00] =	vst v63  }
0x8bf: {  	_ =	swait.ge [sflag:s20], $0x4000  }
0x8c0: {  	[sflag:s20] =	ssyncset.done $0x0  }
0x8c1: {  	s26 =	sadd.s32 s25, s6;
	[sflag:s20] =	ssyncadd.s32 $0xFFFFC000  }
0x8c2: {  	[hbm4b:s26+s1] =	stream.linear.scatter [tilespmem:s15], [sflag:$0x5], $0x4000, $0x38;
	[tilespmem:$0x11C00] =	vst v63  }
0x8c3: {  	_ =	swait.ge [sflag:s21], $0x4000  }
0x8c4: {  	[sflag:s21] =	ssyncset.done $0x0  }
0x8c5: {  	s25 =	sadd.s32 s25, s5;
	[sflag:s21] =	ssyncadd.s32 $0xFFFFC000  }
0x8c6: {  	[hbm4b:s25+s1] =	stream.linear.scatter [tilespmem:s17], [sflag:$0x5], $0x4000, $0x38;
	[tilespmem:$0x11C00] =	vst v63  }
0x8c7: {  	_ =	swait.ge [sflag:s22], $0x4000  }
0x8c8: {  	[sflag:s22] =	ssyncset.done $0x0  }
0x8c9: {  	[sflag:s22] =	ssyncadd.s32 $0xFFFFC000  }
0x8ca: {  	_ =	swait.ge [sflag:s22], $0x4000  }
0x8cb: {  	[sflag:s22] =	ssyncset.done $0x0  }
0x8cc: {  	[sflag:s22] =	ssyncadd.s32 $0xFFFFC000  }
.Ltmp8:
0x8cd: {  	_ =	swait.ge [sflag:s22], $0x4000;
	(pc) =	sbr.rel @p0 .LBB2_18-.Ltmp8, $4  }
0x8ce: {  	[sflag:s22] =	ssyncset.done $0x0  }
0x8cf: {  	[sflag:s22] =	ssyncadd.s32 $0xFFFFC000  }
0x8d0: {  	_ =	swait.ge [sflag:s22], $0x4000  }
0x8d1: {  	[sflag:s22] =	ssyncset.done $0x0  }
0x8d2: {  	[sflag:s22] =	ssyncadd.s32 $0xFFFFC000  }
0x8d3: {  	v0 =	vld [tilespmem:$0x1980]  }
0x8d4: {  	v1 =	vld [tilespmem:$0x1990]  }
0x8d5: {  	v2 =	vld [tilespmem:$0x19A0]  }
0x8d6: {  	v3 =	vld [tilespmem:$0x19B0]  }
0x8d7: {  	v4 =	vld [tilespmem:$0x19C0]  }
0x8d8: {  	v5 =	vld [tilespmem:$0x19D0];
	v0 =	vadd.s32 $0x1C5, v0  }
0x8d9: {  	v55 =	vld [tilespmem:$0x19E0];
	v54 =	vadd.s32 $0x1C5, v1;
	[tilespmem:$0x1A00] =	vst v0  }
0x8da: {  	v57 =	vld [tilespmem:$0x19F0];
	v56 =	vadd.s32 $0x1C5, v2;
	[tilespmem:$0x1A10] =	vst v54  }
0x8db: {  	v58 =	vadd.s32 $0x1C5, v3;
	[tilespmem:$0x1A20] =	vst v56  }
0x8dc: {  	v59 =	vadd.s32 $0x1C5, v4;
	[tilespmem:$0x1A30] =	vst v58  }
0x8dd: {  	v60 =	vadd.s32 $0x1C5, v5;
	[tilespmem:$0x1A40] =	vst v59  }
0x8de: {  	v61 =	vadd.s32 $0x1C5, v55;
	[tilespmem:$0x1A50] =	vst v60  }
0x8df: {  	v62 =	vadd.s32 $0x1C5, v57;
	[tilespmem:$0x1A60] =	vst v61  }
0x8e0: {  	[tilespmem:$0x1A70] =	vst v62  }
0x8e1: {  	[tilespmem:s11], [sflag:$0x1] =	stream.indirect.gather [hbm4b:s8+s9], $0x80, s10, s9, $0xb8;
	[tilespmem:$0x11C00] =	vst v63  }
0x8e2: {  	_ =	swait.ge [sflag:s18], $0x4000  }
0x8e3: {  	s5 =	sld [smem:$0x7F8]  }
0x8e4: {  	[sflag:s18] =	ssyncset.done $0x0  }
0x8e5: {  	s23 =	simm.s32 $0x0;
	[sflag:s18] =	ssyncadd.s32 $0xFFFFC000  }
0x8e6: {  	[hbm4b:s5+s23] =	stream.linear.scatter [tilespmem:s11], [sflag:$0x5], $0x4000, $0x38;
	[tilespmem:$0x11C00] =	vst v63  }
0x8e7: {  	_ =	swait.ge [sflag:s22], $0x4000  }
0x8e8: {  	[sflag:s22] =	ssyncset.done $0x0  }
0x8e9: {  	s23 =	simm.s32 $0x1480;
	[sflag:s22] =	ssyncadd.s32 $0xFFFFC000  }
0x8ea: {  	v63 =	vld [tilespmem:s23+$0xFFFFFF00];
	_ =	sdelay $0x4  }
0x8eb: {  	v0 =	vadd.s32 $0x1C6, v63  }
0x8ec: {  	[tilespmem:$0x1A00] =	vst v0  }
0x8ed: {  	v0 =	vld [tilespmem:s23+$0xFFFFFF10];
	_ =	sdelay $0x4  }
0x8ee: {  	v0 =	vadd.s32 $0x1C6, v0  }
0x8ef: {  	[tilespmem:$0x1A10] =	vst v0  }
0x8f0: {  	v0 =	vld [tilespmem:s23+$0xFFFFFF20];
	_ =	sdelay $0x4  }
0x8f1: {  	v0 =	vadd.s32 $0x1C6, v0  }
0x8f2: {  	[tilespmem:$0x1A20] =	vst v0  }
0x8f3: {  	v0 =	vld [tilespmem:s23+$0xFFFFFF30];
	_ =	sdelay $0x4  }
0x8f4: {  	v0 =	vadd.s32 $0x1C6, v0  }
0x8f5: {  	[tilespmem:$0x1A30] =	vst v0  }
0x8f6: {  	v0 =	vld [tilespmem:s23+$0xFFFFFF40];
	_ =	sdelay $0x4  }
0x8f7: {  	v0 =	vadd.s32 $0x1C6, v0  }
0x8f8: {  	[tilespmem:$0x1A40] =	vst v0  }
0x8f9: {  	v0 =	vld [tilespmem:s23+$0xFFFFFF50];
	_ =	sdelay $0x4  }
0x8fa: {  	v0 =	vadd.s32 $0x1C6, v0  }
0x8fb: {  	[tilespmem:$0x1A50] =	vst v0  }
0x8fc: {  	v0 =	vld [tilespmem:s23+$0xFFFFFF60];
	_ =	sdelay $0x4  }
0x8fd: {  	v0 =	vadd.s32 $0x1C6, v0  }
0x8fe: {  	[tilespmem:$0x1A60] =	vst v0  }
0x8ff: {  	v0 =	vld [tilespmem:s23+$0xFFFFFF70];
	_ =	sdelay $0x4  }
0x900: {  	v0 =	vadd.s32 $0x1C6, v0  }
0x901: {  	[tilespmem:$0x1A70] =	vst v0  }
0x902: {  	[tilespmem:s11], [sflag:$0x1] =	stream.indirect.gather [hbm4b:s8+s9], $0x80, s10, s9, $0xb8;
	[tilespmem:$0x11C00] =	vst v63  }
0x903: {  	v0 =	vld [tilespmem:s23+$0xFFFFFF80];
	_ =	sdelay $0x4  }
0x904: {  	v0 =	vadd.s32 $0x1C6, v0  }
0x905: {  	[tilespmem:$0x1A80] =	vst v0  }
0x906: {  	v0 =	vld [tilespmem:s23+$0xFFFFFF90];
	_ =	sdelay $0x4  }
0x907: {  	v0 =	vadd.s32 $0x1C6, v0  }
0x908: {  	[tilespmem:$0x1A90] =	vst v0  }
0x909: {  	v0 =	vld [tilespmem:s23+$0xFFFFFFA0];
	_ =	sdelay $0x4  }
0x90a: {  	v0 =	vadd.s32 $0x1C6, v0  }
0x90b: {  	[tilespmem:$0x1AA0] =	vst v0  }
0x90c: {  	v0 =	vld [tilespmem:s23+$0xFFFFFFB0];
	_ =	sdelay $0x4  }
0x90d: {  	v0 =	vadd.s32 $0x1C6, v0  }
0x90e: {  	[tilespmem:$0x1AB0] =	vst v0  }
0x90f: {  	v0 =	vld [tilespmem:s23+$0xFFFFFFC0];
	_ =	sdelay $0x4  }
0x910: {  	v0 =	vadd.s32 $0x1C6, v0  }
0x911: {  	[tilespmem:$0x1AC0] =	vst v0  }
0x912: {  	v0 =	vld [tilespmem:s23+$0xFFFFFFD0];
	_ =	sdelay $0x4  }
0x913: {  	v0 =	vadd.s32 $0x1C6, v0  }
0x914: {  	[tilespmem:$0x1AD0] =	vst v0  }
0x915: {  	v0 =	vld [tilespmem:s23+$0xFFFFFFE0];
	_ =	sdelay $0x4  }
0x916: {  	v0 =	vadd.s32 $0x1C6, v0  }
0x917: {  	[tilespmem:$0x1AE0] =	vst v0  }
0x918: {  	v0 =	vld [tilespmem:s23+$0xFFFFFFF0];
	_ =	sdelay $0x4  }
0x919: {  	v0 =	vadd.s32 $0x1C6, v0  }
0x91a: {  	[tilespmem:$0x1AF0] =	vst v0  }
0x91b: {  	[tilespmem:s13], [sflag:$0x2] =	stream.indirect.gather [hbm4b:s8+s9], $0x80, s12, s9, $0xb8;
	[tilespmem:$0x11C00] =	vst v63  }
0x91c: {  	v0 =	vld [tilespmem:s23+$0x0];
	_ =	sdelay $0x4  }
0x91d: {  	v0 =	vadd.s32 $0x1C6, v0  }
0x91e: {  	[tilespmem:$0x1B00] =	vst v0  }
0x91f: {  	v0 =	vld [tilespmem:s23+$0x10];
	_ =	sdelay $0x4  }
0x920: {  	v0 =	vadd.s32 $0x1C6, v0  }
0x921: {  	[tilespmem:$0x1B10] =	vst v0  }
0x922: {  	v0 =	vld [tilespmem:s23+$0x20];
	_ =	sdelay $0x4  }
0x923: {  	v0 =	vadd.s32 $0x1C6, v0  }
0x924: {  	[tilespmem:$0x1B20] =	vst v0  }
0x925: {  	v0 =	vld [tilespmem:s23+$0x30];
	_ =	sdelay $0x4  }
0x926: {  	v0 =	vadd.s32 $0x1C6, v0  }
0x927: {  	[tilespmem:$0x1B30] =	vst v0  }
0x928: {  	v0 =	vld [tilespmem:s23+$0x40];
	_ =	sdelay $0x4  }
0x929: {  	v0 =	vadd.s32 $0x1C6, v0  }
0x92a: {  	[tilespmem:$0x1B40] =	vst v0  }
0x92b: {  	v0 =	vld [tilespmem:s23+$0x50];
	_ =	sdelay $0x4  }
0x92c: {  	v0 =	vadd.s32 $0x1C6, v0  }
0x92d: {  	[tilespmem:$0x1B50] =	vst v0  }
0x92e: {  	v0 =	vld [tilespmem:s23+$0x60];
	_ =	sdelay $0x4  }
0x92f: {  	v0 =	vadd.s32 $0x1C6, v0  }
0x930: {  	[tilespmem:$0x1B60] =	vst v0  }
0x931: {  	v0 =	vld [tilespmem:s23+$0x70];
	_ =	sdelay $0x4  }
0x932: {  	v0 =	vadd.s32 $0x1C6, v0  }
0x933: {  	[tilespmem:$0x1B70] =	vst v0  }
0x934: {  	[tilespmem:s15], [sflag:$0x3] =	stream.indirect.gather [hbm4b:s8+s9], $0x80, s14, s9, $0xb8;
	[tilespmem:$0x11C00] =	vst v63  }
0x935: {  	v0 =	vld [tilespmem:s23+$0x80];
	_ =	sdelay $0x4  }
0x936: {  	v0 =	vadd.s32 $0x1C6, v0  }
0x937: {  	[tilespmem:$0x1B80] =	vst v0  }
0x938: {  	v0 =	vld [tilespmem:s23+$0x90];
	_ =	sdelay $0x4  }
0x939: {  	v0 =	vadd.s32 $0x1C6, v0  }
0x93a: {  	[tilespmem:$0x1B90] =	vst v0  }
0x93b: {  	v0 =	vld [tilespmem:s23+$0xA0];
	_ =	sdelay $0x4  }
0x93c: {  	v0 =	vadd.s32 $0x1C6, v0  }
0x93d: {  	[tilespmem:$0x1BA0] =	vst v0  }
0x93e: {  	v0 =	vld [tilespmem:s23+$0xB0];
	_ =	sdelay $0x4  }
0x93f: {  	v0 =	vadd.s32 $0x1C6, v0  }
0x940: {  	[tilespmem:$0x1BB0] =	vst v0  }
0x941: {  	v0 =	vld [tilespmem:s23+$0xC0];
	_ =	sdelay $0x4  }
0x942: {  	v0 =	vadd.s32 $0x1C6, v0  }
0x943: {  	[tilespmem:$0x1BC0] =	vst v0  }
0x944: {  	v0 =	vld [tilespmem:s23+$0xD0];
	_ =	sdelay $0x4  }
0x945: {  	v0 =	vadd.s32 $0x1C6, v0  }
0x946: {  	[tilespmem:$0x1BD0] =	vst v0  }
0x947: {  	v0 =	vld [tilespmem:s23+$0xE0];
	_ =	sdelay $0x4  }
0x948: {  	v0 =	vadd.s32 $0x1C6, v0  }
0x949: {  	[tilespmem:$0x1BE0] =	vst v0  }
0x94a: {  	v0 =	vld [tilespmem:s23+$0xF0];
	_ =	sdelay $0x4  }
0x94b: {  	v0 =	vadd.s32 $0x1C6, v0  }
0x94c: {  	[tilespmem:$0x1BF0] =	vst v0  }
0x94d: {  	[tilespmem:s17], [sflag:$0x4] =	stream.indirect.gather [hbm4b:s8+s9], $0x80, s16, s9, $0xb8;
	[tilespmem:$0x11C00] =	vst v63  }
0x94e: {  	_ =	swait.ge [sflag:s18], $0x4000  }
0x94f: {  	s5 =	sld [smem:$0x7FB];
	_ =	sdelay $0x1  }
0x950: {  	[sflag:s18] =	ssyncset.done $0x0  }
0x951: {  	[sflag:s18] =	ssyncadd.s32 $0xFFFFC000;
	s24 =	sadd.s32 $0x0, s5  }
0x952: {  	[hbm4b:s24+s1] =	stream.linear.scatter [tilespmem:s11], [sflag:$0x5], $0x4000, $0x38;
	[tilespmem:$0x11C00] =	vst v63  }
0x953: {  	_ =	swait.ge [sflag:s19], $0x4000  }
0x954: {  	s7 =	sld [smem:$0x7FD];
	_ =	sdelay $0x1  }
0x955: {  	[sflag:s19] =	ssyncset.done $0x0  }
0x956: {  	[sflag:s19] =	ssyncadd.s32 $0xFFFFC000;
	s28 =	sadd.s32 $0x0, s7  }
0x957: {  	[hbm4b:s28+s1] =	stream.linear.scatter [tilespmem:s13], [sflag:$0x5], $0x4000, $0x38;
	[tilespmem:$0x11C00] =	vst v63  }
0x958: {  	_ =	swait.ge [sflag:s20], $0x4000  }
0x959: {  	s31 =	sld [smem:$0x7ED];
	_ =	sdelay $0x1  }
0x95a: {  	[sflag:s20] =	ssyncset.done $0x0  }
0x95b: {  	[sflag:s20] =	ssyncadd.s32 $0xFFFFC000;
	s29 =	sadd.s32 $0x0, s31  }
0x95c: {  	[hbm4b:s29+s1] =	stream.linear.scatter [tilespmem:s15], [sflag:$0x5], $0x4000, $0x38;
	[tilespmem:$0x11C00] =	vst v63  }
0x95d: {  	_ =	swait.ge [sflag:s21], $0x4000  }
0x95e: {  	s6 =	sld [smem:$0x7FC];
	_ =	sdelay $0x1  }
0x95f: {  	[sflag:s21] =	ssyncset.done $0x0  }
0x960: {  	[sflag:s21] =	ssyncadd.s32 $0xFFFFC000;
	s30 =	sadd.s32 $0x0, s6  }
0x961: {  	[hbm4b:s30+s1] =	stream.linear.scatter [tilespmem:s17], [sflag:$0x5], $0x4000, $0x38;
	[tilespmem:$0x11C00] =	vst v63  }
0x962: {  	_ =	swait.ge [sflag:s22], $0x4000  }
0x963: {  	[sflag:s22] =	ssyncset.done $0x0  }
0x964: {  	[sflag:s22] =	ssyncadd.s32 $0xFFFFC000  }
0x965: {  	_ =	swait.ge [sflag:s22], $0x4000  }
0x966: {  	[sflag:s22] =	ssyncset.done $0x0  }
0x967: {  	[sflag:s22] =	ssyncadd.s32 $0xFFFFC000  }
0x968: {  	_ =	swait.ge [sflag:s22], $0x4000  }
0x969: {  	[sflag:s22] =	ssyncset.done $0x0  }
0x96a: {  	[sflag:s22] =	ssyncadd.s32 $0xFFFFC000  }
0x96b: {  	_ =	swait.ge [sflag:s22], $0x4000  }
0x96c: {  	s24 =	simm.s32 $0x2000;
	[sflag:s22] =	ssyncset.done $0x0  }
.LBB2_20:
0x96d: {  	p0 =	sne.s32 s24, $0x4000;
	[sflag:s22] =	ssyncadd.s32 $0xFFFFC000;
	s23 =	sadd.s32 $0x200, s23  }
0x96e: {  	s25 =	smov.u32 s24;
	s24 =	sadd.s32 $0x2000, s24;
	v0 =	vld [tilespmem:s23+$0xFFFFFF00];
	_ =	sdelay $0x4  }
0x96f: {  	v0 =	vadd.s32 $0x1C6, v0  }
0x970: {  	[tilespmem:$0x1A00] =	vst v0  }
0x971: {  	v0 =	vld [tilespmem:s23+$0xFFFFFF10];
	_ =	sdelay $0x4  }
0x972: {  	v0 =	vadd.s32 $0x1C6, v0  }
0x973: {  	[tilespmem:$0x1A10] =	vst v0  }
0x974: {  	v0 =	vld [tilespmem:s23+$0xFFFFFF20];
	_ =	sdelay $0x4  }
0x975: {  	v0 =	vadd.s32 $0x1C6, v0  }
0x976: {  	[tilespmem:$0x1A20] =	vst v0  }
0x977: {  	v0 =	vld [tilespmem:s23+$0xFFFFFF30];
	_ =	sdelay $0x4  }
0x978: {  	v0 =	vadd.s32 $0x1C6, v0  }
0x979: {  	[tilespmem:$0x1A30] =	vst v0  }
0x97a: {  	v0 =	vld [tilespmem:s23+$0xFFFFFF40];
	_ =	sdelay $0x4  }
0x97b: {  	v0 =	vadd.s32 $0x1C6, v0  }
0x97c: {  	[tilespmem:$0x1A40] =	vst v0  }
0x97d: {  	v0 =	vld [tilespmem:s23+$0xFFFFFF50];
	_ =	sdelay $0x4  }
0x97e: {  	v0 =	vadd.s32 $0x1C6, v0  }
0x97f: {  	[tilespmem:$0x1A50] =	vst v0  }
0x980: {  	v0 =	vld [tilespmem:s23+$0xFFFFFF60];
	_ =	sdelay $0x4  }
0x981: {  	v0 =	vadd.s32 $0x1C6, v0  }
0x982: {  	[tilespmem:$0x1A60] =	vst v0  }
0x983: {  	v0 =	vld [tilespmem:s23+$0xFFFFFF70];
	_ =	sdelay $0x4  }
0x984: {  	v0 =	vadd.s32 $0x1C6, v0  }
0x985: {  	[tilespmem:$0x1A70] =	vst v0  }
0x986: {  	[tilespmem:s11], [sflag:$0x1] =	stream.indirect.gather [hbm4b:s8+s9], $0x80, s10, s9, $0xb8;
	[tilespmem:$0x11C00] =	vst v63  }
0x987: {  	v0 =	vld [tilespmem:s23+$0xFFFFFF80];
	_ =	sdelay $0x4  }
0x988: {  	v0 =	vadd.s32 $0x1C6, v0  }
0x989: {  	[tilespmem:$0x1A80] =	vst v0  }
0x98a: {  	v0 =	vld [tilespmem:s23+$0xFFFFFF90];
	_ =	sdelay $0x4  }
0x98b: {  	v0 =	vadd.s32 $0x1C6, v0  }
0x98c: {  	[tilespmem:$0x1A90] =	vst v0  }
0x98d: {  	v0 =	vld [tilespmem:s23+$0xFFFFFFA0];
	_ =	sdelay $0x4  }
0x98e: {  	v0 =	vadd.s32 $0x1C6, v0  }
0x98f: {  	[tilespmem:$0x1AA0] =	vst v0  }
0x990: {  	v0 =	vld [tilespmem:s23+$0xFFFFFFB0];
	_ =	sdelay $0x4  }
0x991: {  	v0 =	vadd.s32 $0x1C6, v0  }
0x992: {  	[tilespmem:$0x1AB0] =	vst v0  }
0x993: {  	v0 =	vld [tilespmem:s23+$0xFFFFFFC0];
	_ =	sdelay $0x4  }
0x994: {  	v0 =	vadd.s32 $0x1C6, v0  }
0x995: {  	[tilespmem:$0x1AC0] =	vst v0  }
0x996: {  	v0 =	vld [tilespmem:s23+$0xFFFFFFD0];
	_ =	sdelay $0x4  }
0x997: {  	v0 =	vadd.s32 $0x1C6, v0  }
0x998: {  	[tilespmem:$0x1AD0] =	vst v0  }
0x999: {  	v0 =	vld [tilespmem:s23+$0xFFFFFFE0];
	_ =	sdelay $0x4  }
0x99a: {  	v0 =	vadd.s32 $0x1C6, v0  }
0x99b: {  	[tilespmem:$0x1AE0] =	vst v0  }
0x99c: {  	v0 =	vld [tilespmem:s23+$0xFFFFFFF0];
	_ =	sdelay $0x4  }
0x99d: {  	v0 =	vadd.s32 $0x1C6, v0  }
0x99e: {  	[tilespmem:$0x1AF0] =	vst v0  }
0x99f: {  	[tilespmem:s13], [sflag:$0x2] =	stream.indirect.gather [hbm4b:s8+s9], $0x80, s12, s9, $0xb8;
	[tilespmem:$0x11C00] =	vst v63  }
0x9a0: {  	v0 =	vld [tilespmem:s23+$0x0];
	_ =	sdelay $0x4  }
0x9a1: {  	v0 =	vadd.s32 $0x1C6, v0  }
0x9a2: {  	[tilespmem:$0x1B00] =	vst v0  }
0x9a3: {  	v0 =	vld [tilespmem:s23+$0x10];
	_ =	sdelay $0x4  }
0x9a4: {  	v0 =	vadd.s32 $0x1C6, v0  }
0x9a5: {  	[tilespmem:$0x1B10] =	vst v0  }
0x9a6: {  	v0 =	vld [tilespmem:s23+$0x20];
	_ =	sdelay $0x4  }
0x9a7: {  	v0 =	vadd.s32 $0x1C6, v0  }
0x9a8: {  	[tilespmem:$0x1B20] =	vst v0  }
0x9a9: {  	v0 =	vld [tilespmem:s23+$0x30];
	_ =	sdelay $0x4  }
0x9aa: {  	v0 =	vadd.s32 $0x1C6, v0  }
0x9ab: {  	[tilespmem:$0x1B30] =	vst v0  }
0x9ac: {  	v0 =	vld [tilespmem:s23+$0x40];
	_ =	sdelay $0x4  }
0x9ad: {  	v0 =	vadd.s32 $0x1C6, v0  }
0x9ae: {  	[tilespmem:$0x1B40] =	vst v0  }
0x9af: {  	v0 =	vld [tilespmem:s23+$0x50];
	_ =	sdelay $0x4  }
0x9b0: {  	v0 =	vadd.s32 $0x1C6, v0  }
0x9b1: {  	[tilespmem:$0x1B50] =	vst v0  }
0x9b2: {  	v0 =	vld [tilespmem:s23+$0x60];
	_ =	sdelay $0x4  }
0x9b3: {  	v0 =	vadd.s32 $0x1C6, v0  }
0x9b4: {  	[tilespmem:$0x1B60] =	vst v0  }
0x9b5: {  	v0 =	vld [tilespmem:s23+$0x70];
	_ =	sdelay $0x4  }
0x9b6: {  	v0 =	vadd.s32 $0x1C6, v0  }
0x9b7: {  	[tilespmem:$0x1B70] =	vst v0  }
0x9b8: {  	[tilespmem:s15], [sflag:$0x3] =	stream.indirect.gather [hbm4b:s8+s9], $0x80, s14, s9, $0xb8;
	[tilespmem:$0x11C00] =	vst v63  }
0x9b9: {  	v0 =	vld [tilespmem:s23+$0x80];
	_ =	sdelay $0x4  }
0x9ba: {  	v0 =	vadd.s32 $0x1C6, v0  }
0x9bb: {  	[tilespmem:$0x1B80] =	vst v0  }
0x9bc: {  	v0 =	vld [tilespmem:s23+$0x90];
	_ =	sdelay $0x4  }
0x9bd: {  	v0 =	vadd.s32 $0x1C6, v0  }
0x9be: {  	[tilespmem:$0x1B90] =	vst v0  }
0x9bf: {  	v0 =	vld [tilespmem:s23+$0xA0];
	_ =	sdelay $0x4  }
0x9c0: {  	v0 =	vadd.s32 $0x1C6, v0  }
0x9c1: {  	[tilespmem:$0x1BA0] =	vst v0  }
0x9c2: {  	v0 =	vld [tilespmem:s23+$0xB0];
	_ =	sdelay $0x4  }
0x9c3: {  	v0 =	vadd.s32 $0x1C6, v0  }
0x9c4: {  	[tilespmem:$0x1BB0] =	vst v0  }
0x9c5: {  	v0 =	vld [tilespmem:s23+$0xC0];
	_ =	sdelay $0x4  }
0x9c6: {  	v0 =	vadd.s32 $0x1C6, v0  }
0x9c7: {  	[tilespmem:$0x1BC0] =	vst v0  }
0x9c8: {  	v0 =	vld [tilespmem:s23+$0xD0];
	_ =	sdelay $0x4  }
0x9c9: {  	v0 =	vadd.s32 $0x1C6, v0  }
0x9ca: {  	[tilespmem:$0x1BD0] =	vst v0  }
0x9cb: {  	v0 =	vld [tilespmem:s23+$0xE0];
	_ =	sdelay $0x4  }
0x9cc: {  	v0 =	vadd.s32 $0x1C6, v0  }
0x9cd: {  	[tilespmem:$0x1BE0] =	vst v0  }
0x9ce: {  	v0 =	vld [tilespmem:s23+$0xF0];
	_ =	sdelay $0x4  }
0x9cf: {  	v0 =	vadd.s32 $0x1C6, v0  }
0x9d0: {  	[tilespmem:$0x1BF0] =	vst v0  }
0x9d1: {  	[tilespmem:s17], [sflag:$0x4] =	stream.indirect.gather [hbm4b:s8+s9], $0x80, s16, s9, $0xb8;
	[tilespmem:$0x11C00] =	vst v63  }
0x9d2: {  	_ =	swait.ge [sflag:s18], $0x4000  }
0x9d3: {  	[sflag:s18] =	ssyncset.done $0x0  }
0x9d4: {  	s26 =	sadd.s32 s25, s5;
	[sflag:s18] =	ssyncadd.s32 $0xFFFFC000  }
0x9d5: {  	[hbm4b:s26+s1] =	stream.linear.scatter [tilespmem:s11], [sflag:$0x5], $0x4000, $0x38;
	[tilespmem:$0x11C00] =	vst v63  }
0x9d6: {  	_ =	swait.ge [sflag:s19], $0x4000  }
0x9d7: {  	[sflag:s19] =	ssyncset.done $0x0  }
0x9d8: {  	s26 =	sadd.s32 s25, s7;
	[sflag:s19] =	ssyncadd.s32 $0xFFFFC000  }
0x9d9: {  	[hbm4b:s26+s1] =	stream.linear.scatter [tilespmem:s13], [sflag:$0x5], $0x4000, $0x38;
	[tilespmem:$0x11C00] =	vst v63  }
0x9da: {  	_ =	swait.ge [sflag:s20], $0x4000  }
0x9db: {  	[sflag:s20] =	ssyncset.done $0x0  }
0x9dc: {  	s26 =	sadd.s32 s25, s31;
	[sflag:s20] =	ssyncadd.s32 $0xFFFFC000  }
0x9dd: {  	[hbm4b:s26+s1] =	stream.linear.scatter [tilespmem:s15], [sflag:$0x5], $0x4000, $0x38;
	[tilespmem:$0x11C00] =	vst v63  }
0x9de: {  	_ =	swait.ge [sflag:s21], $0x4000  }
0x9df: {  	[sflag:s21] =	ssyncset.done $0x0  }
0x9e0: {  	s25 =	sadd.s32 s25, s6;
	[sflag:s21] =	ssyncadd.s32 $0xFFFFC000  }
0x9e1: {  	[hbm4b:s25+s1] =	stream.linear.scatter [tilespmem:s17], [sflag:$0x5], $0x4000, $0x38;
	[tilespmem:$0x11C00] =	vst v63  }
0x9e2: {  	_ =	swait.ge [sflag:s22], $0x4000  }
0x9e3: {  	[sflag:s22] =	ssyncset.done $0x0  }
0x9e4: {  	[sflag:s22] =	ssyncadd.s32 $0xFFFFC000  }
0x9e5: {  	_ =	swait.ge [sflag:s22], $0x4000  }
0x9e6: {  	[sflag:s22] =	ssyncset.done $0x0  }
0x9e7: {  	[sflag:s22] =	ssyncadd.s32 $0xFFFFC000  }
.Ltmp9:
0x9e8: {  	_ =	swait.ge [sflag:s22], $0x4000;
	(pc) =	sbr.rel @p0 .LBB2_20-.Ltmp9, $4  }
0x9e9: {  	[sflag:s22] =	ssyncset.done $0x0  }
0x9ea: {  	[sflag:s22] =	ssyncadd.s32 $0xFFFFC000  }
0x9eb: {  	_ =	swait.ge [sflag:s22], $0x4000  }
0x9ec: {  	[sflag:s22] =	ssyncset.done $0x0  }
0x9ed: {  	[sflag:s22] =	ssyncadd.s32 $0xFFFFC000  }
0x9ee: {  	v0 =	vld [tilespmem:$0x1980]  }
0x9ef: {  	v1 =	vld [tilespmem:$0x1990]  }
0x9f0: {  	v2 =	vld [tilespmem:$0x19A0]  }
0x9f1: {  	v3 =	vld [tilespmem:$0x19B0]  }
0x9f2: {  	v4 =	vld [tilespmem:$0x19C0]  }
0x9f3: {  	v5 =	vld [tilespmem:$0x19D0];
	v0 =	vadd.s32 $0x1C6, v0  }
0x9f4: {  	v56 =	vld [tilespmem:$0x19E0];
	v55 =	vadd.s32 $0x1C6, v1;
	[tilespmem:$0x1A00] =	vst v0  }
0x9f5: {  	v58 =	vld [tilespmem:$0x19F0];
	v57 =	vadd.s32 $0x1C6, v2;
	[tilespmem:$0x1A10] =	vst v55  }
0x9f6: {  	v59 =	vadd.s32 $0x1C6, v3;
	[tilespmem:$0x1A20] =	vst v57  }
0x9f7: {  	v60 =	vadd.s32 $0x1C6, v4;
	[tilespmem:$0x1A30] =	vst v59  }
0x9f8: {  	v61 =	vadd.s32 $0x1C6, v5;
	[tilespmem:$0x1A40] =	vst v60  }
0x9f9: {  	v62 =	vadd.s32 $0x1C6, v56;
	[tilespmem:$0x1A50] =	vst v61  }
0x9fa: {  	v63 =	vadd.s32 $0x1C6, v58;
	[tilespmem:$0x1A60] =	vst v62  }
0x9fb: {  	[tilespmem:$0x1A70] =	vst v63  }
0x9fc: {  	[tilespmem:s11], [sflag:$0x1] =	stream.indirect.gather [hbm4b:s8+s9], $0x80, s10, s9, $0xb8;
	[tilespmem:$0x11C00] =	vst v63  }
0x9fd: {  	_ =	swait.ge [sflag:s18], $0x4000  }
0x9fe: {  	s23 =	sld [smem:$0x7F9]  }
0x9ff: {  	[sflag:s18] =	ssyncset.done $0x0  }
0xa00: {  	[sflag:s18] =	ssyncadd.s32 $0xFFFFC000  }
0xa01: {  	[hbm4b:s23+s1] =	stream.linear.scatter [tilespmem:s11], [sflag:$0x5], $0x4000, $0x38;
	[tilespmem:$0x11C00] =	vst v63  }
0xa02: {  	_ =	swait.ge [sflag:s22], $0x4000  }
0xa03: {  	s24 =	sld [smem:$0x7E9]  }
0xa04: {  	s31 =	sld [smem:$0x7FA];
	_ =	sdelay $0x1  }
0xa05: {  	s24 =	sadd.s32 $0x1, s24  }
0xa06: {  	p0 =	sne.s32 s24, s31  }
.Ltmp10:
0xa07: {  	_ = 	snop;
	(pc) =	sbr.rel @p0 .LBB2_1-.Ltmp10, $3  }
0xa08: {  	_ =	sdelay $0x1  }
0xa09: {  	[sflag:s22] =	ssyncset.done $0x0  }
0xa0a: {  	[sflag:s22] =	ssyncadd.s32 $0xFFFFC000  }
0xa0b: {  	_ =	sfence.sel $0x180000  }
0xa0c: {  	[bflag:$0x0] =	sbarrier.arrive $0xFFFF  }
0xa0d: {  	_ =	strace $0x9000004A  }
0xa0e: {  	s0 =	stileid.u32;
	[bflag:$0x2] =	sbarrier.arrive $0xFFFF  }
0xa0f: {  	p0 =	sne.s32 s0, $0x0;
	s0 =	rddreg [dreg:$0x2]  }
0xa10: {  	s0 =	sadd.s32 @!p0 $0x100000, s0  }
0xa11: {  	[sflag:s0] =	ssyncadd.tile.s32 @!p0 $0x1;
	_ =	shalt  }
.Lfunc_end2:
_tile_overlayer_lowered:
.L_overlay_start_2:
0xa12: {  	(tag) =	ssettag $0x2  }
0xa13: {  	s0 =	rddreg [dreg:$0x0];
	s2 =	stileid.u32  }
0xa14: {  	s1 =	rddreg [dreg:$0x1];
	p0 =	sne.s32 s2, $0x0  }
0xa15: {  	s3 =	rddreg [dreg:$0x2];
	[bflag:$0x3] =	sbarrier.arrive $0xFFFF;
	s2 =	simm.s32 @!p0 $0x1C06  }
0xa16: {  	[timem:s3], [sflag:s2] =	dma.local @!p0 [hbm:s0], s1  }
0xa17: {  	s0 =	simm.s32 @!p0 $0x6  }
0xa18: {  	_ =	swait.ge @!p0 [sflag:s0], s1  }
0xa19: {  	s1 =	ssub.s32 @!p0 $0x0, s1;
	[sflag:s0] =	ssyncset.done @!p0 $0x0  }
0xa1a: {  	[sflag:s0] =	ssyncadd.s32 @!p0 s1  }
0xa1b: {  	[bflag:$0x3] =	sbarrier.arrive $0xFFFF  }
0xa1c: {  	_ =	shalt  }

// kernel: sparse-core-data-format-call.cloned.1.call-start
scs
called_computation_lowered:
.L_overlay_start_0:
0x0: {  	s2 =	sld [smem:$0x3FD9]  }
0x1: {  	s3 =	sld [smem:$0x3FFE];
	_ =	sdelay $0x1  }
0x2: {  	s1 =	srdreg.scid  }
0x3: {  	s0 =	sand.u32 $0x1, s1  }
0x4: {  	s18 =	sshll.u32 s0, $0xA;
	s2 =	sadd.s32 s3, s2  }
0x5: {  	s2 =	sadd.s32 s2, s18  }
0x6: {  	[smem:$0x3FC4] =	sst s2  }
0x7: {  	_ = 	snop  }
0x8: {  	s2 =	sld [smem:$0x3FC9];
	(tm) =	ssettm $0x1  }
0x9: {  	s19 =	sld [smem:$0x3FFB];
	_ =	sdelay $0x3  }
0xa: {  	_ =	strace s19  }
0xb: {  	s3 =	sld [smem:$0x3FFC];
	_ =	sdelay $0x3  }
0xc: {  	_ =	strace s3  }
0xd: {  	s3 =	sld [smem:$0x3FFD];
	_ =	sdelay $0x3  }
0xe: {  	_ =	strace s3  }
0xf: {  	_ =	strace $0x8FFFFFFF  }
0x10: {  	s20 =	sld [smem:$0x3FDB];
	_ =	sdelay $0x1  }
0x11: {  	s4 =	simm.s32 $_scs_section_size  }
0x12: {  	s5 =	simm.s32 $_size__tile_overlayer_lowered;
	s6 =	simm.s32 $_tile_overlayer_lowered  }
0x13: {  	s23 =	simm.s32 $0x1BFF;
	s22 =	sshll.u32 s6, $0x1;
	s3 =	sadd.s32 s4, s20  }
0x14: {  	s7 =	simm.s32 $0x0;
	s21 =	sshll.u32 s5, $0x1;
	s5 =	sadd.s32 s22, s3  }
0x15: {  	[timem:s7], [sflag:s23] =	dma.local [hbm:s5], s21  }
0x16: {  	_ =	swait.ge [sflag:s23], s21  }
0x17: {  	s4 =	ssub.s32 $0x0, s21;
	[sflag:s23] =	ssyncset.done $0x0  }
0x18: {  	[sflag:s23] =	ssyncadd.s32 s4;
	_ =	sdelay $0x1  }
0x19: {  	s24 =	simm.s32 $0x1B8B  }
0x1a: {  	_ =	swait.ge [sflag:s24], $0x1  }
0x1b: {  	[sflag:s24] =	ssyncset.done $0x0  }
0x1c: {  	s26 =	simm.s32 $0x1B8E;
	s25 =	sld [smem:$0x3FFE];
	[sflag:s24] =	ssyncadd.s32 $0xFFFFFFFF  }
0x1d: {  	s27 =	simm.s32 $execute0_lowered;
	[smem:$0x3FD2] =	sst s26  }
0x1e: {  	s5 =	sshll.u32 s27, $0x1;
	_ =	strace $0x80000046;
	[dreg:$0x1] =	wrdreg $0xFFFFFFFF  }
0x1f: {  	s28 =	simm.s32 $_size_execute0_lowered;
	s3 =	sadd.s32 s3, s5;
	[dreg:$0x0] =	wrdreg $0x0  }
0x20: {  	s5 =	sshll.u32 s28, $0x1;
	[dreg:$0x2] =	wrdreg s3  }
0x21: {  	[dreg:$0x3] =	wrdreg s5  }
0x22: {  	[dreg:$0x4] =	wrdreg $0xC0  }
0x23: {  	_ =	task [dreg:s7], $0x5FFFF  }
0x24: {  	[dreg:$0x1] =	wrdreg $0xFFFFFFFF  }
0x25: {  	[dreg:$0x0] =	wrdreg $0x60  }
0x26: {  	[dreg:$0x2] =	wrdreg s2  }
0x27: {  	[dreg:$0x3] =	wrdreg s25  }
0x28: {  	[dreg:$0x4] =	wrdreg $0x9  }
0x29: {  	_ =	task.clear_ibuf [dreg:s7], $0x5FFFF;
	_ =	strace $0x90000046  }
0x2a: {  	s29 =	simm.s32 $0x9;
	_ =	strace $0x80000048  }
0x2b: {  	_ =	swait.ge [sflag:s29], $0x1  }
0x2c: {  	[sflag:s29] =	ssyncadd.s32 $0xFFFFFFFF  }
0x2d: {  	_ =	strace $0x90000048  }
0x2e: {  	_ =	sfence  }
0x2f: {  	s30 =	sld [smem:$0x0];
	_ =	sdelay $0x2  }
0x30: {  	s31 =	sshll.u32 s1, $0xD;
	s1 =	sshrl.u32 s1, $0x2  }
0x31: {  	s3 =	sand.u32 $0x4000, s31;
	s1 =	sadd.s32 s1, s30  }
0x32: {  	s0 =	sor.u32 s3, s0;
	s1 =	sshll.u32 s1, $0x11  }
0x33: {  	s0 =	sor.u32 s1, s0  }
0x34: {  	s0 =	sadd.s32 $0x8F2B, s0  }
0x35: {  	[sflag:s0] =	ssyncadd.remote.s32 $0x1  }
0x36: {  	_ =	sfence.sel $0xFFFF  }
0x37: {  	[dreg:$0x0] =	wrdreg $0xFFFFFFFF;
	(pc) =	sbr.abs _section_cstart, $3  }
0x38: {  	[dreg:$0x1] =	wrdreg $0xFFFFFFFF  }
0x39: {  	_ =	task.clear_ibuf [dreg:s7], $0x2FFFF;
	_ =	strace $0x9FFFFFFF  }
0x3a: {  	(tm) =	ssettm $0x7FFFFFFF  }
0x3b: {  	_ =	shalt  }
tec
execute0_lowered:
.L_overlay_start_1:
0x0: {  	(tag) =	ssettag $0x1  }
0x1: {  	s0 =	srdreg.scid  }
0x2: {  	_ =	strace $0x80000047;
	s2 =	stileid.u32;
	s1 =	simm.s32 $0x1  }
0x3: {  	s31 =	simm.s32 $0x2;
	s19 =	simm.s32 $0x0;
	s21 =	simm.s32 $0x0  }
0x4: {  	s20 =	simm.s32 $0x0;
	s22 =	simm.s32 $0x0;
	s10 =	simm.s32 $0x0  }
0x5: {  	s11 =	simm.s32 $0x0;
	s13 =	simm.s32 $0x0;
	s15 =	simm.s32 $0x0  }
.Ltmp0:
0x6: {  	s14 =	simm.s32 $0x0;
	s0 =	sshll.u32 s0, $0x4;
	(pc) =	sbr.rel .LBB1_1-.Ltmp0, $4  }
0x7: {  	s17 =	simm.s32 $0x0;
	s12 =	simm.s32 $0x0;
	s0 =	sand.u32 $0x10, s0  }
0x8: {  	[sflag:s1] =	ssyncpa.u1 $0x0;
	s8 =	sand.u32 $0x3, s2;
	s0 =	sor.u32 s2, s0  }
0x9: {  	[sflag:s31] =	ssyncpa.u1 $0x0;
	[dreg:$0x3] =	wrdreg s8;
	s9 =	sshrl.u32 s0, $0x2  }
0xa: {  	s18 =	smov.u32 s8;
	s16 =	smov.u32 s9;
	[dreg:$0x4] =	wrdreg s9  }
.LBB1_18:
0xb: {  	s10 =	rddreg [dreg:$0x5]  }
0xc: {  	s13 =	rddreg [dreg:$0x8]  }
0xd: {  	s22 =	rddreg [dreg:$0x13]  }
0xe: {  	s4 =	rddreg [dreg:$0x12]  }
0xf: {  	s24 =	rddreg [dreg:$0x15]  }
0x10: {  	s5 =	rddreg [dreg:$0x14]  }
0x11: {  	s15 =	rddreg [dreg:$0xa]  }
0x12: {  	s11 =	rddreg [dreg:$0x6]  }
0x13: {  	s6 =	rddreg [dreg:$0x1]  }
0x14: {  	s30 =	rddreg [dreg:$0x16]  }
0x15: {  	s8 =	rddreg [dreg:$0x3]  }
0x16: {  	s9 =	rddreg [dreg:$0x4]  }
0x17: {  	s12 =	rddreg [dreg:$0x7]  }
0x18: {  	s14 =	rddreg [dreg:$0x9]  }
0x19: {  	s16 =	rddreg [dreg:$0xb]  }
0x1a: {  	s17 =	rddreg [dreg:$0xc]  }
0x1b: {  	s18 =	rddreg [dreg:$0xd]  }
0x1c: {  	s19 =	rddreg [dreg:$0xe]  }
0x1d: {  	s20 =	rddreg [dreg:$0xf];
	s0 =	sshll.u32 s10, $0x7;
	s1 =	sshll.u32 s13, $0x3  }
0x1e: {  	s21 =	rddreg [dreg:$0x10];
	s2 =	sand.u32 $0xFFFFFC00, s0;
	s1 =	sand.u32 $0xFFFFFC00, s1  }
0x1f: {  	p0 =	sgt.s32 s13, $0x0;
	s1 =	sadd.s32 s1, s2;
	s2 =	smov.u32 s13  }
0x20: {  	s3 =	smov.u32 s10;
	s0 =	sand.u32 $0x380, s0;
	s2 =	simm.s32 @!p0 $0x0  }
0x21: {  	s25 =	smul.u32 $0xC4000, s15;
	s0 =	sor.u32 s0, s1;
	s1 =	sadd.s32 s2, s22  }
0x22: {  	s0 =	sshrl.u32 s0, $0x7;
	p0 =	sgt.s32 s1, $0x7F;
	s1 =	ssub.s32 $0x80, s1  }
0x23: {  	s23 =	smulhi.u32 $0x2492493, s0;
	s1 =	simm.s32 @p0 $0x0;
	p0 =	sgt.s32 s10, $0x60  }
0x24: {  	s26 =	smul.u32 $0xE00, s11;
	s27 =	sshrl.u32 s13, $0x3;
	s3 =	simm.s32 @!p0 $0x60  }
0x25: {  	s2 =	sshrl.u32 s23, $0x1;
	s1 =	smul.u32 s4, s1;
	s3 =	sadd.s32 s24, s3  }
0x26: {  	s31 =	sand.u32 $0x7, s13;
	s2 =	smul.u32 $0xE0, s2;
	s4 =	sadd.s32 $0xFFFFFFA0, s3  }
0x27: {  	s1 =	smul.u32 s5, s1;
	s3 =	ssub.s32 $0xE0, s3;
	p0 =	sgt.s32 s4, $0x7F  }
0x28: {  	s28 =	sand.u32 $0xF, s27;
	s4 =	sadd.s32 s6, s25;
	s3 =	simm.s32 @p0 $0x0  }
0x29: {  	s0 =	ssub.s32 s0, s2;
	s29 =	sadd.s32 s26, s4;
	s1 =	smul.u32 s3, s1  }
0x2a: {  	s22 =	rddreg [dreg:$0x11];
	s0 =	sshll.u32 s0, $0x4;
	s2 =	sadd.s32 s28, s29  }
0x2b: {  	s3 =	sor.u32 $0x8000, s30;
	s0 =	sadd.s32 s0, s2;
	s1 =	sand.u32 $0x3FFFFFFF, s1  }
0x2c: {  	[hbm4b:s0+s31] =	stream.linear.scatter [tilespmem:s3], [sflag:$0x2], s1, $0x20;
	[tilespmem:$0x10100] =	vst v63  }
.LBB1_19:
0x2d: {  	p0 =	slt.u32 s12, $0x2  }
0x2e: {  	s0 =	smov.u32 s22;
	s5 =	smov.u32 s16;
	s12 =	sadd.s32 $0x1, s12  }
0x2f: {  	p1 =	sgt.s32 @!p0 s22, $0x3;
	s1 =	sshra.s32 @!p0 s22, $0x1F;
	s2 =	sshra.s32 @!p0 s21, $0x1F  }
0x30: {  	p2 =	sgt.s32 @!p0 s19, $0x60;
	s4 =	sshra.s32 @!p0 s19, $0x1F;
	p1 =	por !p1, p0  }
0x31: {  	s1 =	sand.u32 @!p0 s1, s22;
	s2 =	sand.u32 @!p0 s2, s21;
	p2 =	por !p2, p0  }
0x32: {  	s4 =	sand.u32 @!p0 s4, s19;
	s0 =	simm.s32 @p1 $0x3;
	p1 =	sgt.s32 @!p0 s21, $0xDF  }
0x33: {  	s0 =	ssub.s32 @!p0 s0, s1;
	p1 =	por !p1, p0;
	s1 =	smov.u32 s21  }
0x34: {  	s22 =	smov.u32 s15;
	s3 =	sadd.s32 @!p0 $0xFFFFFFFD, s0;
	s1 =	simm.s32 @p1 $0xDF  }
0x35: {  	s0 =	ssub.s32 @!p0 $0x4, s0;
	p1 =	sgt.s32 @!p0 s3, $0x0;
	s1 =	ssub.s32 @!p0 s1, s2  }
0x36: {  	s3 =	smov.u32 s19;
	p1 =	por !p1, p0;
	s2 =	sadd.s32 @!p0 $0xFFFFFF21, s1  }
0x37: {  	s0 =	simm.s32 @!p1 $0x0;
	p1 =	sgt.s32 @!p0 s2, $0x0;
	s2 =	ssub.s32 @!p0 $0x0, s20  }
0x38: {  	s1 =	ssub.s32 @!p0 $0xE0, s1;
	s3 =	simm.s32 @p2 $0x60;
	s2 =	smin.u32 @!p0 s20, s2  }
0x39: {  	s3 =	ssub.s32 @!p0 s3, s4;
	p1 =	por !p1, p0;
	p2 =	sgt.s32 @!p0 s2, $0x7F  }
0x3a: {  	s4 =	sadd.s32 @!p0 $0xFFFFFFA0, s3;
	s2 =	ssub.s32 @!p0 $0x80, s2;
	p2 =	por !p2, p0  }
0x3b: {  	s3 =	ssub.s32 @!p0 $0xE0, s3;
	s1 =	simm.s32 @!p1 $0x0;
	s2 =	simm.s32 @!p2 $0x0  }
0x3c: {  	p1 =	sgt.s32 @!p0 s4, $0x7F;
	s0 =	smul.u32 @!p0 s0, s2;
	s2 =	sadd.s32 $0x80, s14  }
0x3d: {  	s4 =	sadd.s32 $0x8, s16;
	p1 =	por !p1, p0;
	p2 =	sgt.s32 s2, $0xDF  }
0x3e: {  	s3 =	simm.s32 @!p1 $0x0;
	s0 =	smul.u32 @!p0 s1, s0;
	s5 =	smov.u32 @p2 s4  }
0x3f: {  	s1 =	sadd.s32 $0x80, s17;
	s4 =	smov.u32 s17;
	p1 =	sgt.s32 s5, $0xDF  }
0x40: {  	s2 =	simm.s32 @p2 $0x0;
	s0 =	smul.u32 @!p0 s3, s0;
	s4 =	smov.u32 @p1 s1  }
0x41: {  	s1 =	sadd.s32 $0x4, s18;
	s3 =	smov.u32 s18;
	p2 =	sgt.s32 s4, $0x5F  }
0x42: {  	s15 =	smov.u32 s18;
	s21 =	smov.u32 s11;
	s3 =	smov.u32 @p2 s1  }
0x43: {  	s11 =	smov.u32 s16;
	s5 =	smov.u32 @p1 s9;
	p1 =	sgt.s32 s3, $0x3  }
0x44: {  	s19 =	smov.u32 s10;
	s3 =	smov.u32 @p1 s8;
	p1 =	sne.s32 s12, $0x3A  }
.Ltmp1:
0x45: {  	s10 =	smov.u32 s14;
	s20 =	smov.u32 s13;
	(pc) =	sbr.rel @!p1 .LBB1_20-.Ltmp1, $4  }
0x46: {  	s13 =	smov.u32 s17;
	s0 =	sand.u32 @!p0 $0x3FFFFFFF, s0;
	s1 =	simm.s32 @!p0 $0x2  }
0x47: {  	s14 =	smov.u32 s2;
	s16 =	smov.u32 s5;
	_ =	swait.ge @!p0 [sflag:s1], s0  }
0x48: {  	s4 =	simm.s32 @p2 $0x0;
	s0 =	ssub.s32 @!p0 $0x0, s0;
	[sflag:s1] =	ssyncset.done @!p0 $0x0  }
0x49: {  	s17 =	smov.u32 s4;
	[sflag:s1] =	ssyncadd.s32 @!p0 s0;
	s18 =	smov.u32 s3  }
.LBB1_1:
0x4a: {  	p0 =	sgt.u32 s12, $0x37  }
.Ltmp2:
0x4b: {  	_ = 	snop;
	(pc) =	sbr.rel @p0 .LBB1_3-.Ltmp2, $1  }
0x4c: {  	_ =	sdelay $0x3  }
0x4d: {  	s0 =	sand.u32 $0x78, s14;
	s1 =	sshll.u32 s16, $0x8;
	s2 =	sshll.u32 s14, $0x3  }
0x4e: {  	s3 =	sshll.u32 s16, $0x7;
	p0 =	sgt.s32 s18, $0x3;
	s26 =	sshra.s32 s18, $0x1F  }
0x4f: {  	s4 =	smov.u32 s17;
	s5 =	sshra.s32 s17, $0x1F;
	s29 =	sshra.s32 s16, $0x1F  }
0x50: {  	s31 =	sshra.s32 s14, $0x1F;
	s24 =	smul.u32 $0xA8000, s18;
	s1 =	sand.u32 $0xFFFFF800, s1  }
0x51: {  	s2 =	sand.u32 $0xFFFFFC00, s2;
	s25 =	sand.u32 $0x300, s3;
	s3 =	sand.u32 $0x80, s3  }
0x52: {  	s27 =	sand.u32 s5, s17;
	s30 =	sand.u32 s29, s16;
	s1 =	sadd.s32 s1, s2  }
0x53: {  	s0 =	sor.u32 s0, s3;
	s2 =	smov.u32 s18;
	s3 =	sand.u32 s26, s18  }
0x54: {  	s1 =	sor.u32 s25, s1;
	s2 =	simm.s32 @!p0 $0x3;
	p0 =	sgt.s32 s17, $0xFFFFFFE0  }
0x55: {  	s25 =	smul.u32 $0x1C00, s17;
	s0 =	sshrl.u32 s0, $0x3;
	s1 =	sshrl.u32 s1, $0x8  }
0x56: {  	s2 =	ssub.s32 s2, s3;
	s4 =	simm.s32 @!p0 $0xFFFFFFE0;
	s28 =	smulhi.u32 $0x124924A, s1  }
0x57: {  	s6 =	sadd.s32 $0xFFFFFFFD, s2;
	s3 =	ssub.s32 s4, s27;
	s2 =	ssub.s32 $0x4, s2  }
0x58: {  	s27 =	rddreg [dreg:$0x0];
	p0 =	sgt.s32 s6, $0x0;
	s4 =	sadd.s32 $0x20, s3  }
0x59: {  	s3 =	ssub.s32 $0x60, s3;
	s6 =	sand.u32 s31, s14;
	s31 =	simm.s32 $0xE000  }
0x5a: {  	s2 =	simm.s32 @p0 $0x0;
	p0 =	sgt.s32 s4, $0x7F;
	s4 =	smov.u32 s16  }
0x5b: {  	s5 =	smul.u32 $0xE0, s28;
	s3 =	simm.s32 @p0 $0x0;
	p0 =	sgt.s32 s16, $0xDF  }
0x5c: {  	s28 =	sand.u32 $0x7, s14;
	s2 =	smul.u32 s2, s3;
	s4 =	simm.s32 @!p0 $0xDF  }
0x5d: {  	p0 =	sgt.s32 s14, $0x80;
	s3 =	ssub.s32 s4, s30;
	s4 =	smov.u32 s14  }
0x5e: {  	s29 =	sshll.u32 s28, $0x12;
	s7 =	sadd.s32 $0xFFFFFF21, s3;
	s4 =	simm.s32 @!p0 $0x80  }
0x5f: {  	s3 =	ssub.s32 $0xE0, s3;
	p0 =	sgt.s32 s7, $0x0;
	s4 =	ssub.s32 s4, s6  }
0x60: {  	s1 =	ssub.s32 s1, s5;
	s3 =	simm.s32 @p0 $0x0;
	s23 =	sadd.s32 $0xFFFFFF80, s4  }
0x61: {  	s2 =	smul.u32 s3, s2;
	p0 =	sgt.s32 s23, $0x7F;
	s3 =	ssub.s32 $0x100, s4  }
0x62: {  	s1 =	sshll.u32 s1, $0x5;
	s4 =	sadd.s32 s27, s24;
	s3 =	simm.s32 @p0 $0x0  }
0x63: {  	s7 =	sxor.u32 $0xFFFFFFFF, s12;
	s4 =	sadd.s32 s25, s4;
	s2 =	smul.u32 s3, s2  }
0x64: {  	s30 =	sor.u32 $0x80, s29;
	s6 =	sshll.u32 s7, $0xE;
	s0 =	sadd.s32 s0, s4  }
0x65: {  	s26 =	sand.u32 $0x4000, s6;
	s0 =	sadd.s32 s1, s0;
	s2 =	sand.u32 $0x3FFFFFFF, s2  }
0x66: {  	[tilespmem:s26], [sflag:$0x1] =	stream.strided.gather [hbm4b:s0+s30], s2, s31, s30, $0x38;
	[tilespmem:$0x10100] =	vst v63  }
.LBB1_3:
0x67: {  	p0 =	seq.s32 s12, $0x0  }
0x68: {  	p1 =	seq.s32 @!p0 s12, $0x39  }
0x69: {  	p0 =	por p0, p1  }
.Ltmp3:
0x6a: {  	_ = 	snop;
	(pc) =	sbr.rel @p0 .LBB1_19-.Ltmp3, $1  }
0x6b: {  	_ =	sdelay $0x3  }
0x6c: {  	[dreg:$0x11] =	wrdreg s22  }
0x6d: {  	[dreg:$0x10] =	wrdreg s21  }
0x6e: {  	[dreg:$0xf] =	wrdreg s20  }
0x6f: {  	[dreg:$0xe] =	wrdreg s19  }
0x70: {  	[dreg:$0xd] =	wrdreg s18  }
0x71: {  	[dreg:$0xc] =	wrdreg s17  }
0x72: {  	[dreg:$0xb] =	wrdreg s16  }
0x73: {  	[dreg:$0x9] =	wrdreg s14;
	p0 =	sgt.s32 s15, $0x3  }
0x74: {  	s0 =	smov.u32 s15;
	s1 =	sshra.s32 s15, $0x1F;
	s17 =	ssub.s32 $0x0, s13  }
0x75: {  	s2 =	sshra.s32 s13, $0x1F;
	p1 =	sgt.s32 s11, $0xDF;
	s3 =	smov.u32 s11  }
0x76: {  	s4 =	sshra.s32 s11, $0x1F;
	p2 =	sgt.s32 s13, $0xFFFFFFE0;
	[dreg:$0x5] =	wrdreg s10  }
0x77: {  	s5 =	smov.u32 s13;
	s22 =	ssub.s32 $0x0, s10;
	[dreg:$0xa] =	wrdreg s15  }
0x78: {  	s23 =	sshra.s32 s10, $0x1F;
	[dreg:$0x8] =	wrdreg s13;
	s0 =	simm.s32 @!p0 $0x3  }
0x79: {  	s1 =	sand.u32 s1, s15;
	s3 =	simm.s32 @!p1 $0xDF;
	s4 =	sand.u32 s4, s11  }
0x7a: {  	s2 =	sand.u32 s17, s2;
	s5 =	simm.s32 @!p2 $0xFFFFFFE0;
	p1 =	sgt.s32 s10, $0x80  }
0x7b: {  	s24 =	sand.u32 s22, s23;
	s0 =	ssub.s32 s0, s1;
	s18 =	ssub.s32 s3, s4  }
0x7c: {  	[dreg:$0x13] =	wrdreg s2;
	s19 =	sadd.s32 s2, s5;
	s5 =	smov.u32 s10  }
0x7d: {  	s2 =	sadd.s32 $0x1, s15;
	s1 =	sadd.s32 $0xFFFFFFFD, s0;
	s6 =	ssub.s32 $0x4, s0  }
0x7e: {  	s20 =	sadd.s32 $0xFFFFFF21, s18;
	s21 =	sadd.s32 $0x20, s19;
	s7 =	ssub.s32 $0xE0, s18  }
0x7f: {  	s5 =	simm.s32 @!p1 $0x80;
	s0 =	ssub.s32 $0x60, s19;
	p0 =	sgt.s32 s1, $0x0  }
0x80: {  	s1 =	sadd.s32 s24, s5;
	s6 =	simm.s32 @p0 $0x0;
	p0 =	sgt.s32 s20, $0x0  }
0x81: {  	p1 =	sgt.s32 s21, $0x7F;
	s25 =	sadd.s32 $0xFFFFFF80, s1;
	s7 =	simm.s32 @p0 $0x0  }
0x82: {  	s1 =	ssub.s32 $0x100, s1;
	p0 =	sgt.s32 s25, $0x7F;
	s26 =	smul.u32 s6, s7  }
0x83: {  	s0 =	simm.s32 @p1 $0x0;
	s1 =	simm.s32 @p0 $0x0;
	p0 =	slt.s32 s2, $0x4  }
0x84: {  	s3 =	sadd.s32 $0x80, s13;
	s2 =	simm.s32 @!p0 $0x4;
	s0 =	smul.u32 s0, s26  }
0x85: {  	[dreg:$0x6] =	wrdreg s11;
	p0 =	slt.s32 s3, $0x60;
	s2 =	ssub.s32 s2, s15  }
0x86: {  	s3 =	simm.s32 @!p0 $0x60;
	s0 =	smul.u32 s1, s0;
	s1 =	sadd.s32 $0x1, s11  }
0x87: {  	s3 =	ssub.s32 s3, s13;
	p0 =	slt.s32 s2, $0x1;
	p1 =	slt.s32 s1, $0xE0  }
0x88: {  	[dreg:$0x7] =	wrdreg s12;
	s1 =	simm.s32 @!p1 $0xE0;
	p1 =	slt.s32 @!p0 s3, $0x1  }
0x89: {  	[dreg:$0x15] =	wrdreg s24;
	s28 =	ssub.s32 s1, s11;
	p1 =	por p0, p1  }
0x8a: {  	[dreg:$0x12] =	wrdreg s6;
	p2 =	slt.s32 @!p1 s28, $0x1  }
0x8b: {  	[dreg:$0x14] =	wrdreg s7;
	p1 =	por p1, p2  }
.Ltmp4:
0x8c: {  	s29 =	simm.s32 $0x1;
	[dreg:$0x17] =	wrdreg s2;
	(pc) =	sbr.rel @p1 .LBB1_18-.Ltmp4, $4  }
0x8d: {  	[dreg:$0x18] =	wrdreg s3;
	s27 =	sand.u32 $0x3FFFFFFF, s0;
	s0 =	sand.u32 $0x1, s12  }
0x8e: {  	_ =	swait.ge [sflag:s29], s27;
	s31 =	smul.u32 $0x4080, s0  }
0x8f: {  	s30 =	ssub.s32 $0x0, s27;
	[sflag:s29] =	ssyncset.done $0x0  }
0x90: {  	[sflag:s29] =	ssyncadd.s32 s30;
	[dreg:$0x16] =	wrdreg s31  }
0x91: {  	s2 =	rddreg [dreg:$0x5]  }
0x92: {  	s1 =	sadd.s32 $0x80, s2  }
0x93: {  	p1 =	slt.s32 s1, $0xE0  }
.Ltmp5:
0x94: {  	s0 =	sshll.u32 @!p0 s0, $0xE;
	s1 =	simm.s32 @!p1 $0xE0;
	(pc) =	sbr.rel .LBB1_6-.Ltmp5, $4  }
0x95: {  	[dreg:$0x19] =	wrdreg s0;
	s1 =	ssub.s32 s1, s2  }
0x96: {  	s0 =	rddreg [dreg:$0x16];
	s2 =	sadd.s32 $0xF, s1  }
0x97: {  	s0 =	sor.u32 @!p0 $0x8000, s0;
	s29 =	sand.u32 $0xFFFFFFF0, s2;
	s30 =	sand.u32 @!p0 $0xFFFFFF00, s2  }
0x98: {  	s1 =	simm.s32 $0x0;
	p0 =	slt.s32 s2, $0x100;
	p1 =	sge.s32 s30, s29  }
.LBB1_17:
0x99: {  	s1 =	sadd.s32 $0x1, s1;
	s2 =	rddreg [dreg:$0x17]  }
0x9a: {  	p2 =	sne.s32 s1, s2  }
.Ltmp6:
0x9b: {  	_ = 	snop;
	(pc) =	sbr.rel @!p2 .LBB1_18-.Ltmp6, $1  }
0x9c: {  	_ =	sdelay $0x3  }
.LBB1_6:
.Ltmp7:
0x9d: {  	(pc) =	sbr.rel .LBB1_7-.Ltmp7, $4  }
0x9e: {  	_ = 	snop  }
0x9f: {  	s2 =	sshll.u32 s1, $0x10  }
0xa0: {  	s3 =	rddreg [dreg:$0x19];
	s2 =	sshra.s32 s2, $0x2  }
0xa1: {  	s2 =	sadd.s32 s2, s3;
	s3 =	simm.s32 $0x0  }
.LBB1_16:
0xa2: {  	s3 =	sadd.s32 $0x1, s3;
	s4 =	rddreg [dreg:$0x18]  }
0xa3: {  	p2 =	sne.s32 s3, s4  }
.Ltmp8:
0xa4: {  	_ = 	snop;
	(pc) =	sbr.rel @!p2 .LBB1_17-.Ltmp8, $1  }
0xa5: {  	_ =	sdelay $0x3  }
.LBB1_7:
0xa6: {  	s7 =	sshrl.u32 s3, $0x4;
	s4 =	sshll.u32 s3, $0x3;
	s5 =	sshll.u32 s3, $0x9  }
0xa7: {  	s6 =	sand.u32 $0x78, s7;
	s8 =	sadd.s32 $0x800, s4;
	s10 =	sadd.s32 $0x1000, s4  }
0xa8: {  	s11 =	sadd.s32 $0x1800, s4;
	s12 =	sadd.s32 $0x2800, s4;
	s25 =	sadd.s32 $0x3000, s4  }
0xa9: {  	s9 =	smul.u32 $0x204, s6;
	s8 =	sshrl.u32 s8, $0x7;
	s6 =	sxor.u32 $0x40, s6  }
0xaa: {  	s10 =	sshrl.u32 s10, $0x7;
	s8 =	sand.u32 $0x78, s8;
	s13 =	smul.u32 $0x204, s6  }
0xab: {  	s11 =	sshrl.u32 s11, $0x7;
	s10 =	sand.u32 $0x78, s10;
	s8 =	smul.u32 $0x204, s8  }
0xac: {  	s24 =	sshrl.u32 s12, $0x7;
	s11 =	sand.u32 $0x78, s11;
	s10 =	smul.u32 $0x204, s10  }
0xad: {  	s12 =	sshrl.u32 s25, $0x7;
	s6 =	sand.u32 $0x78, s24;
	s11 =	smul.u32 $0x204, s11  }
0xae: {  	s4 =	sadd.s32 $0x3800, s4;
	s26 =	sand.u32 $0x78, s12;
	s14 =	smul.u32 $0x204, s6  }
0xaf: {  	s5 =	sshra.s32 s5, $0x2;
	s27 =	sshrl.u32 s4, $0x7;
	s15 =	smul.u32 $0x204, s26  }
.Ltmp9:
0xb0: {  	s4 =	sand.u32 $0x7F, s3;
	s31 =	sand.u32 $0x78, s27;
	(pc) =	sbr.rel .LBB1_8-.Ltmp9, $4  }
0xb1: {  	s5 =	sadd.s32 s5, s2;
	s25 =	simm.s32 $0x0;
	s12 =	smul.u32 $0x204, s31  }
0xb2: {  	s6 =	sadd.s32 s4, s0;
	s22 =	sshrl.u32 s9, $0x2;
	s18 =	sshrl.u32 s13, $0x2  }
0xb3: {  	s24 =	sshrl.u32 s8, $0x2;
	s21 =	sshrl.u32 s10, $0x2;
	s23 =	sshrl.u32 s11, $0x2  }
0xb4: {  	s17 =	sshrl.u32 s14, $0x2;
	s9 =	sshrl.u32 s15, $0x2;
	s13 =	sshrl.u32 s12, $0x2  }
.LBB1_15:
0xb5: {  	s25 =	sadd.s32 $0x1, s25  }
0xb6: {  	p2 =	sne.s32 s25, s28  }
.Ltmp10:
0xb7: {  	_ = 	snop;
	(pc) =	sbr.rel @!p2 .LBB1_16-.Ltmp10, $1  }
0xb8: {  	_ =	sdelay $0x3  }
.LBB1_8:
.Ltmp11:
0xb9: {  	(pc) =	sbr.rel @p0 .LBB1_12-.Ltmp11, $2  }
0xba: {  	_ =	sdelay $0x2  }
0xbb: {  	s19 =	sshll.u32 s25, $0x7;
	s20 =	sadd.s32 s1, s25  }
0xbc: {  	s8 =	smul.u32 $0x10200, s20;
	_ =	sdelay $0x1  }
0xbd: {  	s12 =	sand.u32 $0x380, s19;
	s8 =	sshra.s32 s8, $0x2  }
0xbe: {  	s10 =	sadd.s32 s8, s0;
	s8 =	sadd.s32 s12, s5  }
0xbf: {  	v0 =	vld [tilespmem:s8+$0x70]  }
0xc0: {  	s11 =	sadd.s32 s22, s10;
	s14 =	sadd.s32 s24, s10;
	s26 =	sadd.s32 s18, s10;
	v3 =	vld [tilespmem:s8+$0x60]  }
0xc1: {  	s27 =	sadd.s32 s9, s10;
	s31 =	sadd.s32 s13, s10;
	v1 =	vld [tilespmem:s8+$0x50];
	s12 =	sadd.s32 s4, s11  }
0xc2: {  	v2 =	vld [tilespmem:s8+$0x40];
	s15 =	sadd.s32 s4, s14;
	s14 =	sadd.s32 s21, s10;
	s31 =	sadd.s32 s4, s31  }
0xc3: {  	v4 =	vld [tilespmem:s8+$0x30];
	s11 =	sadd.s32 s4, s14;
	s14 =	sadd.s32 s4, s26;
	s26 =	sadd.s32 s17, s10  }
0xc4: {  	s16 =	sadd.s32 s23, s10;
	v5 =	vld [tilespmem:s8+$0x20];
	s10 =	sadd.s32 s4, s26;
	s26 =	sadd.s32 s4, s27;
	[tilespmem:s31+$0x0 ss:$0x81] =	vst.msk $0xffff, v0  }
0xc5: {  	v6 =	vld [tilespmem:s8+$0x10];
	[tilespmem:s26+$0x0 ss:$0x81] =	vst.msk $0xffff, v3  }
0xc6: {  	v7 =	vld [tilespmem:s8+$0x0];
	[tilespmem:s10+$0x0 ss:$0x81] =	vst.msk $0xffff, v1  }
0xc7: {  	s16 =	sadd.s32 s4, s16;
	[tilespmem:s14+$0x0 ss:$0x81] =	vst.msk $0xffff, v2  }
0xc8: {  	[tilespmem:s16+$0x0 ss:$0x81] =	vst.msk $0xffff, v4  }
0xc9: {  	p2 =	sgt.s32 s30, $0x100;
	[tilespmem:s11+$0x0 ss:$0x81] =	vst.msk $0xffff, v5  }
.Ltmp12:
0xca: {  	[tilespmem:s15+$0x0 ss:$0x81] =	vst.msk $0xffff, v6;
	(pc) =	sbr.rel @!p2 .LBB1_11-.Ltmp12, $4  }
0xcb: {  	[tilespmem:s12+$0x0 ss:$0x81] =	vst.msk $0xffff, v7  }
0xcc: {  	[tilespmem:s12+$0x0 ss:$0x81] =	vst.msk $0xffff, v7  }
0xcd: {  	[tilespmem:s15+$0x0 ss:$0x81] =	vst.msk $0xffff, v6  }
0xce: {  	s27 =	simm.s32 $0x100;
	[tilespmem:s11+$0x0 ss:$0x81] =	vst.msk $0xffff, v5  }
.LBB1_10:
0xcf: {  	v5 =	vld [tilespmem:s8+$0x70];
	[tilespmem:s16+$0x0 ss:$0x81] =	vst.msk $0xffff, v4  }
0xd0: {  	v6 =	vld [tilespmem:s8+$0x60];
	[tilespmem:s14+$0x0 ss:$0x81] =	vst.msk $0xffff, v2  }
0xd1: {  	[tilespmem:s10+$0x0 ss:$0x81] =	vst.msk $0xffff, v1;
	v1 =	vld [tilespmem:s8+$0x50]  }
0xd2: {  	v2 =	vld [tilespmem:s8+$0x40];
	[tilespmem:s26+$0x0 ss:$0x81] =	vst.msk $0xffff, v3  }
0xd3: {  	v4 =	vld [tilespmem:s8+$0x30];
	[tilespmem:s31+$0x0 ss:$0x81] =	vst.msk $0xffff, v0  }
0xd4: {  	v7 =	vld [tilespmem:s8+$0x20];
	[tilespmem:s31+$0x0 ss:$0x81] =	vst.msk $0xffff, v5;
	v0 =	vmov v5  }
0xd5: {  	v5 =	vld [tilespmem:s8+$0x10];
	[tilespmem:s26+$0x0 ss:$0x81] =	vst.msk $0xffff, v6;
	v3 =	vmov v6  }
0xd6: {  	s27 =	sadd.s32 $0x100, s27;
	v6 =	vld [tilespmem:s8+$0x0];
	[tilespmem:s10+$0x0 ss:$0x81] =	vst.msk $0xffff, v1  }
0xd7: {  	p2 =	slt.s32 s27, s30;
	[tilespmem:s14+$0x0 ss:$0x81] =	vst.msk $0xffff, v2  }
0xd8: {  	[tilespmem:s16+$0x0 ss:$0x81] =	vst.msk $0xffff, v4  }
0xd9: {  	[tilespmem:s11+$0x0 ss:$0x81] =	vst.msk $0xffff, v7  }
.Ltmp13:
0xda: {  	[tilespmem:s15+$0x0 ss:$0x81] =	vst.msk $0xffff, v5;
	(pc) =	sbr.rel @p2 .LBB1_10-.Ltmp13, $4  }
0xdb: {  	[tilespmem:s12+$0x0 ss:$0x81] =	vst.msk $0xffff, v6  }
0xdc: {  	[tilespmem:s12+$0x0 ss:$0x81] =	vst.msk $0xffff, v6  }
0xdd: {  	[tilespmem:s15+$0x0 ss:$0x81] =	vst.msk $0xffff, v5  }
0xde: {  	[tilespmem:s11+$0x0 ss:$0x81] =	vst.msk $0xffff, v7  }
.LBB1_11:
0xdf: {  	[tilespmem:s16+$0x0 ss:$0x81] =	vst.msk $0xffff, v4  }
0xe0: {  	[tilespmem:s14+$0x0 ss:$0x81] =	vst.msk $0xffff, v2  }
0xe1: {  	[tilespmem:s10+$0x0 ss:$0x81] =	vst.msk $0xffff, v1  }
0xe2: {  	[tilespmem:s26+$0x0 ss:$0x81] =	vst.msk $0xffff, v3  }
0xe3: {  	[tilespmem:s31+$0x0 ss:$0x81] =	vst.msk $0xffff, v0  }
.LBB1_12:
.Ltmp14:
0xe4: {  	(pc) =	sbr.rel @p1 .LBB1_15-.Ltmp14, $1  }
0xe5: {  	_ =	sdelay $0x3  }
0xe6: {  	s10 =	sand.u32 $0x380, s19  }
0xe7: {  	s8 =	smul.u32 $0x10200, s20;
	s10 =	sadd.s32 s10, s5  }
0xe8: {  	v0 =	vmov s10  }
0xe9: {  	s8 =	sshra.s32 s8, $0x2  }
0xea: {  	s10 =	smov.u32 s30;
	s8 =	sadd.s32 s8, s6  }
.LBB1_14:
0xeb: {  	s12 =	sadd.s32 s10, s7  }
0xec: {  	s11 =	sand.u32 $0x70, s10;
	s10 =	sadd.s32 $0x10, s10;
	s31 =	sand.u32 $0x78, s12  }
0xed: {  	v1 =	vld.idx.msk [tilespmem:v0+s11+$0x0 ss:$0x1], $0xffff;
	p2 =	slt.s32 s10, s29;
	s11 =	smul.u32 $0x204, s31  }
.Ltmp15:
0xee: {  	_ = 	snop;
	(pc) =	sbr.rel @p2 .LBB1_14-.Ltmp15, $4  }
0xef: {  	_ = 	snop  }
0xf0: {  	s11 =	sshrl.u32 s11, $0x2  }
0xf1: {  	s11 =	sadd.s32 s11, s8  }
0xf2: {  	[tilespmem:s11+$0x0 ss:$0x81] =	vst.msk $0xffff, v1  }
.Ltmp16:
0xf3: {  	_ = 	snop;
	(pc) =	sbr.rel .LBB1_15-.Ltmp16, $1  }
0xf4: {  	_ =	sdelay $0x3  }
.LBB1_20:
0xf5: {  	_ =	sfence.sel $0x180000  }
0xf6: {  	s0 =	simm.s32 $0x1;
	[bflag:$0x0] =	sbarrier.arrive $0xFFFF  }
0xf7: {  	s30 =	simm.s32 $0x2;
	[sflag:s0] =	ssyncpa.u1 $0x1  }
0xf8: {  	[sflag:s30] =	ssyncpa.u1 $0x1  }
0xf9: {  	_ =	strace $0x90000047  }
0xfa: {  	s31 =	stileid.u32;
	[bflag:$0x2] =	sbarrier.arrive $0xFFFF  }
0xfb: {  	p0 =	sne.s32 s31, $0x0;
	s0 =	rddreg [dreg:$0x2]  }
0xfc: {  	s0 =	sadd.s32 @!p0 $0x100000, s0  }
0xfd: {  	[sflag:s0] =	ssyncadd.tile.s32 @!p0 $0x1;
	_ =	shalt  }
.Lfunc_end1:
_tile_overlayer_lowered:
.L_overlay_start_2:
0xfe: {  	(tag) =	ssettag $0x2  }
0xff: {  	s0 =	rddreg [dreg:$0x0];
	s2 =	stileid.u32  }
0x100: {  	s1 =	rddreg [dreg:$0x1];
	p0 =	sne.s32 s2, $0x0  }
0x101: {  	s3 =	rddreg [dreg:$0x2];
	[bflag:$0x3] =	sbarrier.arrive $0xFFFF;
	s2 =	simm.s32 @!p0 $0x1C01  }
0x102: {  	[timem:s3], [sflag:s2] =	dma.local @!p0 [hbm:s0], s1  }
0x103: {  	s0 =	simm.s32 @!p0 $0x1  }
0x104: {  	_ =	swait.ge @!p0 [sflag:s0], s1  }
0x105: {  	s1 =	ssub.s32 @!p0 $0x0, s1;
	[sflag:s0] =	ssyncset.done @!p0 $0x0  }
0x106: {  	[sflag:s0] =	ssyncadd.s32 @!p0 s1  }
0x107: {  	[bflag:$0x3] =	sbarrier.arrive $0xFFFF  }
0x108: {  	_ =	shalt  }

</sc_bundles>
